<compile_context>
chip_gen: v7x
topology: tpu7x:2x2x1
jax: 0.10.2.dev20260603
libtpu: 0.0.44.dev20260713+nightly
codegen_flags: <defaults>
</compile_context>

<pallas_src>
import functools

import jax
import jax.numpy as jnp
from jax import lax
from jax.experimental import pallas as pl
from jax.experimental.pallas import tpu as pltpu
from jax.experimental.pallas import tpu_sc as plsc

N_NODES = 10000
N_PAD = 10240
N_EDGES = 320000
E_PAD = 327680
D = 128
NC = 2
NS = 16
NW = NC * NS
EPW = E_PAD // NW
CH = 128
NCH = EPW // CH
RPT = N_PAD // NS
CZ = 128
DEG_W = 128
DEG_S = 8
N_CLASS = 16

@functools.cache
def _make_sc_degree():
    mesh = plsc.VectorSubcoreMesh(core_axis_name="c", subcore_axis_name="s")
    return pl.kernel(
        _sc_degree_body,
        out_type=jax.ShapeDtypeStruct((NC, N_PAD, DEG_W), jnp.float32),
        mesh=mesh,
        scratch_types=[
            pltpu.VMEM((NCH, CH), jnp.int32),
            pltpu.VMEM((CH, DEG_W), jnp.float32),
            pltpu.VMEM((CZ, DEG_W), jnp.float32),
            pltpu.VMEM_SHARED((N_PAD, DEG_W), jnp.float32),
            pltpu.SemaphoreType.DMA,
        ],
    )


def _sc_degree_body(dst_hbm, ones_hbm, out_hbm, dst_v, ones_v, zb, acc, sem):
    cid = lax.axis_index("c")
    sid = lax.axis_index("s")
    wid = cid * NS + sid

    pltpu.sync_copy(dst_hbm.at[wid], dst_v)
    pltpu.sync_copy(ones_hbm, ones_v)

    def _zrow(r, _):
        zb[r] = jnp.zeros((DEG_W,), jnp.float32)
        return 0

    lax.fori_loop(0, CZ, _zrow, 0)

    def _zacc(t, _):
        pltpu.sync_copy(zb, acc.at[pl.ds(sid * RPT + t * CZ, CZ)])
        return 0

    lax.fori_loop(0, RPT // CZ, _zacc, 0)
    plsc.subcore_barrier()

    def _sc(j, _):
        pltpu.sync_copy(ones_v, acc.at[dst_v.at[j]], add=True)
        return 0

    lax.fori_loop(0, NCH, _sc, 0)
    plsc.subcore_barrier()

    def _out(t, _):
        base = sid * RPT + t * CZ
        pltpu.sync_copy(acc.at[pl.ds(base, CZ)], out_hbm.at[cid, pl.ds(base, CZ)])
        return 0

    lax.fori_loop(0, RPT // CZ, _out, 0)


@functools.cache
def _make_sc_agg():
    mesh = plsc.VectorSubcoreMesh(core_axis_name="c", subcore_axis_name="s")
    return pl.kernel(
        _sc_agg_body,
        out_type=jax.ShapeDtypeStruct((NC, N_PAD, D), jnp.float32),
        mesh=mesh,
        scratch_types=[
            pltpu.VMEM((EPW // 2,), jnp.int32),
            pltpu.VMEM((NCH // 2, CH), jnp.int32),
            pltpu.VMEM((CH, D), jnp.float32),
            pltpu.VMEM((CH, D), jnp.float32),
            pltpu.VMEM_SHARED((N_PAD, D), jnp.float32),
            pltpu.SemaphoreType.DMA,
            pltpu.SemaphoreType.DMA,
        ],
    )


def _sc_agg_body(y_hbm, src_hbm, dst_hbm, out_hbm,
                 src_v, dst_v, rows_a, rows_b, acc, sem_a, sem_b):
    cid = lax.axis_index("c")
    sid = lax.axis_index("s")
    wid = cid * NS + sid
    HNCH = NCH // 2

    def _zrow(r, _):
        for c8 in range(D // 16):
            rows_a[r, pl.ds(c8 * 16, 16)] = jnp.zeros((16,), jnp.float32)
        return 0

    lax.fori_loop(0, CZ, _zrow, 0)

    def _zacc(t, _):
        pltpu.sync_copy(rows_a.at[pl.ds(0, CZ)],
                        acc.at[pl.ds(sid * RPT + t * CZ, CZ)])
        return 0

    lax.fori_loop(0, RPT // CZ, _zacc, 0)
    plsc.subcore_barrier()

    ytab = y_hbm
    for p in range(2):
        pltpu.sync_copy(src_hbm.at[wid, pl.ds(p * (EPW // 2), EPW // 2)], src_v)
        pltpu.sync_copy(dst_hbm.at[wid, pl.ds(p * HNCH, HNCH)], dst_v)

        pltpu.async_copy(ytab.at[src_v.at[pl.ds(0, CH)]], rows_a, sem_a)

        def _step(k, _):
            j = k * 2
            pltpu.async_copy(ytab.at[src_v.at[pl.ds((j + 1) * CH, CH)]],
                             rows_b, sem_b)
            pltpu.make_async_copy(ytab.at[src_v.at[pl.ds(j * CH, CH)]],
                                  rows_a, sem_a).wait()
            pltpu.sync_copy(rows_a, acc.at[dst_v.at[j]], add=True)

            @pl.when(k < HNCH // 2 - 1)
            def _():
                pltpu.async_copy(ytab.at[src_v.at[pl.ds((j + 2) * CH, CH)]],
                                 rows_a, sem_a)

            pltpu.make_async_copy(ytab.at[src_v.at[pl.ds((j + 1) * CH, CH)]],
                                  rows_b, sem_b).wait()
            pltpu.sync_copy(rows_b, acc.at[dst_v.at[j + 1]], add=True)
            return 0

        lax.fori_loop(0, HNCH // 2, _step, 0)

    plsc.subcore_barrier()

    def _out(t, _):
        base = sid * RPT + t * CZ
        pltpu.sync_copy(acc.at[pl.ds(base, CZ)], out_hbm.at[cid, pl.ds(base, CZ)])
        return 0

    lax.fori_loop(0, RPT // CZ, _out, 0)


def _artanh(z):
    z = jnp.clip(z, -1.0 + 1e-7, 1.0 - 1e-7)
    return 0.5 * jnp.log((1.0 + z) / (1.0 - z))


def _nrm(x):
    return jnp.sqrt(jnp.sum(x * x, axis=-1, keepdims=True))


def _proj(x):
    n = jnp.clip(_nrm(x), 1e-7, None)
    maxnorm = 1.0 - 1e-3
    return jnp.where(n > maxnorm, x / n * maxnorm, x)


def _expmap0(u):
    un = jnp.clip(_nrm(u), 1e-7, None)
    return jnp.tanh(un) * u / un


def _logmap0(x):
    xn = jnp.clip(_nrm(x), 1e-7, None)
    return _artanh(xn) * x / xn


def _mobius_add(x, y):
    x2 = jnp.sum(x * x, axis=-1, keepdims=True)
    y2 = jnp.sum(y * y, axis=-1, keepdims=True)
    xy = jnp.sum(x * y, axis=-1, keepdims=True)
    num = (1.0 + 2.0 * xy + y2) * x + (1.0 - x2) * y
    denom = 1.0 + 2.0 * xy + x2 * y2
    return num / jnp.clip(denom, 1e-15, None)


def _mobius_matvec(W, x):
    xn = jnp.clip(_nrm(x), 1e-7, None)
    mx = lax.dot_general(x, W, (((1,), (1,)), ((), ())),
                         preferred_element_type=jnp.float32)
    mxn = jnp.clip(_nrm(mx), 1e-7, None)
    return jnp.tanh(mxn / xn * _artanh(xn)) * mx / mxn


def _dis_from_deg(degp):
    deg = degp[0, :, 0:1] + degp[1, :, 0:1]
    return jnp.where(deg > 0, 1.0 / jnp.sqrt(jnp.clip(deg, 1.0, None)), 0.0)


def _hyplinear_tangent(x_hyp, W, b):
    mv = _proj(_mobius_matvec(W, x_hyp))
    bias = _proj(_expmap0(b))
    h = _proj(_mobius_add(mv, bias))
    return _logmap0(h)


def _post_agg(aggp, dis):
    agg = dis * (aggp[0] + aggp[1])
    h = _proj(_expmap0(agg))
    xt = jax.nn.relu(_logmap0(h))
    return _proj(_expmap0(xt))


TB = 1280


def _tc_pre_body(x_ref, degp_ref, w_ref, b_ref, y_ref):
    dis = _dis_from_deg(degp_ref[...])
    x_hyp = _proj(_expmap0(x_ref[...]))
    y_ref[...] = dis * _hyplinear_tangent(x_hyp, w_ref[...], b_ref[...])


def _tc_mid_body(aggp_ref, degp_ref, w_ref, b_ref, y_ref):
    dis = _dis_from_deg(degp_ref[...])
    x_hyp = _post_agg(aggp_ref[...], dis)
    y_ref[...] = dis * _hyplinear_tangent(x_hyp, w_ref[...], b_ref[...])


def _tc_head_body(aggp_ref, degp_ref, wl_ref, bl_ref, out_ref):
    dis = _dis_from_deg(degp_ref[...])
    x_hyp = _post_agg(aggp_ref[...], dis)
    t = _logmap0(x_hyp)
    out_ref[...] = lax.dot_general(t, wl_ref[...], (((1,), (1,)), ((), ())),
                                   preferred_element_type=jnp.float32) + bl_ref[...]


def _node_specs():
    degp = pl.BlockSpec((NC, TB, DEG_S), lambda i: (0, i, 0))
    nd = pl.BlockSpec((TB, D), lambda i: (i, 0))
    aggp = pl.BlockSpec((NC, TB, D), lambda i: (0, i, 0))
    w = pl.BlockSpec((D, D), lambda i: (0, 0))
    b = pl.BlockSpec((1, D), lambda i: (0, 0))
    return degp, nd, aggp, w, b


def _tc_pre(x, degp, W, b):
    degp_s, nd_s, _, w_s, b_s = _node_specs()
    return pl.pallas_call(
        _tc_pre_body,
        grid=(N_PAD // TB,),
        in_specs=[nd_s, degp_s, w_s, b_s],
        out_specs=nd_s,
        out_shape=jax.ShapeDtypeStruct((N_PAD, D), jnp.float32),
    )(x, degp, W, b)


def _tc_mid(aggp, degp, W, b):
    degp_s, nd_s, aggp_s, w_s, b_s = _node_specs()
    return pl.pallas_call(
        _tc_mid_body,
        grid=(N_PAD // TB,),
        in_specs=[aggp_s, degp_s, w_s, b_s],
        out_specs=nd_s,
        out_shape=jax.ShapeDtypeStruct((N_PAD, D), jnp.float32),
    )(aggp, degp, W, b)


def _tc_head(aggp, degp, Wl, bl):
    degp_s, _, aggp_s, _, _ = _node_specs()
    wl_s = pl.BlockSpec((N_CLASS, D), lambda i: (0, 0))
    bl_s = pl.BlockSpec((1, N_CLASS), lambda i: (0, 0))
    out_s = pl.BlockSpec((TB, N_CLASS), lambda i: (i, 0))
    return pl.pallas_call(
        _tc_head_body,
        grid=(N_PAD // TB,),
        in_specs=[aggp_s, degp_s, wl_s, bl_s],
        out_specs=out_s,
        out_shape=jax.ShapeDtypeStruct((N_NODES, N_CLASS), jnp.float32),
    )(aggp, degp, Wl, bl)


def kernel(x, edge_index, W1, b1, W2, b2, W3, b3, W_lin, b_lin):
    n_pad_e = E_PAD - N_EDGES
    pad_iota = jnp.arange(n_pad_e, dtype=jnp.int32)
    src = jnp.concatenate([edge_index[0].astype(jnp.int32),
                           (pad_iota * 131) % N_NODES])
    dst = jnp.concatenate([edge_index[1].astype(jnp.int32),
                           N_NODES + (pad_iota % (N_PAD - N_NODES))])
    src = src.reshape(NW, EPW)
    dst = dst.reshape(NW, NCH, CH)
    x_pad = jnp.pad(x, ((0, N_PAD - N_NODES), (0, 0)))

    sc_degree = _make_sc_degree()
    sc_agg = _make_sc_agg()
    degp = sc_degree(dst, jnp.ones((CH, DEG_W), jnp.float32))
    degs = degp[:, :, :DEG_S]

    y = _tc_pre(x_pad, degs, W1, b1.reshape(1, D))
    aggp = sc_agg(y, src, dst)
    y = _tc_mid(aggp, degs, W2, b2.reshape(1, D))
    aggp = sc_agg(y, src, dst)
    y = _tc_mid(aggp, degs, W3, b3.reshape(1, D))
    aggp = sc_agg(y, src, dst)
    return _tc_head(aggp, degs, W_lin, b_lin.reshape(1, N_CLASS))

# --- scband reference (transcript-rebuilt; emitter-appended) ---
"""Pipeline reference for scband-server-hyp-gcn3-46411416601279 (READ-ONLY COPY).

The authoritative reference and input builder live on the scoring server;
editing this copy changes nothing except your own understanding.
"""

import jax, jax.numpy as jnp
import numpy as np

N_NODES = 10000
N_EDGES = 320000
D_FEAT = 128
N_HID = 128
N_CLASS = 16
CURV = 1.0


def artanh(x):
    x = jnp.clip(x, -1.0 + 1e-7, 1.0 - 1e-7)
    return jnp.arctanh(x)


def proj(x, c):
    norm = jnp.clip(jnp.linalg.norm(x, axis=-1, keepdims=True), 1e-7, None)
    maxnorm = (1.0 - 1e-3) / jnp.sqrt(c)
    return jnp.where(norm > maxnorm, x / norm * maxnorm, x)


def expmap0(u, c):
    sqrt_c = jnp.sqrt(c)
    u_norm = jnp.clip(jnp.linalg.norm(u, axis=-1, keepdims=True), 1e-7, None)
    return jnp.tanh(sqrt_c * u_norm) * u / (sqrt_c * u_norm)


def logmap0(x, c):
    sqrt_c = jnp.sqrt(c)
    x_norm = jnp.clip(jnp.linalg.norm(x, axis=-1, keepdims=True), 1e-7, None)
    return artanh(sqrt_c * x_norm) * x / (sqrt_c * x_norm)


def mobius_add(x, y, c):
    x2 = jnp.sum(x * x, axis=-1, keepdims=True)
    y2 = jnp.sum(y * y, axis=-1, keepdims=True)
    xy = jnp.sum(x * y, axis=-1, keepdims=True)
    num = (1.0 + 2.0 * c * xy + c * y2) * x + (1.0 - c * x2) * y
    denom = 1.0 + 2.0 * c * xy + c * c * x2 * y2
    return num / jnp.clip(denom, 1e-15, None)


def mobius_matvec(W, x, c):
    sqrt_c = jnp.sqrt(c)
    x_norm = jnp.clip(jnp.linalg.norm(x, axis=-1, keepdims=True), 1e-7, None)
    mx = x @ W.T
    mx_norm = jnp.clip(jnp.linalg.norm(mx, axis=-1, keepdims=True), 1e-7, None)
    return jnp.tanh(mx_norm / x_norm * artanh(sqrt_c * x_norm)) * mx / (mx_norm * sqrt_c)


def hgc_layer(x_hyp, W, b, edge_index, deg_inv_sqrt, c):
    # HypLinear: mobius matvec + hyperbolic bias add
    mv = proj(mobius_matvec(W, x_hyp, c), c)
    bias = proj(expmap0(b.reshape(1, -1), c), c)
    h = proj(mobius_add(mv, bias, c), c)
    # HypAgg: aggregate in tangent space at origin with symmetric normalization
    xt = logmap0(h, c)
    src = edge_index[0]
    dst = edge_index[1]
    norm = deg_inv_sqrt[src] * deg_inv_sqrt[dst]
    msgs = xt[src] * norm[:, None]
    agg = jax.ops.segment_sum(msgs, dst, num_segments=xt.shape[0])
    h = proj(expmap0(agg, c), c)
    # HypAct: relu in tangent space
    xt = jax.nn.relu(logmap0(h, c))
    return proj(expmap0(xt, c), c)


def setup_inputs(seed: int = 0) -> dict:
    key = jax.random.key(seed)
    ks = jax.random.split(key, 10)
    x = jax.random.normal(ks[0], (N_NODES, D_FEAT), dtype=jnp.float32)
    edge_index = jax.random.randint(ks[1], (2, N_EDGES), 0, N_NODES, dtype=jnp.int64)
    W1 = jax.random.normal(ks[2], (N_HID, D_FEAT), dtype=jnp.float32) * (1.0 / np.sqrt(D_FEAT))
    b1 = jnp.zeros((N_HID,), dtype=jnp.float32)
    W2 = jax.random.normal(ks[3], (N_HID, N_HID), dtype=jnp.float32) * (1.0 / np.sqrt(N_HID))
    b2 = jnp.zeros((N_HID,), dtype=jnp.float32)
    W3 = jax.random.normal(ks[4], (N_HID, N_HID), dtype=jnp.float32) * (1.0 / np.sqrt(N_HID))
    b3 = jnp.zeros((N_HID,), dtype=jnp.float32)
    W_lin = jax.random.normal(ks[5], (N_CLASS, N_HID), dtype=jnp.float32) * (1.0 / np.sqrt(N_HID))
    b_lin = jnp.zeros((N_CLASS,), dtype=jnp.float32)
    return {"x": x, "edge_index": edge_index, "W1": W1, "b1": b1, "W2": W2, "b2": b2, "W3": W3, "b3": b3, "W_lin": W_lin, "b_lin": b_lin}


def reference(x, edge_index, W1, b1, W2, b2, W3, b3, W_lin, b_lin):
    c = CURV
    n = x.shape[0]
    dst = edge_index[1]
    deg = jax.ops.segment_sum(jnp.ones((edge_index.shape[1],), dtype=x.dtype), dst, num_segments=n)
    deg_inv_sqrt = jnp.where(deg > 0, 1.0 / jnp.sqrt(jnp.clip(deg, 1.0, None)), 0.0)
    x_hyp = proj(expmap0(x, c), c)
    h = hgc_layer(x_hyp, W1, b1, edge_index, deg_inv_sqrt, c)
    h = hgc_layer(h, W2, b2, edge_index, deg_inv_sqrt, c)
    h = hgc_layer(h, W3, b3, edge_index, deg_inv_sqrt, c)
    out = logmap0(h, c) @ W_lin.T + b_lin
    return out

if __name__ == "__main__":
    import jax
    _d = setup_inputs()
    print(jax.jit(kernel)(*tuple(_d.values())))

</pallas_src>

<mosaic_0001>
#map = affine_map<(d0, d1) -> (0, 0)>
#map1 = affine_map<(d0, d1) -> (0, 0, 0)>
module attributes {stable_mosaic.version = 14 : i64} {
  func.func @_sc_agg_body(%arg0: i32, %arg1: i32, %arg2: memref<10240x128xf32, #tpu.memory_space<hbm>>, %arg3: memref<32x10240xi32, #tpu.memory_space<hbm>>, %arg4: memref<32x80x128xi32, #tpu.memory_space<hbm>>, %arg5: memref<2x10240x128xf32, #tpu.memory_space<hbm>>, %arg6: memref<5120xi32, #tpu.memory_space<vmem>>, %arg7: memref<40x128xi32, #tpu.memory_space<vmem>>, %arg8: memref<128x128xf32, #tpu.memory_space<vmem>>, %arg9: memref<128x128xf32, #tpu.memory_space<vmem>>, %arg10: memref<10240x128xf32, #tpu.memory_space<vmem_shared>>, %arg11: memref<!tpu.dma_semaphore, #tpu.memory_space<semaphore_mem>>, %arg12: memref<!tpu.dma_semaphore, #tpu.memory_space<semaphore_mem>>) attributes {dimension_semantics = [#tpu.dimension_semantics<core_parallel>, #tpu.dimension_semantics<subcore_parallel>], iteration_bounds = array<i64: 2, 16>, scalar_prefetch = 0 : i64, scratch_operands = 7 : i64, tpu.core_type = #tpu.core_type<sc_vector_subcore>, window_params = [{transform_indices = #map}, {transform_indices = #map}, {transform_indices = #map1}, {transform_indices = #map1}]} {
    %mul3A = arith.constant 16 : i32
    %mul3A_0 = arith.muli %arg0, %mul3A : i32
    %add3A = arith.addi %mul3A_0, %arg1 : i32
    %scan3A = arith.constant 0 : i32
    %scan3A_1 = arith.constant 0 : i32
    %scan3A_2 = arith.constant 128 : i32
    %scan3A_3 = arith.addi %scan3A_1, %scan3A_2 : i32
    %scan3A_4 = arith.constant 1 : i32
    %scan3A_5 = scf.for %scan3A_45 = %scan3A_1 to %scan3A_3 step %scan3A_4 iter_args(%scan3A_46 = %scan3A) -> (i32)  : i32 {
      %broadcast_in_dim3A = arith.constant 0.000000e+00 : f32
      %broadcast_in_dim3A_47 = vector.broadcast %broadcast_in_dim3A : f32 to vector<16xf32>
      %swap3A = arith.index_cast %scan3A_45 : i32 to index
      %swap3A_48 = arith.constant 0 : index
      %swap3A_49 = tpu.vector_load %arg8[%swap3A, %swap3A_48] {strides = array<i32>} : memref<128x128xf32, #tpu.memory_space<vmem>>, vector<1x16xf32>,
      %swap3A_50 = vector.shape_cast %swap3A_49 : vector<1x16xf32> to vector<16xf32>
      %swap3A_51 = vector.shape_cast %broadcast_in_dim3A_47 : vector<16xf32> to vector<1x16xf32>
      tpu.vector_store %arg8[%swap3A, %swap3A_48], %swap3A_51 {strides = array<i32>} : memref<128x128xf32, #tpu.memory_space<vmem>>, vector<1x16xf32>,
      %broadcast_in_dim3A_52 = arith.constant 0.000000e+00 : f32
      %broadcast_in_dim3A_53 = vector.broadcast %broadcast_in_dim3A_52 : f32 to vector<16xf32>
      %swap3A_54 = arith.index_cast %scan3A_45 : i32 to index
      %swap3A_55 = arith.constant 16 : index
      %swap3A_56 = tpu.vector_load %arg8[%swap3A_54, %swap3A_55] {strides = array<i32>} : memref<128x128xf32, #tpu.memory_space<vmem>>, vector<1x16xf32>,
      %swap3A_57 = vector.shape_cast %swap3A_56 : vector<1x16xf32> to vector<16xf32>
      %swap3A_58 = vector.shape_cast %broadcast_in_dim3A_53 : vector<16xf32> to vector<1x16xf32>
      tpu.vector_store %arg8[%swap3A_54, %swap3A_55], %swap3A_58 {strides = array<i32>} : memref<128x128xf32, #tpu.memory_space<vmem>>, vector<1x16xf32>,
      %broadcast_in_dim3A_59 = arith.constant 0.000000e+00 : f32
      %broadcast_in_dim3A_60 = vector.broadcast %broadcast_in_dim3A_59 : f32 to vector<16xf32>
      %swap3A_61 = arith.index_cast %scan3A_45 : i32 to index
      %swap3A_62 = arith.constant 32 : index
      %swap3A_63 = tpu.vector_load %arg8[%swap3A_61, %swap3A_62] {strides = array<i32>} : memref<128x128xf32, #tpu.memory_space<vmem>>, vector<1x16xf32>,
      %swap3A_64 = vector.shape_cast %swap3A_63 : vector<1x16xf32> to vector<16xf32>
      %swap3A_65 = vector.shape_cast %broadcast_in_dim3A_60 : vector<16xf32> to vector<1x16xf32>
      tpu.vector_store %arg8[%swap3A_61, %swap3A_62], %swap3A_65 {strides = array<i32>} : memref<128x128xf32, #tpu.memory_space<vmem>>, vector<1x16xf32>,
      %broadcast_in_dim3A_66 = arith.constant 0.000000e+00 : f32
      %broadcast_in_dim3A_67 = vector.broadcast %broadcast_in_dim3A_66 : f32 to vector<16xf32>
      %swap3A_68 = arith.index_cast %scan3A_45 : i32 to index
      %swap3A_69 = arith.constant 48 : index
      %swap3A_70 = tpu.vector_load %arg8[%swap3A_68, %swap3A_69] {strides = array<i32>} : memref<128x128xf32, #tpu.memory_space<vmem>>, vector<1x16xf32>,
      %swap3A_71 = vector.shape_cast %swap3A_70 : vector<1x16xf32> to vector<16xf32>
      %swap3A_72 = vector.shape_cast %broadcast_in_dim3A_67 : vector<16xf32> to vector<1x16xf32>
      tpu.vector_store %arg8[%swap3A_68, %swap3A_69], %swap3A_72 {strides = array<i32>} : memref<128x128xf32, #tpu.memory_space<vmem>>, vector<1x16xf32>,
      %broadcast_in_dim3A_73 = arith.constant 0.000000e+00 : f32
      %broadcast_in_dim3A_74 = vector.broadcast %broadcast_in_dim3A_73 : f32 to vector<16xf32>
      %swap3A_75 = arith.index_cast %scan3A_45 : i32 to index
      %swap3A_76 = arith.constant 64 : index
      %swap3A_77 = tpu.vector_load %arg8[%swap3A_75, %swap3A_76] {strides = array<i32>} : memref<128x128xf32, #tpu.memory_space<vmem>>, vector<1x16xf32>,
      %swap3A_78 = vector.shape_cast %swap3A_77 : vector<1x16xf32> to vector<16xf32>
      %swap3A_79 = vector.shape_cast %broadcast_in_dim3A_74 : vector<16xf32> to vector<1x16xf32>
      tpu.vector_store %arg8[%swap3A_75, %swap3A_76], %swap3A_79 {strides = array<i32>} : memref<128x128xf32, #tpu.memory_space<vmem>>, vector<1x16xf32>,
      %broadcast_in_dim3A_80 = arith.constant 0.000000e+00 : f32
      %broadcast_in_dim3A_81 = vector.broadcast %broadcast_in_dim3A_80 : f32 to vector<16xf32>
      %swap3A_82 = arith.index_cast %scan3A_45 : i32 to index
      %swap3A_83 = arith.constant 80 : index
      %swap3A_84 = tpu.vector_load %arg8[%swap3A_82, %swap3A_83] {strides = array<i32>} : memref<128x128xf32, #tpu.memory_space<vmem>>, vector<1x16xf32>,
      %swap3A_85 = vector.shape_cast %swap3A_84 : vector<1x16xf32> to vector<16xf32>
      %swap3A_86 = vector.shape_cast %broadcast_in_dim3A_81 : vector<16xf32> to vector<1x16xf32>
      tpu.vector_store %arg8[%swap3A_82, %swap3A_83], %swap3A_86 {strides = array<i32>} : memref<128x128xf32, #tpu.memory_space<vmem>>, vector<1x16xf32>,
      %broadcast_in_dim3A_87 = arith.constant 0.000000e+00 : f32
      %broadcast_in_dim3A_88 = vector.broadcast %broadcast_in_dim3A_87 : f32 to vector<16xf32>
      %swap3A_89 = arith.index_cast %scan3A_45 : i32 to index
      %swap3A_90 = arith.constant 96 : index
      %swap3A_91 = tpu.vector_load %arg8[%swap3A_89, %swap3A_90] {strides = array<i32>} : memref<128x128xf32, #tpu.memory_space<vmem>>, vector<1x16xf32>,
      %swap3A_92 = vector.shape_cast %swap3A_91 : vector<1x16xf32> to vector<16xf32>
      %swap3A_93 = vector.shape_cast %broadcast_in_dim3A_88 : vector<16xf32> to vector<1x16xf32>
      tpu.vector_store %arg8[%swap3A_89, %swap3A_90], %swap3A_93 {strides = array<i32>} : memref<128x128xf32, #tpu.memory_space<vmem>>, vector<1x16xf32>,
      %broadcast_in_dim3A_94 = arith.constant 0.000000e+00 : f32
      %broadcast_in_dim3A_95 = vector.broadcast %broadcast_in_dim3A_94 : f32 to vector<16xf32>
      %swap3A_96 = arith.index_cast %scan3A_45 : i32 to index
      %swap3A_97 = arith.constant 112 : index
      %swap3A_98 = tpu.vector_load %arg8[%swap3A_96, %swap3A_97] {strides = array<i32>} : memref<128x128xf32, #tpu.memory_space<vmem>>, vector<1x16xf32>,
      %swap3A_99 = vector.shape_cast %swap3A_98 : vector<1x16xf32> to vector<16xf32>
      %swap3A_100 = vector.shape_cast %broadcast_in_dim3A_95 : vector<16xf32> to vector<1x16xf32>
      tpu.vector_store %arg8[%swap3A_96, %swap3A_97], %swap3A_100 {strides = array<i32>} : memref<128x128xf32, #tpu.memory_space<vmem>>, vector<1x16xf32>,
      %scan3A_101 = arith.constant 0 : i32
      scf.yield %scan3A_101 : i32
    }
    %scan3A_6 = arith.constant 128 : i32
    %scan3A_7 = arith.constant 0 : i32
    %scan3A_8 = arith.constant 0 : i32
    %scan3A_9 = arith.constant 5 : i32
    %scan3A_10 = arith.addi %scan3A_8, %scan3A_9 : i32
    %scan3A_11 = arith.constant 1 : i32
    %scan3A_12 = scf.for %scan3A_45 = %scan3A_8 to %scan3A_10 step %scan3A_11 iter_args(%scan3A_46 = %scan3A_7) -> (i32)  : i32 {
      %mul3A_47 = arith.constant 640 : i32
      %mul3A_48 = arith.muli %arg1, %mul3A_47 : i32
      %mul3A_49 = arith.constant 128 : i32
      %mul3A_50 = arith.muli %scan3A_45, %mul3A_49 : i32
      %add3A_51 = arith.addi %mul3A_48, %mul3A_50 : i32
      "tpu.region"() ({
        %run_scoped3A = tpu.sem_alloc : memref<!tpu.dma_semaphore, #tpu.memory_space<semaphore_mem>>
        %dma_start3A_53 = arith.constant 0 : i32
        %dma_start3A_54 = arith.constant 0 : i32
        %dma_start3A_55 = tpu.memref_slice %arg8[%dma_start3A_53, %dma_start3A_54] : memref<128x128xf32, #tpu.memory_space<vmem>> -> memref<128x128xf32, #tpu.memory_space<vmem>>
        %dma_start3A_56 = arith.constant 0 : i32
        %dma_start3A_57 = tpu.memref_slice %arg10[%add3A_51, %dma_start3A_56] : memref<10240x128xf32, #tpu.memory_space<vmem_shared>> -> memref<128x128xf32, #tpu.memory_space<vmem_shared>>
        %dma_start3A_58 = arith.constant 0 : i32
        %dma_start3A_59 = tpu.memref_slice %arg10[%add3A_51, %dma_start3A_58] : memref<10240x128xf32, #tpu.memory_space<vmem_shared>> -> memref<128x128xf32, #tpu.memory_space<vmem_shared>>
        %dma_start3A_60 = arith.constant 0 : i32
        %dma_start3A_61 = arith.constant 0 : i32
        %dma_start3A_62 = tpu.memref_slice %arg8[%dma_start3A_60, %dma_start3A_61] : memref<128x128xf32, #tpu.memory_space<vmem>> -> memref<128x128xf32, #tpu.memory_space<vmem>>
        tpu.enqueue_dma source(%dma_start3A_62 : memref<128x128xf32, #tpu.memory_space<vmem>>) target(%dma_start3A_59 : memref<128x128xf32, #tpu.memory_space<vmem_shared>>) target_semaphore(%run_scoped3A : memref<!tpu.dma_semaphore, #tpu.memory_space<semaphore_mem>>)
        %dma_wait3A = arith.constant 0 : i32
        %dma_wait3A_63 = arith.constant 0 : i32
        %dma_wait3A_64 = tpu.memref_slice %arg8[%dma_wait3A, %dma_wait3A_63] : memref<128x128xf32, #tpu.memory_space<vmem>> -> memref<128x128xf32, #tpu.memory_space<vmem>>
        %dma_wait3A_65 = arith.constant 0 : i32
        %dma_wait3A_66 = tpu.memref_slice %arg10[%add3A_51, %dma_wait3A_65] : memref<10240x128xf32, #tpu.memory_space<vmem_shared>> -> memref<128x128xf32, #tpu.memory_space<vmem_shared>>
        %dma_wait3A_67 = arith.constant 0 : i32
        %dma_wait3A_68 = tpu.memref_slice %arg10[%add3A_51, %dma_wait3A_67] : memref<10240x128xf32, #tpu.memory_space<vmem_shared>> -> memref<128x128xf32, #tpu.memory_space<vmem_shared>>
        %dma_wait3A_69 = arith.constant 0 : i32
        %dma_wait3A_70 = arith.constant 0 : i32
        %dma_wait3A_71 = tpu.memref_slice %arg8[%dma_wait3A_69, %dma_wait3A_70] : memref<128x128xf32, #tpu.memory_space<vmem>> -> memref<128x128xf32, #tpu.memory_space<vmem>>
        tpu.wait_dma2 semaphore(%run_scoped3A : memref<!tpu.dma_semaphore, #tpu.memory_space<semaphore_mem>>) src(%dma_wait3A_71 : memref<128x128xf32, #tpu.memory_space<vmem>>) dst(%dma_wait3A_68 : memref<128x128xf32, #tpu.memory_space<vmem_shared>>)
        tpu.yield
      }) : () -> ()
      %scan3A_52 = arith.constant 0 : i32
      scf.yield %scan3A_52 : i32
    }
    %scan3A_13 = arith.constant 5 : i32
    %barrier3A = arith.constant 0 : index
    tpu.barrier barrier_id(%barrier3A)
    "tpu.region"() ({
      %run_scoped3A = tpu.sem_alloc : memref<!tpu.dma_semaphore, #tpu.memory_space<semaphore_mem>>
      %dma_start3A_45 = arith.constant 0 : i32
      %dma_start3A_46 = tpu.memref_slice %arg3[%add3A, %dma_start3A_45] : memref<32x10240xi32, #tpu.memory_space<hbm>> -> memref<1x5120xi32, #tpu.memory_space<hbm>>
      %dma_start3A_47 = tpu.memref_squeeze %dma_start3A_46 : memref<1x5120xi32, #tpu.memory_space<hbm>> -> memref<5120xi32, #tpu.memory_space<hbm>>
      %dma_start3A_48 = arith.constant 0 : i32
      %dma_start3A_49 = tpu.memref_slice %arg3[%add3A, %dma_start3A_48] : memref<32x10240xi32, #tpu.memory_space<hbm>> -> memref<1x5120xi32, #tpu.memory_space<hbm>>
      %dma_start3A_50 = tpu.memref_squeeze %dma_start3A_49 : memref<1x5120xi32, #tpu.memory_space<hbm>> -> memref<5120xi32, #tpu.memory_space<hbm>>
      tpu.enqueue_dma source(%dma_start3A_50 : memref<5120xi32, #tpu.memory_space<hbm>>) target(%arg6 : memref<5120xi32, #tpu.memory_space<vmem>>) target_semaphore(%run_scoped3A : memref<!tpu.dma_semaphore, #tpu.memory_space<semaphore_mem>>)
      %dma_wait3A = arith.constant 0 : i32
      %dma_wait3A_51 = tpu.memref_slice %arg3[%add3A, %dma_wait3A] : memref<32x10240xi32, #tpu.memory_space<hbm>> -> memref<1x5120xi32, #tpu.memory_space<hbm>>
      %dma_wait3A_52 = tpu.memref_squeeze %dma_wait3A_51 : memref<1x5120xi32, #tpu.memory_space<hbm>> -> memref<5120xi32, #tpu.memory_space<hbm>>
      %dma_wait3A_53 = arith.constant 0 : i32
      %dma_wait3A_54 = tpu.memref_slice %arg3[%add3A, %dma_wait3A_53] : memref<32x10240xi32, #tpu.memory_space<hbm>> -> memref<1x5120xi32, #tpu.memory_space<hbm>>
      %dma_wait3A_55 = tpu.memref_squeeze %dma_wait3A_54 : memref<1x5120xi32, #tpu.memory_space<hbm>> -> memref<5120xi32, #tpu.memory_space<hbm>>
      tpu.wait_dma2 semaphore(%run_scoped3A : memref<!tpu.dma_semaphore, #tpu.memory_space<semaphore_mem>>) src(%dma_wait3A_55 : memref<5120xi32, #tpu.memory_space<hbm>>) dst(%arg6 : memref<5120xi32, #tpu.memory_space<vmem>>)
      tpu.yield
    }) : () -> ()
    "tpu.region"() ({
      %run_scoped3A = tpu.sem_alloc : memref<!tpu.dma_semaphore, #tpu.memory_space<semaphore_mem>>
      %dma_start3A_45 = arith.constant 0 : i32
      %dma_start3A_46 = arith.constant 0 : i32
      %dma_start3A_47 = tpu.memref_slice %arg4[%add3A, %dma_start3A_45, %dma_start3A_46] : memref<32x80x128xi32, #tpu.memory_space<hbm>> -> memref<1x40x128xi32, #tpu.memory_space<hbm>>
      %dma_start3A_48 = tpu.memref_squeeze %dma_start3A_47 : memref<1x40x128xi32, #tpu.memory_space<hbm>> -> memref<40x128xi32, #tpu.memory_space<hbm>>
      %dma_start3A_49 = arith.constant 0 : i32
      %dma_start3A_50 = arith.constant 0 : i32
      %dma_start3A_51 = tpu.memref_slice %arg4[%add3A, %dma_start3A_49, %dma_start3A_50] : memref<32x80x128xi32, #tpu.memory_space<hbm>> -> memref<1x40x128xi32, #tpu.memory_space<hbm>>
      %dma_start3A_52 = tpu.memref_squeeze %dma_start3A_51 : memref<1x40x128xi32, #tpu.memory_space<hbm>> -> memref<40x128xi32, #tpu.memory_space<hbm>>
      tpu.enqueue_dma source(%dma_start3A_52 : memref<40x128xi32, #tpu.memory_space<hbm>>) target(%arg7 : memref<40x128xi32, #tpu.memory_space<vmem>>) target_semaphore(%run_scoped3A : memref<!tpu.dma_semaphore, #tpu.memory_space<semaphore_mem>>)
      %dma_wait3A = arith.constant 0 : i32
      %dma_wait3A_53 = arith.constant 0 : i32
      %dma_wait3A_54 = tpu.memref_slice %arg4[%add3A, %dma_wait3A, %dma_wait3A_53] : memref<32x80x128xi32, #tpu.memory_space<hbm>> -> memref<1x40x128xi32, #tpu.memory_space<hbm>>
      %dma_wait3A_55 = tpu.memref_squeeze %dma_wait3A_54 : memref<1x40x128xi32, #tpu.memory_space<hbm>> -> memref<40x128xi32, #tpu.memory_space<hbm>>
      %dma_wait3A_56 = arith.constant 0 : i32
      %dma_wait3A_57 = arith.constant 0 : i32
      %dma_wait3A_58 = tpu.memref_slice %arg4[%add3A, %dma_wait3A_56, %dma_wait3A_57] : memref<32x80x128xi32, #tpu.memory_space<hbm>> -> memref<1x40x128xi32, #tpu.memory_space<hbm>>
      %dma_wait3A_59 = tpu.memref_squeeze %dma_wait3A_58 : memref<1x40x128xi32, #tpu.memory_space<hbm>> -> memref<40x128xi32, #tpu.memory_space<hbm>>
      tpu.wait_dma2 semaphore(%run_scoped3A : memref<!tpu.dma_semaphore, #tpu.memory_space<semaphore_mem>>) src(%dma_wait3A_59 : memref<40x128xi32, #tpu.memory_space<hbm>>) dst(%arg7 : memref<40x128xi32, #tpu.memory_space<vmem>>)
      tpu.yield
    }) : () -> ()
    %dma_start3A = arith.constant 0 : i32
    %dma_start3A_14 = tpu.memref_slice %arg6[%dma_start3A] : memref<5120xi32, #tpu.memory_space<vmem>> -> memref<128xi32, #tpu.memory_space<vmem>>
    %dma_start3A_15 = arith.constant 0 : i32
    %dma_start3A_16 = arith.constant 0 : i32
    %dma_start3A_17 = tpu.memref_slice %arg2[%dma_start3A_15, %dma_start3A_16] : memref<10240x128xf32, #tpu.memory_space<hbm>> -> memref<10240x128xf32, #tpu.memory_space<hbm>>
    tpu.enqueue_indirect_dma source(%dma_start3A_17 : memref<10240x128xf32, #tpu.memory_space<hbm>>) target(%arg8 : memref<128x128xf32, #tpu.memory_space<vmem>>) offsets(%dma_start3A_14 : memref<128xi32, #tpu.memory_space<vmem>>) semaphore(%arg11 : memref<!tpu.dma_semaphore, #tpu.memory_space<semaphore_mem>>)
    %scan3A_18 = arith.constant 0 : i32
    %scan3A_19 = arith.constant 0 : i32
    %scan3A_20 = arith.constant 20 : i32
    %scan3A_21 = arith.addi %scan3A_19, %scan3A_20 : i32
    %scan3A_22 = arith.constant 1 : i32
    %scan3A_23 = scf.for %scan3A_45 = %scan3A_19 to %scan3A_21 step %scan3A_22 iter_args(%scan3A_46 = %scan3A_18) -> (i32)  : i32 {
      %mul3A_47 = arith.constant 2 : i32
      %mul3A_48 = arith.muli %scan3A_45, %mul3A_47 : i32
      %add3A_49 = arith.constant 1 : i32
      %add3A_50 = arith.addi %mul3A_48, %add3A_49 : i32
      %mul3A_51 = arith.constant 128 : i32
      %mul3A_52 = arith.muli %add3A_50, %mul3A_51 : i32
      %dma_start3A_53 = tpu.memref_slice %arg6[%mul3A_52] : memref<5120xi32, #tpu.memory_space<vmem>> -> memref<128xi32, #tpu.memory_space<vmem>>
      %dma_start3A_54 = arith.constant 0 : i32
      %dma_start3A_55 = arith.constant 0 : i32
      %dma_start3A_56 = tpu.memref_slice %arg2[%dma_start3A_54, %dma_start3A_55] : memref<10240x128xf32, #tpu.memory_space<hbm>> -> memref<10240x128xf32, #tpu.memory_space<hbm>>
      tpu.enqueue_indirect_dma source(%dma_start3A_56 : memref<10240x128xf32, #tpu.memory_space<hbm>>) target(%arg9 : memref<128x128xf32, #tpu.memory_space<vmem>>) offsets(%dma_start3A_53 : memref<128xi32, #tpu.memory_space<vmem>>) semaphore(%arg12 : memref<!tpu.dma_semaphore, #tpu.memory_space<semaphore_mem>>)
      %mul3A_57 = arith.constant 128 : i32
      %mul3A_58 = arith.muli %mul3A_48, %mul3A_57 : i32
      %dma_wait3A = tpu.memref_slice %arg6[%mul3A_58] : memref<5120xi32, #tpu.memory_space<vmem>> -> memref<128xi32, #tpu.memory_space<vmem>>
      %dma_wait3A_59 = arith.constant 0 : i32
      %dma_wait3A_60 = arith.constant 0 : i32
      %dma_wait3A_61 = tpu.memref_slice %arg2[%dma_wait3A_59, %dma_wait3A_60] : memref<10240x128xf32, #tpu.memory_space<hbm>> -> memref<10240x128xf32, #tpu.memory_space<hbm>>
      tpu.wait_indirect_dma semaphore(%arg11 : memref<!tpu.dma_semaphore, #tpu.memory_space<semaphore_mem>>) src(%dma_wait3A_61 : memref<10240x128xf32, #tpu.memory_space<hbm>>) dst(%arg8 : memref<128x128xf32, #tpu.memory_space<vmem>>)
      "tpu.region"() ({
        %run_scoped3A = tpu.sem_alloc : memref<!tpu.dma_semaphore, #tpu.memory_space<semaphore_mem>>
        %dma_start3A_75 = arith.constant 0 : i32
        %dma_start3A_76 = tpu.memref_slice %arg7[%mul3A_48, %dma_start3A_75] : memref<40x128xi32, #tpu.memory_space<vmem>> -> memref<1x128xi32, #tpu.memory_space<vmem>>
        %dma_start3A_77 = tpu.memref_squeeze %dma_start3A_76 : memref<1x128xi32, #tpu.memory_space<vmem>> -> memref<128xi32, #tpu.memory_space<vmem>>
        %dma_start3A_78 = arith.constant 0 : i32
        %dma_start3A_79 = arith.constant 0 : i32
        %dma_start3A_80 = tpu.memref_slice %arg10[%dma_start3A_78, %dma_start3A_79] : memref<10240x128xf32, #tpu.memory_space<vmem_shared>> -> memref<10240x128xf32, #tpu.memory_space<vmem_shared>>
        tpu.enqueue_indirect_dma source(%arg8 : memref<128x128xf32, #tpu.memory_space<vmem>>) target(%dma_start3A_80 : memref<10240x128xf32, #tpu.memory_space<vmem_shared>>) offsets(%dma_start3A_77 : memref<128xi32, #tpu.memory_space<vmem>>) semaphore(%run_scoped3A : memref<!tpu.dma_semaphore, #tpu.memory_space<semaphore_mem>>) {add = true}
        %dma_wait3A_81 = arith.constant 0 : i32
        %dma_wait3A_82 = tpu.memref_slice %arg7[%mul3A_48, %dma_wait3A_81] : memref<40x128xi32, #tpu.memory_space<vmem>> -> memref<1x128xi32, #tpu.memory_space<vmem>>
        %dma_wait3A_83 = tpu.memref_squeeze %dma_wait3A_82 : memref<1x128xi32, #tpu.memory_space<vmem>> -> memref<128xi32, #tpu.memory_space<vmem>>
        %dma_wait3A_84 = arith.constant 0 : i32
        %dma_wait3A_85 = arith.constant 0 : i32
        %dma_wait3A_86 = tpu.memref_slice %arg10[%dma_wait3A_84, %dma_wait3A_85] : memref<10240x128xf32, #tpu.memory_space<vmem_shared>> -> memref<10240x128xf32, #tpu.memory_space<vmem_shared>>
        tpu.wait_indirect_dma semaphore(%run_scoped3A : memref<!tpu.dma_semaphore, #tpu.memory_space<semaphore_mem>>) src(%arg8 : memref<128x128xf32, #tpu.memory_space<vmem>>) dst(%dma_wait3A_86 : memref<10240x128xf32, #tpu.memory_space<vmem_shared>>)
        tpu.yield
      }) : () -> ()
      %lt3A = arith.constant 19 : i32
      %lt3A_62 = arith.cmpi slt, %scan3A_45, %lt3A : i32
      %convert_element_type3A = arith.extui %lt3A_62 : i1 to i32
      %cond3A = arith.constant 0 : i32
      %cond3A_63 = arith.cmpi ne, %convert_element_type3A, %cond3A : i32
      scf.if %cond3A_63 {
        %add3A_75 = arith.constant 2 : i32
        %add3A_76 = arith.addi %mul3A_48, %add3A_75 : i32
        %mul3A_77 = arith.constant 128 : i32
        %mul3A_78 = arith.muli %add3A_76, %mul3A_77 : i32
        %dma_start3A_79 = tpu.memref_slice %arg6[%mul3A_78] : memref<5120xi32, #tpu.memory_space<vmem>> -> memref<128xi32, #tpu.memory_space<vmem>>
        %dma_start3A_80 = arith.constant 0 : i32
        %dma_start3A_81 = arith.constant 0 : i32
        %dma_start3A_82 = tpu.memref_slice %arg2[%dma_start3A_80, %dma_start3A_81] : memref<10240x128xf32, #tpu.memory_space<hbm>> -> memref<10240x128xf32, #tpu.memory_space<hbm>>
        tpu.enqueue_indirect_dma source(%dma_start3A_82 : memref<10240x128xf32, #tpu.memory_space<hbm>>) target(%arg8 : memref<128x128xf32, #tpu.memory_space<vmem>>) offsets(%dma_start3A_79 : memref<128xi32, #tpu.memory_space<vmem>>) semaphore(%arg11 : memref<!tpu.dma_semaphore, #tpu.memory_space<semaphore_mem>>)
      } else {
      }
      %add3A_64 = arith.constant 1 : i32
      %add3A_65 = arith.addi %mul3A_48, %add3A_64 : i32
      %mul3A_66 = arith.constant 128 : i32
      %mul3A_67 = arith.muli %add3A_65, %mul3A_66 : i32
      %dma_wait3A_68 = tpu.memref_slice %arg6[%mul3A_67] : memref<5120xi32, #tpu.memory_space<vmem>> -> memref<128xi32, #tpu.memory_space<vmem>>
      %dma_wait3A_69 = arith.constant 0 : i32
      %dma_wait3A_70 = arith.constant 0 : i32
      %dma_wait3A_71 = tpu.memref_slice %arg2[%dma_wait3A_69, %dma_wait3A_70] : memref<10240x128xf32, #tpu.memory_space<hbm>> -> memref<10240x128xf32, #tpu.memory_space<hbm>>
      tpu.wait_indirect_dma semaphore(%arg12 : memref<!tpu.dma_semaphore, #tpu.memory_space<semaphore_mem>>) src(%dma_wait3A_71 : memref<10240x128xf32, #tpu.memory_space<hbm>>) dst(%arg9 : memref<128x128xf32, #tpu.memory_space<vmem>>)
      %add3A_72 = arith.constant 1 : i32
      %add3A_73 = arith.addi %mul3A_48, %add3A_72 : i32
      "tpu.region"() ({
        %run_scoped3A = tpu.sem_alloc : memref<!tpu.dma_semaphore, #tpu.memory_space<semaphore_mem>>
        %dma_start3A_75 = arith.constant 0 : i32
        %dma_start3A_76 = tpu.memref_slice %arg7[%add3A_73, %dma_start3A_75] : memref<40x128xi32, #tpu.memory_space<vmem>> -> memref<1x128xi32, #tpu.memory_space<vmem>>
        %dma_start3A_77 = tpu.memref_squeeze %dma_start3A_76 : memref<1x128xi32, #tpu.memory_space<vmem>> -> memref<128xi32, #tpu.memory_space<vmem>>
        %dma_start3A_78 = arith.constant 0 : i32
        %dma_start3A_79 = arith.constant 0 : i32
        %dma_start3A_80 = tpu.memref_slice %arg10[%dma_start3A_78, %dma_start3A_79] : memref<10240x128xf32, #tpu.memory_space<vmem_shared>> -> memref<10240x128xf32, #tpu.memory_space<vmem_shared>>
        tpu.enqueue_indirect_dma source(%arg9 : memref<128x128xf32, #tpu.memory_space<vmem>>) target(%dma_start3A_80 : memref<10240x128xf32, #tpu.memory_space<vmem_shared>>) offsets(%dma_start3A_77 : memref<128xi32, #tpu.memory_space<vmem>>) semaphore(%run_scoped3A : memref<!tpu.dma_semaphore, #tpu.memory_space<semaphore_mem>>) {add = true}
        %dma_wait3A_81 = arith.constant 0 : i32
        %dma_wait3A_82 = tpu.memref_slice %arg7[%add3A_73, %dma_wait3A_81] : memref<40x128xi32, #tpu.memory_space<vmem>> -> memref<1x128xi32, #tpu.memory_space<vmem>>
        %dma_wait3A_83 = tpu.memref_squeeze %dma_wait3A_82 : memref<1x128xi32, #tpu.memory_space<vmem>> -> memref<128xi32, #tpu.memory_space<vmem>>
        %dma_wait3A_84 = arith.constant 0 : i32
        %dma_wait3A_85 = arith.constant 0 : i32
        %dma_wait3A_86 = tpu.memref_slice %arg10[%dma_wait3A_84, %dma_wait3A_85] : memref<10240x128xf32, #tpu.memory_space<vmem_shared>> -> memref<10240x128xf32, #tpu.memory_space<vmem_shared>>
        tpu.wait_indirect_dma semaphore(%run_scoped3A : memref<!tpu.dma_semaphore, #tpu.memory_space<semaphore_mem>>) src(%arg9 : memref<128x128xf32, #tpu.memory_space<vmem>>) dst(%dma_wait3A_86 : memref<10240x128xf32, #tpu.memory_space<vmem_shared>>)
        tpu.yield
      }) : () -> ()
      %scan3A_74 = arith.constant 0 : i32
      scf.yield %scan3A_74 : i32
    }
    %scan3A_24 = arith.constant 20 : i32
    "tpu.region"() ({
      %run_scoped3A = tpu.sem_alloc : memref<!tpu.dma_semaphore, #tpu.memory_space<semaphore_mem>>
      %dma_start3A_45 = arith.constant 5120 : i32
      %dma_start3A_46 = tpu.memref_slice %arg3[%add3A, %dma_start3A_45] : memref<32x10240xi32, #tpu.memory_space<hbm>> -> memref<1x5120xi32, #tpu.memory_space<hbm>>
      %dma_start3A_47 = tpu.memref_squeeze %dma_start3A_46 : memref<1x5120xi32, #tpu.memory_space<hbm>> -> memref<5120xi32, #tpu.memory_space<hbm>>
      %dma_start3A_48 = arith.constant 5120 : i32
      %dma_start3A_49 = tpu.memref_slice %arg3[%add3A, %dma_start3A_48] : memref<32x10240xi32, #tpu.memory_space<hbm>> -> memref<1x5120xi32, #tpu.memory_space<hbm>>
      %dma_start3A_50 = tpu.memref_squeeze %dma_start3A_49 : memref<1x5120xi32, #tpu.memory_space<hbm>> -> memref<5120xi32, #tpu.memory_space<hbm>>
      tpu.enqueue_dma source(%dma_start3A_50 : memref<5120xi32, #tpu.memory_space<hbm>>) target(%arg6 : memref<5120xi32, #tpu.memory_space<vmem>>) target_semaphore(%run_scoped3A : memref<!tpu.dma_semaphore, #tpu.memory_space<semaphore_mem>>)
      %dma_wait3A = arith.constant 5120 : i32
      %dma_wait3A_51 = tpu.memref_slice %arg3[%add3A, %dma_wait3A] : memref<32x10240xi32, #tpu.memory_space<hbm>> -> memref<1x5120xi32, #tpu.memory_space<hbm>>
      %dma_wait3A_52 = tpu.memref_squeeze %dma_wait3A_51 : memref<1x5120xi32, #tpu.memory_space<hbm>> -> memref<5120xi32, #tpu.memory_space<hbm>>
      %dma_wait3A_53 = arith.constant 5120 : i32
      %dma_wait3A_54 = tpu.memref_slice %arg3[%add3A, %dma_wait3A_53] : memref<32x10240xi32, #tpu.memory_space<hbm>> -> memref<1x5120xi32, #tpu.memory_space<hbm>>
      %dma_wait3A_55 = tpu.memref_squeeze %dma_wait3A_54 : memref<1x5120xi32, #tpu.memory_space<hbm>> -> memref<5120xi32, #tpu.memory_space<hbm>>
      tpu.wait_dma2 semaphore(%run_scoped3A : memref<!tpu.dma_semaphore, #tpu.memory_space<semaphore_mem>>) src(%dma_wait3A_55 : memref<5120xi32, #tpu.memory_space<hbm>>) dst(%arg6 : memref<5120xi32, #tpu.memory_space<vmem>>)
      tpu.yield
    }) : () -> ()
    "tpu.region"() ({
      %run_scoped3A = tpu.sem_alloc : memref<!tpu.dma_semaphore, #tpu.memory_space<semaphore_mem>>
      %dma_start3A_45 = arith.constant 40 : i32
      %dma_start3A_46 = arith.constant 0 : i32
      %dma_start3A_47 = tpu.memref_slice %arg4[%add3A, %dma_start3A_45, %dma_start3A_46] : memref<32x80x128xi32, #tpu.memory_space<hbm>> -> memref<1x40x128xi32, #tpu.memory_space<hbm>>
      %dma_start3A_48 = tpu.memref_squeeze %dma_start3A_47 : memref<1x40x128xi32, #tpu.memory_space<hbm>> -> memref<40x128xi32, #tpu.memory_space<hbm>>
      %dma_start3A_49 = arith.constant 40 : i32
      %dma_start3A_50 = arith.constant 0 : i32
      %dma_start3A_51 = tpu.memref_slice %arg4[%add3A, %dma_start3A_49, %dma_start3A_50] : memref<32x80x128xi32, #tpu.memory_space<hbm>> -> memref<1x40x128xi32, #tpu.memory_space<hbm>>
      %dma_start3A_52 = tpu.memref_squeeze %dma_start3A_51 : memref<1x40x128xi32, #tpu.memory_space<hbm>> -> memref<40x128xi32, #tpu.memory_space<hbm>>
      tpu.enqueue_dma source(%dma_start3A_52 : memref<40x128xi32, #tpu.memory_space<hbm>>) target(%arg7 : memref<40x128xi32, #tpu.memory_space<vmem>>) target_semaphore(%run_scoped3A : memref<!tpu.dma_semaphore, #tpu.memory_space<semaphore_mem>>)
      %dma_wait3A = arith.constant 40 : i32
      %dma_wait3A_53 = arith.constant 0 : i32
      %dma_wait3A_54 = tpu.memref_slice %arg4[%add3A, %dma_wait3A, %dma_wait3A_53] : memref<32x80x128xi32, #tpu.memory_space<hbm>> -> memref<1x40x128xi32, #tpu.memory_space<hbm>>
      %dma_wait3A_55 = tpu.memref_squeeze %dma_wait3A_54 : memref<1x40x128xi32, #tpu.memory_space<hbm>> -> memref<40x128xi32, #tpu.memory_space<hbm>>
      %dma_wait3A_56 = arith.constant 40 : i32
      %dma_wait3A_57 = arith.constant 0 : i32
      %dma_wait3A_58 = tpu.memref_slice %arg4[%add3A, %dma_wait3A_56, %dma_wait3A_57] : memref<32x80x128xi32, #tpu.memory_space<hbm>> -> memref<1x40x128xi32, #tpu.memory_space<hbm>>
      %dma_wait3A_59 = tpu.memref_squeeze %dma_wait3A_58 : memref<1x40x128xi32, #tpu.memory_space<hbm>> -> memref<40x128xi32, #tpu.memory_space<hbm>>
      tpu.wait_dma2 semaphore(%run_scoped3A : memref<!tpu.dma_semaphore, #tpu.memory_space<semaphore_mem>>) src(%dma_wait3A_59 : memref<40x128xi32, #tpu.memory_space<hbm>>) dst(%arg7 : memref<40x128xi32, #tpu.memory_space<vmem>>)
      tpu.yield
    }) : () -> ()
    %dma_start3A_25 = arith.constant 0 : i32
    %dma_start3A_26 = tpu.memref_slice %arg6[%dma_start3A_25] : memref<5120xi32, #tpu.memory_space<vmem>> -> memref<128xi32, #tpu.memory_space<vmem>>
    %dma_start3A_27 = arith.constant 0 : i32
    %dma_start3A_28 = arith.constant 0 : i32
    %dma_start3A_29 = tpu.memref_slice %arg2[%dma_start3A_27, %dma_start3A_28] : memref<10240x128xf32, #tpu.memory_space<hbm>> -> memref<10240x128xf32, #tpu.memory_space<hbm>>
    tpu.enqueue_indirect_dma source(%dma_start3A_29 : memref<10240x128xf32, #tpu.memory_space<hbm>>) target(%arg8 : memref<128x128xf32, #tpu.memory_space<vmem>>) offsets(%dma_start3A_26 : memref<128xi32, #tpu.memory_space<vmem>>) semaphore(%arg11 : memref<!tpu.dma_semaphore, #tpu.memory_space<semaphore_mem>>)
    %scan3A_30 = arith.constant 0 : i32
    %scan3A_31 = arith.constant 0 : i32
    %scan3A_32 = arith.constant 20 : i32
    %scan3A_33 = arith.addi %scan3A_31, %scan3A_32 : i32
    %scan3A_34 = arith.constant 1 : i32
    %scan3A_35 = scf.for %scan3A_45 = %scan3A_31 to %scan3A_33 step %scan3A_34 iter_args(%scan3A_46 = %scan3A_30) -> (i32)  : i32 {
      %mul3A_47 = arith.constant 2 : i32
      %mul3A_48 = arith.muli %scan3A_45, %mul3A_47 : i32
      %add3A_49 = arith.constant 1 : i32
      %add3A_50 = arith.addi %mul3A_48, %add3A_49 : i32
      %mul3A_51 = arith.constant 128 : i32
      %mul3A_52 = arith.muli %add3A_50, %mul3A_51 : i32
      %dma_start3A_53 = tpu.memref_slice %arg6[%mul3A_52] : memref<5120xi32, #tpu.memory_space<vmem>> -> memref<128xi32, #tpu.memory_space<vmem>>
      %dma_start3A_54 = arith.constant 0 : i32
      %dma_start3A_55 = arith.constant 0 : i32
      %dma_start3A_56 = tpu.memref_slice %arg2[%dma_start3A_54, %dma_start3A_55] : memref<10240x128xf32, #tpu.memory_space<hbm>> -> memref<10240x128xf32, #tpu.memory_space<hbm>>
      tpu.enqueue_indirect_dma source(%dma_start3A_56 : memref<10240x128xf32, #tpu.memory_space<hbm>>) target(%arg9 : memref<128x128xf32, #tpu.memory_space<vmem>>) offsets(%dma_start3A_53 : memref<128xi32, #tpu.memory_space<vmem>>) semaphore(%arg12 : memref<!tpu.dma_semaphore, #tpu.memory_space<semaphore_mem>>)
      %mul3A_57 = arith.constant 128 : i32
      %mul3A_58 = arith.muli %mul3A_48, %mul3A_57 : i32
      %dma_wait3A = tpu.memref_slice %arg6[%mul3A_58] : memref<5120xi32, #tpu.memory_space<vmem>> -> memref<128xi32, #tpu.memory_space<vmem>>
      %dma_wait3A_59 = arith.constant 0 : i32
      %dma_wait3A_60 = arith.constant 0 : i32
      %dma_wait3A_61 = tpu.memref_slice %arg2[%dma_wait3A_59, %dma_wait3A_60] : memref<10240x128xf32, #tpu.memory_space<hbm>> -> memref<10240x128xf32, #tpu.memory_space<hbm>>
      tpu.wait_indirect_dma semaphore(%arg11 : memref<!tpu.dma_semaphore, #tpu.memory_space<semaphore_mem>>) src(%dma_wait3A_61 : memref<10240x128xf32, #tpu.memory_space<hbm>>) dst(%arg8 : memref<128x128xf32, #tpu.memory_space<vmem>>)
      "tpu.region"() ({
        %run_scoped3A = tpu.sem_alloc : memref<!tpu.dma_semaphore, #tpu.memory_space<semaphore_mem>>
        %dma_start3A_75 = arith.constant 0 : i32
        %dma_start3A_76 = tpu.memref_slice %arg7[%mul3A_48, %dma_start3A_75] : memref<40x128xi32, #tpu.memory_space<vmem>> -> memref<1x128xi32, #tpu.memory_space<vmem>>
        %dma_start3A_77 = tpu.memref_squeeze %dma_start3A_76 : memref<1x128xi32, #tpu.memory_space<vmem>> -> memref<128xi32, #tpu.memory_space<vmem>>
        %dma_start3A_78 = arith.constant 0 : i32
        %dma_start3A_79 = arith.constant 0 : i32
        %dma_start3A_80 = tpu.memref_slice %arg10[%dma_start3A_78, %dma_start3A_79] : memref<10240x128xf32, #tpu.memory_space<vmem_shared>> -> memref<10240x128xf32, #tpu.memory_space<vmem_shared>>
        tpu.enqueue_indirect_dma source(%arg8 : memref<128x128xf32, #tpu.memory_space<vmem>>) target(%dma_start3A_80 : memref<10240x128xf32, #tpu.memory_space<vmem_shared>>) offsets(%dma_start3A_77 : memref<128xi32, #tpu.memory_space<vmem>>) semaphore(%run_scoped3A : memref<!tpu.dma_semaphore, #tpu.memory_space<semaphore_mem>>) {add = true}
        %dma_wait3A_81 = arith.constant 0 : i32
        %dma_wait3A_82 = tpu.memref_slice %arg7[%mul3A_48, %dma_wait3A_81] : memref<40x128xi32, #tpu.memory_space<vmem>> -> memref<1x128xi32, #tpu.memory_space<vmem>>
        %dma_wait3A_83 = tpu.memref_squeeze %dma_wait3A_82 : memref<1x128xi32, #tpu.memory_space<vmem>> -> memref<128xi32, #tpu.memory_space<vmem>>
        %dma_wait3A_84 = arith.constant 0 : i32
        %dma_wait3A_85 = arith.constant 0 : i32
        %dma_wait3A_86 = tpu.memref_slice %arg10[%dma_wait3A_84, %dma_wait3A_85] : memref<10240x128xf32, #tpu.memory_space<vmem_shared>> -> memref<10240x128xf32, #tpu.memory_space<vmem_shared>>
        tpu.wait_indirect_dma semaphore(%run_scoped3A : memref<!tpu.dma_semaphore, #tpu.memory_space<semaphore_mem>>) src(%arg8 : memref<128x128xf32, #tpu.memory_space<vmem>>) dst(%dma_wait3A_86 : memref<10240x128xf32, #tpu.memory_space<vmem_shared>>)
        tpu.yield
      }) : () -> ()
      %lt3A = arith.constant 19 : i32
      %lt3A_62 = arith.cmpi slt, %scan3A_45, %lt3A : i32
      %convert_element_type3A = arith.extui %lt3A_62 : i1 to i32
      %cond3A = arith.constant 0 : i32
      %cond3A_63 = arith.cmpi ne, %convert_element_type3A, %cond3A : i32
      scf.if %cond3A_63 {
        %add3A_75 = arith.constant 2 : i32
        %add3A_76 = arith.addi %mul3A_48, %add3A_75 : i32
        %mul3A_77 = arith.constant 128 : i32
        %mul3A_78 = arith.muli %add3A_76, %mul3A_77 : i32
        %dma_start3A_79 = tpu.memref_slice %arg6[%mul3A_78] : memref<5120xi32, #tpu.memory_space<vmem>> -> memref<128xi32, #tpu.memory_space<vmem>>
        %dma_start3A_80 = arith.constant 0 : i32
        %dma_start3A_81 = arith.constant 0 : i32
        %dma_start3A_82 = tpu.memref_slice %arg2[%dma_start3A_80, %dma_start3A_81] : memref<10240x128xf32, #tpu.memory_space<hbm>> -> memref<10240x128xf32, #tpu.memory_space<hbm>>
        tpu.enqueue_indirect_dma source(%dma_start3A_82 : memref<10240x128xf32, #tpu.memory_space<hbm>>) target(%arg8 : memref<128x128xf32, #tpu.memory_space<vmem>>) offsets(%dma_start3A_79 : memref<128xi32, #tpu.memory_space<vmem>>) semaphore(%arg11 : memref<!tpu.dma_semaphore, #tpu.memory_space<semaphore_mem>>)
      } else {
      }
      %add3A_64 = arith.constant 1 : i32
      %add3A_65 = arith.addi %mul3A_48, %add3A_64 : i32
      %mul3A_66 = arith.constant 128 : i32
      %mul3A_67 = arith.muli %add3A_65, %mul3A_66 : i32
      %dma_wait3A_68 = tpu.memref_slice %arg6[%mul3A_67] : memref<5120xi32, #tpu.memory_space<vmem>> -> memref<128xi32, #tpu.memory_space<vmem>>
      %dma_wait3A_69 = arith.constant 0 : i32
      %dma_wait3A_70 = arith.constant 0 : i32
      %dma_wait3A_71 = tpu.memref_slice %arg2[%dma_wait3A_69, %dma_wait3A_70] : memref<10240x128xf32, #tpu.memory_space<hbm>> -> memref<10240x128xf32, #tpu.memory_space<hbm>>
      tpu.wait_indirect_dma semaphore(%arg12 : memref<!tpu.dma_semaphore, #tpu.memory_space<semaphore_mem>>) src(%dma_wait3A_71 : memref<10240x128xf32, #tpu.memory_space<hbm>>) dst(%arg9 : memref<128x128xf32, #tpu.memory_space<vmem>>)
      %add3A_72 = arith.constant 1 : i32
      %add3A_73 = arith.addi %mul3A_48, %add3A_72 : i32
      "tpu.region"() ({
        %run_scoped3A = tpu.sem_alloc : memref<!tpu.dma_semaphore, #tpu.memory_space<semaphore_mem>>
        %dma_start3A_75 = arith.constant 0 : i32
        %dma_start3A_76 = tpu.memref_slice %arg7[%add3A_73, %dma_start3A_75] : memref<40x128xi32, #tpu.memory_space<vmem>> -> memref<1x128xi32, #tpu.memory_space<vmem>>
        %dma_start3A_77 = tpu.memref_squeeze %dma_start3A_76 : memref<1x128xi32, #tpu.memory_space<vmem>> -> memref<128xi32, #tpu.memory_space<vmem>>
        %dma_start3A_78 = arith.constant 0 : i32
        %dma_start3A_79 = arith.constant 0 : i32
        %dma_start3A_80 = tpu.memref_slice %arg10[%dma_start3A_78, %dma_start3A_79] : memref<10240x128xf32, #tpu.memory_space<vmem_shared>> -> memref<10240x128xf32, #tpu.memory_space<vmem_shared>>
        tpu.enqueue_indirect_dma source(%arg9 : memref<128x128xf32, #tpu.memory_space<vmem>>) target(%dma_start3A_80 : memref<10240x128xf32, #tpu.memory_space<vmem_shared>>) offsets(%dma_start3A_77 : memref<128xi32, #tpu.memory_space<vmem>>) semaphore(%run_scoped3A : memref<!tpu.dma_semaphore, #tpu.memory_space<semaphore_mem>>) {add = true}
        %dma_wait3A_81 = arith.constant 0 : i32
        %dma_wait3A_82 = tpu.memref_slice %arg7[%add3A_73, %dma_wait3A_81] : memref<40x128xi32, #tpu.memory_space<vmem>> -> memref<1x128xi32, #tpu.memory_space<vmem>>
        %dma_wait3A_83 = tpu.memref_squeeze %dma_wait3A_82 : memref<1x128xi32, #tpu.memory_space<vmem>> -> memref<128xi32, #tpu.memory_space<vmem>>
        %dma_wait3A_84 = arith.constant 0 : i32
        %dma_wait3A_85 = arith.constant 0 : i32
        %dma_wait3A_86 = tpu.memref_slice %arg10[%dma_wait3A_84, %dma_wait3A_85] : memref<10240x128xf32, #tpu.memory_space<vmem_shared>> -> memref<10240x128xf32, #tpu.memory_space<vmem_shared>>
        tpu.wait_indirect_dma semaphore(%run_scoped3A : memref<!tpu.dma_semaphore, #tpu.memory_space<semaphore_mem>>) src(%arg9 : memref<128x128xf32, #tpu.memory_space<vmem>>) dst(%dma_wait3A_86 : memref<10240x128xf32, #tpu.memory_space<vmem_shared>>)
        tpu.yield
      }) : () -> ()
      %scan3A_74 = arith.constant 0 : i32
      scf.yield %scan3A_74 : i32
    }
    %scan3A_36 = arith.constant 20 : i32
    %barrier3A_37 = arith.constant 0 : index
    tpu.barrier barrier_id(%barrier3A_37)
    %scan3A_38 = arith.constant 0 : i32
    %scan3A_39 = arith.constant 0 : i32
    %scan3A_40 = arith.constant 5 : i32
    %scan3A_41 = arith.addi %scan3A_39, %scan3A_40 : i32
    %scan3A_42 = arith.constant 1 : i32
    %scan3A_43 = scf.for %scan3A_45 = %scan3A_39 to %scan3A_41 step %scan3A_42 iter_args(%scan3A_46 = %scan3A_38) -> (i32)  : i32 {
      %mul3A_47 = arith.constant 640 : i32
      %mul3A_48 = arith.muli %arg1, %mul3A_47 : i32
      %mul3A_49 = arith.constant 128 : i32
      %mul3A_50 = arith.muli %scan3A_45, %mul3A_49 : i32
      %add3A_51 = arith.addi %mul3A_48, %mul3A_50 : i32
      "tpu.region"() ({
        %run_scoped3A = tpu.sem_alloc : memref<!tpu.dma_semaphore, #tpu.memory_space<semaphore_mem>>
        %dma_start3A_53 = arith.constant 0 : i32
        %dma_start3A_54 = tpu.memref_slice %arg5[%arg0, %add3A_51, %dma_start3A_53] : memref<2x10240x128xf32, #tpu.memory_space<hbm>> -> memref<1x128x128xf32, #tpu.memory_space<hbm>>
        %dma_start3A_55 = tpu.memref_squeeze %dma_start3A_54 : memref<1x128x128xf32, #tpu.memory_space<hbm>> -> memref<128x128xf32, #tpu.memory_space<hbm>>
        %dma_start3A_56 = arith.constant 0 : i32
        %dma_start3A_57 = tpu.memref_slice %arg10[%add3A_51, %dma_start3A_56] : memref<10240x128xf32, #tpu.memory_space<vmem_shared>> -> memref<128x128xf32, #tpu.memory_space<vmem_shared>>
        tpu.enqueue_dma source(%dma_start3A_57 : memref<128x128xf32, #tpu.memory_space<vmem_shared>>) target(%dma_start3A_55 : memref<128x128xf32, #tpu.memory_space<hbm>>) target_semaphore(%run_scoped3A : memref<!tpu.dma_semaphore, #tpu.memory_space<semaphore_mem>>)
        %dma_wait3A = arith.constant 0 : i32
        %dma_wait3A_58 = tpu.memref_slice %arg5[%arg0, %add3A_51, %dma_wait3A] : memref<2x10240x128xf32, #tpu.memory_space<hbm>> -> memref<1x128x128xf32, #tpu.memory_space<hbm>>
        %dma_wait3A_59 = tpu.memref_squeeze %dma_wait3A_58 : memref<1x128x128xf32, #tpu.memory_space<hbm>> -> memref<128x128xf32, #tpu.memory_space<hbm>>
        %dma_wait3A_60 = arith.constant 0 : i32
        %dma_wait3A_61 = tpu.memref_slice %arg10[%add3A_51, %dma_wait3A_60] : memref<10240x128xf32, #tpu.memory_space<vmem_shared>> -> memref<128x128xf32, #tpu.memory_space<vmem_shared>>
        tpu.wait_dma2 semaphore(%run_scoped3A : memref<!tpu.dma_semaphore, #tpu.memory_space<semaphore_mem>>) src(%dma_wait3A_61 : memref<128x128xf32, #tpu.memory_space<vmem_shared>>) dst(%dma_wait3A_59 : memref<128x128xf32, #tpu.memory_space<hbm>>)
        tpu.yield
      }) : () -> ()
      %scan3A_52 = arith.constant 0 : i32
      scf.yield %scan3A_52 : i32
    }
    %scan3A_44 = arith.constant 5 : i32
    return
  }
}

#map = affine_map<(d0, d1) -> (0, 0)>
#map1 = affine_map<(d0, d1) -> (0, 0, 0)>
module attributes {stable_mosaic.version = 14 : i64} {
  func.func @_sc_agg_body(%arg0: i32, %arg1: i32, %arg2: memref<10240x128xf32, #tpu.memory_space<hbm>>, %arg3: memref<32x10240xi32, #tpu.memory_space<hbm>>, %arg4: memref<32x80x128xi32, #tpu.memory_space<hbm>>, %arg5: memref<2x10240x128xf32, #tpu.memory_space<hbm>>, %arg6: memref<5120xi32, #tpu.memory_space<vmem>>, %arg7: memref<40x128xi32, #tpu.memory_space<vmem>>, %arg8: memref<128x128xf32, #tpu.memory_space<vmem>>, %arg9: memref<128x128xf32, #tpu.memory_space<vmem>>, %arg10: memref<10240x128xf32, #tpu.memory_space<vmem_shared>>, %arg11: memref<!tpu.dma_semaphore, #tpu.memory_space<semaphore_mem>>, %arg12: memref<!tpu.dma_semaphore, #tpu.memory_space<semaphore_mem>>) attributes {dimension_semantics = [#tpu.dimension_semantics<core_parallel>, #tpu.dimension_semantics<subcore_parallel>], iteration_bounds = array<i64: 2, 16>, scalar_prefetch = 0 : i64, scratch_operands = 7 : i64, tpu.core_type = #tpu.core_type<sc_vector_subcore>, window_params = [{transform_indices = #map}, {transform_indices = #map}, {transform_indices = #map1}, {transform_indices = #map1}]} {
    %mul3A = arith.constant 16 : i32
    %mul3A_0 = arith.muli %arg0, %mul3A : i32
    %add3A = arith.addi %mul3A_0, %arg1 : i32
    %scan3A = arith.constant 0 : i32
    %scan3A_1 = arith.constant 0 : i32
    %scan3A_2 = arith.constant 128 : i32
    %scan3A_3 = arith.addi %scan3A_1, %scan3A_2 : i32
    %scan3A_4 = arith.constant 1 : i32
    %scan3A_5 = scf.for %scan3A_45 = %scan3A_1 to %scan3A_3 step %scan3A_4 iter_args(%scan3A_46 = %scan3A) -> (i32)  : i32 {
      %broadcast_in_dim3A = arith.constant 0.000000e+00 : f32
      %broadcast_in_dim3A_47 = vector.broadcast %broadcast_in_dim3A : f32 to vector<16xf32>
      %swap3A = arith.index_cast %scan3A_45 : i32 to index
      %swap3A_48 = arith.constant 0 : index
      %swap3A_49 = tpu.vector_load %arg8[%swap3A, %swap3A_48] {strides = array<i32>} : memref<128x128xf32, #tpu.memory_space<vmem>>, vector<1x16xf32>,
      %swap3A_50 = vector.shape_cast %swap3A_49 : vector<1x16xf32> to vector<16xf32>
      %swap3A_51 = vector.shape_cast %broadcast_in_dim3A_47 : vector<16xf32> to vector<1x16xf32>
      tpu.vector_store %arg8[%swap3A, %swap3A_48], %swap3A_51 {strides = array<i32>} : memref<128x128xf32, #tpu.memory_space<vmem>>, vector<1x16xf32>,
      %broadcast_in_dim3A_52 = arith.constant 0.000000e+00 : f32
      %broadcast_in_dim3A_53 = vector.broadcast %broadcast_in_dim3A_52 : f32 to vector<16xf32>
      %swap3A_54 = arith.index_cast %scan3A_45 : i32 to index
      %swap3A_55 = arith.constant 16 : index
      %swap3A_56 = tpu.vector_load %arg8[%swap3A_54, %swap3A_55] {strides = array<i32>} : memref<128x128xf32, #tpu.memory_space<vmem>>, vector<1x16xf32>,
      %swap3A_57 = vector.shape_cast %swap3A_56 : vector<1x16xf32> to vector<16xf32>
      %swap3A_58 = vector.shape_cast %broadcast_in_dim3A_53 : vector<16xf32> to vector<1x16xf32>
      tpu.vector_store %arg8[%swap3A_54, %swap3A_55], %swap3A_58 {strides = array<i32>} : memref<128x128xf32, #tpu.memory_space<vmem>>, vector<1x16xf32>,
      %broadcast_in_dim3A_59 = arith.constant 0.000000e+00 : f32
      %broadcast_in_dim3A_60 = vector.broadcast %broadcast_in_dim3A_59 : f32 to vector<16xf32>
      %swap3A_61 = arith.index_cast %scan3A_45 : i32 to index
      %swap3A_62 = arith.constant 32 : index
      %swap3A_63 = tpu.vector_load %arg8[%swap3A_61, %swap3A_62] {strides = array<i32>} : memref<128x128xf32, #tpu.memory_space<vmem>>, vector<1x16xf32>,
      %swap3A_64 = vector.shape_cast %swap3A_63 : vector<1x16xf32> to vector<16xf32>
      %swap3A_65 = vector.shape_cast %broadcast_in_dim3A_60 : vector<16xf32> to vector<1x16xf32>
      tpu.vector_store %arg8[%swap3A_61, %swap3A_62], %swap3A_65 {strides = array<i32>} : memref<128x128xf32, #tpu.memory_space<vmem>>, vector<1x16xf32>,
      %broadcast_in_dim3A_66 = arith.constant 0.000000e+00 : f32
      %broadcast_in_dim3A_67 = vector.broadcast %broadcast_in_dim3A_66 : f32 to vector<16xf32>
      %swap3A_68 = arith.index_cast %scan3A_45 : i32 to index
      %swap3A_69 = arith.constant 48 : index
      %swap3A_70 = tpu.vector_load %arg8[%swap3A_68, %swap3A_69] {strides = array<i32>} : memref<128x128xf32, #tpu.memory_space<vmem>>, vector<1x16xf32>,
      %swap3A_71 = vector.shape_cast %swap3A_70 : vector<1x16xf32> to vector<16xf32>
      %swap3A_72 = vector.shape_cast %broadcast_in_dim3A_67 : vector<16xf32> to vector<1x16xf32>
      tpu.vector_store %arg8[%swap3A_68, %swap3A_69], %swap3A_72 {strides = array<i32>} : memref<128x128xf32, #tpu.memory_space<vmem>>, vector<1x16xf32>,
      %broadcast_in_dim3A_73 = arith.constant 0.000000e+00 : f32
      %broadcast_in_dim3A_74 = vector.broadcast %broadcast_in_dim3A_73 : f32 to vector<16xf32>
      %swap3A_75 = arith.index_cast %scan3A_45 : i32 to index
      %swap3A_76 = arith.constant 64 : index
      %swap3A_77 = tpu.vector_load %arg8[%swap3A_75, %swap3A_76] {strides = array<i32>} : memref<128x128xf32, #tpu.memory_space<vmem>>, vector<1x16xf32>,
      %swap3A_78 = vector.shape_cast %swap3A_77 : vector<1x16xf32> to vector<16xf32>
      %swap3A_79 = vector.shape_cast %broadcast_in_dim3A_74 : vector<16xf32> to vector<1x16xf32>
      tpu.vector_store %arg8[%swap3A_75, %swap3A_76], %swap3A_79 {strides = array<i32>} : memref<128x128xf32, #tpu.memory_space<vmem>>, vector<1x16xf32>,
      %broadcast_in_dim3A_80 = arith.constant 0.000000e+00 : f32
      %broadcast_in_dim3A_81 = vector.broadcast %broadcast_in_dim3A_80 : f32 to vector<16xf32>
      %swap3A_82 = arith.index_cast %scan3A_45 : i32 to index
      %swap3A_83 = arith.constant 80 : index
      %swap3A_84 = tpu.vector_load %arg8[%swap3A_82, %swap3A_83] {strides = array<i32>} : memref<128x128xf32, #tpu.memory_space<vmem>>, vector<1x16xf32>,
      %swap3A_85 = vector.shape_cast %swap3A_84 : vector<1x16xf32> to vector<16xf32>
      %swap3A_86 = vector.shape_cast %broadcast_in_dim3A_81 : vector<16xf32> to vector<1x16xf32>
      tpu.vector_store %arg8[%swap3A_82, %swap3A_83], %swap3A_86 {strides = array<i32>} : memref<128x128xf32, #tpu.memory_space<vmem>>, vector<1x16xf32>,
      %broadcast_in_dim3A_87 = arith.constant 0.000000e+00 : f32
      %broadcast_in_dim3A_88 = vector.broadcast %broadcast_in_dim3A_87 : f32 to vector<16xf32>
      %swap3A_89 = arith.index_cast %scan3A_45 : i32 to index
      %swap3A_90 = arith.constant 96 : index
      %swap3A_91 = tpu.vector_load %arg8[%swap3A_89, %swap3A_90] {strides = array<i32>} : memref<128x128xf32, #tpu.memory_space<vmem>>, vector<1x16xf32>,
      %swap3A_92 = vector.shape_cast %swap3A_91 : vector<1x16xf32> to vector<16xf32>
      %swap3A_93 = vector.shape_cast %broadcast_in_dim3A_88 : vector<16xf32> to vector<1x16xf32>
      tpu.vector_store %arg8[%swap3A_89, %swap3A_90], %swap3A_93 {strides = array<i32>} : memref<128x128xf32, #tpu.memory_space<vmem>>, vector<1x16xf32>,
      %broadcast_in_dim3A_94 = arith.constant 0.000000e+00 : f32
      %broadcast_in_dim3A_95 = vector.broadcast %broadcast_in_dim3A_94 : f32 to vector<16xf32>
      %swap3A_96 = arith.index_cast %scan3A_45 : i32 to index
      %swap3A_97 = arith.constant 112 : index
      %swap3A_98 = tpu.vector_load %arg8[%swap3A_96, %swap3A_97] {strides = array<i32>} : memref<128x128xf32, #tpu.memory_space<vmem>>, vector<1x16xf32>,
      %swap3A_99 = vector.shape_cast %swap3A_98 : vector<1x16xf32> to vector<16xf32>
      %swap3A_100 = vector.shape_cast %broadcast_in_dim3A_95 : vector<16xf32> to vector<1x16xf32>
      tpu.vector_store %arg8[%swap3A_96, %swap3A_97], %swap3A_100 {strides = array<i32>} : memref<128x128xf32, #tpu.memory_space<vmem>>, vector<1x16xf32>,
      %scan3A_101 = arith.constant 0 : i32
      scf.yield %scan3A_101 : i32
    }
    %scan3A_6 = arith.constant 128 : i32
    %scan3A_7 = arith.constant 0 : i32
    %scan3A_8 = arith.constant 0 : i32
    %scan3A_9 = arith.constant 5 : i32
    %scan3A_10 = arith.addi %scan3A_8, %scan3A_9 : i32
    %scan3A_11 = arith.constant 1 : i32
    %scan3A_12 = scf.for %scan3A_45 = %scan3A_8 to %scan3A_10 step %scan3A_11 iter_args(%scan3A_46 = %scan3A_7) -> (i32)  : i32 {
      %mul3A_47 = arith.constant 640 : i32
      %mul3A_48 = arith.muli %arg1, %mul3A_47 : i32
      %mul3A_49 = arith.constant 128 : i32
      %mul3A_50 = arith.muli %scan3A_45, %mul3A_49 : i32
      %add3A_51 = arith.addi %mul3A_48, %mul3A_50 : i32
      "tpu.region"() ({
        %run_scoped3A = tpu.sem_alloc : memref<!tpu.dma_semaphore, #tpu.memory_space<semaphore_mem>>
        %dma_start3A_53 = arith.constant 0 : i32
        %dma_start3A_54 = arith.constant 0 : i32
        %dma_start3A_55 = tpu.memref_slice %arg8[%dma_start3A_53, %dma_start3A_54] : memref<128x128xf32, #tpu.memory_space<vmem>> -> memref<128x128xf32, #tpu.memory_space<vmem>>
        %dma_start3A_56 = arith.constant 0 : i32
        %dma_start3A_57 = tpu.memref_slice %arg10[%add3A_51, %dma_start3A_56] : memref<10240x128xf32, #tpu.memory_space<vmem_shared>> -> memref<128x128xf32, #tpu.memory_space<vmem_shared>>
        %dma_start3A_58 = arith.constant 0 : i32
        %dma_start3A_59 = tpu.memref_slice %arg10[%add3A_51, %dma_start3A_58] : memref<10240x128xf32, #tpu.memory_space<vmem_shared>> -> memref<128x128xf32, #tpu.memory_space<vmem_shared>>
        %dma_start3A_60 = arith.constant 0 : i32
        %dma_start3A_61 = arith.constant 0 : i32
        %dma_start3A_62 = tpu.memref_slice %arg8[%dma_start3A_60, %dma_start3A_61] : memref<128x128xf32, #tpu.memory_space<vmem>> -> memref<128x128xf32, #tpu.memory_space<vmem>>
        tpu.enqueue_dma source(%dma_start3A_62 : memref<128x128xf32, #tpu.memory_space<vmem>>) target(%dma_start3A_59 : memref<128x128xf32, #tpu.memory_space<vmem_shared>>) target_semaphore(%run_scoped3A : memref<!tpu.dma_semaphore, #tpu.memory_space<semaphore_mem>>)
        %dma_wait3A = arith.constant 0 : i32
        %dma_wait3A_63 = arith.constant 0 : i32
        %dma_wait3A_64 = tpu.memref_slice %arg8[%dma_wait3A, %dma_wait3A_63] : memref<128x128xf32, #tpu.memory_space<vmem>> -> memref<128x128xf32, #tpu.memory_space<vmem>>
        %dma_wait3A_65 = arith.constant 0 : i32
        %dma_wait3A_66 = tpu.memref_slice %arg10[%add3A_51, %dma_wait3A_65] : memref<10240x128xf32, #tpu.memory_space<vmem_shared>> -> memref<128x128xf32, #tpu.memory_space<vmem_shared>>
        %dma_wait3A_67 = arith.constant 0 : i32
        %dma_wait3A_68 = tpu.memref_slice %arg10[%add3A_51, %dma_wait3A_67] : memref<10240x128xf32, #tpu.memory_space<vmem_shared>> -> memref<128x128xf32, #tpu.memory_space<vmem_shared>>
        %dma_wait3A_69 = arith.constant 0 : i32
        %dma_wait3A_70 = arith.constant 0 : i32
        %dma_wait3A_71 = tpu.memref_slice %arg8[%dma_wait3A_69, %dma_wait3A_70] : memref<128x128xf32, #tpu.memory_space<vmem>> -> memref<128x128xf32, #tpu.memory_space<vmem>>
        tpu.wait_dma2 semaphore(%run_scoped3A : memref<!tpu.dma_semaphore, #tpu.memory_space<semaphore_mem>>) src(%dma_wait3A_71 : memref<128x128xf32, #tpu.memory_space<vmem>>) dst(%dma_wait3A_68 : memref<128x128xf32, #tpu.memory_space<vmem_shared>>)
        tpu.yield
      }) : () -> ()
      %scan3A_52 = arith.constant 0 : i32
      scf.yield %scan3A_52 : i32
    }
    %scan3A_13 = arith.constant 5 : i32
    %barrier3A = arith.constant 0 : index
    tpu.barrier barrier_id(%barrier3A)
    "tpu.region"() ({
      %run_scoped3A = tpu.sem_alloc : memref<!tpu.dma_semaphore, #tpu.memory_space<semaphore_mem>>
      %dma_start3A_45 = arith.constant 0 : i32
      %dma_start3A_46 = tpu.memref_slice %arg3[%add3A, %dma_start3A_45] : memref<32x10240xi32, #tpu.memory_space<hbm>> -> memref<1x5120xi32, #tpu.memory_space<hbm>>
      %dma_start3A_47 = tpu.memref_squeeze %dma_start3A_46 : memref<1x5120xi32, #tpu.memory_space<hbm>> -> memref<5120xi32, #tpu.memory_space<hbm>>
      %dma_start3A_48 = arith.constant 0 : i32
      %dma_start3A_49 = tpu.memref_slice %arg3[%add3A, %dma_start3A_48] : memref<32x10240xi32, #tpu.memory_space<hbm>> -> memref<1x5120xi32, #tpu.memory_space<hbm>>
      %dma_start3A_50 = tpu.memref_squeeze %dma_start3A_49 : memref<1x5120xi32, #tpu.memory_space<hbm>> -> memref<5120xi32, #tpu.memory_space<hbm>>
      tpu.enqueue_dma source(%dma_start3A_50 : memref<5120xi32, #tpu.memory_space<hbm>>) target(%arg6 : memref<5120xi32, #tpu.memory_space<vmem>>) target_semaphore(%run_scoped3A : memref<!tpu.dma_semaphore, #tpu.memory_space<semaphore_mem>>)
      %dma_wait3A = arith.constant 0 : i32
      %dma_wait3A_51 = tpu.memref_slice %arg3[%add3A, %dma_wait3A] : memref<32x10240xi32, #tpu.memory_space<hbm>> -> memref<1x5120xi32, #tpu.memory_space<hbm>>
      %dma_wait3A_52 = tpu.memref_squeeze %dma_wait3A_51 : memref<1x5120xi32, #tpu.memory_space<hbm>> -> memref<5120xi32, #tpu.memory_space<hbm>>
      %dma_wait3A_53 = arith.constant 0 : i32
      %dma_wait3A_54 = tpu.memref_slice %arg3[%add3A, %dma_wait3A_53] : memref<32x10240xi32, #tpu.memory_space<hbm>> -> memref<1x5120xi32, #tpu.memory_space<hbm>>
      %dma_wait3A_55 = tpu.memref_squeeze %dma_wait3A_54 : memref<1x5120xi32, #tpu.memory_space<hbm>> -> memref<5120xi32, #tpu.memory_space<hbm>>
      tpu.wait_dma2 semaphore(%run_scoped3A : memref<!tpu.dma_semaphore, #tpu.memory_space<semaphore_mem>>) src(%dma_wait3A_55 : memref<5120xi32, #tpu.memory_space<hbm>>) dst(%arg6 : memref<5120xi32, #tpu.memory_space<vmem>>)
      tpu.yield
    }) : () -> ()
    "tpu.region"() ({
      %run_scoped3A = tpu.sem_alloc : memref<!tpu.dma_semaphore, #tpu.memory_space<semaphore_mem>>
      %dma_start3A_45 = arith.constant 0 : i32
      %dma_start3A_46 = arith.constant 0 : i32
      %dma_start3A_47 = tpu.memref_slice %arg4[%add3A, %dma_start3A_45, %dma_start3A_46] : memref<32x80x128xi32, #tpu.memory_space<hbm>> -> memref<1x40x128xi32, #tpu.memory_space<hbm>>
      %dma_start3A_48 = tpu.memref_squeeze %dma_start3A_47 : memref<1x40x128xi32, #tpu.memory_space<hbm>> -> memref<40x128xi32, #tpu.memory_space<hbm>>
      %dma_start3A_49 = arith.constant 0 : i32
      %dma_start3A_50 = arith.constant 0 : i32
      %dma_start3A_51 = tpu.memref_slice %arg4[%add3A, %dma_start3A_49, %dma_start3A_50] : memref<32x80x128xi32, #tpu.memory_space<hbm>> -> memref<1x40x128xi32, #tpu.memory_space<hbm>>
      %dma_start3A_52 = tpu.memref_squeeze %dma_start3A_51 : memref<1x40x128xi32, #tpu.memory_space<hbm>> -> memref<40x128xi32, #tpu.memory_space<hbm>>
      tpu.enqueue_dma source(%dma_start3A_52 : memref<40x128xi32, #tpu.memory_space<hbm>>) target(%arg7 : memref<40x128xi32, #tpu.memory_space<vmem>>) target_semaphore(%run_scoped3A : memref<!tpu.dma_semaphore, #tpu.memory_space<semaphore_mem>>)
      %dma_wait3A = arith.constant 0 : i32
      %dma_wait3A_53 = arith.constant 0 : i32
      %dma_wait3A_54 = tpu.memref_slice %arg4[%add3A, %dma_wait3A, %dma_wait3A_53] : memref<32x80x128xi32, #tpu.memory_space<hbm>> -> memref<1x40x128xi32, #tpu.memory_space<hbm>>
      %dma_wait3A_55 = tpu.memref_squeeze %dma_wait3A_54 : memref<1x40x128xi32, #tpu.memory_space<hbm>> -> memref<40x128xi32, #tpu.memory_space<hbm>>
      %dma_wait3A_56 = arith.constant 0 : i32
      %dma_wait3A_57 = arith.constant 0 : i32
      %dma_wait3A_58 = tpu.memref_slice %arg4[%add3A, %dma_wait3A_56, %dma_wait3A_57] : memref<32x80x128xi32, #tpu.memory_space<hbm>> -> memref<1x40x128xi32, #tpu.memory_space<hbm>>
      %dma_wait3A_59 = tpu.memref_squeeze %dma_wait3A_58 : memref<1x40x128xi32, #tpu.memory_space<hbm>> -> memref<40x128xi32, #tpu.memory_space<hbm>>
      tpu.wait_dma2 semaphore(%run_scoped3A : memref<!tpu.dma_semaphore, #tpu.memory_space<semaphore_mem>>) src(%dma_wait3A_59 : memref<40x128xi32, #tpu.memory_space<hbm>>) dst(%arg7 : memref<40x128xi32, #tpu.memory_space<vmem>>)
      tpu.yield
    }) : () -> ()
    %dma_start3A = arith.constant 0 : i32
    %dma_start3A_14 = tpu.memref_slice %arg6[%dma_start3A] : memref<5120xi32, #tpu.memory_space<vmem>> -> memref<128xi32, #tpu.memory_space<vmem>>
    %dma_start3A_15 = arith.constant 0 : i32
    %dma_start3A_16 = arith.constant 0 : i32
    %dma_start3A_17 = tpu.memref_slice %arg2[%dma_start3A_15, %dma_start3A_16] : memref<10240x128xf32, #tpu.memory_space<hbm>> -> memref<10240x128xf32, #tpu.memory_space<hbm>>
    tpu.enqueue_indirect_dma source(%dma_start3A_17 : memref<10240x128xf32, #tpu.memory_space<hbm>>) target(%arg8 : memref<128x128xf32, #tpu.memory_space<vmem>>) offsets(%dma_start3A_14 : memref<128xi32, #tpu.memory_space<vmem>>) semaphore(%arg11 : memref<!tpu.dma_semaphore, #tpu.memory_space<semaphore_mem>>)
    %scan3A_18 = arith.constant 0 : i32
    %scan3A_19 = arith.constant 0 : i32
    %scan3A_20 = arith.constant 20 : i32
    %scan3A_21 = arith.addi %scan3A_19, %scan3A_20 : i32
    %scan3A_22 = arith.constant 1 : i32
    %scan3A_23 = scf.for %scan3A_45 = %scan3A_19 to %scan3A_21 step %scan3A_22 iter_args(%scan3A_46 = %scan3A_18) -> (i32)  : i32 {
      %mul3A_47 = arith.constant 2 : i32
      %mul3A_48 = arith.muli %scan3A_45, %mul3A_47 : i32
      %add3A_49 = arith.constant 1 : i32
      %add3A_50 = arith.addi %mul3A_48, %add3A_49 : i32
      %mul3A_51 = arith.constant 128 : i32
      %mul3A_52 = arith.muli %add3A_50, %mul3A_51 : i32
      %dma_start3A_53 = tpu.memref_slice %arg6[%mul3A_52] : memref<5120xi32, #tpu.memory_space<vmem>> -> memref<128xi32, #tpu.memory_space<vmem>>
      %dma_start3A_54 = arith.constant 0 : i32
      %dma_start3A_55 = arith.constant 0 : i32
      %dma_start3A_56 = tpu.memref_slice %arg2[%dma_start3A_54, %dma_start3A_55] : memref<10240x128xf32, #tpu.memory_space<hbm>> -> memref<10240x128xf32, #tpu.memory_space<hbm>>
      tpu.enqueue_indirect_dma source(%dma_start3A_56 : memref<10240x128xf32, #tpu.memory_space<hbm>>) target(%arg9 : memref<128x128xf32, #tpu.memory_space<vmem>>) offsets(%dma_start3A_53 : memref<128xi32, #tpu.memory_space<vmem>>) semaphore(%arg12 : memref<!tpu.dma_semaphore, #tpu.memory_space<semaphore_mem>>)
      %mul3A_57 = arith.constant 128 : i32
      %mul3A_58 = arith.muli %mul3A_48, %mul3A_57 : i32
      %dma_wait3A = tpu.memref_slice %arg6[%mul3A_58] : memref<5120xi32, #tpu.memory_space<vmem>> -> memref<128xi32, #tpu.memory_space<vmem>>
      %dma_wait3A_59 = arith.constant 0 : i32
      %dma_wait3A_60 = arith.constant 0 : i32
      %dma_wait3A_61 = tpu.memref_slice %arg2[%dma_wait3A_59, %dma_wait3A_60] : memref<10240x128xf32, #tpu.memory_space<hbm>> -> memref<10240x128xf32, #tpu.memory_space<hbm>>
      tpu.wait_indirect_dma semaphore(%arg11 : memref<!tpu.dma_semaphore, #tpu.memory_space<semaphore_mem>>) src(%dma_wait3A_61 : memref<10240x128xf32, #tpu.memory_space<hbm>>) dst(%arg8 : memref<128x128xf32, #tpu.memory_space<vmem>>)
      "tpu.region"() ({
        %run_scoped3A = tpu.sem_alloc : memref<!tpu.dma_semaphore, #tpu.memory_space<semaphore_mem>>
        %dma_start3A_75 = arith.constant 0 : i32
        %dma_start3A_76 = tpu.memref_slice %arg7[%mul3A_48, %dma_start3A_75] : memref<40x128xi32, #tpu.memory_space<vmem>> -> memref<1x128xi32, #tpu.memory_space<vmem>>
        %dma_start3A_77 = tpu.memref_squeeze %dma_start3A_76 : memref<1x128xi32, #tpu.memory_space<vmem>> -> memref<128xi32, #tpu.memory_space<vmem>>
        %dma_start3A_78 = arith.constant 0 : i32
        %dma_start3A_79 = arith.constant 0 : i32
        %dma_start3A_80 = tpu.memref_slice %arg10[%dma_start3A_78, %dma_start3A_79] : memref<10240x128xf32, #tpu.memory_space<vmem_shared>> -> memref<10240x128xf32, #tpu.memory_space<vmem_shared>>
        tpu.enqueue_indirect_dma source(%arg8 : memref<128x128xf32, #tpu.memory_space<vmem>>) target(%dma_start3A_80 : memref<10240x128xf32, #tpu.memory_space<vmem_shared>>) offsets(%dma_start3A_77 : memref<128xi32, #tpu.memory_space<vmem>>) semaphore(%run_scoped3A : memref<!tpu.dma_semaphore, #tpu.memory_space<semaphore_mem>>) {add = true}
        %dma_wait3A_81 = arith.constant 0 : i32
        %dma_wait3A_82 = tpu.memref_slice %arg7[%mul3A_48, %dma_wait3A_81] : memref<40x128xi32, #tpu.memory_space<vmem>> -> memref<1x128xi32, #tpu.memory_space<vmem>>
        %dma_wait3A_83 = tpu.memref_squeeze %dma_wait3A_82 : memref<1x128xi32, #tpu.memory_space<vmem>> -> memref<128xi32, #tpu.memory_space<vmem>>
        %dma_wait3A_84 = arith.constant 0 : i32
        %dma_wait3A_85 = arith.constant 0 : i32
        %dma_wait3A_86 = tpu.memref_slice %arg10[%dma_wait3A_84, %dma_wait3A_85] : memref<10240x128xf32, #tpu.memory_space<vmem_shared>> -> memref<10240x128xf32, #tpu.memory_space<vmem_shared>>
        tpu.wait_indirect_dma semaphore(%run_scoped3A : memref<!tpu.dma_semaphore, #tpu.memory_space<semaphore_mem>>) src(%arg8 : memref<128x128xf32, #tpu.memory_space<vmem>>) dst(%dma_wait3A_86 : memref<10240x128xf32, #tpu.memory_space<vmem_shared>>)
        tpu.yield
      }) : () -> ()
      %lt3A = arith.constant 19 : i32
      %lt3A_62 = arith.cmpi slt, %scan3A_45, %lt3A : i32
      %convert_element_type3A = arith.extui %lt3A_62 : i1 to i32
      %cond3A = arith.constant 0 : i32
      %cond3A_63 = arith.cmpi ne, %convert_element_type3A, %cond3A : i32
      scf.if %cond3A_63 {
        %add3A_75 = arith.constant 2 : i32
        %add3A_76 = arith.addi %mul3A_48, %add3A_75 : i32
        %mul3A_77 = arith.constant 128 : i32
        %mul3A_78 = arith.muli %add3A_76, %mul3A_77 : i32
        %dma_start3A_79 = tpu.memref_slice %arg6[%mul3A_78] : memref<5120xi32, #tpu.memory_space<vmem>> -> memref<128xi32, #tpu.memory_space<vmem>>
        %dma_start3A_80 = arith.constant 0 : i32
        %dma_start3A_81 = arith.constant 0 : i32
        %dma_start3A_82 = tpu.memref_slice %arg2[%dma_start3A_80, %dma_start3A_81] : memref<10240x128xf32, #tpu.memory_space<hbm>> -> memref<10240x128xf32, #tpu.memory_space<hbm>>
        tpu.enqueue_indirect_dma source(%dma_start3A_82 : memref<10240x128xf32, #tpu.memory_space<hbm>>) target(%arg8 : memref<128x128xf32, #tpu.memory_space<vmem>>) offsets(%dma_start3A_79 : memref<128xi32, #tpu.memory_space<vmem>>) semaphore(%arg11 : memref<!tpu.dma_semaphore, #tpu.memory_space<semaphore_mem>>)
      } else {
      }
      %add3A_64 = arith.constant 1 : i32
      %add3A_65 = arith.addi %mul3A_48, %add3A_64 : i32
      %mul3A_66 = arith.constant 128 : i32
      %mul3A_67 = arith.muli %add3A_65, %mul3A_66 : i32
      %dma_wait3A_68 = tpu.memref_slice %arg6[%mul3A_67] : memref<5120xi32, #tpu.memory_space<vmem>> -> memref<128xi32, #tpu.memory_space<vmem>>
      %dma_wait3A_69 = arith.constant 0 : i32
      %dma_wait3A_70 = arith.constant 0 : i32
      %dma_wait3A_71 = tpu.memref_slice %arg2[%dma_wait3A_69, %dma_wait3A_70] : memref<10240x128xf32, #tpu.memory_space<hbm>> -> memref<10240x128xf32, #tpu.memory_space<hbm>>
      tpu.wait_indirect_dma semaphore(%arg12 : memref<!tpu.dma_semaphore, #tpu.memory_space<semaphore_mem>>) src(%dma_wait3A_71 : memref<10240x128xf32, #tpu.memory_space<hbm>>) dst(%arg9 : memref<128x128xf32, #tpu.memory_space<vmem>>)
      %add3A_72 = arith.constant 1 : i32
      %add3A_73 = arith.addi %mul3A_48, %add3A_72 : i32
      "tpu.region"() ({
        %run_scoped3A = tpu.sem_alloc : memref<!tpu.dma_semaphore, #tpu.memory_space<semaphore_mem>>
        %dma_start3A_75 = arith.constant 0 : i32
        %dma_start3A_76 = tpu.memref_slice %arg7[%add3A_73, %dma_start3A_75] : memref<40x128xi32, #tpu.memory_space<vmem>> -> memref<1x128xi32, #tpu.memory_space<vmem>>
        %dma_start3A_77 = tpu.memref_squeeze %dma_start3A_76 : memref<1x128xi32, #tpu.memory_space<vmem>> -> memref<128xi32, #tpu.memory_space<vmem>>
        %dma_start3A_78 = arith.constant 0 : i32
        %dma_start3A_79 = arith.constant 0 : i32
        %dma_start3A_80 = tpu.memref_slice %arg10[%dma_start3A_78, %dma_start3A_79] : memref<10240x128xf32, #tpu.memory_space<vmem_shared>> -> memref<10240x128xf32, #tpu.memory_space<vmem_shared>>
        tpu.enqueue_indirect_dma source(%arg9 : memref<128x128xf32, #tpu.memory_space<vmem>>) target(%dma_start3A_80 : memref<10240x128xf32, #tpu.memory_space<vmem_shared>>) offsets(%dma_start3A_77 : memref<128xi32, #tpu.memory_space<vmem>>) semaphore(%run_scoped3A : memref<!tpu.dma_semaphore, #tpu.memory_space<semaphore_mem>>) {add = true}
        %dma_wait3A_81 = arith.constant 0 : i32
        %dma_wait3A_82 = tpu.memref_slice %arg7[%add3A_73, %dma_wait3A_81] : memref<40x128xi32, #tpu.memory_space<vmem>> -> memref<1x128xi32, #tpu.memory_space<vmem>>
        %dma_wait3A_83 = tpu.memref_squeeze %dma_wait3A_82 : memref<1x128xi32, #tpu.memory_space<vmem>> -> memref<128xi32, #tpu.memory_space<vmem>>
        %dma_wait3A_84 = arith.constant 0 : i32
        %dma_wait3A_85 = arith.constant 0 : i32
        %dma_wait3A_86 = tpu.memref_slice %arg10[%dma_wait3A_84, %dma_wait3A_85] : memref<10240x128xf32, #tpu.memory_space<vmem_shared>> -> memref<10240x128xf32, #tpu.memory_space<vmem_shared>>
        tpu.wait_indirect_dma semaphore(%run_scoped3A : memref<!tpu.dma_semaphore, #tpu.memory_space<semaphore_mem>>) src(%arg9 : memref<128x128xf32, #tpu.memory_space<vmem>>) dst(%dma_wait3A_86 : memref<10240x128xf32, #tpu.memory_space<vmem_shared>>)
        tpu.yield
      }) : () -> ()
      %scan3A_74 = arith.constant 0 : i32
      scf.yield %scan3A_74 : i32
    }
    %scan3A_24 = arith.constant 20 : i32
    "tpu.region"() ({
      %run_scoped3A = tpu.sem_alloc : memref<!tpu.dma_semaphore, #tpu.memory_space<semaphore_mem>>
      %dma_start3A_45 = arith.constant 5120 : i32
      %dma_start3A_46 = tpu.memref_slice %arg3[%add3A, %dma_start3A_45] : memref<32x10240xi32, #tpu.memory_space<hbm>> -> memref<1x5120xi32, #tpu.memory_space<hbm>>
      %dma_start3A_47 = tpu.memref_squeeze %dma_start3A_46 : memref<1x5120xi32, #tpu.memory_space<hbm>> -> memref<5120xi32, #tpu.memory_space<hbm>>
      %dma_start3A_48 = arith.constant 5120 : i32
      %dma_start3A_49 = tpu.memref_slice %arg3[%add3A, %dma_start3A_48] : memref<32x10240xi32, #tpu.memory_space<hbm>> -> memref<1x5120xi32, #tpu.memory_space<hbm>>
      %dma_start3A_50 = tpu.memref_squeeze %dma_start3A_49 : memref<1x5120xi32, #tpu.memory_space<hbm>> -> memref<5120xi32, #tpu.memory_space<hbm>>
      tpu.enqueue_dma source(%dma_start3A_50 : memref<5120xi32, #tpu.memory_space<hbm>>) target(%arg6 : memref<5120xi32, #tpu.memory_space<vmem>>) target_semaphore(%run_scoped3A : memref<!tpu.dma_semaphore, #tpu.memory_space<semaphore_mem>>)
      %dma_wait3A = arith.constant 5120 : i32
      %dma_wait3A_51 = tpu.memref_slice %arg3[%add3A, %dma_wait3A] : memref<32x10240xi32, #tpu.memory_space<hbm>> -> memref<1x5120xi32, #tpu.memory_space<hbm>>
      %dma_wait3A_52 = tpu.memref_squeeze %dma_wait3A_51 : memref<1x5120xi32, #tpu.memory_space<hbm>> -> memref<5120xi32, #tpu.memory_space<hbm>>
      %dma_wait3A_53 = arith.constant 5120 : i32
      %dma_wait3A_54 = tpu.memref_slice %arg3[%add3A, %dma_wait3A_53] : memref<32x10240xi32, #tpu.memory_space<hbm>> -> memref<1x5120xi32, #tpu.memory_space<hbm>>
      %dma_wait3A_55 = tpu.memref_squeeze %dma_wait3A_54 : memref<1x5120xi32, #tpu.memory_space<hbm>> -> memref<5120xi32, #tpu.memory_space<hbm>>
      tpu.wait_dma2 semaphore(%run_scoped3A : memref<!tpu.dma_semaphore, #tpu.memory_space<semaphore_mem>>) src(%dma_wait3A_55 : memref<5120xi32, #tpu.memory_space<hbm>>) dst(%arg6 : memref<5120xi32, #tpu.memory_space<vmem>>)
      tpu.yield
    }) : () -> ()
    "tpu.region"() ({
      %run_scoped3A = tpu.sem_alloc : memref<!tpu.dma_semaphore, #tpu.memory_space<semaphore_mem>>
      %dma_start3A_45 = arith.constant 40 : i32
      %dma_start3A_46 = arith.constant 0 : i32
      %dma_start3A_47 = tpu.memref_slice %arg4[%add3A, %dma_start3A_45, %dma_start3A_46] : memref<32x80x128xi32, #tpu.memory_space<hbm>> -> memref<1x40x128xi32, #tpu.memory_space<hbm>>
      %dma_start3A_48 = tpu.memref_squeeze %dma_start3A_47 : memref<1x40x128xi32, #tpu.memory_space<hbm>> -> memref<40x128xi32, #tpu.memory_space<hbm>>
      %dma_start3A_49 = arith.constant 40 : i32
      %dma_start3A_50 = arith.constant 0 : i32
      %dma_start3A_51 = tpu.memref_slice %arg4[%add3A, %dma_start3A_49, %dma_start3A_50] : memref<32x80x128xi32, #tpu.memory_space<hbm>> -> memref<1x40x128xi32, #tpu.memory_space<hbm>>
      %dma_start3A_52 = tpu.memref_squeeze %dma_start3A_51 : memref<1x40x128xi32, #tpu.memory_space<hbm>> -> memref<40x128xi32, #tpu.memory_space<hbm>>
      tpu.enqueue_dma source(%dma_start3A_52 : memref<40x128xi32, #tpu.memory_space<hbm>>) target(%arg7 : memref<40x128xi32, #tpu.memory_space<vmem>>) target_semaphore(%run_scoped3A : memref<!tpu.dma_semaphore, #tpu.memory_space<semaphore_mem>>)
      %dma_wait3A = arith.constant 40 : i32
      %dma_wait3A_53 = arith.constant 0 : i32
      %dma_wait3A_54 = tpu.memref_slice %arg4[%add3A, %dma_wait3A, %dma_wait3A_53] : memref<32x80x128xi32, #tpu.memory_space<hbm>> -> memref<1x40x128xi32, #tpu.memory_space<hbm>>
      %dma_wait3A_55 = tpu.memref_squeeze %dma_wait3A_54 : memref<1x40x128xi32, #tpu.memory_space<hbm>> -> memref<40x128xi32, #tpu.memory_space<hbm>>
      %dma_wait3A_56 = arith.constant 40 : i32
      %dma_wait3A_57 = arith.constant 0 : i32
      %dma_wait3A_58 = tpu.memref_slice %arg4[%add3A, %dma_wait3A_56, %dma_wait3A_57] : memref<32x80x128xi32, #tpu.memory_space<hbm>> -> memref<1x40x128xi32, #tpu.memory_space<hbm>>
      %dma_wait3A_59 = tpu.memref_squeeze %dma_wait3A_58 : memref<1x40x128xi32, #tpu.memory_space<hbm>> -> memref<40x128xi32, #tpu.memory_space<hbm>>
      tpu.wait_dma2 semaphore(%run_scoped3A : memref<!tpu.dma_semaphore, #tpu.memory_space<semaphore_mem>>) src(%dma_wait3A_59 : memref<40x128xi32, #tpu.memory_space<hbm>>) dst(%arg7 : memref<40x128xi32, #tpu.memory_space<vmem>>)
      tpu.yield
    }) : () -> ()
    %dma_start3A_25 = arith.constant 0 : i32
    %dma_start3A_26 = tpu.memref_slice %arg6[%dma_start3A_25] : memref<5120xi32, #tpu.memory_space<vmem>> -> memref<128xi32, #tpu.memory_space<vmem>>
    %dma_start3A_27 = arith.constant 0 : i32
    %dma_start3A_28 = arith.constant 0 : i32
    %dma_start3A_29 = tpu.memref_slice %arg2[%dma_start3A_27, %dma_start3A_28] : memref<10240x128xf32, #tpu.memory_space<hbm>> -> memref<10240x128xf32, #tpu.memory_space<hbm>>
    tpu.enqueue_indirect_dma source(%dma_start3A_29 : memref<10240x128xf32, #tpu.memory_space<hbm>>) target(%arg8 : memref<128x128xf32, #tpu.memory_space<vmem>>) offsets(%dma_start3A_26 : memref<128xi32, #tpu.memory_space<vmem>>) semaphore(%arg11 : memref<!tpu.dma_semaphore, #tpu.memory_space<semaphore_mem>>)
    %scan3A_30 = arith.constant 0 : i32
    %scan3A_31 = arith.constant 0 : i32
    %scan3A_32 = arith.constant 20 : i32
    %scan3A_33 = arith.addi %scan3A_31, %scan3A_32 : i32
    %scan3A_34 = arith.constant 1 : i32
    %scan3A_35 = scf.for %scan3A_45 = %scan3A_31 to %scan3A_33 step %scan3A_34 iter_args(%scan3A_46 = %scan3A_30) -> (i32)  : i32 {
      %mul3A_47 = arith.constant 2 : i32
      %mul3A_48 = arith.muli %scan3A_45, %mul3A_47 : i32
      %add3A_49 = arith.constant 1 : i32
      %add3A_50 = arith.addi %mul3A_48, %add3A_49 : i32
      %mul3A_51 = arith.constant 128 : i32
      %mul3A_52 = arith.muli %add3A_50, %mul3A_51 : i32
      %dma_start3A_53 = tpu.memref_slice %arg6[%mul3A_52] : memref<5120xi32, #tpu.memory_space<vmem>> -> memref<128xi32, #tpu.memory_space<vmem>>
      %dma_start3A_54 = arith.constant 0 : i32
      %dma_start3A_55 = arith.constant 0 : i32
      %dma_start3A_56 = tpu.memref_slice %arg2[%dma_start3A_54, %dma_start3A_55] : memref<10240x128xf32, #tpu.memory_space<hbm>> -> memref<10240x128xf32, #tpu.memory_space<hbm>>
      tpu.enqueue_indirect_dma source(%dma_start3A_56 : memref<10240x128xf32, #tpu.memory_space<hbm>>) target(%arg9 : memref<128x128xf32, #tpu.memory_space<vmem>>) offsets(%dma_start3A_53 : memref<128xi32, #tpu.memory_space<vmem>>) semaphore(%arg12 : memref<!tpu.dma_semaphore, #tpu.memory_space<semaphore_mem>>)
      %mul3A_57 = arith.constant 128 : i32
      %mul3A_58 = arith.muli %mul3A_48, %mul3A_57 : i32
      %dma_wait3A = tpu.memref_slice %arg6[%mul3A_58] : memref<5120xi32, #tpu.memory_space<vmem>> -> memref<128xi32, #tpu.memory_space<vmem>>
      %dma_wait3A_59 = arith.constant 0 : i32
      %dma_wait3A_60 = arith.constant 0 : i32
      %dma_wait3A_61 = tpu.memref_slice %arg2[%dma_wait3A_59, %dma_wait3A_60] : memref<10240x128xf32, #tpu.memory_space<hbm>> -> memref<10240x128xf32, #tpu.memory_space<hbm>>
      tpu.wait_indirect_dma semaphore(%arg11 : memref<!tpu.dma_semaphore, #tpu.memory_space<semaphore_mem>>) src(%dma_wait3A_61 : memref<10240x128xf32, #tpu.memory_space<hbm>>) dst(%arg8 : memref<128x128xf32, #tpu.memory_space<vmem>>)
      "tpu.region"() ({
        %run_scoped3A = tpu.sem_alloc : memref<!tpu.dma_semaphore, #tpu.memory_space<semaphore_mem>>
        %dma_start3A_75 = arith.constant 0 : i32
        %dma_start3A_76 = tpu.memref_slice %arg7[%mul3A_48, %dma_start3A_75] : memref<40x128xi32, #tpu.memory_space<vmem>> -> memref<1x128xi32, #tpu.memory_space<vmem>>
        %dma_start3A_77 = tpu.memref_squeeze %dma_start3A_76 : memref<1x128xi32, #tpu.memory_space<vmem>> -> memref<128xi32, #tpu.memory_space<vmem>>
        %dma_start3A_78 = arith.constant 0 : i32
        %dma_start3A_79 = arith.constant 0 : i32
        %dma_start3A_80 = tpu.memref_slice %arg10[%dma_start3A_78, %dma_start3A_79] : memref<10240x128xf32, #tpu.memory_space<vmem_shared>> -> memref<10240x128xf32, #tpu.memory_space<vmem_shared>>
        tpu.enqueue_indirect_dma source(%arg8 : memref<128x128xf32, #tpu.memory_space<vmem>>) target(%dma_start3A_80 : memref<10240x128xf32, #tpu.memory_space<vmem_shared>>) offsets(%dma_start3A_77 : memref<128xi32, #tpu.memory_space<vmem>>) semaphore(%run_scoped3A : memref<!tpu.dma_semaphore, #tpu.memory_space<semaphore_mem>>) {add = true}
        %dma_wait3A_81 = arith.constant 0 : i32
        %dma_wait3A_82 = tpu.memref_slice %arg7[%mul3A_48, %dma_wait3A_81] : memref<40x128xi32, #tpu.memory_space<vmem>> -> memref<1x128xi32, #tpu.memory_space<vmem>>
        %dma_wait3A_83 = tpu.memref_squeeze %dma_wait3A_82 : memref<1x128xi32, #tpu.memory_space<vmem>> -> memref<128xi32, #tpu.memory_space<vmem>>
        %dma_wait3A_84 = arith.constant 0 : i32
        %dma_wait3A_85 = arith.constant 0 : i32
        %dma_wait3A_86 = tpu.memref_slice %arg10[%dma_wait3A_84, %dma_wait3A_85] : memref<10240x128xf32, #tpu.memory_space<vmem_shared>> -> memref<10240x128xf32, #tpu.memory_space<vmem_shared>>
        tpu.wait_indirect_dma semaphore(%run_scoped3A : memref<!tpu.dma_semaphore, #tpu.memory_space<semaphore_mem>>) src(%arg8 : memref<128x128xf32, #tpu.memory_space<vmem>>) dst(%dma_wait3A_86 : memref<10240x128xf32, #tpu.memory_space<vmem_shared>>)
        tpu.yield
      }) : () -> ()
      %lt3A = arith.constant 19 : i32
      %lt3A_62 = arith.cmpi slt, %scan3A_45, %lt3A : i32
      %convert_element_type3A = arith.extui %lt3A_62 : i1 to i32
      %cond3A = arith.constant 0 : i32
      %cond3A_63 = arith.cmpi ne, %convert_element_type3A, %cond3A : i32
      scf.if %cond3A_63 {
        %add3A_75 = arith.constant 2 : i32
        %add3A_76 = arith.addi %mul3A_48, %add3A_75 : i32
        %mul3A_77 = arith.constant 128 : i32
        %mul3A_78 = arith.muli %add3A_76, %mul3A_77 : i32
        %dma_start3A_79 = tpu.memref_slice %arg6[%mul3A_78] : memref<5120xi32, #tpu.memory_space<vmem>> -> memref<128xi32, #tpu.memory_space<vmem>>
        %dma_start3A_80 = arith.constant 0 : i32
        %dma_start3A_81 = arith.constant 0 : i32
        %dma_start3A_82 = tpu.memref_slice %arg2[%dma_start3A_80, %dma_start3A_81] : memref<10240x128xf32, #tpu.memory_space<hbm>> -> memref<10240x128xf32, #tpu.memory_space<hbm>>
        tpu.enqueue_indirect_dma source(%dma_start3A_82 : memref<10240x128xf32, #tpu.memory_space<hbm>>) target(%arg8 : memref<128x128xf32, #tpu.memory_space<vmem>>) offsets(%dma_start3A_79 : memref<128xi32, #tpu.memory_space<vmem>>) semaphore(%arg11 : memref<!tpu.dma_semaphore, #tpu.memory_space<semaphore_mem>>)
      } else {
      }
      %add3A_64 = arith.constant 1 : i32
      %add3A_65 = arith.addi %mul3A_48, %add3A_64 : i32
      %mul3A_66 = arith.constant 128 : i32
      %mul3A_67 = arith.muli %add3A_65, %mul3A_66 : i32
      %dma_wait3A_68 = tpu.memref_slice %arg6[%mul3A_67] : memref<5120xi32, #tpu.memory_space<vmem>> -> memref<128xi32, #tpu.memory_space<vmem>>
      %dma_wait3A_69 = arith.constant 0 : i32
      %dma_wait3A_70 = arith.constant 0 : i32
      %dma_wait3A_71 = tpu.memref_slice %arg2[%dma_wait3A_69, %dma_wait3A_70] : memref<10240x128xf32, #tpu.memory_space<hbm>> -> memref<10240x128xf32, #tpu.memory_space<hbm>>
      tpu.wait_indirect_dma semaphore(%arg12 : memref<!tpu.dma_semaphore, #tpu.memory_space<semaphore_mem>>) src(%dma_wait3A_71 : memref<10240x128xf32, #tpu.memory_space<hbm>>) dst(%arg9 : memref<128x128xf32, #tpu.memory_space<vmem>>)
      %add3A_72 = arith.constant 1 : i32
      %add3A_73 = arith.addi %mul3A_48, %add3A_72 : i32
      "tpu.region"() ({
        %run_scoped3A = tpu.sem_alloc : memref<!tpu.dma_semaphore, #tpu.memory_space<semaphore_mem>>
        %dma_start3A_75 = arith.constant 0 : i32
        %dma_start3A_76 = tpu.memref_slice %arg7[%add3A_73, %dma_start3A_75] : memref<40x128xi32, #tpu.memory_space<vmem>> -> memref<1x128xi32, #tpu.memory_space<vmem>>
        %dma_start3A_77 = tpu.memref_squeeze %dma_start3A_76 : memref<1x128xi32, #tpu.memory_space<vmem>> -> memref<128xi32, #tpu.memory_space<vmem>>
        %dma_start3A_78 = arith.constant 0 : i32
        %dma_start3A_79 = arith.constant 0 : i32
        %dma_start3A_80 = tpu.memref_slice %arg10[%dma_start3A_78, %dma_start3A_79] : memref<10240x128xf32, #tpu.memory_space<vmem_shared>> -> memref<10240x128xf32, #tpu.memory_space<vmem_shared>>
        tpu.enqueue_indirect_dma source(%arg9 : memref<128x128xf32, #tpu.memory_space<vmem>>) target(%dma_start3A_80 : memref<10240x128xf32, #tpu.memory_space<vmem_shared>>) offsets(%dma_start3A_77 : memref<128xi32, #tpu.memory_space<vmem>>) semaphore(%run_scoped3A : memref<!tpu.dma_semaphore, #tpu.memory_space<semaphore_mem>>) {add = true}
        %dma_wait3A_81 = arith.constant 0 : i32
        %dma_wait3A_82 = tpu.memref_slice %arg7[%add3A_73, %dma_wait3A_81] : memref<40x128xi32, #tpu.memory_space<vmem>> -> memref<1x128xi32, #tpu.memory_space<vmem>>
        %dma_wait3A_83 = tpu.memref_squeeze %dma_wait3A_82 : memref<1x128xi32, #tpu.memory_space<vmem>> -> memref<128xi32, #tpu.memory_space<vmem>>
        %dma_wait3A_84 = arith.constant 0 : i32
        %dma_wait3A_85 = arith.constant 0 : i32
        %dma_wait3A_86 = tpu.memref_slice %arg10[%dma_wait3A_84, %dma_wait3A_85] : memref<10240x128xf32, #tpu.memory_space<vmem_shared>> -> memref<10240x128xf32, #tpu.memory_space<vmem_shared>>
        tpu.wait_indirect_dma semaphore(%run_scoped3A : memref<!tpu.dma_semaphore, #tpu.memory_space<semaphore_mem>>) src(%arg9 : memref<128x128xf32, #tpu.memory_space<vmem>>) dst(%dma_wait3A_86 : memref<10240x128xf32, #tpu.memory_space<vmem_shared>>)
        tpu.yield
      }) : () -> ()
      %scan3A_74 = arith.constant 0 : i32
      scf.yield %scan3A_74 : i32
    }
    %scan3A_36 = arith.constant 20 : i32
    %barrier3A_37 = arith.constant 0 : index
    tpu.barrier barrier_id(%barrier3A_37)
    %scan3A_38 = arith.constant 0 : i32
    %scan3A_39 = arith.constant 0 : i32
    %scan3A_40 = arith.constant 5 : i32
    %scan3A_41 = arith.addi %scan3A_39, %scan3A_40 : i32
    %scan3A_42 = arith.constant 1 : i32
    %scan3A_43 = scf.for %scan3A_45 = %scan3A_39 to %scan3A_41 step %scan3A_42 iter_args(%scan3A_46 = %scan3A_38) -> (i32)  : i32 {
      %mul3A_47 = arith.constant 640 : i32
      %mul3A_48 = arith.muli %arg1, %mul3A_47 : i32
      %mul3A_49 = arith.constant 128 : i32
      %mul3A_50 = arith.muli %scan3A_45, %mul3A_49 : i32
      %add3A_51 = arith.addi %mul3A_48, %mul3A_50 : i32
      "tpu.region"() ({
        %run_scoped3A = tpu.sem_alloc : memref<!tpu.dma_semaphore, #tpu.memory_space<semaphore_mem>>
        %dma_start3A_53 = arith.constant 0 : i32
        %dma_start3A_54 = tpu.memref_slice %arg5[%arg0, %add3A_51, %dma_start3A_53] : memref<2x10240x128xf32, #tpu.memory_space<hbm>> -> memref<1x128x128xf32, #tpu.memory_space<hbm>>
        %dma_start3A_55 = tpu.memref_squeeze %dma_start3A_54 : memref<1x128x128xf32, #tpu.memory_space<hbm>> -> memref<128x128xf32, #tpu.memory_space<hbm>>
        %dma_start3A_56 = arith.constant 0 : i32
        %dma_start3A_57 = tpu.memref_slice %arg10[%add3A_51, %dma_start3A_56] : memref<10240x128xf32, #tpu.memory_space<vmem_shared>> -> memref<128x128xf32, #tpu.memory_space<vmem_shared>>
        tpu.enqueue_dma source(%dma_start3A_57 : memref<128x128xf32, #tpu.memory_space<vmem_shared>>) target(%dma_start3A_55 : memref<128x128xf32, #tpu.memory_space<hbm>>) target_semaphore(%run_scoped3A : memref<!tpu.dma_semaphore, #tpu.memory_space<semaphore_mem>>)
        %dma_wait3A = arith.constant 0 : i32
        %dma_wait3A_58 = tpu.memref_slice %arg5[%arg0, %add3A_51, %dma_wait3A] : memref<2x10240x128xf32, #tpu.memory_space<hbm>> -> memref<1x128x128xf32, #tpu.memory_space<hbm>>
        %dma_wait3A_59 = tpu.memref_squeeze %dma_wait3A_58 : memref<1x128x128xf32, #tpu.memory_space<hbm>> -> memref<128x128xf32, #tpu.memory_space<hbm>>
        %dma_wait3A_60 = arith.constant 0 : i32
        %dma_wait3A_61 = tpu.memref_slice %arg10[%add3A_51, %dma_wait3A_60] : memref<10240x128xf32, #tpu.memory_space<vmem_shared>> -> memref<128x128xf32, #tpu.memory_space<vmem_shared>>
        tpu.wait_dma2 semaphore(%run_scoped3A : memref<!tpu.dma_semaphore, #tpu.memory_space<semaphore_mem>>) src(%dma_wait3A_61 : memref<128x128xf32, #tpu.memory_space<vmem_shared>>) dst(%dma_wait3A_59 : memref<128x128xf32, #tpu.memory_space<hbm>>)
        tpu.yield
      }) : () -> ()
      %scan3A_52 = arith.constant 0 : i32
      scf.yield %scan3A_52 : i32
    }
    %scan3A_44 = arith.constant 5 : i32
    return
  }
}

#map = affine_map<(d0, d1) -> (0, 0, 0)>
#map1 = affine_map<(d0, d1) -> (0, 0)>
module attributes {stable_mosaic.version = 14 : i64} {
  func.func @_sc_degree_body(%arg0: i32, %arg1: i32, %arg2: memref<32x80x128xi32, #tpu.memory_space<hbm>>, %arg3: memref<128x128xf32, #tpu.memory_space<hbm>>, %arg4: memref<2x10240x128xf32, #tpu.memory_space<hbm>>, %arg5: memref<80x128xi32, #tpu.memory_space<vmem>>, %arg6: memref<128x128xf32, #tpu.memory_space<vmem>>, %arg7: memref<128x128xf32, #tpu.memory_space<vmem>>, %arg8: memref<10240x128xf32, #tpu.memory_space<vmem_shared>>, %arg9: memref<!tpu.dma_semaphore, #tpu.memory_space<semaphore_mem>>) attributes {dimension_semantics = [#tpu.dimension_semantics<core_parallel>, #tpu.dimension_semantics<subcore_parallel>], iteration_bounds = array<i64: 2, 16>, scalar_prefetch = 0 : i64, scratch_operands = 5 : i64, tpu.core_type = #tpu.core_type<sc_vector_subcore>, window_params = [{transform_indices = #map}, {transform_indices = #map1}, {transform_indices = #map}]} {
    %mul3A = arith.constant 16 : i32
    %mul3A_0 = arith.muli %arg0, %mul3A : i32
    %add3A = arith.addi %mul3A_0, %arg1 : i32
    "tpu.region"() ({
      %run_scoped3A = tpu.sem_alloc : memref<!tpu.dma_semaphore, #tpu.memory_space<semaphore_mem>>
      %dma_start3A = arith.constant 0 : i32
      %dma_start3A_29 = arith.constant 0 : i32
      %dma_start3A_30 = tpu.memref_slice %arg2[%add3A, %dma_start3A, %dma_start3A_29] : memref<32x80x128xi32, #tpu.memory_space<hbm>> -> memref<1x80x128xi32, #tpu.memory_space<hbm>>
      %dma_start3A_31 = tpu.memref_squeeze %dma_start3A_30 : memref<1x80x128xi32, #tpu.memory_space<hbm>> -> memref<80x128xi32, #tpu.memory_space<hbm>>
      %dma_start3A_32 = arith.constant 0 : i32
      %dma_start3A_33 = arith.constant 0 : i32
      %dma_start3A_34 = tpu.memref_slice %arg2[%add3A, %dma_start3A_32, %dma_start3A_33] : memref<32x80x128xi32, #tpu.memory_space<hbm>> -> memref<1x80x128xi32, #tpu.memory_space<hbm>>
      %dma_start3A_35 = tpu.memref_squeeze %dma_start3A_34 : memref<1x80x128xi32, #tpu.memory_space<hbm>> -> memref<80x128xi32, #tpu.memory_space<hbm>>
      tpu.enqueue_dma source(%dma_start3A_35 : memref<80x128xi32, #tpu.memory_space<hbm>>) target(%arg5 : memref<80x128xi32, #tpu.memory_space<vmem>>) target_semaphore(%run_scoped3A : memref<!tpu.dma_semaphore, #tpu.memory_space<semaphore_mem>>)
      %dma_wait3A = arith.constant 0 : i32
      %dma_wait3A_36 = arith.constant 0 : i32
      %dma_wait3A_37 = tpu.memref_slice %arg2[%add3A, %dma_wait3A, %dma_wait3A_36] : memref<32x80x128xi32, #tpu.memory_space<hbm>> -> memref<1x80x128xi32, #tpu.memory_space<hbm>>
      %dma_wait3A_38 = tpu.memref_squeeze %dma_wait3A_37 : memref<1x80x128xi32, #tpu.memory_space<hbm>> -> memref<80x128xi32, #tpu.memory_space<hbm>>
      %dma_wait3A_39 = arith.constant 0 : i32
      %dma_wait3A_40 = arith.constant 0 : i32
      %dma_wait3A_41 = tpu.memref_slice %arg2[%add3A, %dma_wait3A_39, %dma_wait3A_40] : memref<32x80x128xi32, #tpu.memory_space<hbm>> -> memref<1x80x128xi32, #tpu.memory_space<hbm>>
      %dma_wait3A_42 = tpu.memref_squeeze %dma_wait3A_41 : memref<1x80x128xi32, #tpu.memory_space<hbm>> -> memref<80x128xi32, #tpu.memory_space<hbm>>
      tpu.wait_dma2 semaphore(%run_scoped3A : memref<!tpu.dma_semaphore, #tpu.memory_space<semaphore_mem>>) src(%dma_wait3A_42 : memref<80x128xi32, #tpu.memory_space<hbm>>) dst(%arg5 : memref<80x128xi32, #tpu.memory_space<vmem>>)
      tpu.yield
    }) : () -> ()
    "tpu.region"() ({
      %run_scoped3A = tpu.sem_alloc : memref<!tpu.dma_semaphore, #tpu.memory_space<semaphore_mem>>
      tpu.enqueue_dma source(%arg3 : memref<128x128xf32, #tpu.memory_space<hbm>>) target(%arg6 : memref<128x128xf32, #tpu.memory_space<vmem>>) target_semaphore(%run_scoped3A : memref<!tpu.dma_semaphore, #tpu.memory_space<semaphore_mem>>)
      tpu.wait_dma2 semaphore(%run_scoped3A : memref<!tpu.dma_semaphore, #tpu.memory_space<semaphore_mem>>) src(%arg3 : memref<128x128xf32, #tpu.memory_space<hbm>>) dst(%arg6 : memref<128x128xf32, #tpu.memory_space<vmem>>)
      tpu.yield
    }) : () -> ()
    %scan3A = arith.constant 0 : i32
    %scan3A_1 = arith.constant 0 : i32
    %scan3A_2 = arith.constant 128 : i32
    %scan3A_3 = arith.addi %scan3A_1, %scan3A_2 : i32
    %scan3A_4 = arith.constant 1 : i32
    %scan3A_5 = scf.for %scan3A_29 = %scan3A_1 to %scan3A_3 step %scan3A_4 iter_args(%scan3A_30 = %scan3A) -> (i32)  : i32 {
      %broadcast_in_dim3A = arith.constant 0.000000e+00 : f32
      %broadcast_in_dim3A_31 = vector.broadcast %broadcast_in_dim3A : f32 to vector<128xf32>
      %swap3A = arith.index_cast %scan3A_29 : i32 to index
      %swap3A_32 = arith.constant 0 : index
      %swap3A_33 = tpu.vector_load %arg7[%swap3A, %swap3A_32] {strides = array<i32>} : memref<128x128xf32, #tpu.memory_space<vmem>>, vector<1x128xf32>,
      %swap3A_34 = vector.shape_cast %swap3A_33 : vector<1x128xf32> to vector<128xf32>
      %swap3A_35 = vector.shape_cast %broadcast_in_dim3A_31 : vector<128xf32> to vector<1x128xf32>
      tpu.vector_store %arg7[%swap3A, %swap3A_32], %swap3A_35 {strides = array<i32>} : memref<128x128xf32, #tpu.memory_space<vmem>>, vector<1x128xf32>,
      %scan3A_36 = arith.constant 0 : i32
      scf.yield %scan3A_36 : i32
    }
    %scan3A_6 = arith.constant 128 : i32
    %scan3A_7 = arith.constant 0 : i32
    %scan3A_8 = arith.constant 0 : i32
    %scan3A_9 = arith.constant 5 : i32
    %scan3A_10 = arith.addi %scan3A_8, %scan3A_9 : i32
    %scan3A_11 = arith.constant 1 : i32
    %scan3A_12 = scf.for %scan3A_29 = %scan3A_8 to %scan3A_10 step %scan3A_11 iter_args(%scan3A_30 = %scan3A_7) -> (i32)  : i32 {
      %mul3A_31 = arith.constant 640 : i32
      %mul3A_32 = arith.muli %arg1, %mul3A_31 : i32
      %mul3A_33 = arith.constant 128 : i32
      %mul3A_34 = arith.muli %scan3A_29, %mul3A_33 : i32
      %add3A_35 = arith.addi %mul3A_32, %mul3A_34 : i32
      "tpu.region"() ({
        %run_scoped3A = tpu.sem_alloc : memref<!tpu.dma_semaphore, #tpu.memory_space<semaphore_mem>>
        %dma_start3A = arith.constant 0 : i32
        %dma_start3A_37 = tpu.memref_slice %arg8[%add3A_35, %dma_start3A] : memref<10240x128xf32, #tpu.memory_space<vmem_shared>> -> memref<128x128xf32, #tpu.memory_space<vmem_shared>>
        %dma_start3A_38 = arith.constant 0 : i32
        %dma_start3A_39 = tpu.memref_slice %arg8[%add3A_35, %dma_start3A_38] : memref<10240x128xf32, #tpu.memory_space<vmem_shared>> -> memref<128x128xf32, #tpu.memory_space<vmem_shared>>
        tpu.enqueue_dma source(%arg7 : memref<128x128xf32, #tpu.memory_space<vmem>>) target(%dma_start3A_39 : memref<128x128xf32, #tpu.memory_space<vmem_shared>>) target_semaphore(%run_scoped3A : memref<!tpu.dma_semaphore, #tpu.memory_space<semaphore_mem>>)
        %dma_wait3A = arith.constant 0 : i32
        %dma_wait3A_40 = tpu.memref_slice %arg8[%add3A_35, %dma_wait3A] : memref<10240x128xf32, #tpu.memory_space<vmem_shared>> -> memref<128x128xf32, #tpu.memory_space<vmem_shared>>
        %dma_wait3A_41 = arith.constant 0 : i32
        %dma_wait3A_42 = tpu.memref_slice %arg8[%add3A_35, %dma_wait3A_41] : memref<10240x128xf32, #tpu.memory_space<vmem_shared>> -> memref<128x128xf32, #tpu.memory_space<vmem_shared>>
        tpu.wait_dma2 semaphore(%run_scoped3A : memref<!tpu.dma_semaphore, #tpu.memory_space<semaphore_mem>>) src(%arg7 : memref<128x128xf32, #tpu.memory_space<vmem>>) dst(%dma_wait3A_42 : memref<128x128xf32, #tpu.memory_space<vmem_shared>>)
        tpu.yield
      }) : () -> ()
      %scan3A_36 = arith.constant 0 : i32
      scf.yield %scan3A_36 : i32
    }
    %scan3A_13 = arith.constant 5 : i32
    %barrier3A = arith.constant 0 : index
    tpu.barrier barrier_id(%barrier3A)
    %scan3A_14 = arith.constant 0 : i32
    %scan3A_15 = arith.constant 0 : i32
    %scan3A_16 = arith.constant 80 : i32
    %scan3A_17 = arith.addi %scan3A_15, %scan3A_16 : i32
    %scan3A_18 = arith.constant 1 : i32
    %scan3A_19 = scf.for %scan3A_29 = %scan3A_15 to %scan3A_17 step %scan3A_18 iter_args(%scan3A_30 = %scan3A_14) -> (i32)  : i32 {
      "tpu.region"() ({
        %run_scoped3A = tpu.sem_alloc : memref<!tpu.dma_semaphore, #tpu.memory_space<semaphore_mem>>
        %dma_start3A = arith.constant 0 : i32
        %dma_start3A_32 = tpu.memref_slice %arg5[%scan3A_29, %dma_start3A] : memref<80x128xi32, #tpu.memory_space<vmem>> -> memref<1x128xi32, #tpu.memory_space<vmem>>
        %dma_start3A_33 = tpu.memref_squeeze %dma_start3A_32 : memref<1x128xi32, #tpu.memory_space<vmem>> -> memref<128xi32, #tpu.memory_space<vmem>>
        %dma_start3A_34 = arith.constant 0 : i32
        %dma_start3A_35 = arith.constant 0 : i32
        %dma_start3A_36 = tpu.memref_slice %arg8[%dma_start3A_34, %dma_start3A_35] : memref<10240x128xf32, #tpu.memory_space<vmem_shared>> -> memref<10240x128xf32, #tpu.memory_space<vmem_shared>>
        tpu.enqueue_indirect_dma source(%arg6 : memref<128x128xf32, #tpu.memory_space<vmem>>) target(%dma_start3A_36 : memref<10240x128xf32, #tpu.memory_space<vmem_shared>>) offsets(%dma_start3A_33 : memref<128xi32, #tpu.memory_space<vmem>>) semaphore(%run_scoped3A : memref<!tpu.dma_semaphore, #tpu.memory_space<semaphore_mem>>) {add = true}
        %dma_wait3A = arith.constant 0 : i32
        %dma_wait3A_37 = tpu.memref_slice %arg5[%scan3A_29, %dma_wait3A] : memref<80x128xi32, #tpu.memory_space<vmem>> -> memref<1x128xi32, #tpu.memory_space<vmem>>
        %dma_wait3A_38 = tpu.memref_squeeze %dma_wait3A_37 : memref<1x128xi32, #tpu.memory_space<vmem>> -> memref<128xi32, #tpu.memory_space<vmem>>
        %dma_wait3A_39 = arith.constant 0 : i32
        %dma_wait3A_40 = arith.constant 0 : i32
        %dma_wait3A_41 = tpu.memref_slice %arg8[%dma_wait3A_39, %dma_wait3A_40] : memref<10240x128xf32, #tpu.memory_space<vmem_shared>> -> memref<10240x128xf32, #tpu.memory_space<vmem_shared>>
        tpu.wait_indirect_dma semaphore(%run_scoped3A : memref<!tpu.dma_semaphore, #tpu.memory_space<semaphore_mem>>) src(%arg6 : memref<128x128xf32, #tpu.memory_space<vmem>>) dst(%dma_wait3A_41 : memref<10240x128xf32, #tpu.memory_space<vmem_shared>>)
        tpu.yield
      }) : () -> ()
      %scan3A_31 = arith.constant 0 : i32
      scf.yield %scan3A_31 : i32
    }
    %scan3A_20 = arith.constant 80 : i32
    %barrier3A_21 = arith.constant 0 : index
    tpu.barrier barrier_id(%barrier3A_21)
    %scan3A_22 = arith.constant 0 : i32
    %scan3A_23 = arith.constant 0 : i32
    %scan3A_24 = arith.constant 5 : i32
    %scan3A_25 = arith.addi %scan3A_23, %scan3A_24 : i32
    %scan3A_26 = arith.constant 1 : i32
    %scan3A_27 = scf.for %scan3A_29 = %scan3A_23 to %scan3A_25 step %scan3A_26 iter_args(%scan3A_30 = %scan3A_22) -> (i32)  : i32 {
      %mul3A_31 = arith.constant 640 : i32
      %mul3A_32 = arith.muli %arg1, %mul3A_31 : i32
      %mul3A_33 = arith.constant 128 : i32
      %mul3A_34 = arith.muli %scan3A_29, %mul3A_33 : i32
      %add3A_35 = arith.addi %mul3A_32, %mul3A_34 : i32
      "tpu.region"() ({
        %run_scoped3A = tpu.sem_alloc : memref<!tpu.dma_semaphore, #tpu.memory_space<semaphore_mem>>
        %dma_start3A = arith.constant 0 : i32
        %dma_start3A_37 = tpu.memref_slice %arg4[%arg0, %add3A_35, %dma_start3A] : memref<2x10240x128xf32, #tpu.memory_space<hbm>> -> memref<1x128x128xf32, #tpu.memory_space<hbm>>
        %dma_start3A_38 = tpu.memref_squeeze %dma_start3A_37 : memref<1x128x128xf32, #tpu.memory_space<hbm>> -> memref<128x128xf32, #tpu.memory_space<hbm>>
        %dma_start3A_39 = arith.constant 0 : i32
        %dma_start3A_40 = tpu.memref_slice %arg8[%add3A_35, %dma_start3A_39] : memref<10240x128xf32, #tpu.memory_space<vmem_shared>> -> memref<128x128xf32, #tpu.memory_space<vmem_shared>>
        tpu.enqueue_dma source(%dma_start3A_40 : memref<128x128xf32, #tpu.memory_space<vmem_shared>>) target(%dma_start3A_38 : memref<128x128xf32, #tpu.memory_space<hbm>>) target_semaphore(%run_scoped3A : memref<!tpu.dma_semaphore, #tpu.memory_space<semaphore_mem>>)
        %dma_wait3A = arith.constant 0 : i32
        %dma_wait3A_41 = tpu.memref_slice %arg4[%arg0, %add3A_35, %dma_wait3A] : memref<2x10240x128xf32, #tpu.memory_space<hbm>> -> memref<1x128x128xf32, #tpu.memory_space<hbm>>
        %dma_wait3A_42 = tpu.memref_squeeze %dma_wait3A_41 : memref<1x128x128xf32, #tpu.memory_space<hbm>> -> memref<128x128xf32, #tpu.memory_space<hbm>>
        %dma_wait3A_43 = arith.constant 0 : i32
        %dma_wait3A_44 = tpu.memref_slice %arg8[%add3A_35, %dma_wait3A_43] : memref<10240x128xf32, #tpu.memory_space<vmem_shared>> -> memref<128x128xf32, #tpu.memory_space<vmem_shared>>
        tpu.wait_dma2 semaphore(%run_scoped3A : memref<!tpu.dma_semaphore, #tpu.memory_space<semaphore_mem>>) src(%dma_wait3A_44 : memref<128x128xf32, #tpu.memory_space<vmem_shared>>) dst(%dma_wait3A_42 : memref<128x128xf32, #tpu.memory_space<hbm>>)
        tpu.yield
      }) : () -> ()
      %scan3A_36 = arith.constant 0 : i32
      scf.yield %scan3A_36 : i32
    }
    %scan3A_28 = arith.constant 5 : i32
    return
  }
}

#map = affine_map<(d0, d1) -> (0, 0)>
#map1 = affine_map<(d0, d1) -> (0, 0, 0)>
module attributes {stable_mosaic.version = 14 : i64} {
  func.func @_sc_agg_body(%arg0: i32, %arg1: i32, %arg2: memref<10240x128xf32, #tpu.memory_space<hbm>>, %arg3: memref<32x10240xi32, #tpu.memory_space<hbm>>, %arg4: memref<32x80x128xi32, #tpu.memory_space<hbm>>, %arg5: memref<2x10240x128xf32, #tpu.memory_space<hbm>>, %arg6: memref<5120xi32, #tpu.memory_space<vmem>>, %arg7: memref<40x128xi32, #tpu.memory_space<vmem>>, %arg8: memref<128x128xf32, #tpu.memory_space<vmem>>, %arg9: memref<128x128xf32, #tpu.memory_space<vmem>>, %arg10: memref<10240x128xf32, #tpu.memory_space<vmem_shared>>, %arg11: memref<!tpu.dma_semaphore, #tpu.memory_space<semaphore_mem>>, %arg12: memref<!tpu.dma_semaphore, #tpu.memory_space<semaphore_mem>>) attributes {dimension_semantics = [#tpu.dimension_semantics<core_parallel>, #tpu.dimension_semantics<subcore_parallel>], iteration_bounds = array<i64: 2, 16>, scalar_prefetch = 0 : i64, scratch_operands = 7 : i64, tpu.core_type = #tpu.core_type<sc_vector_subcore>, window_params = [{transform_indices = #map}, {transform_indices = #map}, {transform_indices = #map1}, {transform_indices = #map1}]} {
    %mul3A = arith.constant 16 : i32
    %mul3A_0 = arith.muli %arg0, %mul3A : i32
    %add3A = arith.addi %mul3A_0, %arg1 : i32
    %scan3A = arith.constant 0 : i32
    %scan3A_1 = arith.constant 0 : i32
    %scan3A_2 = arith.constant 128 : i32
    %scan3A_3 = arith.addi %scan3A_1, %scan3A_2 : i32
    %scan3A_4 = arith.constant 1 : i32
    %scan3A_5 = scf.for %scan3A_45 = %scan3A_1 to %scan3A_3 step %scan3A_4 iter_args(%scan3A_46 = %scan3A) -> (i32)  : i32 {
      %broadcast_in_dim3A = arith.constant 0.000000e+00 : f32
      %broadcast_in_dim3A_47 = vector.broadcast %broadcast_in_dim3A : f32 to vector<16xf32>
      %swap3A = arith.index_cast %scan3A_45 : i32 to index
      %swap3A_48 = arith.constant 0 : index
      %swap3A_49 = tpu.vector_load %arg8[%swap3A, %swap3A_48] {strides = array<i32>} : memref<128x128xf32, #tpu.memory_space<vmem>>, vector<1x16xf32>,
      %swap3A_50 = vector.shape_cast %swap3A_49 : vector<1x16xf32> to vector<16xf32>
      %swap3A_51 = vector.shape_cast %broadcast_in_dim3A_47 : vector<16xf32> to vector<1x16xf32>
      tpu.vector_store %arg8[%swap3A, %swap3A_48], %swap3A_51 {strides = array<i32>} : memref<128x128xf32, #tpu.memory_space<vmem>>, vector<1x16xf32>,
      %broadcast_in_dim3A_52 = arith.constant 0.000000e+00 : f32
      %broadcast_in_dim3A_53 = vector.broadcast %broadcast_in_dim3A_52 : f32 to vector<16xf32>
      %swap3A_54 = arith.index_cast %scan3A_45 : i32 to index
      %swap3A_55 = arith.constant 16 : index
      %swap3A_56 = tpu.vector_load %arg8[%swap3A_54, %swap3A_55] {strides = array<i32>} : memref<128x128xf32, #tpu.memory_space<vmem>>, vector<1x16xf32>,
      %swap3A_57 = vector.shape_cast %swap3A_56 : vector<1x16xf32> to vector<16xf32>
      %swap3A_58 = vector.shape_cast %broadcast_in_dim3A_53 : vector<16xf32> to vector<1x16xf32>
      tpu.vector_store %arg8[%swap3A_54, %swap3A_55], %swap3A_58 {strides = array<i32>} : memref<128x128xf32, #tpu.memory_space<vmem>>, vector<1x16xf32>,
      %broadcast_in_dim3A_59 = arith.constant 0.000000e+00 : f32
      %broadcast_in_dim3A_60 = vector.broadcast %broadcast_in_dim3A_59 : f32 to vector<16xf32>
      %swap3A_61 = arith.index_cast %scan3A_45 : i32 to index
      %swap3A_62 = arith.constant 32 : index
      %swap3A_63 = tpu.vector_load %arg8[%swap3A_61, %swap3A_62] {strides = array<i32>} : memref<128x128xf32, #tpu.memory_space<vmem>>, vector<1x16xf32>,
      %swap3A_64 = vector.shape_cast %swap3A_63 : vector<1x16xf32> to vector<16xf32>
      %swap3A_65 = vector.shape_cast %broadcast_in_dim3A_60 : vector<16xf32> to vector<1x16xf32>
      tpu.vector_store %arg8[%swap3A_61, %swap3A_62], %swap3A_65 {strides = array<i32>} : memref<128x128xf32, #tpu.memory_space<vmem>>, vector<1x16xf32>,
      %broadcast_in_dim3A_66 = arith.constant 0.000000e+00 : f32
      %broadcast_in_dim3A_67 = vector.broadcast %broadcast_in_dim3A_66 : f32 to vector<16xf32>
      %swap3A_68 = arith.index_cast %scan3A_45 : i32 to index
      %swap3A_69 = arith.constant 48 : index
      %swap3A_70 = tpu.vector_load %arg8[%swap3A_68, %swap3A_69] {strides = array<i32>} : memref<128x128xf32, #tpu.memory_space<vmem>>, vector<1x16xf32>,
      %swap3A_71 = vector.shape_cast %swap3A_70 : vector<1x16xf32> to vector<16xf32>
      %swap3A_72 = vector.shape_cast %broadcast_in_dim3A_67 : vector<16xf32> to vector<1x16xf32>
      tpu.vector_store %arg8[%swap3A_68, %swap3A_69], %swap3A_72 {strides = array<i32>} : memref<128x128xf32, #tpu.memory_space<vmem>>, vector<1x16xf32>,
      %broadcast_in_dim3A_73 = arith.constant 0.000000e+00 : f32
      %broadcast_in_dim3A_74 = vector.broadcast %broadcast_in_dim3A_73 : f32 to vector<16xf32>
      %swap3A_75 = arith.index_cast %scan3A_45 : i32 to index
      %swap3A_76 = arith.constant 64 : index
      %swap3A_77 = tpu.vector_load %arg8[%swap3A_75, %swap3A_76] {strides = array<i32>} : memref<128x128xf32, #tpu.memory_space<vmem>>, vector<1x16xf32>,
      %swap3A_78 = vector.shape_cast %swap3A_77 : vector<1x16xf32> to vector<16xf32>
      %swap3A_79 = vector.shape_cast %broadcast_in_dim3A_74 : vector<16xf32> to vector<1x16xf32>
      tpu.vector_store %arg8[%swap3A_75, %swap3A_76], %swap3A_79 {strides = array<i32>} : memref<128x128xf32, #tpu.memory_space<vmem>>, vector<1x16xf32>,
      %broadcast_in_dim3A_80 = arith.constant 0.000000e+00 : f32
      %broadcast_in_dim3A_81 = vector.broadcast %broadcast_in_dim3A_80 : f32 to vector<16xf32>
      %swap3A_82 = arith.index_cast %scan3A_45 : i32 to index
      %swap3A_83 = arith.constant 80 : index
      %swap3A_84 = tpu.vector_load %arg8[%swap3A_82, %swap3A_83] {strides = array<i32>} : memref<128x128xf32, #tpu.memory_space<vmem>>, vector<1x16xf32>,
      %swap3A_85 = vector.shape_cast %swap3A_84 : vector<1x16xf32> to vector<16xf32>
      %swap3A_86 = vector.shape_cast %broadcast_in_dim3A_81 : vector<16xf32> to vector<1x16xf32>
      tpu.vector_store %arg8[%swap3A_82, %swap3A_83], %swap3A_86 {strides = array<i32>} : memref<128x128xf32, #tpu.memory_space<vmem>>, vector<1x16xf32>,
      %broadcast_in_dim3A_87 = arith.constant 0.000000e+00 : f32
      %broadcast_in_dim3A_88 = vector.broadcast %broadcast_in_dim3A_87 : f32 to vector<16xf32>
      %swap3A_89 = arith.index_cast %scan3A_45 : i32 to index
      %swap3A_90 = arith.constant 96 : index
      %swap3A_91 = tpu.vector_load %arg8[%swap3A_89, %swap3A_90] {strides = array<i32>} : memref<128x128xf32, #tpu.memory_space<vmem>>, vector<1x16xf32>,
      %swap3A_92 = vector.shape_cast %swap3A_91 : vector<1x16xf32> to vector<16xf32>
      %swap3A_93 = vector.shape_cast %broadcast_in_dim3A_88 : vector<16xf32> to vector<1x16xf32>
      tpu.vector_store %arg8[%swap3A_89, %swap3A_90], %swap3A_93 {strides = array<i32>} : memref<128x128xf32, #tpu.memory_space<vmem>>, vector<1x16xf32>,
      %broadcast_in_dim3A_94 = arith.constant 0.000000e+00 : f32
      %broadcast_in_dim3A_95 = vector.broadcast %broadcast_in_dim3A_94 : f32 to vector<16xf32>
      %swap3A_96 = arith.index_cast %scan3A_45 : i32 to index
      %swap3A_97 = arith.constant 112 : index
      %swap3A_98 = tpu.vector_load %arg8[%swap3A_96, %swap3A_97] {strides = array<i32>} : memref<128x128xf32, #tpu.memory_space<vmem>>, vector<1x16xf32>,
      %swap3A_99 = vector.shape_cast %swap3A_98 : vector<1x16xf32> to vector<16xf32>
      %swap3A_100 = vector.shape_cast %broadcast_in_dim3A_95 : vector<16xf32> to vector<1x16xf32>
      tpu.vector_store %arg8[%swap3A_96, %swap3A_97], %swap3A_100 {strides = array<i32>} : memref<128x128xf32, #tpu.memory_space<vmem>>, vector<1x16xf32>,
      %scan3A_101 = arith.constant 0 : i32
      scf.yield %scan3A_101 : i32
    }
    %scan3A_6 = arith.constant 128 : i32
    %scan3A_7 = arith.constant 0 : i32
    %scan3A_8 = arith.constant 0 : i32
    %scan3A_9 = arith.constant 5 : i32
    %scan3A_10 = arith.addi %scan3A_8, %scan3A_9 : i32
    %scan3A_11 = arith.constant 1 : i32
    %scan3A_12 = scf.for %scan3A_45 = %scan3A_8 to %scan3A_10 step %scan3A_11 iter_args(%scan3A_46 = %scan3A_7) -> (i32)  : i32 {
      %mul3A_47 = arith.constant 640 : i32
      %mul3A_48 = arith.muli %arg1, %mul3A_47 : i32
      %mul3A_49 = arith.constant 128 : i32
      %mul3A_50 = arith.muli %scan3A_45, %mul3A_49 : i32
      %add3A_51 = arith.addi %mul3A_48, %mul3A_50 : i32
      "tpu.region"() ({
        %run_scoped3A = tpu.sem_alloc : memref<!tpu.dma_semaphore, #tpu.memory_space<semaphore_mem>>
        %dma_start3A_53 = arith.constant 0 : i32
        %dma_start3A_54 = arith.constant 0 : i32
        %dma_start3A_55 = tpu.memref_slice %arg8[%dma_start3A_53, %dma_start3A_54] : memref<128x128xf32, #tpu.memory_space<vmem>> -> memref<128x128xf32, #tpu.memory_space<vmem>>
        %dma_start3A_56 = arith.constant 0 : i32
        %dma_start3A_57 = tpu.memref_slice %arg10[%add3A_51, %dma_start3A_56] : memref<10240x128xf32, #tpu.memory_space<vmem_shared>> -> memref<128x128xf32, #tpu.memory_space<vmem_shared>>
        %dma_start3A_58 = arith.constant 0 : i32
        %dma_start3A_59 = tpu.memref_slice %arg10[%add3A_51, %dma_start3A_58] : memref<10240x128xf32, #tpu.memory_space<vmem_shared>> -> memref<128x128xf32, #tpu.memory_space<vmem_shared>>
        %dma_start3A_60 = arith.constant 0 : i32
        %dma_start3A_61 = arith.constant 0 : i32
        %dma_start3A_62 = tpu.memref_slice %arg8[%dma_start3A_60, %dma_start3A_61] : memref<128x128xf32, #tpu.memory_space<vmem>> -> memref<128x128xf32, #tpu.memory_space<vmem>>
        tpu.enqueue_dma source(%dma_start3A_62 : memref<128x128xf32, #tpu.memory_space<vmem>>) target(%dma_start3A_59 : memref<128x128xf32, #tpu.memory_space<vmem_shared>>) target_semaphore(%run_scoped3A : memref<!tpu.dma_semaphore, #tpu.memory_space<semaphore_mem>>)
        %dma_wait3A = arith.constant 0 : i32
        %dma_wait3A_63 = arith.constant 0 : i32
        %dma_wait3A_64 = tpu.memref_slice %arg8[%dma_wait3A, %dma_wait3A_63] : memref<128x128xf32, #tpu.memory_space<vmem>> -> memref<128x128xf32, #tpu.memory_space<vmem>>
        %dma_wait3A_65 = arith.constant 0 : i32
        %dma_wait3A_66 = tpu.memref_slice %arg10[%add3A_51, %dma_wait3A_65] : memref<10240x128xf32, #tpu.memory_space<vmem_shared>> -> memref<128x128xf32, #tpu.memory_space<vmem_shared>>
        %dma_wait3A_67 = arith.constant 0 : i32
        %dma_wait3A_68 = tpu.memref_slice %arg10[%add3A_51, %dma_wait3A_67] : memref<10240x128xf32, #tpu.memory_space<vmem_shared>> -> memref<128x128xf32, #tpu.memory_space<vmem_shared>>
        %dma_wait3A_69 = arith.constant 0 : i32
        %dma_wait3A_70 = arith.constant 0 : i32
        %dma_wait3A_71 = tpu.memref_slice %arg8[%dma_wait3A_69, %dma_wait3A_70] : memref<128x128xf32, #tpu.memory_space<vmem>> -> memref<128x128xf32, #tpu.memory_space<vmem>>
        tpu.wait_dma2 semaphore(%run_scoped3A : memref<!tpu.dma_semaphore, #tpu.memory_space<semaphore_mem>>) src(%dma_wait3A_71 : memref<128x128xf32, #tpu.memory_space<vmem>>) dst(%dma_wait3A_68 : memref<128x128xf32, #tpu.memory_space<vmem_shared>>)
        tpu.yield
      }) : () -> ()
      %scan3A_52 = arith.constant 0 : i32
      scf.yield %scan3A_52 : i32
    }
    %scan3A_13 = arith.constant 5 : i32
    %barrier3A = arith.constant 0 : index
    tpu.barrier barrier_id(%barrier3A)
    "tpu.region"() ({
      %run_scoped3A = tpu.sem_alloc : memref<!tpu.dma_semaphore, #tpu.memory_space<semaphore_mem>>
      %dma_start3A_45 = arith.constant 0 : i32
      %dma_start3A_46 = tpu.memref_slice %arg3[%add3A, %dma_start3A_45] : memref<32x10240xi32, #tpu.memory_space<hbm>> -> memref<1x5120xi32, #tpu.memory_space<hbm>>
      %dma_start3A_47 = tpu.memref_squeeze %dma_start3A_46 : memref<1x5120xi32, #tpu.memory_space<hbm>> -> memref<5120xi32, #tpu.memory_space<hbm>>
      %dma_start3A_48 = arith.constant 0 : i32
      %dma_start3A_49 = tpu.memref_slice %arg3[%add3A, %dma_start3A_48] : memref<32x10240xi32, #tpu.memory_space<hbm>> -> memref<1x5120xi32, #tpu.memory_space<hbm>>
      %dma_start3A_50 = tpu.memref_squeeze %dma_start3A_49 : memref<1x5120xi32, #tpu.memory_space<hbm>> -> memref<5120xi32, #tpu.memory_space<hbm>>
      tpu.enqueue_dma source(%dma_start3A_50 : memref<5120xi32, #tpu.memory_space<hbm>>) target(%arg6 : memref<5120xi32, #tpu.memory_space<vmem>>) target_semaphore(%run_scoped3A : memref<!tpu.dma_semaphore, #tpu.memory_space<semaphore_mem>>)
      %dma_wait3A = arith.constant 0 : i32
      %dma_wait3A_51 = tpu.memref_slice %arg3[%add3A, %dma_wait3A] : memref<32x10240xi32, #tpu.memory_space<hbm>> -> memref<1x5120xi32, #tpu.memory_space<hbm>>
      %dma_wait3A_52 = tpu.memref_squeeze %dma_wait3A_51 : memref<1x5120xi32, #tpu.memory_space<hbm>> -> memref<5120xi32, #tpu.memory_space<hbm>>
      %dma_wait3A_53 = arith.constant 0 : i32
      %dma_wait3A_54 = tpu.memref_slice %arg3[%add3A, %dma_wait3A_53] : memref<32x10240xi32, #tpu.memory_space<hbm>> -> memref<1x5120xi32, #tpu.memory_space<hbm>>
      %dma_wait3A_55 = tpu.memref_squeeze %dma_wait3A_54 : memref<1x5120xi32, #tpu.memory_space<hbm>> -> memref<5120xi32, #tpu.memory_space<hbm>>
      tpu.wait_dma2 semaphore(%run_scoped3A : memref<!tpu.dma_semaphore, #tpu.memory_space<semaphore_mem>>) src(%dma_wait3A_55 : memref<5120xi32, #tpu.memory_space<hbm>>) dst(%arg6 : memref<5120xi32, #tpu.memory_space<vmem>>)
      tpu.yield
    }) : () -> ()
    "tpu.region"() ({
      %run_scoped3A = tpu.sem_alloc : memref<!tpu.dma_semaphore, #tpu.memory_space<semaphore_mem>>
      %dma_start3A_45 = arith.constant 0 : i32
      %dma_start3A_46 = arith.constant 0 : i32
      %dma_start3A_47 = tpu.memref_slice %arg4[%add3A, %dma_start3A_45, %dma_start3A_46] : memref<32x80x128xi32, #tpu.memory_space<hbm>> -> memref<1x40x128xi32, #tpu.memory_space<hbm>>
      %dma_start3A_48 = tpu.memref_squeeze %dma_start3A_47 : memref<1x40x128xi32, #tpu.memory_space<hbm>> -> memref<40x128xi32, #tpu.memory_space<hbm>>
      %dma_start3A_49 = arith.constant 0 : i32
      %dma_start3A_50 = arith.constant 0 : i32
      %dma_start3A_51 = tpu.memref_slice %arg4[%add3A, %dma_start3A_49, %dma_start3A_50] : memref<32x80x128xi32, #tpu.memory_space<hbm>> -> memref<1x40x128xi32, #tpu.memory_space<hbm>>
      %dma_start3A_52 = tpu.memref_squeeze %dma_start3A_51 : memref<1x40x128xi32, #tpu.memory_space<hbm>> -> memref<40x128xi32, #tpu.memory_space<hbm>>
      tpu.enqueue_dma source(%dma_start3A_52 : memref<40x128xi32, #tpu.memory_space<hbm>>) target(%arg7 : memref<40x128xi32, #tpu.memory_space<vmem>>) target_semaphore(%run_scoped3A : memref<!tpu.dma_semaphore, #tpu.memory_space<semaphore_mem>>)
      %dma_wait3A = arith.constant 0 : i32
      %dma_wait3A_53 = arith.constant 0 : i32
      %dma_wait3A_54 = tpu.memref_slice %arg4[%add3A, %dma_wait3A, %dma_wait3A_53] : memref<32x80x128xi32, #tpu.memory_space<hbm>> -> memref<1x40x128xi32, #tpu.memory_space<hbm>>
      %dma_wait3A_55 = tpu.memref_squeeze %dma_wait3A_54 : memref<1x40x128xi32, #tpu.memory_space<hbm>> -> memref<40x128xi32, #tpu.memory_space<hbm>>
      %dma_wait3A_56 = arith.constant 0 : i32
      %dma_wait3A_57 = arith.constant 0 : i32
      %dma_wait3A_58 = tpu.memref_slice %arg4[%add3A, %dma_wait3A_56, %dma_wait3A_57] : memref<32x80x128xi32, #tpu.memory_space<hbm>> -> memref<1x40x128xi32, #tpu.memory_space<hbm>>
      %dma_wait3A_59 = tpu.memref_squeeze %dma_wait3A_58 : memref<1x40x128xi32, #tpu.memory_space<hbm>> -> memref<40x128xi32, #tpu.memory_space<hbm>>
      tpu.wait_dma2 semaphore(%run_scoped3A : memref<!tpu.dma_semaphore, #tpu.memory_space<semaphore_mem>>) src(%dma_wait3A_59 : memref<40x128xi32, #tpu.memory_space<hbm>>) dst(%arg7 : memref<40x128xi32, #tpu.memory_space<vmem>>)
      tpu.yield
    }) : () -> ()
    %dma_start3A = arith.constant 0 : i32
    %dma_start3A_14 = tpu.memref_slice %arg6[%dma_start3A] : memref<5120xi32, #tpu.memory_space<vmem>> -> memref<128xi32, #tpu.memory_space<vmem>>
    %dma_start3A_15 = arith.constant 0 : i32
    %dma_start3A_16 = arith.constant 0 : i32
    %dma_start3A_17 = tpu.memref_slice %arg2[%dma_start3A_15, %dma_start3A_16] : memref<10240x128xf32, #tpu.memory_space<hbm>> -> memref<10240x128xf32, #tpu.memory_space<hbm>>
    tpu.enqueue_indirect_dma source(%dma_start3A_17 : memref<10240x128xf32, #tpu.memory_space<hbm>>) target(%arg8 : memref<128x128xf32, #tpu.memory_space<vmem>>) offsets(%dma_start3A_14 : memref<128xi32, #tpu.memory_space<vmem>>) semaphore(%arg11 : memref<!tpu.dma_semaphore, #tpu.memory_space<semaphore_mem>>)
    %scan3A_18 = arith.constant 0 : i32
    %scan3A_19 = arith.constant 0 : i32
    %scan3A_20 = arith.constant 20 : i32
    %scan3A_21 = arith.addi %scan3A_19, %scan3A_20 : i32
    %scan3A_22 = arith.constant 1 : i32
    %scan3A_23 = scf.for %scan3A_45 = %scan3A_19 to %scan3A_21 step %scan3A_22 iter_args(%scan3A_46 = %scan3A_18) -> (i32)  : i32 {
      %mul3A_47 = arith.constant 2 : i32
      %mul3A_48 = arith.muli %scan3A_45, %mul3A_47 : i32
      %add3A_49 = arith.constant 1 : i32
      %add3A_50 = arith.addi %mul3A_48, %add3A_49 : i32
      %mul3A_51 = arith.constant 128 : i32
      %mul3A_52 = arith.muli %add3A_50, %mul3A_51 : i32
      %dma_start3A_53 = tpu.memref_slice %arg6[%mul3A_52] : memref<5120xi32, #tpu.memory_space<vmem>> -> memref<128xi32, #tpu.memory_space<vmem>>
      %dma_start3A_54 = arith.constant 0 : i32
      %dma_start3A_55 = arith.constant 0 : i32
      %dma_start3A_56 = tpu.memref_slice %arg2[%dma_start3A_54, %dma_start3A_55] : memref<10240x128xf32, #tpu.memory_space<hbm>> -> memref<10240x128xf32, #tpu.memory_space<hbm>>
      tpu.enqueue_indirect_dma source(%dma_start3A_56 : memref<10240x128xf32, #tpu.memory_space<hbm>>) target(%arg9 : memref<128x128xf32, #tpu.memory_space<vmem>>) offsets(%dma_start3A_53 : memref<128xi32, #tpu.memory_space<vmem>>) semaphore(%arg12 : memref<!tpu.dma_semaphore, #tpu.memory_space<semaphore_mem>>)
      %mul3A_57 = arith.constant 128 : i32
      %mul3A_58 = arith.muli %mul3A_48, %mul3A_57 : i32
      %dma_wait3A = tpu.memref_slice %arg6[%mul3A_58] : memref<5120xi32, #tpu.memory_space<vmem>> -> memref<128xi32, #tpu.memory_space<vmem>>
      %dma_wait3A_59 = arith.constant 0 : i32
      %dma_wait3A_60 = arith.constant 0 : i32
      %dma_wait3A_61 = tpu.memref_slice %arg2[%dma_wait3A_59, %dma_wait3A_60] : memref<10240x128xf32, #tpu.memory_space<hbm>> -> memref<10240x128xf32, #tpu.memory_space<hbm>>
      tpu.wait_indirect_dma semaphore(%arg11 : memref<!tpu.dma_semaphore, #tpu.memory_space<semaphore_mem>>) src(%dma_wait3A_61 : memref<10240x128xf32, #tpu.memory_space<hbm>>) dst(%arg8 : memref<128x128xf32, #tpu.memory_space<vmem>>)
      "tpu.region"() ({
        %run_scoped3A = tpu.sem_alloc : memref<!tpu.dma_semaphore, #tpu.memory_space<semaphore_mem>>
        %dma_start3A_75 = arith.constant 0 : i32
        %dma_start3A_76 = tpu.memref_slice %arg7[%mul3A_48, %dma_start3A_75] : memref<40x128xi32, #tpu.memory_space<vmem>> -> memref<1x128xi32, #tpu.memory_space<vmem>>
        %dma_start3A_77 = tpu.memref_squeeze %dma_start3A_76 : memref<1x128xi32, #tpu.memory_space<vmem>> -> memref<128xi32, #tpu.memory_space<vmem>>
        %dma_start3A_78 = arith.constant 0 : i32
        %dma_start3A_79 = arith.constant 0 : i32
        %dma_start3A_80 = tpu.memref_slice %arg10[%dma_start3A_78, %dma_start3A_79] : memref<10240x128xf32, #tpu.memory_space<vmem_shared>> -> memref<10240x128xf32, #tpu.memory_space<vmem_shared>>
        tpu.enqueue_indirect_dma source(%arg8 : memref<128x128xf32, #tpu.memory_space<vmem>>) target(%dma_start3A_80 : memref<10240x128xf32, #tpu.memory_space<vmem_shared>>) offsets(%dma_start3A_77 : memref<128xi32, #tpu.memory_space<vmem>>) semaphore(%run_scoped3A : memref<!tpu.dma_semaphore, #tpu.memory_space<semaphore_mem>>) {add = true}
        %dma_wait3A_81 = arith.constant 0 : i32
        %dma_wait3A_82 = tpu.memref_slice %arg7[%mul3A_48, %dma_wait3A_81] : memref<40x128xi32, #tpu.memory_space<vmem>> -> memref<1x128xi32, #tpu.memory_space<vmem>>
        %dma_wait3A_83 = tpu.memref_squeeze %dma_wait3A_82 : memref<1x128xi32, #tpu.memory_space<vmem>> -> memref<128xi32, #tpu.memory_space<vmem>>
        %dma_wait3A_84 = arith.constant 0 : i32
        %dma_wait3A_85 = arith.constant 0 : i32
        %dma_wait3A_86 = tpu.memref_slice %arg10[%dma_wait3A_84, %dma_wait3A_85] : memref<10240x128xf32, #tpu.memory_space<vmem_shared>> -> memref<10240x128xf32, #tpu.memory_space<vmem_shared>>
        tpu.wait_indirect_dma semaphore(%run_scoped3A : memref<!tpu.dma_semaphore, #tpu.memory_space<semaphore_mem>>) src(%arg8 : memref<128x128xf32, #tpu.memory_space<vmem>>) dst(%dma_wait3A_86 : memref<10240x128xf32, #tpu.memory_space<vmem_shared>>)
        tpu.yield
      }) : () -> ()
      %lt3A = arith.constant 19 : i32
      %lt3A_62 = arith.cmpi slt, %scan3A_45, %lt3A : i32
      %convert_element_type3A = arith.extui %lt3A_62 : i1 to i32
      %cond3A = arith.constant 0 : i32
      %cond3A_63 = arith.cmpi ne, %convert_element_type3A, %cond3A : i32
      scf.if %cond3A_63 {
        %add3A_75 = arith.constant 2 : i32
        %add3A_76 = arith.addi %mul3A_48, %add3A_75 : i32
        %mul3A_77 = arith.constant 128 : i32
        %mul3A_78 = arith.muli %add3A_76, %mul3A_77 : i32
        %dma_start3A_79 = tpu.memref_slice %arg6[%mul3A_78] : memref<5120xi32, #tpu.memory_space<vmem>> -> memref<128xi32, #tpu.memory_space<vmem>>
        %dma_start3A_80 = arith.constant 0 : i32
        %dma_start3A_81 = arith.constant 0 : i32
        %dma_start3A_82 = tpu.memref_slice %arg2[%dma_start3A_80, %dma_start3A_81] : memref<10240x128xf32, #tpu.memory_space<hbm>> -> memref<10240x128xf32, #tpu.memory_space<hbm>>
        tpu.enqueue_indirect_dma source(%dma_start3A_82 : memref<10240x128xf32, #tpu.memory_space<hbm>>) target(%arg8 : memref<128x128xf32, #tpu.memory_space<vmem>>) offsets(%dma_start3A_79 : memref<128xi32, #tpu.memory_space<vmem>>) semaphore(%arg11 : memref<!tpu.dma_semaphore, #tpu.memory_space<semaphore_mem>>)
      } else {
      }
      %add3A_64 = arith.constant 1 : i32
      %add3A_65 = arith.addi %mul3A_48, %add3A_64 : i32
      %mul3A_66 = arith.constant 128 : i32
      %mul3A_67 = arith.muli %add3A_65, %mul3A_66 : i32
      %dma_wait3A_68 = tpu.memref_slice %arg6[%mul3A_67] : memref<5120xi32, #tpu.memory_space<vmem>> -> memref<128xi32, #tpu.memory_space<vmem>>
      %dma_wait3A_69 = arith.constant 0 : i32
      %dma_wait3A_70 = arith.constant 0 : i32
      %dma_wait3A_71 = tpu.memref_slice %arg2[%dma_wait3A_69, %dma_wait3A_70] : memref<10240x128xf32, #tpu.memory_space<hbm>> -> memref<10240x128xf32, #tpu.memory_space<hbm>>
      tpu.wait_indirect_dma semaphore(%arg12 : memref<!tpu.dma_semaphore, #tpu.memory_space<semaphore_mem>>) src(%dma_wait3A_71 : memref<10240x128xf32, #tpu.memory_space<hbm>>) dst(%arg9 : memref<128x128xf32, #tpu.memory_space<vmem>>)
      %add3A_72 = arith.constant 1 : i32
      %add3A_73 = arith.addi %mul3A_48, %add3A_72 : i32
      "tpu.region"() ({
        %run_scoped3A = tpu.sem_alloc : memref<!tpu.dma_semaphore, #tpu.memory_space<semaphore_mem>>
        %dma_start3A_75 = arith.constant 0 : i32
        %dma_start3A_76 = tpu.memref_slice %arg7[%add3A_73, %dma_start3A_75] : memref<40x128xi32, #tpu.memory_space<vmem>> -> memref<1x128xi32, #tpu.memory_space<vmem>>
        %dma_start3A_77 = tpu.memref_squeeze %dma_start3A_76 : memref<1x128xi32, #tpu.memory_space<vmem>> -> memref<128xi32, #tpu.memory_space<vmem>>
        %dma_start3A_78 = arith.constant 0 : i32
        %dma_start3A_79 = arith.constant 0 : i32
        %dma_start3A_80 = tpu.memref_slice %arg10[%dma_start3A_78, %dma_start3A_79] : memref<10240x128xf32, #tpu.memory_space<vmem_shared>> -> memref<10240x128xf32, #tpu.memory_space<vmem_shared>>
        tpu.enqueue_indirect_dma source(%arg9 : memref<128x128xf32, #tpu.memory_space<vmem>>) target(%dma_start3A_80 : memref<10240x128xf32, #tpu.memory_space<vmem_shared>>) offsets(%dma_start3A_77 : memref<128xi32, #tpu.memory_space<vmem>>) semaphore(%run_scoped3A : memref<!tpu.dma_semaphore, #tpu.memory_space<semaphore_mem>>) {add = true}
        %dma_wait3A_81 = arith.constant 0 : i32
        %dma_wait3A_82 = tpu.memref_slice %arg7[%add3A_73, %dma_wait3A_81] : memref<40x128xi32, #tpu.memory_space<vmem>> -> memref<1x128xi32, #tpu.memory_space<vmem>>
        %dma_wait3A_83 = tpu.memref_squeeze %dma_wait3A_82 : memref<1x128xi32, #tpu.memory_space<vmem>> -> memref<128xi32, #tpu.memory_space<vmem>>
        %dma_wait3A_84 = arith.constant 0 : i32
        %dma_wait3A_85 = arith.constant 0 : i32
        %dma_wait3A_86 = tpu.memref_slice %arg10[%dma_wait3A_84, %dma_wait3A_85] : memref<10240x128xf32, #tpu.memory_space<vmem_shared>> -> memref<10240x128xf32, #tpu.memory_space<vmem_shared>>
        tpu.wait_indirect_dma semaphore(%run_scoped3A : memref<!tpu.dma_semaphore, #tpu.memory_space<semaphore_mem>>) src(%arg9 : memref<128x128xf32, #tpu.memory_space<vmem>>) dst(%dma_wait3A_86 : memref<10240x128xf32, #tpu.memory_space<vmem_shared>>)
        tpu.yield
      }) : () -> ()
      %scan3A_74 = arith.constant 0 : i32
      scf.yield %scan3A_74 : i32
    }
    %scan3A_24 = arith.constant 20 : i32
    "tpu.region"() ({
      %run_scoped3A = tpu.sem_alloc : memref<!tpu.dma_semaphore, #tpu.memory_space<semaphore_mem>>
      %dma_start3A_45 = arith.constant 5120 : i32
      %dma_start3A_46 = tpu.memref_slice %arg3[%add3A, %dma_start3A_45] : memref<32x10240xi32, #tpu.memory_space<hbm>> -> memref<1x5120xi32, #tpu.memory_space<hbm>>
      %dma_start3A_47 = tpu.memref_squeeze %dma_start3A_46 : memref<1x5120xi32, #tpu.memory_space<hbm>> -> memref<5120xi32, #tpu.memory_space<hbm>>
      %dma_start3A_48 = arith.constant 5120 : i32
      %dma_start3A_49 = tpu.memref_slice %arg3[%add3A, %dma_start3A_48] : memref<32x10240xi32, #tpu.memory_space<hbm>> -> memref<1x5120xi32, #tpu.memory_space<hbm>>
      %dma_start3A_50 = tpu.memref_squeeze %dma_start3A_49 : memref<1x5120xi32, #tpu.memory_space<hbm>> -> memref<5120xi32, #tpu.memory_space<hbm>>
      tpu.enqueue_dma source(%dma_start3A_50 : memref<5120xi32, #tpu.memory_space<hbm>>) target(%arg6 : memref<5120xi32, #tpu.memory_space<vmem>>) target_semaphore(%run_scoped3A : memref<!tpu.dma_semaphore, #tpu.memory_space<semaphore_mem>>)
      %dma_wait3A = arith.constant 5120 : i32
      %dma_wait3A_51 = tpu.memref_slice %arg3[%add3A, %dma_wait3A] : memref<32x10240xi32, #tpu.memory_space<hbm>> -> memref<1x5120xi32, #tpu.memory_space<hbm>>
      %dma_wait3A_52 = tpu.memref_squeeze %dma_wait3A_51 : memref<1x5120xi32, #tpu.memory_space<hbm>> -> memref<5120xi32, #tpu.memory_space<hbm>>
      %dma_wait3A_53 = arith.constant 5120 : i32
      %dma_wait3A_54 = tpu.memref_slice %arg3[%add3A, %dma_wait3A_53] : memref<32x10240xi32, #tpu.memory_space<hbm>> -> memref<1x5120xi32, #tpu.memory_space<hbm>>
      %dma_wait3A_55 = tpu.memref_squeeze %dma_wait3A_54 : memref<1x5120xi32, #tpu.memory_space<hbm>> -> memref<5120xi32, #tpu.memory_space<hbm>>
      tpu.wait_dma2 semaphore(%run_scoped3A : memref<!tpu.dma_semaphore, #tpu.memory_space<semaphore_mem>>) src(%dma_wait3A_55 : memref<5120xi32, #tpu.memory_space<hbm>>) dst(%arg6 : memref<5120xi32, #tpu.memory_space<vmem>>)
      tpu.yield
    }) : () -> ()
    "tpu.region"() ({
      %run_scoped3A = tpu.sem_alloc : memref<!tpu.dma_semaphore, #tpu.memory_space<semaphore_mem>>
      %dma_start3A_45 = arith.constant 40 : i32
      %dma_start3A_46 = arith.constant 0 : i32
      %dma_start3A_47 = tpu.memref_slice %arg4[%add3A, %dma_start3A_45, %dma_start3A_46] : memref<32x80x128xi32, #tpu.memory_space<hbm>> -> memref<1x40x128xi32, #tpu.memory_space<hbm>>
      %dma_start3A_48 = tpu.memref_squeeze %dma_start3A_47 : memref<1x40x128xi32, #tpu.memory_space<hbm>> -> memref<40x128xi32, #tpu.memory_space<hbm>>
      %dma_start3A_49 = arith.constant 40 : i32
      %dma_start3A_50 = arith.constant 0 : i32
      %dma_start3A_51 = tpu.memref_slice %arg4[%add3A, %dma_start3A_49, %dma_start3A_50] : memref<32x80x128xi32, #tpu.memory_space<hbm>> -> memref<1x40x128xi32, #tpu.memory_space<hbm>>
      %dma_start3A_52 = tpu.memref_squeeze %dma_start3A_51 : memref<1x40x128xi32, #tpu.memory_space<hbm>> -> memref<40x128xi32, #tpu.memory_space<hbm>>
      tpu.enqueue_dma source(%dma_start3A_52 : memref<40x128xi32, #tpu.memory_space<hbm>>) target(%arg7 : memref<40x128xi32, #tpu.memory_space<vmem>>) target_semaphore(%run_scoped3A : memref<!tpu.dma_semaphore, #tpu.memory_space<semaphore_mem>>)
      %dma_wait3A = arith.constant 40 : i32
      %dma_wait3A_53 = arith.constant 0 : i32
      %dma_wait3A_54 = tpu.memref_slice %arg4[%add3A, %dma_wait3A, %dma_wait3A_53] : memref<32x80x128xi32, #tpu.memory_space<hbm>> -> memref<1x40x128xi32, #tpu.memory_space<hbm>>
      %dma_wait3A_55 = tpu.memref_squeeze %dma_wait3A_54 : memref<1x40x128xi32, #tpu.memory_space<hbm>> -> memref<40x128xi32, #tpu.memory_space<hbm>>
      %dma_wait3A_56 = arith.constant 40 : i32
      %dma_wait3A_57 = arith.constant 0 : i32
      %dma_wait3A_58 = tpu.memref_slice %arg4[%add3A, %dma_wait3A_56, %dma_wait3A_57] : memref<32x80x128xi32, #tpu.memory_space<hbm>> -> memref<1x40x128xi32, #tpu.memory_space<hbm>>
      %dma_wait3A_59 = tpu.memref_squeeze %dma_wait3A_58 : memref<1x40x128xi32, #tpu.memory_space<hbm>> -> memref<40x128xi32, #tpu.memory_space<hbm>>
      tpu.wait_dma2 semaphore(%run_scoped3A : memref<!tpu.dma_semaphore, #tpu.memory_space<semaphore_mem>>) src(%dma_wait3A_59 : memref<40x128xi32, #tpu.memory_space<hbm>>) dst(%arg7 : memref<40x128xi32, #tpu.memory_space<vmem>>)
      tpu.yield
    }) : () -> ()
    %dma_start3A_25 = arith.constant 0 : i32
    %dma_start3A_26 = tpu.memref_slice %arg6[%dma_start3A_25] : memref<5120xi32, #tpu.memory_space<vmem>> -> memref<128xi32, #tpu.memory_space<vmem>>
    %dma_start3A_27 = arith.constant 0 : i32
    %dma_start3A_28 = arith.constant 0 : i32
    %dma_start3A_29 = tpu.memref_slice %arg2[%dma_start3A_27, %dma_start3A_28] : memref<10240x128xf32, #tpu.memory_space<hbm>> -> memref<10240x128xf32, #tpu.memory_space<hbm>>
    tpu.enqueue_indirect_dma source(%dma_start3A_29 : memref<10240x128xf32, #tpu.memory_space<hbm>>) target(%arg8 : memref<128x128xf32, #tpu.memory_space<vmem>>) offsets(%dma_start3A_26 : memref<128xi32, #tpu.memory_space<vmem>>) semaphore(%arg11 : memref<!tpu.dma_semaphore, #tpu.memory_space<semaphore_mem>>)
    %scan3A_30 = arith.constant 0 : i32
    %scan3A_31 = arith.constant 0 : i32
    %scan3A_32 = arith.constant 20 : i32
    %scan3A_33 = arith.addi %scan3A_31, %scan3A_32 : i32
    %scan3A_34 = arith.constant 1 : i32
    %scan3A_35 = scf.for %scan3A_45 = %scan3A_31 to %scan3A_33 step %scan3A_34 iter_args(%scan3A_46 = %scan3A_30) -> (i32)  : i32 {
      %mul3A_47 = arith.constant 2 : i32
      %mul3A_48 = arith.muli %scan3A_45, %mul3A_47 : i32
      %add3A_49 = arith.constant 1 : i32
      %add3A_50 = arith.addi %mul3A_48, %add3A_49 : i32
      %mul3A_51 = arith.constant 128 : i32
      %mul3A_52 = arith.muli %add3A_50, %mul3A_51 : i32
      %dma_start3A_53 = tpu.memref_slice %arg6[%mul3A_52] : memref<5120xi32, #tpu.memory_space<vmem>> -> memref<128xi32, #tpu.memory_space<vmem>>
      %dma_start3A_54 = arith.constant 0 : i32
      %dma_start3A_55 = arith.constant 0 : i32
      %dma_start3A_56 = tpu.memref_slice %arg2[%dma_start3A_54, %dma_start3A_55] : memref<10240x128xf32, #tpu.memory_space<hbm>> -> memref<10240x128xf32, #tpu.memory_space<hbm>>
      tpu.enqueue_indirect_dma source(%dma_start3A_56 : memref<10240x128xf32, #tpu.memory_space<hbm>>) target(%arg9 : memref<128x128xf32, #tpu.memory_space<vmem>>) offsets(%dma_start3A_53 : memref<128xi32, #tpu.memory_space<vmem>>) semaphore(%arg12 : memref<!tpu.dma_semaphore, #tpu.memory_space<semaphore_mem>>)
      %mul3A_57 = arith.constant 128 : i32
      %mul3A_58 = arith.muli %mul3A_48, %mul3A_57 : i32
      %dma_wait3A = tpu.memref_slice %arg6[%mul3A_58] : memref<5120xi32, #tpu.memory_space<vmem>> -> memref<128xi32, #tpu.memory_space<vmem>>
      %dma_wait3A_59 = arith.constant 0 : i32
      %dma_wait3A_60 = arith.constant 0 : i32
      %dma_wait3A_61 = tpu.memref_slice %arg2[%dma_wait3A_59, %dma_wait3A_60] : memref<10240x128xf32, #tpu.memory_space<hbm>> -> memref<10240x128xf32, #tpu.memory_space<hbm>>
      tpu.wait_indirect_dma semaphore(%arg11 : memref<!tpu.dma_semaphore, #tpu.memory_space<semaphore_mem>>) src(%dma_wait3A_61 : memref<10240x128xf32, #tpu.memory_space<hbm>>) dst(%arg8 : memref<128x128xf32, #tpu.memory_space<vmem>>)
      "tpu.region"() ({
        %run_scoped3A = tpu.sem_alloc : memref<!tpu.dma_semaphore, #tpu.memory_space<semaphore_mem>>
        %dma_start3A_75 = arith.constant 0 : i32
        %dma_start3A_76 = tpu.memref_slice %arg7[%mul3A_48, %dma_start3A_75] : memref<40x128xi32, #tpu.memory_space<vmem>> -> memref<1x128xi32, #tpu.memory_space<vmem>>
        %dma_start3A_77 = tpu.memref_squeeze %dma_start3A_76 : memref<1x128xi32, #tpu.memory_space<vmem>> -> memref<128xi32, #tpu.memory_space<vmem>>
        %dma_start3A_78 = arith.constant 0 : i32
        %dma_start3A_79 = arith.constant 0 : i32
        %dma_start3A_80 = tpu.memref_slice %arg10[%dma_start3A_78, %dma_start3A_79] : memref<10240x128xf32, #tpu.memory_space<vmem_shared>> -> memref<10240x128xf32, #tpu.memory_space<vmem_shared>>
        tpu.enqueue_indirect_dma source(%arg8 : memref<128x128xf32, #tpu.memory_space<vmem>>) target(%dma_start3A_80 : memref<10240x128xf32, #tpu.memory_space<vmem_shared>>) offsets(%dma_start3A_77 : memref<128xi32, #tpu.memory_space<vmem>>) semaphore(%run_scoped3A : memref<!tpu.dma_semaphore, #tpu.memory_space<semaphore_mem>>) {add = true}
        %dma_wait3A_81 = arith.constant 0 : i32
        %dma_wait3A_82 = tpu.memref_slice %arg7[%mul3A_48, %dma_wait3A_81] : memref<40x128xi32, #tpu.memory_space<vmem>> -> memref<1x128xi32, #tpu.memory_space<vmem>>
        %dma_wait3A_83 = tpu.memref_squeeze %dma_wait3A_82 : memref<1x128xi32, #tpu.memory_space<vmem>> -> memref<128xi32, #tpu.memory_space<vmem>>
        %dma_wait3A_84 = arith.constant 0 : i32
        %dma_wait3A_85 = arith.constant 0 : i32
        %dma_wait3A_86 = tpu.memref_slice %arg10[%dma_wait3A_84, %dma_wait3A_85] : memref<10240x128xf32, #tpu.memory_space<vmem_shared>> -> memref<10240x128xf32, #tpu.memory_space<vmem_shared>>
        tpu.wait_indirect_dma semaphore(%run_scoped3A : memref<!tpu.dma_semaphore, #tpu.memory_space<semaphore_mem>>) src(%arg8 : memref<128x128xf32, #tpu.memory_space<vmem>>) dst(%dma_wait3A_86 : memref<10240x128xf32, #tpu.memory_space<vmem_shared>>)
        tpu.yield
      }) : () -> ()
      %lt3A = arith.constant 19 : i32
      %lt3A_62 = arith.cmpi slt, %scan3A_45, %lt3A : i32
      %convert_element_type3A = arith.extui %lt3A_62 : i1 to i32
      %cond3A = arith.constant 0 : i32
      %cond3A_63 = arith.cmpi ne, %convert_element_type3A, %cond3A : i32
      scf.if %cond3A_63 {
        %add3A_75 = arith.constant 2 : i32
        %add3A_76 = arith.addi %mul3A_48, %add3A_75 : i32
        %mul3A_77 = arith.constant 128 : i32
        %mul3A_78 = arith.muli %add3A_76, %mul3A_77 : i32
        %dma_start3A_79 = tpu.memref_slice %arg6[%mul3A_78] : memref<5120xi32, #tpu.memory_space<vmem>> -> memref<128xi32, #tpu.memory_space<vmem>>
        %dma_start3A_80 = arith.constant 0 : i32
        %dma_start3A_81 = arith.constant 0 : i32
        %dma_start3A_82 = tpu.memref_slice %arg2[%dma_start3A_80, %dma_start3A_81] : memref<10240x128xf32, #tpu.memory_space<hbm>> -> memref<10240x128xf32, #tpu.memory_space<hbm>>
        tpu.enqueue_indirect_dma source(%dma_start3A_82 : memref<10240x128xf32, #tpu.memory_space<hbm>>) target(%arg8 : memref<128x128xf32, #tpu.memory_space<vmem>>) offsets(%dma_start3A_79 : memref<128xi32, #tpu.memory_space<vmem>>) semaphore(%arg11 : memref<!tpu.dma_semaphore, #tpu.memory_space<semaphore_mem>>)
      } else {
      }
      %add3A_64 = arith.constant 1 : i32
      %add3A_65 = arith.addi %mul3A_48, %add3A_64 : i32
      %mul3A_66 = arith.constant 128 : i32
      %mul3A_67 = arith.muli %add3A_65, %mul3A_66 : i32
      %dma_wait3A_68 = tpu.memref_slice %arg6[%mul3A_67] : memref<5120xi32, #tpu.memory_space<vmem>> -> memref<128xi32, #tpu.memory_space<vmem>>
      %dma_wait3A_69 = arith.constant 0 : i32
      %dma_wait3A_70 = arith.constant 0 : i32
      %dma_wait3A_71 = tpu.memref_slice %arg2[%dma_wait3A_69, %dma_wait3A_70] : memref<10240x128xf32, #tpu.memory_space<hbm>> -> memref<10240x128xf32, #tpu.memory_space<hbm>>
      tpu.wait_indirect_dma semaphore(%arg12 : memref<!tpu.dma_semaphore, #tpu.memory_space<semaphore_mem>>) src(%dma_wait3A_71 : memref<10240x128xf32, #tpu.memory_space<hbm>>) dst(%arg9 : memref<128x128xf32, #tpu.memory_space<vmem>>)
      %add3A_72 = arith.constant 1 : i32
      %add3A_73 = arith.addi %mul3A_48, %add3A_72 : i32
      "tpu.region"() ({
        %run_scoped3A = tpu.sem_alloc : memref<!tpu.dma_semaphore, #tpu.memory_space<semaphore_mem>>
        %dma_start3A_75 = arith.constant 0 : i32
        %dma_start3A_76 = tpu.memref_slice %arg7[%add3A_73, %dma_start3A_75] : memref<40x128xi32, #tpu.memory_space<vmem>> -> memref<1x128xi32, #tpu.memory_space<vmem>>
        %dma_start3A_77 = tpu.memref_squeeze %dma_start3A_76 : memref<1x128xi32, #tpu.memory_space<vmem>> -> memref<128xi32, #tpu.memory_space<vmem>>
        %dma_start3A_78 = arith.constant 0 : i32
        %dma_start3A_79 = arith.constant 0 : i32
        %dma_start3A_80 = tpu.memref_slice %arg10[%dma_start3A_78, %dma_start3A_79] : memref<10240x128xf32, #tpu.memory_space<vmem_shared>> -> memref<10240x128xf32, #tpu.memory_space<vmem_shared>>
        tpu.enqueue_indirect_dma source(%arg9 : memref<128x128xf32, #tpu.memory_space<vmem>>) target(%dma_start3A_80 : memref<10240x128xf32, #tpu.memory_space<vmem_shared>>) offsets(%dma_start3A_77 : memref<128xi32, #tpu.memory_space<vmem>>) semaphore(%run_scoped3A : memref<!tpu.dma_semaphore, #tpu.memory_space<semaphore_mem>>) {add = true}
        %dma_wait3A_81 = arith.constant 0 : i32
        %dma_wait3A_82 = tpu.memref_slice %arg7[%add3A_73, %dma_wait3A_81] : memref<40x128xi32, #tpu.memory_space<vmem>> -> memref<1x128xi32, #tpu.memory_space<vmem>>
        %dma_wait3A_83 = tpu.memref_squeeze %dma_wait3A_82 : memref<1x128xi32, #tpu.memory_space<vmem>> -> memref<128xi32, #tpu.memory_space<vmem>>
        %dma_wait3A_84 = arith.constant 0 : i32
        %dma_wait3A_85 = arith.constant 0 : i32
        %dma_wait3A_86 = tpu.memref_slice %arg10[%dma_wait3A_84, %dma_wait3A_85] : memref<10240x128xf32, #tpu.memory_space<vmem_shared>> -> memref<10240x128xf32, #tpu.memory_space<vmem_shared>>
        tpu.wait_indirect_dma semaphore(%run_scoped3A : memref<!tpu.dma_semaphore, #tpu.memory_space<semaphore_mem>>) src(%arg9 : memref<128x128xf32, #tpu.memory_space<vmem>>) dst(%dma_wait3A_86 : memref<10240x128xf32, #tpu.memory_space<vmem_shared>>)
        tpu.yield
      }) : () -> ()
      %scan3A_74 = arith.constant 0 : i32
      scf.yield %scan3A_74 : i32
    }
    %scan3A_36 = arith.constant 20 : i32
    %barrier3A_37 = arith.constant 0 : index
    tpu.barrier barrier_id(%barrier3A_37)
    %scan3A_38 = arith.constant 0 : i32
    %scan3A_39 = arith.constant 0 : i32
    %scan3A_40 = arith.constant 5 : i32
    %scan3A_41 = arith.addi %scan3A_39, %scan3A_40 : i32
    %scan3A_42 = arith.constant 1 : i32
    %scan3A_43 = scf.for %scan3A_45 = %scan3A_39 to %scan3A_41 step %scan3A_42 iter_args(%scan3A_46 = %scan3A_38) -> (i32)  : i32 {
      %mul3A_47 = arith.constant 640 : i32
      %mul3A_48 = arith.muli %arg1, %mul3A_47 : i32
      %mul3A_49 = arith.constant 128 : i32
      %mul3A_50 = arith.muli %scan3A_45, %mul3A_49 : i32
      %add3A_51 = arith.addi %mul3A_48, %mul3A_50 : i32
      "tpu.region"() ({
        %run_scoped3A = tpu.sem_alloc : memref<!tpu.dma_semaphore, #tpu.memory_space<semaphore_mem>>
        %dma_start3A_53 = arith.constant 0 : i32
        %dma_start3A_54 = tpu.memref_slice %arg5[%arg0, %add3A_51, %dma_start3A_53] : memref<2x10240x128xf32, #tpu.memory_space<hbm>> -> memref<1x128x128xf32, #tpu.memory_space<hbm>>
        %dma_start3A_55 = tpu.memref_squeeze %dma_start3A_54 : memref<1x128x128xf32, #tpu.memory_space<hbm>> -> memref<128x128xf32, #tpu.memory_space<hbm>>
        %dma_start3A_56 = arith.constant 0 : i32
        %dma_start3A_57 = tpu.memref_slice %arg10[%add3A_51, %dma_start3A_56] : memref<10240x128xf32, #tpu.memory_space<vmem_shared>> -> memref<128x128xf32, #tpu.memory_space<vmem_shared>>
        tpu.enqueue_dma source(%dma_start3A_57 : memref<128x128xf32, #tpu.memory_space<vmem_shared>>) target(%dma_start3A_55 : memref<128x128xf32, #tpu.memory_space<hbm>>) target_semaphore(%run_scoped3A : memref<!tpu.dma_semaphore, #tpu.memory_space<semaphore_mem>>)
        %dma_wait3A = arith.constant 0 : i32
        %dma_wait3A_58 = tpu.memref_slice %arg5[%arg0, %add3A_51, %dma_wait3A] : memref<2x10240x128xf32, #tpu.memory_space<hbm>> -> memref<1x128x128xf32, #tpu.memory_space<hbm>>
        %dma_wait3A_59 = tpu.memref_squeeze %dma_wait3A_58 : memref<1x128x128xf32, #tpu.memory_space<hbm>> -> memref<128x128xf32, #tpu.memory_space<hbm>>
        %dma_wait3A_60 = arith.constant 0 : i32
        %dma_wait3A_61 = tpu.memref_slice %arg10[%add3A_51, %dma_wait3A_60] : memref<10240x128xf32, #tpu.memory_space<vmem_shared>> -> memref<128x128xf32, #tpu.memory_space<vmem_shared>>
        tpu.wait_dma2 semaphore(%run_scoped3A : memref<!tpu.dma_semaphore, #tpu.memory_space<semaphore_mem>>) src(%dma_wait3A_61 : memref<128x128xf32, #tpu.memory_space<vmem_shared>>) dst(%dma_wait3A_59 : memref<128x128xf32, #tpu.memory_space<hbm>>)
        tpu.yield
      }) : () -> ()
      %scan3A_52 = arith.constant 0 : i32
      scf.yield %scan3A_52 : i32
    }
    %scan3A_44 = arith.constant 5 : i32
    return
  }
}

module attributes {stable_mosaic.version = 14 : i64} {
  func.func @_tc_pre_body(%arg0: i32, %arg1: memref<1280x128xf32, #tpu.memory_space<vmem>>, %arg2: memref<2x1280x8xf32, #tpu.memory_space<vmem>>, %arg3: memref<128x128xf32, #tpu.memory_space<vmem>>, %arg4: memref<1x128xf32, #tpu.memory_space<vmem>>, %arg5: memref<1280x128xf32, #tpu.memory_space<vmem>>) attributes {dimension_semantics = [#tpu.dimension_semantics<arbitrary>], iteration_bounds = array<i64: 8>, scalar_prefetch = 0 : i64, scratch_operands = 0 : i64, tpu.core_type = #tpu.core_type<tc>, window_params = [{transform_indices = @transform_0, window_bounds = array<i64: 1280, 128>}, {transform_indices = @transform_1, window_bounds = array<i64: 2, 1280, 8>}, {pipeline_mode = #tpu.pipeline_mode<synchronous>, transform_indices = @transform_2, window_bounds = array<i64: 128, 128>}, {pipeline_mode = #tpu.pipeline_mode<synchronous>, transform_indices = @transform_3, window_bounds = array<i64: 1, 128>}, {transform_indices = @transform_4, window_bounds = array<i64: 1280, 128>}]} {
    %get3A = arith.constant 0 : index
    %get3A_0 = arith.constant 0 : index
    %get3A_1 = arith.constant 0 : index
    %get3A_2 = vector.load %arg2[%get3A, %get3A_0, %get3A_1] : memref<2x1280x8xf32, #tpu.memory_space<vmem>>, vector<2x1280x8xf32>
    %slice3A = vector.extract_strided_slice %get3A_2 {offsets = [0, 0, 0], sizes = [1, 1280, 1], strides = [1, 1, 1]} : vector<2x1280x8xf32> to vector<1x1280x1xf32>
    %squeeze3A = vector.shape_cast %slice3A : vector<1x1280x1xf32> to vector<1280x1xf32>
    %slice3A_3 = vector.extract_strided_slice %get3A_2 {offsets = [1, 0, 0], sizes = [1, 1280, 1], strides = [1, 1, 1]} : vector<2x1280x8xf32> to vector<1x1280x1xf32>
    %squeeze3A_4 = vector.shape_cast %slice3A_3 : vector<1x1280x1xf32> to vector<1280x1xf32>
    %add3A = arith.addf %squeeze3A, %squeeze3A_4 : vector<1280x1xf32>
    %gt3A = arith.constant 0.000000e+00 : f32
    %gt3A_5 = vector.broadcast %gt3A : f32 to vector<1280x1xf32>
    %gt3A_6 = arith.cmpf ogt, %add3A, %gt3A_5 : vector<1280x1xf32>
    %jit3A = arith.constant 1.000000e+00 : f32
    %max3A = vector.broadcast %jit3A : f32 to vector<1280x1xf32>
    %max3A_7 = arith.maximumf %max3A, %add3A : vector<1280x1xf32>
    %sqrt3A = math.sqrt %max3A_7 : vector<1280x1xf32>
    %div3A = arith.constant 1.000000e+00 : f32
    %div3A_8 = vector.broadcast %div3A : f32 to vector<1280x1xf32>
    %div3A_9 = arith.divf %div3A_8, %sqrt3A : vector<1280x1xf32>
    %jit3A_10 = arith.constant 0.000000e+00 : f32
    %broadcast_in_dim3A = vector.broadcast %jit3A_10 : f32 to vector<1280x1xf32>
    %select_n3A = arith.select %gt3A_6, %div3A_9, %broadcast_in_dim3A : vector<1280x1xi1>, vector<1280x1xf32>
    %get3A_11 = arith.constant 0 : index
    %get3A_12 = arith.constant 0 : index
    %get3A_13 = vector.load %arg1[%get3A_11, %get3A_12] : memref<1280x128xf32, #tpu.memory_space<vmem>>, vector<1280x128xf32>
    %mul3A = arith.mulf %get3A_13, %get3A_13 : vector<1280x128xf32>
    %reduce_sum3A = arith.constant dense<0.000000e+00> : vector<1280xf32>
    %reduce_sum3A_14 = vector.multi_reduction <add>, %mul3A, %reduce_sum3A [1] : vector<1280x128xf32> to vector<1280xf32>
    %broadcast_in_dim3A_15 = vector.shape_cast %reduce_sum3A_14 : vector<1280xf32> to vector<1280x1xf32>
    %sqrt3A_16 = math.sqrt %broadcast_in_dim3A_15 : vector<1280x1xf32>
    %jit3A_17 = arith.constant 1.000000e-07 : f32
    %max3A_18 = vector.broadcast %jit3A_17 : f32 to vector<1280x1xf32>
    %max3A_19 = arith.maximumf %max3A_18, %sqrt3A_16 : vector<1280x1xf32>
    %tanh3A = math.tanh %max3A_19 : vector<1280x1xf32>
    %mul3A_20 = vector.broadcast %tanh3A : vector<1280x1xf32> to vector<1280x128xf32>
    %mul3A_21 = arith.mulf %mul3A_20, %get3A_13 : vector<1280x128xf32>
    %div3A_22 = vector.broadcast %max3A_19 : vector<1280x1xf32> to vector<1280x128xf32>
    %div3A_23 = arith.divf %mul3A_21, %div3A_22 : vector<1280x128xf32>
    %mul3A_24 = arith.mulf %div3A_23, %div3A_23 : vector<1280x128xf32>
    %reduce_sum3A_25 = arith.constant dense<0.000000e+00> : vector<1280xf32>
    %reduce_sum3A_26 = vector.multi_reduction <add>, %mul3A_24, %reduce_sum3A_25 [1] : vector<1280x128xf32> to vector<1280xf32>
    %broadcast_in_dim3A_27 = vector.shape_cast %reduce_sum3A_26 : vector<1280xf32> to vector<1280x1xf32>
    %sqrt3A_28 = math.sqrt %broadcast_in_dim3A_27 : vector<1280x1xf32>
    %jit3A_29 = arith.constant 1.000000e-07 : f32
    %max3A_30 = vector.broadcast %jit3A_29 : f32 to vector<1280x1xf32>
    %max3A_31 = arith.maximumf %max3A_30, %sqrt3A_28 : vector<1280x1xf32>
    %gt3A_32 = arith.constant 9.990000e-01 : f32
    %gt3A_33 = vector.broadcast %gt3A_32 : f32 to vector<1280x1xf32>
    %gt3A_34 = arith.cmpf ogt, %max3A_31, %gt3A_33 : vector<1280x1xf32>
    %div3A_35 = vector.broadcast %max3A_31 : vector<1280x1xf32> to vector<1280x128xf32>
    %div3A_36 = arith.divf %div3A_23, %div3A_35 : vector<1280x128xf32>
    %mul3A_37 = arith.constant 9.990000e-01 : f32
    %mul3A_38 = vector.broadcast %mul3A_37 : f32 to vector<1280x128xf32>
    %mul3A_39 = arith.mulf %div3A_36, %mul3A_38 : vector<1280x128xf32>
    %broadcast_in_dim3A_40 = vector.shape_cast %gt3A_34 : vector<1280x1xi1> to vector<1280x1xi1>
    %broadcast_in_dim3A_41 = vector.broadcast %broadcast_in_dim3A_40 : vector<1280x1xi1> to vector<1280x128xi1>
    %select_n3A_42 = arith.select %broadcast_in_dim3A_41, %mul3A_39, %div3A_23 : vector<1280x128xi1>, vector<1280x128xf32>
    %get3A_43 = arith.constant 0 : index
    %get3A_44 = arith.constant 0 : index
    %get3A_45 = vector.load %arg3[%get3A_43, %get3A_44] : memref<128x128xf32, #tpu.memory_space<vmem>>, vector<128x128xf32>
    %get3A_46 = arith.constant 0 : index
    %get3A_47 = arith.constant 0 : index
    %get3A_48 = vector.load %arg4[%get3A_46, %get3A_47] : memref<1x128xf32, #tpu.memory_space<vmem>>, vector<1x128xf32>
    %mul3A_49 = arith.mulf %select_n3A_42, %select_n3A_42 : vector<1280x128xf32>
    %reduce_sum3A_50 = arith.constant dense<0.000000e+00> : vector<1280xf32>
    %reduce_sum3A_51 = vector.multi_reduction <add>, %mul3A_49, %reduce_sum3A_50 [1] : vector<1280x128xf32> to vector<1280xf32>
    %broadcast_in_dim3A_52 = vector.shape_cast %reduce_sum3A_51 : vector<1280xf32> to vector<1280x1xf32>
    %sqrt3A_53 = math.sqrt %broadcast_in_dim3A_52 : vector<1280x1xf32>
    %jit3A_54 = arith.constant 1.000000e-07 : f32
    %max3A_55 = vector.broadcast %jit3A_54 : f32 to vector<1280x1xf32>
    %max3A_56 = arith.maximumf %max3A_55, %sqrt3A_53 : vector<1280x1xf32>
    %dot_general3A = arith.constant dense<0.000000e+00> : vector<1280x128xf32>
    %dot_general3A_57 = tpu.matmul %select_n3A_42, %get3A_45, %dot_general3A {dimension_numbers = #tpu.dot_dimension_numbers<[1], [1], [0], [0], [0, 0, 1, 0], [], []>, transpose_lhs_hint = false} : vector<1280x128xf32>, vector<128x128xf32>, vector<1280x128xf32> -> vector<1280x128xf32>
    %mul3A_58 = arith.mulf %dot_general3A_57, %dot_general3A_57 : vector<1280x128xf32>
    %reduce_sum3A_59 = arith.constant dense<0.000000e+00> : vector<1280xf32>
    %reduce_sum3A_60 = vector.multi_reduction <add>, %mul3A_58, %reduce_sum3A_59 [1] : vector<1280x128xf32> to vector<1280xf32>
    %broadcast_in_dim3A_61 = vector.shape_cast %reduce_sum3A_60 : vector<1280xf32> to vector<1280x1xf32>
    %sqrt3A_62 = math.sqrt %broadcast_in_dim3A_61 : vector<1280x1xf32>
    %jit3A_63 = arith.constant 1.000000e-07 : f32
    %max3A_64 = vector.broadcast %jit3A_63 : f32 to vector<1280x1xf32>
    %max3A_65 = arith.maximumf %max3A_64, %sqrt3A_62 : vector<1280x1xf32>
    %div3A_66 = arith.divf %max3A_65, %max3A_56 : vector<1280x1xf32>
    %jit3A_67 = arith.constant -0.99999988 : f32
    %jit3A_68 = arith.constant 0.99999988 : f32
    %max3A_69 = vector.broadcast %jit3A_67 : f32 to vector<1280x1xf32>
    %max3A_70 = arith.maximumf %max3A_69, %max3A_56 : vector<1280x1xf32>
    %min3A = vector.broadcast %jit3A_68 : f32 to vector<1280x1xf32>
    %min3A_71 = arith.minimumf %min3A, %max3A_70 : vector<1280x1xf32>
    %add3A_72 = arith.constant 1.000000e+00 : f32
    %add3A_73 = vector.broadcast %add3A_72 : f32 to vector<1280x1xf32>
    %add3A_74 = arith.addf %add3A_73, %min3A_71 : vector<1280x1xf32>
    %sub3A = arith.constant 1.000000e+00 : f32
    %sub3A_75 = vector.broadcast %sub3A : f32 to vector<1280x1xf32>
    %sub3A_76 = arith.subf %sub3A_75, %min3A_71 : vector<1280x1xf32>
    %div3A_77 = arith.divf %add3A_74, %sub3A_76 : vector<1280x1xf32>
    %log3A = math.log %div3A_77 : vector<1280x1xf32>
    %mul3A_78 = arith.constant 5.000000e-01 : f32
    %mul3A_79 = vector.broadcast %mul3A_78 : f32 to vector<1280x1xf32>
    %mul3A_80 = arith.mulf %mul3A_79, %log3A : vector<1280x1xf32>
    %mul3A_81 = arith.mulf %div3A_66, %mul3A_80 : vector<1280x1xf32>
    %tanh3A_82 = math.tanh %mul3A_81 : vector<1280x1xf32>
    %mul3A_83 = vector.broadcast %tanh3A_82 : vector<1280x1xf32> to vector<1280x128xf32>
    %mul3A_84 = arith.mulf %mul3A_83, %dot_general3A_57 : vector<1280x128xf32>
    %div3A_85 = vector.broadcast %max3A_65 : vector<1280x1xf32> to vector<1280x128xf32>
    %div3A_86 = arith.divf %mul3A_84, %div3A_85 : vector<1280x128xf32>
    %mul3A_87 = arith.mulf %div3A_86, %div3A_86 : vector<1280x128xf32>
    %reduce_sum3A_88 = arith.constant dense<0.000000e+00> : vector<1280xf32>
    %reduce_sum3A_89 = vector.multi_reduction <add>, %mul3A_87, %reduce_sum3A_88 [1] : vector<1280x128xf32> to vector<1280xf32>
    %broadcast_in_dim3A_90 = vector.shape_cast %reduce_sum3A_89 : vector<1280xf32> to vector<1280x1xf32>
    %sqrt3A_91 = math.sqrt %broadcast_in_dim3A_90 : vector<1280x1xf32>
    %jit3A_92 = arith.constant 1.000000e-07 : f32
    %max3A_93 = vector.broadcast %jit3A_92 : f32 to vector<1280x1xf32>
    %max3A_94 = arith.maximumf %max3A_93, %sqrt3A_91 : vector<1280x1xf32>
    %gt3A_95 = arith.constant 9.990000e-01 : f32
    %gt3A_96 = vector.broadcast %gt3A_95 : f32 to vector<1280x1xf32>
    %gt3A_97 = arith.cmpf ogt, %max3A_94, %gt3A_96 : vector<1280x1xf32>
    %div3A_98 = vector.broadcast %max3A_94 : vector<1280x1xf32> to vector<1280x128xf32>
    %div3A_99 = arith.divf %div3A_86, %div3A_98 : vector<1280x128xf32>
    %mul3A_100 = arith.constant 9.990000e-01 : f32
    %mul3A_101 = vector.broadcast %mul3A_100 : f32 to vector<1280x128xf32>
    %mul3A_102 = arith.mulf %div3A_99, %mul3A_101 : vector<1280x128xf32>
    %broadcast_in_dim3A_103 = vector.shape_cast %gt3A_97 : vector<1280x1xi1> to vector<1280x1xi1>
    %broadcast_in_dim3A_104 = vector.broadcast %broadcast_in_dim3A_103 : vector<1280x1xi1> to vector<1280x128xi1>
    %select_n3A_105 = arith.select %broadcast_in_dim3A_104, %mul3A_102, %div3A_86 : vector<1280x128xi1>, vector<1280x128xf32>
    %mul3A_106 = arith.mulf %get3A_48, %get3A_48 : vector<1x128xf32>
    %reduce_sum3A_107 = arith.constant dense<0.000000e+00> : vector<1xf32>
    %reduce_sum3A_108 = vector.multi_reduction <add>, %mul3A_106, %reduce_sum3A_107 [1] : vector<1x128xf32> to vector<1xf32>
    %broadcast_in_dim3A_109 = vector.shape_cast %reduce_sum3A_108 : vector<1xf32> to vector<1x1xf32>
    %sqrt3A_110 = math.sqrt %broadcast_in_dim3A_109 : vector<1x1xf32>
    %jit3A_111 = arith.constant 1.000000e-07 : f32
    %max3A_112 = vector.broadcast %jit3A_111 : f32 to vector<1x1xf32>
    %max3A_113 = arith.maximumf %max3A_112, %sqrt3A_110 : vector<1x1xf32>
    %tanh3A_114 = math.tanh %max3A_113 : vector<1x1xf32>
    %mul3A_115 = vector.broadcast %tanh3A_114 : vector<1x1xf32> to vector<1x128xf32>
    %mul3A_116 = arith.mulf %mul3A_115, %get3A_48 : vector<1x128xf32>
    %div3A_117 = vector.broadcast %max3A_113 : vector<1x1xf32> to vector<1x128xf32>
    %div3A_118 = arith.divf %mul3A_116, %div3A_117 : vector<1x128xf32>
    %mul3A_119 = arith.mulf %div3A_118, %div3A_118 : vector<1x128xf32>
    %reduce_sum3A_120 = arith.constant dense<0.000000e+00> : vector<1xf32>
    %reduce_sum3A_121 = vector.multi_reduction <add>, %mul3A_119, %reduce_sum3A_120 [1] : vector<1x128xf32> to vector<1xf32>
    %broadcast_in_dim3A_122 = vector.shape_cast %reduce_sum3A_121 : vector<1xf32> to vector<1x1xf32>
    %sqrt3A_123 = math.sqrt %broadcast_in_dim3A_122 : vector<1x1xf32>
    %jit3A_124 = arith.constant 1.000000e-07 : f32
    %max3A_125 = vector.broadcast %jit3A_124 : f32 to vector<1x1xf32>
    %max3A_126 = arith.maximumf %max3A_125, %sqrt3A_123 : vector<1x1xf32>
    %gt3A_127 = arith.constant 9.990000e-01 : f32
    %gt3A_128 = vector.broadcast %gt3A_127 : f32 to vector<1x1xf32>
    %gt3A_129 = arith.cmpf ogt, %max3A_126, %gt3A_128 : vector<1x1xf32>
    %div3A_130 = vector.broadcast %max3A_126 : vector<1x1xf32> to vector<1x128xf32>
    %div3A_131 = arith.divf %div3A_118, %div3A_130 : vector<1x128xf32>
    %mul3A_132 = arith.constant 9.990000e-01 : f32
    %mul3A_133 = vector.broadcast %mul3A_132 : f32 to vector<1x128xf32>
    %mul3A_134 = arith.mulf %div3A_131, %mul3A_133 : vector<1x128xf32>
    %broadcast_in_dim3A_135 = vector.shape_cast %gt3A_129 : vector<1x1xi1> to vector<1x1xi1>
    %broadcast_in_dim3A_136 = vector.broadcast %broadcast_in_dim3A_135 : vector<1x1xi1> to vector<1x128xi1>
    %select_n3A_137 = arith.select %broadcast_in_dim3A_136, %mul3A_134, %div3A_118 : vector<1x128xi1>, vector<1x128xf32>
    %mul3A_138 = arith.mulf %select_n3A_105, %select_n3A_105 : vector<1280x128xf32>
    %reduce_sum3A_139 = arith.constant dense<0.000000e+00> : vector<1280xf32>
    %reduce_sum3A_140 = vector.multi_reduction <add>, %mul3A_138, %reduce_sum3A_139 [1] : vector<1280x128xf32> to vector<1280xf32>
    %broadcast_in_dim3A_141 = vector.shape_cast %reduce_sum3A_140 : vector<1280xf32> to vector<1280x1xf32>
    %mul3A_142 = arith.mulf %select_n3A_137, %select_n3A_137 : vector<1x128xf32>
    %reduce_sum3A_143 = arith.constant dense<0.000000e+00> : vector<1xf32>
    %reduce_sum3A_144 = vector.multi_reduction <add>, %mul3A_142, %reduce_sum3A_143 [1] : vector<1x128xf32> to vector<1xf32>
    %broadcast_in_dim3A_145 = vector.shape_cast %reduce_sum3A_144 : vector<1xf32> to vector<1x1xf32>
    %mul3A_146 = vector.broadcast %select_n3A_137 : vector<1x128xf32> to vector<1280x128xf32>
    %mul3A_147 = arith.mulf %select_n3A_105, %mul3A_146 : vector<1280x128xf32>
    %reduce_sum3A_148 = arith.constant dense<0.000000e+00> : vector<1280xf32>
    %reduce_sum3A_149 = vector.multi_reduction <add>, %mul3A_147, %reduce_sum3A_148 [1] : vector<1280x128xf32> to vector<1280xf32>
    %broadcast_in_dim3A_150 = vector.shape_cast %reduce_sum3A_149 : vector<1280xf32> to vector<1280x1xf32>
    %mul3A_151 = arith.constant 2.000000e+00 : f32
    %mul3A_152 = vector.broadcast %mul3A_151 : f32 to vector<1280x1xf32>
    %mul3A_153 = arith.mulf %mul3A_152, %broadcast_in_dim3A_150 : vector<1280x1xf32>
    %add3A_154 = arith.constant 1.000000e+00 : f32
    %add3A_155 = vector.broadcast %add3A_154 : f32 to vector<1280x1xf32>
    %add3A_156 = arith.addf %add3A_155, %mul3A_153 : vector<1280x1xf32>
    %add3A_157 = vector.broadcast %broadcast_in_dim3A_145 : vector<1x1xf32> to vector<1280x1xf32>
    %add3A_158 = arith.addf %add3A_156, %add3A_157 : vector<1280x1xf32>
    %mul3A_159 = vector.broadcast %add3A_158 : vector<1280x1xf32> to vector<1280x128xf32>
    %mul3A_160 = arith.mulf %mul3A_159, %select_n3A_105 : vector<1280x128xf32>
    %sub3A_161 = arith.constant 1.000000e+00 : f32
    %sub3A_162 = vector.broadcast %sub3A_161 : f32 to vector<1280x1xf32>
    %sub3A_163 = arith.subf %sub3A_162, %broadcast_in_dim3A_141 : vector<1280x1xf32>
    %mul3A_164 = vector.broadcast %sub3A_163 : vector<1280x1xf32> to vector<1280x128xf32>
    %mul3A_165 = vector.broadcast %select_n3A_137 : vector<1x128xf32> to vector<1280x128xf32>
    %mul3A_166 = arith.mulf %mul3A_164, %mul3A_165 : vector<1280x128xf32>
    %add3A_167 = arith.addf %mul3A_160, %mul3A_166 : vector<1280x128xf32>
    %mul3A_168 = arith.constant 2.000000e+00 : f32
    %mul3A_169 = vector.broadcast %mul3A_168 : f32 to vector<1280x1xf32>
    %mul3A_170 = arith.mulf %mul3A_169, %broadcast_in_dim3A_150 : vector<1280x1xf32>
    %add3A_171 = arith.constant 1.000000e+00 : f32
    %add3A_172 = vector.broadcast %add3A_171 : f32 to vector<1280x1xf32>
    %add3A_173 = arith.addf %add3A_172, %mul3A_170 : vector<1280x1xf32>
    %mul3A_174 = vector.broadcast %broadcast_in_dim3A_145 : vector<1x1xf32> to vector<1280x1xf32>
    %mul3A_175 = arith.mulf %broadcast_in_dim3A_141, %mul3A_174 : vector<1280x1xf32>
    %add3A_176 = arith.addf %add3A_173, %mul3A_175 : vector<1280x1xf32>
    %jit3A_177 = arith.constant 1.000000e-15 : f32
    %max3A_178 = vector.broadcast %jit3A_177 : f32 to vector<1280x1xf32>
    %max3A_179 = arith.maximumf %max3A_178, %add3A_176 : vector<1280x1xf32>
    %div3A_180 = vector.broadcast %max3A_179 : vector<1280x1xf32> to vector<1280x128xf32>
    %div3A_181 = arith.divf %add3A_167, %div3A_180 : vector<1280x128xf32>
    %mul3A_182 = arith.mulf %div3A_181, %div3A_181 : vector<1280x128xf32>
    %reduce_sum3A_183 = arith.constant dense<0.000000e+00> : vector<1280xf32>
    %reduce_sum3A_184 = vector.multi_reduction <add>, %mul3A_182, %reduce_sum3A_183 [1] : vector<1280x128xf32> to vector<1280xf32>
    %broadcast_in_dim3A_185 = vector.shape_cast %reduce_sum3A_184 : vector<1280xf32> to vector<1280x1xf32>
    %sqrt3A_186 = math.sqrt %broadcast_in_dim3A_185 : vector<1280x1xf32>
    %jit3A_187 = arith.constant 1.000000e-07 : f32
    %max3A_188 = vector.broadcast %jit3A_187 : f32 to vector<1280x1xf32>
    %max3A_189 = arith.maximumf %max3A_188, %sqrt3A_186 : vector<1280x1xf32>
    %gt3A_190 = arith.constant 9.990000e-01 : f32
    %gt3A_191 = vector.broadcast %gt3A_190 : f32 to vector<1280x1xf32>
    %gt3A_192 = arith.cmpf ogt, %max3A_189, %gt3A_191 : vector<1280x1xf32>
    %div3A_193 = vector.broadcast %max3A_189 : vector<1280x1xf32> to vector<1280x128xf32>
    %div3A_194 = arith.divf %div3A_181, %div3A_193 : vector<1280x128xf32>
    %mul3A_195 = arith.constant 9.990000e-01 : f32
    %mul3A_196 = vector.broadcast %mul3A_195 : f32 to vector<1280x128xf32>
    %mul3A_197 = arith.mulf %div3A_194, %mul3A_196 : vector<1280x128xf32>
    %broadcast_in_dim3A_198 = vector.shape_cast %gt3A_192 : vector<1280x1xi1> to vector<1280x1xi1>
    %broadcast_in_dim3A_199 = vector.broadcast %broadcast_in_dim3A_198 : vector<1280x1xi1> to vector<1280x128xi1>
    %select_n3A_200 = arith.select %broadcast_in_dim3A_199, %mul3A_197, %div3A_181 : vector<1280x128xi1>, vector<1280x128xf32>
    %mul3A_201 = arith.mulf %select_n3A_200, %select_n3A_200 : vector<1280x128xf32>
    %reduce_sum3A_202 = arith.constant dense<0.000000e+00> : vector<1280xf32>
    %reduce_sum3A_203 = vector.multi_reduction <add>, %mul3A_201, %reduce_sum3A_202 [1] : vector<1280x128xf32> to vector<1280xf32>
    %broadcast_in_dim3A_204 = vector.shape_cast %reduce_sum3A_203 : vector<1280xf32> to vector<1280x1xf32>
    %sqrt3A_205 = math.sqrt %broadcast_in_dim3A_204 : vector<1280x1xf32>
    %jit3A_206 = arith.constant 1.000000e-07 : f32
    %max3A_207 = vector.broadcast %jit3A_206 : f32 to vector<1280x1xf32>
    %max3A_208 = arith.maximumf %max3A_207, %sqrt3A_205 : vector<1280x1xf32>
    %jit3A_209 = arith.constant -0.99999988 : f32
    %jit3A_210 = arith.constant 0.99999988 : f32
    %max3A_211 = vector.broadcast %jit3A_209 : f32 to vector<1280x1xf32>
    %max3A_212 = arith.maximumf %max3A_211, %max3A_208 : vector<1280x1xf32>
    %min3A_213 = vector.broadcast %jit3A_210 : f32 to vector<1280x1xf32>
    %min3A_214 = arith.minimumf %min3A_213, %max3A_212 : vector<1280x1xf32>
    %add3A_215 = arith.constant 1.000000e+00 : f32
    %add3A_216 = vector.broadcast %add3A_215 : f32 to vector<1280x1xf32>
    %add3A_217 = arith.addf %add3A_216, %min3A_214 : vector<1280x1xf32>
    %sub3A_218 = arith.constant 1.000000e+00 : f32
    %sub3A_219 = vector.broadcast %sub3A_218 : f32 to vector<1280x1xf32>
    %sub3A_220 = arith.subf %sub3A_219, %min3A_214 : vector<1280x1xf32>
    %div3A_221 = arith.divf %add3A_217, %sub3A_220 : vector<1280x1xf32>
    %log3A_222 = math.log %div3A_221 : vector<1280x1xf32>
    %mul3A_223 = arith.constant 5.000000e-01 : f32
    %mul3A_224 = vector.broadcast %mul3A_223 : f32 to vector<1280x1xf32>
    %mul3A_225 = arith.mulf %mul3A_224, %log3A_222 : vector<1280x1xf32>
    %mul3A_226 = vector.broadcast %mul3A_225 : vector<1280x1xf32> to vector<1280x128xf32>
    %mul3A_227 = arith.mulf %mul3A_226, %select_n3A_200 : vector<1280x128xf32>
    %div3A_228 = vector.broadcast %max3A_208 : vector<1280x1xf32> to vector<1280x128xf32>
    %div3A_229 = arith.divf %mul3A_227, %div3A_228 : vector<1280x128xf32>
    %mul3A_230 = vector.broadcast %select_n3A : vector<1280x1xf32> to vector<1280x128xf32>
    %mul3A_231 = arith.mulf %mul3A_230, %div3A_229 : vector<1280x128xf32>
    %swap3A = arith.constant 0 : index
    %swap3A_232 = arith.constant 0 : index
    %swap3A_233 = vector.load %arg5[%swap3A, %swap3A_232] : memref<1280x128xf32, #tpu.memory_space<vmem>>, vector<1280x128xf32>
    tpu.vector_store %arg5[%swap3A, %swap3A_232], %mul3A_231 {strides = array<i32>} : memref<1280x128xf32, #tpu.memory_space<vmem>>, vector<1280x128xf32>,
    return
  }
  func.func @transform_0(%arg0: i32) -> (i32, i32) {
    %c0_i32 = arith.constant 0 : i32
    %c0_i32_0 = arith.constant 0 : i32
    return %arg0, %c0_i32 : i32, i32
  }
  func.func @transform_1(%arg0: i32) -> (i32, i32, i32) {
    %c0_i32 = arith.constant 0 : i32
    %c0_i32_0 = arith.constant 0 : i32
    %c0_i32_1 = arith.constant 0 : i32
    return %c0_i32, %arg0, %c0_i32_0 : i32, i32, i32
  }
  func.func @transform_2(%arg0: i32) -> (i32, i32) {
    %c0_i32 = arith.constant 0 : i32
    %c0_i32_0 = arith.constant 0 : i32
    %c0_i32_1 = arith.constant 0 : i32
    return %c0_i32, %c0_i32_0 : i32, i32
  }
  func.func @transform_3(%arg0: i32) -> (i32, i32) {
    %c0_i32 = arith.constant 0 : i32
    %c0_i32_0 = arith.constant 0 : i32
    %c0_i32_1 = arith.constant 0 : i32
    return %c0_i32, %c0_i32_0 : i32, i32
  }
  func.func @transform_4(%arg0: i32) -> (i32, i32) {
    %c0_i32 = arith.constant 0 : i32
    %c0_i32_0 = arith.constant 0 : i32
    return %arg0, %c0_i32 : i32, i32
  }
}

module attributes {stable_mosaic.version = 14 : i64} {
  func.func @_tc_mid_body(%arg0: i32, %arg1: memref<2x1280x128xf32, #tpu.memory_space<vmem>>, %arg2: memref<2x1280x8xf32, #tpu.memory_space<vmem>>, %arg3: memref<128x128xf32, #tpu.memory_space<vmem>>, %arg4: memref<1x128xf32, #tpu.memory_space<vmem>>, %arg5: memref<1280x128xf32, #tpu.memory_space<vmem>>) attributes {dimension_semantics = [#tpu.dimension_semantics<arbitrary>], iteration_bounds = array<i64: 8>, scalar_prefetch = 0 : i64, scratch_operands = 0 : i64, tpu.core_type = #tpu.core_type<tc>, window_params = [{transform_indices = @transform_0, window_bounds = array<i64: 2, 1280, 128>}, {transform_indices = @transform_1, window_bounds = array<i64: 2, 1280, 8>}, {pipeline_mode = #tpu.pipeline_mode<synchronous>, transform_indices = @transform_2, window_bounds = array<i64: 128, 128>}, {pipeline_mode = #tpu.pipeline_mode<synchronous>, transform_indices = @transform_3, window_bounds = array<i64: 1, 128>}, {transform_indices = @transform_4, window_bounds = array<i64: 1280, 128>}]} {
    %get3A = arith.constant 0 : index
    %get3A_0 = arith.constant 0 : index
    %get3A_1 = arith.constant 0 : index
    %get3A_2 = vector.load %arg2[%get3A, %get3A_0, %get3A_1] : memref<2x1280x8xf32, #tpu.memory_space<vmem>>, vector<2x1280x8xf32>
    %slice3A = vector.extract_strided_slice %get3A_2 {offsets = [0, 0, 0], sizes = [1, 1280, 1], strides = [1, 1, 1]} : vector<2x1280x8xf32> to vector<1x1280x1xf32>
    %squeeze3A = vector.shape_cast %slice3A : vector<1x1280x1xf32> to vector<1280x1xf32>
    %slice3A_3 = vector.extract_strided_slice %get3A_2 {offsets = [1, 0, 0], sizes = [1, 1280, 1], strides = [1, 1, 1]} : vector<2x1280x8xf32> to vector<1x1280x1xf32>
    %squeeze3A_4 = vector.shape_cast %slice3A_3 : vector<1x1280x1xf32> to vector<1280x1xf32>
    %add3A = arith.addf %squeeze3A, %squeeze3A_4 : vector<1280x1xf32>
    %gt3A = arith.constant 0.000000e+00 : f32
    %gt3A_5 = vector.broadcast %gt3A : f32 to vector<1280x1xf32>
    %gt3A_6 = arith.cmpf ogt, %add3A, %gt3A_5 : vector<1280x1xf32>
    %jit3A = arith.constant 1.000000e+00 : f32
    %max3A = vector.broadcast %jit3A : f32 to vector<1280x1xf32>
    %max3A_7 = arith.maximumf %max3A, %add3A : vector<1280x1xf32>
    %sqrt3A = math.sqrt %max3A_7 : vector<1280x1xf32>
    %div3A = arith.constant 1.000000e+00 : f32
    %div3A_8 = vector.broadcast %div3A : f32 to vector<1280x1xf32>
    %div3A_9 = arith.divf %div3A_8, %sqrt3A : vector<1280x1xf32>
    %jit3A_10 = arith.constant 0.000000e+00 : f32
    %broadcast_in_dim3A = vector.broadcast %jit3A_10 : f32 to vector<1280x1xf32>
    %select_n3A = arith.select %gt3A_6, %div3A_9, %broadcast_in_dim3A : vector<1280x1xi1>, vector<1280x1xf32>
    %get3A_11 = arith.constant 0 : index
    %get3A_12 = arith.constant 0 : index
    %get3A_13 = arith.constant 0 : index
    %get3A_14 = vector.load %arg1[%get3A_11, %get3A_12, %get3A_13] : memref<2x1280x128xf32, #tpu.memory_space<vmem>>, vector<2x1280x128xf32>
    %slice3A_15 = vector.extract_strided_slice %get3A_14 {offsets = [0, 0, 0], sizes = [1, 1280, 128], strides = [1, 1, 1]} : vector<2x1280x128xf32> to vector<1x1280x128xf32>
    %squeeze3A_16 = vector.shape_cast %slice3A_15 : vector<1x1280x128xf32> to vector<1280x128xf32>
    %slice3A_17 = vector.extract_strided_slice %get3A_14 {offsets = [1, 0, 0], sizes = [1, 1280, 128], strides = [1, 1, 1]} : vector<2x1280x128xf32> to vector<1x1280x128xf32>
    %squeeze3A_18 = vector.shape_cast %slice3A_17 : vector<1x1280x128xf32> to vector<1280x128xf32>
    %add3A_19 = arith.addf %squeeze3A_16, %squeeze3A_18 : vector<1280x128xf32>
    %mul3A = vector.broadcast %select_n3A : vector<1280x1xf32> to vector<1280x128xf32>
    %mul3A_20 = arith.mulf %mul3A, %add3A_19 : vector<1280x128xf32>
    %mul3A_21 = arith.mulf %mul3A_20, %mul3A_20 : vector<1280x128xf32>
    %reduce_sum3A = arith.constant dense<0.000000e+00> : vector<1280xf32>
    %reduce_sum3A_22 = vector.multi_reduction <add>, %mul3A_21, %reduce_sum3A [1] : vector<1280x128xf32> to vector<1280xf32>
    %broadcast_in_dim3A_23 = vector.shape_cast %reduce_sum3A_22 : vector<1280xf32> to vector<1280x1xf32>
    %sqrt3A_24 = math.sqrt %broadcast_in_dim3A_23 : vector<1280x1xf32>
    %jit3A_25 = arith.constant 1.000000e-07 : f32
    %max3A_26 = vector.broadcast %jit3A_25 : f32 to vector<1280x1xf32>
    %max3A_27 = arith.maximumf %max3A_26, %sqrt3A_24 : vector<1280x1xf32>
    %tanh3A = math.tanh %max3A_27 : vector<1280x1xf32>
    %mul3A_28 = vector.broadcast %tanh3A : vector<1280x1xf32> to vector<1280x128xf32>
    %mul3A_29 = arith.mulf %mul3A_28, %mul3A_20 : vector<1280x128xf32>
    %div3A_30 = vector.broadcast %max3A_27 : vector<1280x1xf32> to vector<1280x128xf32>
    %div3A_31 = arith.divf %mul3A_29, %div3A_30 : vector<1280x128xf32>
    %mul3A_32 = arith.mulf %div3A_31, %div3A_31 : vector<1280x128xf32>
    %reduce_sum3A_33 = arith.constant dense<0.000000e+00> : vector<1280xf32>
    %reduce_sum3A_34 = vector.multi_reduction <add>, %mul3A_32, %reduce_sum3A_33 [1] : vector<1280x128xf32> to vector<1280xf32>
    %broadcast_in_dim3A_35 = vector.shape_cast %reduce_sum3A_34 : vector<1280xf32> to vector<1280x1xf32>
    %sqrt3A_36 = math.sqrt %broadcast_in_dim3A_35 : vector<1280x1xf32>
    %jit3A_37 = arith.constant 1.000000e-07 : f32
    %max3A_38 = vector.broadcast %jit3A_37 : f32 to vector<1280x1xf32>
    %max3A_39 = arith.maximumf %max3A_38, %sqrt3A_36 : vector<1280x1xf32>
    %gt3A_40 = arith.constant 9.990000e-01 : f32
    %gt3A_41 = vector.broadcast %gt3A_40 : f32 to vector<1280x1xf32>
    %gt3A_42 = arith.cmpf ogt, %max3A_39, %gt3A_41 : vector<1280x1xf32>
    %div3A_43 = vector.broadcast %max3A_39 : vector<1280x1xf32> to vector<1280x128xf32>
    %div3A_44 = arith.divf %div3A_31, %div3A_43 : vector<1280x128xf32>
    %mul3A_45 = arith.constant 9.990000e-01 : f32
    %mul3A_46 = vector.broadcast %mul3A_45 : f32 to vector<1280x128xf32>
    %mul3A_47 = arith.mulf %div3A_44, %mul3A_46 : vector<1280x128xf32>
    %broadcast_in_dim3A_48 = vector.shape_cast %gt3A_42 : vector<1280x1xi1> to vector<1280x1xi1>
    %broadcast_in_dim3A_49 = vector.broadcast %broadcast_in_dim3A_48 : vector<1280x1xi1> to vector<1280x128xi1>
    %select_n3A_50 = arith.select %broadcast_in_dim3A_49, %mul3A_47, %div3A_31 : vector<1280x128xi1>, vector<1280x128xf32>
    %mul3A_51 = arith.mulf %select_n3A_50, %select_n3A_50 : vector<1280x128xf32>
    %reduce_sum3A_52 = arith.constant dense<0.000000e+00> : vector<1280xf32>
    %reduce_sum3A_53 = vector.multi_reduction <add>, %mul3A_51, %reduce_sum3A_52 [1] : vector<1280x128xf32> to vector<1280xf32>
    %broadcast_in_dim3A_54 = vector.shape_cast %reduce_sum3A_53 : vector<1280xf32> to vector<1280x1xf32>
    %sqrt3A_55 = math.sqrt %broadcast_in_dim3A_54 : vector<1280x1xf32>
    %jit3A_56 = arith.constant 1.000000e-07 : f32
    %max3A_57 = vector.broadcast %jit3A_56 : f32 to vector<1280x1xf32>
    %max3A_58 = arith.maximumf %max3A_57, %sqrt3A_55 : vector<1280x1xf32>
    %jit3A_59 = arith.constant -0.99999988 : f32
    %jit3A_60 = arith.constant 0.99999988 : f32
    %max3A_61 = vector.broadcast %jit3A_59 : f32 to vector<1280x1xf32>
    %max3A_62 = arith.maximumf %max3A_61, %max3A_58 : vector<1280x1xf32>
    %min3A = vector.broadcast %jit3A_60 : f32 to vector<1280x1xf32>
    %min3A_63 = arith.minimumf %min3A, %max3A_62 : vector<1280x1xf32>
    %add3A_64 = arith.constant 1.000000e+00 : f32
    %add3A_65 = vector.broadcast %add3A_64 : f32 to vector<1280x1xf32>
    %add3A_66 = arith.addf %add3A_65, %min3A_63 : vector<1280x1xf32>
    %sub3A = arith.constant 1.000000e+00 : f32
    %sub3A_67 = vector.broadcast %sub3A : f32 to vector<1280x1xf32>
    %sub3A_68 = arith.subf %sub3A_67, %min3A_63 : vector<1280x1xf32>
    %div3A_69 = arith.divf %add3A_66, %sub3A_68 : vector<1280x1xf32>
    %log3A = math.log %div3A_69 : vector<1280x1xf32>
    %mul3A_70 = arith.constant 5.000000e-01 : f32
    %mul3A_71 = vector.broadcast %mul3A_70 : f32 to vector<1280x1xf32>
    %mul3A_72 = arith.mulf %mul3A_71, %log3A : vector<1280x1xf32>
    %mul3A_73 = vector.broadcast %mul3A_72 : vector<1280x1xf32> to vector<1280x128xf32>
    %mul3A_74 = arith.mulf %mul3A_73, %select_n3A_50 : vector<1280x128xf32>
    %div3A_75 = vector.broadcast %max3A_58 : vector<1280x1xf32> to vector<1280x128xf32>
    %div3A_76 = arith.divf %mul3A_74, %div3A_75 : vector<1280x128xf32>
    %max3A_77 = arith.constant 0.000000e+00 : f32
    %max3A_78 = vector.broadcast %max3A_77 : f32 to vector<1280x128xf32>
    %max3A_79 = arith.maximumf %div3A_76, %max3A_78 : vector<1280x128xf32>
    %mul3A_80 = arith.mulf %max3A_79, %max3A_79 : vector<1280x128xf32>
    %reduce_sum3A_81 = arith.constant dense<0.000000e+00> : vector<1280xf32>
    %reduce_sum3A_82 = vector.multi_reduction <add>, %mul3A_80, %reduce_sum3A_81 [1] : vector<1280x128xf32> to vector<1280xf32>
    %broadcast_in_dim3A_83 = vector.shape_cast %reduce_sum3A_82 : vector<1280xf32> to vector<1280x1xf32>
    %sqrt3A_84 = math.sqrt %broadcast_in_dim3A_83 : vector<1280x1xf32>
    %jit3A_85 = arith.constant 1.000000e-07 : f32
    %max3A_86 = vector.broadcast %jit3A_85 : f32 to vector<1280x1xf32>
    %max3A_87 = arith.maximumf %max3A_86, %sqrt3A_84 : vector<1280x1xf32>
    %tanh3A_88 = math.tanh %max3A_87 : vector<1280x1xf32>
    %mul3A_89 = vector.broadcast %tanh3A_88 : vector<1280x1xf32> to vector<1280x128xf32>
    %mul3A_90 = arith.mulf %mul3A_89, %max3A_79 : vector<1280x128xf32>
    %div3A_91 = vector.broadcast %max3A_87 : vector<1280x1xf32> to vector<1280x128xf32>
    %div3A_92 = arith.divf %mul3A_90, %div3A_91 : vector<1280x128xf32>
    %mul3A_93 = arith.mulf %div3A_92, %div3A_92 : vector<1280x128xf32>
    %reduce_sum3A_94 = arith.constant dense<0.000000e+00> : vector<1280xf32>
    %reduce_sum3A_95 = vector.multi_reduction <add>, %mul3A_93, %reduce_sum3A_94 [1] : vector<1280x128xf32> to vector<1280xf32>
    %broadcast_in_dim3A_96 = vector.shape_cast %reduce_sum3A_95 : vector<1280xf32> to vector<1280x1xf32>
    %sqrt3A_97 = math.sqrt %broadcast_in_dim3A_96 : vector<1280x1xf32>
    %jit3A_98 = arith.constant 1.000000e-07 : f32
    %max3A_99 = vector.broadcast %jit3A_98 : f32 to vector<1280x1xf32>
    %max3A_100 = arith.maximumf %max3A_99, %sqrt3A_97 : vector<1280x1xf32>
    %gt3A_101 = arith.constant 9.990000e-01 : f32
    %gt3A_102 = vector.broadcast %gt3A_101 : f32 to vector<1280x1xf32>
    %gt3A_103 = arith.cmpf ogt, %max3A_100, %gt3A_102 : vector<1280x1xf32>
    %div3A_104 = vector.broadcast %max3A_100 : vector<1280x1xf32> to vector<1280x128xf32>
    %div3A_105 = arith.divf %div3A_92, %div3A_104 : vector<1280x128xf32>
    %mul3A_106 = arith.constant 9.990000e-01 : f32
    %mul3A_107 = vector.broadcast %mul3A_106 : f32 to vector<1280x128xf32>
    %mul3A_108 = arith.mulf %div3A_105, %mul3A_107 : vector<1280x128xf32>
    %broadcast_in_dim3A_109 = vector.shape_cast %gt3A_103 : vector<1280x1xi1> to vector<1280x1xi1>
    %broadcast_in_dim3A_110 = vector.broadcast %broadcast_in_dim3A_109 : vector<1280x1xi1> to vector<1280x128xi1>
    %select_n3A_111 = arith.select %broadcast_in_dim3A_110, %mul3A_108, %div3A_92 : vector<1280x128xi1>, vector<1280x128xf32>
    %get3A_112 = arith.constant 0 : index
    %get3A_113 = arith.constant 0 : index
    %get3A_114 = vector.load %arg3[%get3A_112, %get3A_113] : memref<128x128xf32, #tpu.memory_space<vmem>>, vector<128x128xf32>
    %get3A_115 = arith.constant 0 : index
    %get3A_116 = arith.constant 0 : index
    %get3A_117 = vector.load %arg4[%get3A_115, %get3A_116] : memref<1x128xf32, #tpu.memory_space<vmem>>, vector<1x128xf32>
    %mul3A_118 = arith.mulf %select_n3A_111, %select_n3A_111 : vector<1280x128xf32>
    %reduce_sum3A_119 = arith.constant dense<0.000000e+00> : vector<1280xf32>
    %reduce_sum3A_120 = vector.multi_reduction <add>, %mul3A_118, %reduce_sum3A_119 [1] : vector<1280x128xf32> to vector<1280xf32>
    %broadcast_in_dim3A_121 = vector.shape_cast %reduce_sum3A_120 : vector<1280xf32> to vector<1280x1xf32>
    %sqrt3A_122 = math.sqrt %broadcast_in_dim3A_121 : vector<1280x1xf32>
    %jit3A_123 = arith.constant 1.000000e-07 : f32
    %max3A_124 = vector.broadcast %jit3A_123 : f32 to vector<1280x1xf32>
    %max3A_125 = arith.maximumf %max3A_124, %sqrt3A_122 : vector<1280x1xf32>
    %dot_general3A = arith.constant dense<0.000000e+00> : vector<1280x128xf32>
    %dot_general3A_126 = tpu.matmul %select_n3A_111, %get3A_114, %dot_general3A {dimension_numbers = #tpu.dot_dimension_numbers<[1], [1], [0], [0], [0, 0, 1, 0], [], []>, transpose_lhs_hint = false} : vector<1280x128xf32>, vector<128x128xf32>, vector<1280x128xf32> -> vector<1280x128xf32>
    %mul3A_127 = arith.mulf %dot_general3A_126, %dot_general3A_126 : vector<1280x128xf32>
    %reduce_sum3A_128 = arith.constant dense<0.000000e+00> : vector<1280xf32>
    %reduce_sum3A_129 = vector.multi_reduction <add>, %mul3A_127, %reduce_sum3A_128 [1] : vector<1280x128xf32> to vector<1280xf32>
    %broadcast_in_dim3A_130 = vector.shape_cast %reduce_sum3A_129 : vector<1280xf32> to vector<1280x1xf32>
    %sqrt3A_131 = math.sqrt %broadcast_in_dim3A_130 : vector<1280x1xf32>
    %jit3A_132 = arith.constant 1.000000e-07 : f32
    %max3A_133 = vector.broadcast %jit3A_132 : f32 to vector<1280x1xf32>
    %max3A_134 = arith.maximumf %max3A_133, %sqrt3A_131 : vector<1280x1xf32>
    %div3A_135 = arith.divf %max3A_134, %max3A_125 : vector<1280x1xf32>
    %jit3A_136 = arith.constant -0.99999988 : f32
    %jit3A_137 = arith.constant 0.99999988 : f32
    %max3A_138 = vector.broadcast %jit3A_136 : f32 to vector<1280x1xf32>
    %max3A_139 = arith.maximumf %max3A_138, %max3A_125 : vector<1280x1xf32>
    %min3A_140 = vector.broadcast %jit3A_137 : f32 to vector<1280x1xf32>
    %min3A_141 = arith.minimumf %min3A_140, %max3A_139 : vector<1280x1xf32>
    %add3A_142 = arith.constant 1.000000e+00 : f32
    %add3A_143 = vector.broadcast %add3A_142 : f32 to vector<1280x1xf32>
    %add3A_144 = arith.addf %add3A_143, %min3A_141 : vector<1280x1xf32>
    %sub3A_145 = arith.constant 1.000000e+00 : f32
    %sub3A_146 = vector.broadcast %sub3A_145 : f32 to vector<1280x1xf32>
    %sub3A_147 = arith.subf %sub3A_146, %min3A_141 : vector<1280x1xf32>
    %div3A_148 = arith.divf %add3A_144, %sub3A_147 : vector<1280x1xf32>
    %log3A_149 = math.log %div3A_148 : vector<1280x1xf32>
    %mul3A_150 = arith.constant 5.000000e-01 : f32
    %mul3A_151 = vector.broadcast %mul3A_150 : f32 to vector<1280x1xf32>
    %mul3A_152 = arith.mulf %mul3A_151, %log3A_149 : vector<1280x1xf32>
    %mul3A_153 = arith.mulf %div3A_135, %mul3A_152 : vector<1280x1xf32>
    %tanh3A_154 = math.tanh %mul3A_153 : vector<1280x1xf32>
    %mul3A_155 = vector.broadcast %tanh3A_154 : vector<1280x1xf32> to vector<1280x128xf32>
    %mul3A_156 = arith.mulf %mul3A_155, %dot_general3A_126 : vector<1280x128xf32>
    %div3A_157 = vector.broadcast %max3A_134 : vector<1280x1xf32> to vector<1280x128xf32>
    %div3A_158 = arith.divf %mul3A_156, %div3A_157 : vector<1280x128xf32>
    %mul3A_159 = arith.mulf %div3A_158, %div3A_158 : vector<1280x128xf32>
    %reduce_sum3A_160 = arith.constant dense<0.000000e+00> : vector<1280xf32>
    %reduce_sum3A_161 = vector.multi_reduction <add>, %mul3A_159, %reduce_sum3A_160 [1] : vector<1280x128xf32> to vector<1280xf32>
    %broadcast_in_dim3A_162 = vector.shape_cast %reduce_sum3A_161 : vector<1280xf32> to vector<1280x1xf32>
    %sqrt3A_163 = math.sqrt %broadcast_in_dim3A_162 : vector<1280x1xf32>
    %jit3A_164 = arith.constant 1.000000e-07 : f32
    %max3A_165 = vector.broadcast %jit3A_164 : f32 to vector<1280x1xf32>
    %max3A_166 = arith.maximumf %max3A_165, %sqrt3A_163 : vector<1280x1xf32>
    %gt3A_167 = arith.constant 9.990000e-01 : f32
    %gt3A_168 = vector.broadcast %gt3A_167 : f32 to vector<1280x1xf32>
    %gt3A_169 = arith.cmpf ogt, %max3A_166, %gt3A_168 : vector<1280x1xf32>
    %div3A_170 = vector.broadcast %max3A_166 : vector<1280x1xf32> to vector<1280x128xf32>
    %div3A_171 = arith.divf %div3A_158, %div3A_170 : vector<1280x128xf32>
    %mul3A_172 = arith.constant 9.990000e-01 : f32
    %mul3A_173 = vector.broadcast %mul3A_172 : f32 to vector<1280x128xf32>
    %mul3A_174 = arith.mulf %div3A_171, %mul3A_173 : vector<1280x128xf32>
    %broadcast_in_dim3A_175 = vector.shape_cast %gt3A_169 : vector<1280x1xi1> to vector<1280x1xi1>
    %broadcast_in_dim3A_176 = vector.broadcast %broadcast_in_dim3A_175 : vector<1280x1xi1> to vector<1280x128xi1>
    %select_n3A_177 = arith.select %broadcast_in_dim3A_176, %mul3A_174, %div3A_158 : vector<1280x128xi1>, vector<1280x128xf32>
    %mul3A_178 = arith.mulf %get3A_117, %get3A_117 : vector<1x128xf32>
    %reduce_sum3A_179 = arith.constant dense<0.000000e+00> : vector<1xf32>
    %reduce_sum3A_180 = vector.multi_reduction <add>, %mul3A_178, %reduce_sum3A_179 [1] : vector<1x128xf32> to vector<1xf32>
    %broadcast_in_dim3A_181 = vector.shape_cast %reduce_sum3A_180 : vector<1xf32> to vector<1x1xf32>
    %sqrt3A_182 = math.sqrt %broadcast_in_dim3A_181 : vector<1x1xf32>
    %jit3A_183 = arith.constant 1.000000e-07 : f32
    %max3A_184 = vector.broadcast %jit3A_183 : f32 to vector<1x1xf32>
    %max3A_185 = arith.maximumf %max3A_184, %sqrt3A_182 : vector<1x1xf32>
    %tanh3A_186 = math.tanh %max3A_185 : vector<1x1xf32>
    %mul3A_187 = vector.broadcast %tanh3A_186 : vector<1x1xf32> to vector<1x128xf32>
    %mul3A_188 = arith.mulf %mul3A_187, %get3A_117 : vector<1x128xf32>
    %div3A_189 = vector.broadcast %max3A_185 : vector<1x1xf32> to vector<1x128xf32>
    %div3A_190 = arith.divf %mul3A_188, %div3A_189 : vector<1x128xf32>
    %mul3A_191 = arith.mulf %div3A_190, %div3A_190 : vector<1x128xf32>
    %reduce_sum3A_192 = arith.constant dense<0.000000e+00> : vector<1xf32>
    %reduce_sum3A_193 = vector.multi_reduction <add>, %mul3A_191, %reduce_sum3A_192 [1] : vector<1x128xf32> to vector<1xf32>
    %broadcast_in_dim3A_194 = vector.shape_cast %reduce_sum3A_193 : vector<1xf32> to vector<1x1xf32>
    %sqrt3A_195 = math.sqrt %broadcast_in_dim3A_194 : vector<1x1xf32>
    %jit3A_196 = arith.constant 1.000000e-07 : f32
    %max3A_197 = vector.broadcast %jit3A_196 : f32 to vector<1x1xf32>
    %max3A_198 = arith.maximumf %max3A_197, %sqrt3A_195 : vector<1x1xf32>
    %gt3A_199 = arith.constant 9.990000e-01 : f32
    %gt3A_200 = vector.broadcast %gt3A_199 : f32 to vector<1x1xf32>
    %gt3A_201 = arith.cmpf ogt, %max3A_198, %gt3A_200 : vector<1x1xf32>
    %div3A_202 = vector.broadcast %max3A_198 : vector<1x1xf32> to vector<1x128xf32>
    %div3A_203 = arith.divf %div3A_190, %div3A_202 : vector<1x128xf32>
    %mul3A_204 = arith.constant 9.990000e-01 : f32
    %mul3A_205 = vector.broadcast %mul3A_204 : f32 to vector<1x128xf32>
    %mul3A_206 = arith.mulf %div3A_203, %mul3A_205 : vector<1x128xf32>
    %broadcast_in_dim3A_207 = vector.shape_cast %gt3A_201 : vector<1x1xi1> to vector<1x1xi1>
    %broadcast_in_dim3A_208 = vector.broadcast %broadcast_in_dim3A_207 : vector<1x1xi1> to vector<1x128xi1>
    %select_n3A_209 = arith.select %broadcast_in_dim3A_208, %mul3A_206, %div3A_190 : vector<1x128xi1>, vector<1x128xf32>
    %mul3A_210 = arith.mulf %select_n3A_177, %select_n3A_177 : vector<1280x128xf32>
    %reduce_sum3A_211 = arith.constant dense<0.000000e+00> : vector<1280xf32>
    %reduce_sum3A_212 = vector.multi_reduction <add>, %mul3A_210, %reduce_sum3A_211 [1] : vector<1280x128xf32> to vector<1280xf32>
    %broadcast_in_dim3A_213 = vector.shape_cast %reduce_sum3A_212 : vector<1280xf32> to vector<1280x1xf32>
    %mul3A_214 = arith.mulf %select_n3A_209, %select_n3A_209 : vector<1x128xf32>
    %reduce_sum3A_215 = arith.constant dense<0.000000e+00> : vector<1xf32>
    %reduce_sum3A_216 = vector.multi_reduction <add>, %mul3A_214, %reduce_sum3A_215 [1] : vector<1x128xf32> to vector<1xf32>
    %broadcast_in_dim3A_217 = vector.shape_cast %reduce_sum3A_216 : vector<1xf32> to vector<1x1xf32>
    %mul3A_218 = vector.broadcast %select_n3A_209 : vector<1x128xf32> to vector<1280x128xf32>
    %mul3A_219 = arith.mulf %select_n3A_177, %mul3A_218 : vector<1280x128xf32>
    %reduce_sum3A_220 = arith.constant dense<0.000000e+00> : vector<1280xf32>
    %reduce_sum3A_221 = vector.multi_reduction <add>, %mul3A_219, %reduce_sum3A_220 [1] : vector<1280x128xf32> to vector<1280xf32>
    %broadcast_in_dim3A_222 = vector.shape_cast %reduce_sum3A_221 : vector<1280xf32> to vector<1280x1xf32>
    %mul3A_223 = arith.constant 2.000000e+00 : f32
    %mul3A_224 = vector.broadcast %mul3A_223 : f32 to vector<1280x1xf32>
    %mul3A_225 = arith.mulf %mul3A_224, %broadcast_in_dim3A_222 : vector<1280x1xf32>
    %add3A_226 = arith.constant 1.000000e+00 : f32
    %add3A_227 = vector.broadcast %add3A_226 : f32 to vector<1280x1xf32>
    %add3A_228 = arith.addf %add3A_227, %mul3A_225 : vector<1280x1xf32>
    %add3A_229 = vector.broadcast %broadcast_in_dim3A_217 : vector<1x1xf32> to vector<1280x1xf32>
    %add3A_230 = arith.addf %add3A_228, %add3A_229 : vector<1280x1xf32>
    %mul3A_231 = vector.broadcast %add3A_230 : vector<1280x1xf32> to vector<1280x128xf32>
    %mul3A_232 = arith.mulf %mul3A_231, %select_n3A_177 : vector<1280x128xf32>
    %sub3A_233 = arith.constant 1.000000e+00 : f32
    %sub3A_234 = vector.broadcast %sub3A_233 : f32 to vector<1280x1xf32>
    %sub3A_235 = arith.subf %sub3A_234, %broadcast_in_dim3A_213 : vector<1280x1xf32>
    %mul3A_236 = vector.broadcast %sub3A_235 : vector<1280x1xf32> to vector<1280x128xf32>
    %mul3A_237 = vector.broadcast %select_n3A_209 : vector<1x128xf32> to vector<1280x128xf32>
    %mul3A_238 = arith.mulf %mul3A_236, %mul3A_237 : vector<1280x128xf32>
    %add3A_239 = arith.addf %mul3A_232, %mul3A_238 : vector<1280x128xf32>
    %mul3A_240 = arith.constant 2.000000e+00 : f32
    %mul3A_241 = vector.broadcast %mul3A_240 : f32 to vector<1280x1xf32>
    %mul3A_242 = arith.mulf %mul3A_241, %broadcast_in_dim3A_222 : vector<1280x1xf32>
    %add3A_243 = arith.constant 1.000000e+00 : f32
    %add3A_244 = vector.broadcast %add3A_243 : f32 to vector<1280x1xf32>
    %add3A_245 = arith.addf %add3A_244, %mul3A_242 : vector<1280x1xf32>
    %mul3A_246 = vector.broadcast %broadcast_in_dim3A_217 : vector<1x1xf32> to vector<1280x1xf32>
    %mul3A_247 = arith.mulf %broadcast_in_dim3A_213, %mul3A_246 : vector<1280x1xf32>
    %add3A_248 = arith.addf %add3A_245, %mul3A_247 : vector<1280x1xf32>
    %jit3A_249 = arith.constant 1.000000e-15 : f32
    %max3A_250 = vector.broadcast %jit3A_249 : f32 to vector<1280x1xf32>
    %max3A_251 = arith.maximumf %max3A_250, %add3A_248 : vector<1280x1xf32>
    %div3A_252 = vector.broadcast %max3A_251 : vector<1280x1xf32> to vector<1280x128xf32>
    %div3A_253 = arith.divf %add3A_239, %div3A_252 : vector<1280x128xf32>
    %mul3A_254 = arith.mulf %div3A_253, %div3A_253 : vector<1280x128xf32>
    %reduce_sum3A_255 = arith.constant dense<0.000000e+00> : vector<1280xf32>
    %reduce_sum3A_256 = vector.multi_reduction <add>, %mul3A_254, %reduce_sum3A_255 [1] : vector<1280x128xf32> to vector<1280xf32>
    %broadcast_in_dim3A_257 = vector.shape_cast %reduce_sum3A_256 : vector<1280xf32> to vector<1280x1xf32>
    %sqrt3A_258 = math.sqrt %broadcast_in_dim3A_257 : vector<1280x1xf32>
    %jit3A_259 = arith.constant 1.000000e-07 : f32
    %max3A_260 = vector.broadcast %jit3A_259 : f32 to vector<1280x1xf32>
    %max3A_261 = arith.maximumf %max3A_260, %sqrt3A_258 : vector<1280x1xf32>
    %gt3A_262 = arith.constant 9.990000e-01 : f32
    %gt3A_263 = vector.broadcast %gt3A_262 : f32 to vector<1280x1xf32>
    %gt3A_264 = arith.cmpf ogt, %max3A_261, %gt3A_263 : vector<1280x1xf32>
    %div3A_265 = vector.broadcast %max3A_261 : vector<1280x1xf32> to vector<1280x128xf32>
    %div3A_266 = arith.divf %div3A_253, %div3A_265 : vector<1280x128xf32>
    %mul3A_267 = arith.constant 9.990000e-01 : f32
    %mul3A_268 = vector.broadcast %mul3A_267 : f32 to vector<1280x128xf32>
    %mul3A_269 = arith.mulf %div3A_266, %mul3A_268 : vector<1280x128xf32>
    %broadcast_in_dim3A_270 = vector.shape_cast %gt3A_264 : vector<1280x1xi1> to vector<1280x1xi1>
    %broadcast_in_dim3A_271 = vector.broadcast %broadcast_in_dim3A_270 : vector<1280x1xi1> to vector<1280x128xi1>
    %select_n3A_272 = arith.select %broadcast_in_dim3A_271, %mul3A_269, %div3A_253 : vector<1280x128xi1>, vector<1280x128xf32>
    %mul3A_273 = arith.mulf %select_n3A_272, %select_n3A_272 : vector<1280x128xf32>
    %reduce_sum3A_274 = arith.constant dense<0.000000e+00> : vector<1280xf32>
    %reduce_sum3A_275 = vector.multi_reduction <add>, %mul3A_273, %reduce_sum3A_274 [1] : vector<1280x128xf32> to vector<1280xf32>
    %broadcast_in_dim3A_276 = vector.shape_cast %reduce_sum3A_275 : vector<1280xf32> to vector<1280x1xf32>
    %sqrt3A_277 = math.sqrt %broadcast_in_dim3A_276 : vector<1280x1xf32>
    %jit3A_278 = arith.constant 1.000000e-07 : f32
    %max3A_279 = vector.broadcast %jit3A_278 : f32 to vector<1280x1xf32>
    %max3A_280 = arith.maximumf %max3A_279, %sqrt3A_277 : vector<1280x1xf32>
    %jit3A_281 = arith.constant -0.99999988 : f32
    %jit3A_282 = arith.constant 0.99999988 : f32
    %max3A_283 = vector.broadcast %jit3A_281 : f32 to vector<1280x1xf32>
    %max3A_284 = arith.maximumf %max3A_283, %max3A_280 : vector<1280x1xf32>
    %min3A_285 = vector.broadcast %jit3A_282 : f32 to vector<1280x1xf32>
    %min3A_286 = arith.minimumf %min3A_285, %max3A_284 : vector<1280x1xf32>
    %add3A_287 = arith.constant 1.000000e+00 : f32
    %add3A_288 = vector.broadcast %add3A_287 : f32 to vector<1280x1xf32>
    %add3A_289 = arith.addf %add3A_288, %min3A_286 : vector<1280x1xf32>
    %sub3A_290 = arith.constant 1.000000e+00 : f32
    %sub3A_291 = vector.broadcast %sub3A_290 : f32 to vector<1280x1xf32>
    %sub3A_292 = arith.subf %sub3A_291, %min3A_286 : vector<1280x1xf32>
    %div3A_293 = arith.divf %add3A_289, %sub3A_292 : vector<1280x1xf32>
    %log3A_294 = math.log %div3A_293 : vector<1280x1xf32>
    %mul3A_295 = arith.constant 5.000000e-01 : f32
    %mul3A_296 = vector.broadcast %mul3A_295 : f32 to vector<1280x1xf32>
    %mul3A_297 = arith.mulf %mul3A_296, %log3A_294 : vector<1280x1xf32>
    %mul3A_298 = vector.broadcast %mul3A_297 : vector<1280x1xf32> to vector<1280x128xf32>
    %mul3A_299 = arith.mulf %mul3A_298, %select_n3A_272 : vector<1280x128xf32>
    %div3A_300 = vector.broadcast %max3A_280 : vector<1280x1xf32> to vector<1280x128xf32>
    %div3A_301 = arith.divf %mul3A_299, %div3A_300 : vector<1280x128xf32>
    %mul3A_302 = vector.broadcast %select_n3A : vector<1280x1xf32> to vector<1280x128xf32>
    %mul3A_303 = arith.mulf %mul3A_302, %div3A_301 : vector<1280x128xf32>
    %swap3A = arith.constant 0 : index
    %swap3A_304 = arith.constant 0 : index
    %swap3A_305 = vector.load %arg5[%swap3A, %swap3A_304] : memref<1280x128xf32, #tpu.memory_space<vmem>>, vector<1280x128xf32>
    tpu.vector_store %arg5[%swap3A, %swap3A_304], %mul3A_303 {strides = array<i32>} : memref<1280x128xf32, #tpu.memory_space<vmem>>, vector<1280x128xf32>,
    return
  }
  func.func @transform_0(%arg0: i32) -> (i32, i32, i32) {
    %c0_i32 = arith.constant 0 : i32
    %c0_i32_0 = arith.constant 0 : i32
    %c0_i32_1 = arith.constant 0 : i32
    return %c0_i32, %arg0, %c0_i32_0 : i32, i32, i32
  }
  func.func @transform_1(%arg0: i32) -> (i32, i32, i32) {
    %c0_i32 = arith.constant 0 : i32
    %c0_i32_0 = arith.constant 0 : i32
    %c0_i32_1 = arith.constant 0 : i32
    return %c0_i32, %arg0, %c0_i32_0 : i32, i32, i32
  }
  func.func @transform_2(%arg0: i32) -> (i32, i32) {
    %c0_i32 = arith.constant 0 : i32
    %c0_i32_0 = arith.constant 0 : i32
    %c0_i32_1 = arith.constant 0 : i32
    return %c0_i32, %c0_i32_0 : i32, i32
  }
  func.func @transform_3(%arg0: i32) -> (i32, i32) {
    %c0_i32 = arith.constant 0 : i32
    %c0_i32_0 = arith.constant 0 : i32
    %c0_i32_1 = arith.constant 0 : i32
    return %c0_i32, %c0_i32_0 : i32, i32
  }
  func.func @transform_4(%arg0: i32) -> (i32, i32) {
    %c0_i32 = arith.constant 0 : i32
    %c0_i32_0 = arith.constant 0 : i32
    return %arg0, %c0_i32 : i32, i32
  }
}

module attributes {stable_mosaic.version = 14 : i64} {
  func.func @_tc_head_body(%arg0: i32, %arg1: memref<2x1280x128xf32, #tpu.memory_space<vmem>>, %arg2: memref<2x1280x8xf32, #tpu.memory_space<vmem>>, %arg3: memref<16x128xf32, #tpu.memory_space<vmem>>, %arg4: memref<1x16xf32, #tpu.memory_space<vmem>>, %arg5: memref<1280x16xf32, #tpu.memory_space<vmem>>) attributes {dimension_semantics = [#tpu.dimension_semantics<arbitrary>], iteration_bounds = array<i64: 8>, scalar_prefetch = 0 : i64, scratch_operands = 0 : i64, tpu.core_type = #tpu.core_type<tc>, window_params = [{transform_indices = @transform_0, window_bounds = array<i64: 2, 1280, 128>}, {transform_indices = @transform_1, window_bounds = array<i64: 2, 1280, 8>}, {pipeline_mode = #tpu.pipeline_mode<synchronous>, transform_indices = @transform_2, window_bounds = array<i64: 16, 128>}, {pipeline_mode = #tpu.pipeline_mode<synchronous>, transform_indices = @transform_3, window_bounds = array<i64: 1, 16>}, {transform_indices = @transform_4, window_bounds = array<i64: 1280, 16>}]} {
    %get3A = arith.constant 0 : index
    %get3A_0 = arith.constant 0 : index
    %get3A_1 = arith.constant 0 : index
    %get3A_2 = vector.load %arg2[%get3A, %get3A_0, %get3A_1] : memref<2x1280x8xf32, #tpu.memory_space<vmem>>, vector<2x1280x8xf32>
    %slice3A = vector.extract_strided_slice %get3A_2 {offsets = [0, 0, 0], sizes = [1, 1280, 1], strides = [1, 1, 1]} : vector<2x1280x8xf32> to vector<1x1280x1xf32>
    %squeeze3A = vector.shape_cast %slice3A : vector<1x1280x1xf32> to vector<1280x1xf32>
    %slice3A_3 = vector.extract_strided_slice %get3A_2 {offsets = [1, 0, 0], sizes = [1, 1280, 1], strides = [1, 1, 1]} : vector<2x1280x8xf32> to vector<1x1280x1xf32>
    %squeeze3A_4 = vector.shape_cast %slice3A_3 : vector<1x1280x1xf32> to vector<1280x1xf32>
    %add3A = arith.addf %squeeze3A, %squeeze3A_4 : vector<1280x1xf32>
    %gt3A = arith.constant 0.000000e+00 : f32
    %gt3A_5 = vector.broadcast %gt3A : f32 to vector<1280x1xf32>
    %gt3A_6 = arith.cmpf ogt, %add3A, %gt3A_5 : vector<1280x1xf32>
    %jit3A = arith.constant 1.000000e+00 : f32
    %max3A = vector.broadcast %jit3A : f32 to vector<1280x1xf32>
    %max3A_7 = arith.maximumf %max3A, %add3A : vector<1280x1xf32>
    %sqrt3A = math.sqrt %max3A_7 : vector<1280x1xf32>
    %div3A = arith.constant 1.000000e+00 : f32
    %div3A_8 = vector.broadcast %div3A : f32 to vector<1280x1xf32>
    %div3A_9 = arith.divf %div3A_8, %sqrt3A : vector<1280x1xf32>
    %jit3A_10 = arith.constant 0.000000e+00 : f32
    %broadcast_in_dim3A = vector.broadcast %jit3A_10 : f32 to vector<1280x1xf32>
    %select_n3A = arith.select %gt3A_6, %div3A_9, %broadcast_in_dim3A : vector<1280x1xi1>, vector<1280x1xf32>
    %get3A_11 = arith.constant 0 : index
    %get3A_12 = arith.constant 0 : index
    %get3A_13 = arith.constant 0 : index
    %get3A_14 = vector.load %arg1[%get3A_11, %get3A_12, %get3A_13] : memref<2x1280x128xf32, #tpu.memory_space<vmem>>, vector<2x1280x128xf32>
    %slice3A_15 = vector.extract_strided_slice %get3A_14 {offsets = [0, 0, 0], sizes = [1, 1280, 128], strides = [1, 1, 1]} : vector<2x1280x128xf32> to vector<1x1280x128xf32>
    %squeeze3A_16 = vector.shape_cast %slice3A_15 : vector<1x1280x128xf32> to vector<1280x128xf32>
    %slice3A_17 = vector.extract_strided_slice %get3A_14 {offsets = [1, 0, 0], sizes = [1, 1280, 128], strides = [1, 1, 1]} : vector<2x1280x128xf32> to vector<1x1280x128xf32>
    %squeeze3A_18 = vector.shape_cast %slice3A_17 : vector<1x1280x128xf32> to vector<1280x128xf32>
    %add3A_19 = arith.addf %squeeze3A_16, %squeeze3A_18 : vector<1280x128xf32>
    %mul3A = vector.broadcast %select_n3A : vector<1280x1xf32> to vector<1280x128xf32>
    %mul3A_20 = arith.mulf %mul3A, %add3A_19 : vector<1280x128xf32>
    %mul3A_21 = arith.mulf %mul3A_20, %mul3A_20 : vector<1280x128xf32>
    %reduce_sum3A = arith.constant dense<0.000000e+00> : vector<1280xf32>
    %reduce_sum3A_22 = vector.multi_reduction <add>, %mul3A_21, %reduce_sum3A [1] : vector<1280x128xf32> to vector<1280xf32>
    %broadcast_in_dim3A_23 = vector.shape_cast %reduce_sum3A_22 : vector<1280xf32> to vector<1280x1xf32>
    %sqrt3A_24 = math.sqrt %broadcast_in_dim3A_23 : vector<1280x1xf32>
    %jit3A_25 = arith.constant 1.000000e-07 : f32
    %max3A_26 = vector.broadcast %jit3A_25 : f32 to vector<1280x1xf32>
    %max3A_27 = arith.maximumf %max3A_26, %sqrt3A_24 : vector<1280x1xf32>
    %tanh3A = math.tanh %max3A_27 : vector<1280x1xf32>
    %mul3A_28 = vector.broadcast %tanh3A : vector<1280x1xf32> to vector<1280x128xf32>
    %mul3A_29 = arith.mulf %mul3A_28, %mul3A_20 : vector<1280x128xf32>
    %div3A_30 = vector.broadcast %max3A_27 : vector<1280x1xf32> to vector<1280x128xf32>
    %div3A_31 = arith.divf %mul3A_29, %div3A_30 : vector<1280x128xf32>
    %mul3A_32 = arith.mulf %div3A_31, %div3A_31 : vector<1280x128xf32>
    %reduce_sum3A_33 = arith.constant dense<0.000000e+00> : vector<1280xf32>
    %reduce_sum3A_34 = vector.multi_reduction <add>, %mul3A_32, %reduce_sum3A_33 [1] : vector<1280x128xf32> to vector<1280xf32>
    %broadcast_in_dim3A_35 = vector.shape_cast %reduce_sum3A_34 : vector<1280xf32> to vector<1280x1xf32>
    %sqrt3A_36 = math.sqrt %broadcast_in_dim3A_35 : vector<1280x1xf32>
    %jit3A_37 = arith.constant 1.000000e-07 : f32
    %max3A_38 = vector.broadcast %jit3A_37 : f32 to vector<1280x1xf32>
    %max3A_39 = arith.maximumf %max3A_38, %sqrt3A_36 : vector<1280x1xf32>
    %gt3A_40 = arith.constant 9.990000e-01 : f32
    %gt3A_41 = vector.broadcast %gt3A_40 : f32 to vector<1280x1xf32>
    %gt3A_42 = arith.cmpf ogt, %max3A_39, %gt3A_41 : vector<1280x1xf32>
    %div3A_43 = vector.broadcast %max3A_39 : vector<1280x1xf32> to vector<1280x128xf32>
    %div3A_44 = arith.divf %div3A_31, %div3A_43 : vector<1280x128xf32>
    %mul3A_45 = arith.constant 9.990000e-01 : f32
    %mul3A_46 = vector.broadcast %mul3A_45 : f32 to vector<1280x128xf32>
    %mul3A_47 = arith.mulf %div3A_44, %mul3A_46 : vector<1280x128xf32>
    %broadcast_in_dim3A_48 = vector.shape_cast %gt3A_42 : vector<1280x1xi1> to vector<1280x1xi1>
    %broadcast_in_dim3A_49 = vector.broadcast %broadcast_in_dim3A_48 : vector<1280x1xi1> to vector<1280x128xi1>
    %select_n3A_50 = arith.select %broadcast_in_dim3A_49, %mul3A_47, %div3A_31 : vector<1280x128xi1>, vector<1280x128xf32>
    %mul3A_51 = arith.mulf %select_n3A_50, %select_n3A_50 : vector<1280x128xf32>
    %reduce_sum3A_52 = arith.constant dense<0.000000e+00> : vector<1280xf32>
    %reduce_sum3A_53 = vector.multi_reduction <add>, %mul3A_51, %reduce_sum3A_52 [1] : vector<1280x128xf32> to vector<1280xf32>
    %broadcast_in_dim3A_54 = vector.shape_cast %reduce_sum3A_53 : vector<1280xf32> to vector<1280x1xf32>
    %sqrt3A_55 = math.sqrt %broadcast_in_dim3A_54 : vector<1280x1xf32>
    %jit3A_56 = arith.constant 1.000000e-07 : f32
    %max3A_57 = vector.broadcast %jit3A_56 : f32 to vector<1280x1xf32>
    %max3A_58 = arith.maximumf %max3A_57, %sqrt3A_55 : vector<1280x1xf32>
    %jit3A_59 = arith.constant -0.99999988 : f32
    %jit3A_60 = arith.constant 0.99999988 : f32
    %max3A_61 = vector.broadcast %jit3A_59 : f32 to vector<1280x1xf32>
    %max3A_62 = arith.maximumf %max3A_61, %max3A_58 : vector<1280x1xf32>
    %min3A = vector.broadcast %jit3A_60 : f32 to vector<1280x1xf32>
    %min3A_63 = arith.minimumf %min3A, %max3A_62 : vector<1280x1xf32>
    %add3A_64 = arith.constant 1.000000e+00 : f32
    %add3A_65 = vector.broadcast %add3A_64 : f32 to vector<1280x1xf32>
    %add3A_66 = arith.addf %add3A_65, %min3A_63 : vector<1280x1xf32>
    %sub3A = arith.constant 1.000000e+00 : f32
    %sub3A_67 = vector.broadcast %sub3A : f32 to vector<1280x1xf32>
    %sub3A_68 = arith.subf %sub3A_67, %min3A_63 : vector<1280x1xf32>
    %div3A_69 = arith.divf %add3A_66, %sub3A_68 : vector<1280x1xf32>
    %log3A = math.log %div3A_69 : vector<1280x1xf32>
    %mul3A_70 = arith.constant 5.000000e-01 : f32
    %mul3A_71 = vector.broadcast %mul3A_70 : f32 to vector<1280x1xf32>
    %mul3A_72 = arith.mulf %mul3A_71, %log3A : vector<1280x1xf32>
    %mul3A_73 = vector.broadcast %mul3A_72 : vector<1280x1xf32> to vector<1280x128xf32>
    %mul3A_74 = arith.mulf %mul3A_73, %select_n3A_50 : vector<1280x128xf32>
    %div3A_75 = vector.broadcast %max3A_58 : vector<1280x1xf32> to vector<1280x128xf32>
    %div3A_76 = arith.divf %mul3A_74, %div3A_75 : vector<1280x128xf32>
    %max3A_77 = arith.constant 0.000000e+00 : f32
    %max3A_78 = vector.broadcast %max3A_77 : f32 to vector<1280x128xf32>
    %max3A_79 = arith.maximumf %div3A_76, %max3A_78 : vector<1280x128xf32>
    %mul3A_80 = arith.mulf %max3A_79, %max3A_79 : vector<1280x128xf32>
    %reduce_sum3A_81 = arith.constant dense<0.000000e+00> : vector<1280xf32>
    %reduce_sum3A_82 = vector.multi_reduction <add>, %mul3A_80, %reduce_sum3A_81 [1] : vector<1280x128xf32> to vector<1280xf32>
    %broadcast_in_dim3A_83 = vector.shape_cast %reduce_sum3A_82 : vector<1280xf32> to vector<1280x1xf32>
    %sqrt3A_84 = math.sqrt %broadcast_in_dim3A_83 : vector<1280x1xf32>
    %jit3A_85 = arith.constant 1.000000e-07 : f32
    %max3A_86 = vector.broadcast %jit3A_85 : f32 to vector<1280x1xf32>
    %max3A_87 = arith.maximumf %max3A_86, %sqrt3A_84 : vector<1280x1xf32>
    %tanh3A_88 = math.tanh %max3A_87 : vector<1280x1xf32>
    %mul3A_89 = vector.broadcast %tanh3A_88 : vector<1280x1xf32> to vector<1280x128xf32>
    %mul3A_90 = arith.mulf %mul3A_89, %max3A_79 : vector<1280x128xf32>
    %div3A_91 = vector.broadcast %max3A_87 : vector<1280x1xf32> to vector<1280x128xf32>
    %div3A_92 = arith.divf %mul3A_90, %div3A_91 : vector<1280x128xf32>
    %mul3A_93 = arith.mulf %div3A_92, %div3A_92 : vector<1280x128xf32>
    %reduce_sum3A_94 = arith.constant dense<0.000000e+00> : vector<1280xf32>
    %reduce_sum3A_95 = vector.multi_reduction <add>, %mul3A_93, %reduce_sum3A_94 [1] : vector<1280x128xf32> to vector<1280xf32>
    %broadcast_in_dim3A_96 = vector.shape_cast %reduce_sum3A_95 : vector<1280xf32> to vector<1280x1xf32>
    %sqrt3A_97 = math.sqrt %broadcast_in_dim3A_96 : vector<1280x1xf32>
    %jit3A_98 = arith.constant 1.000000e-07 : f32
    %max3A_99 = vector.broadcast %jit3A_98 : f32 to vector<1280x1xf32>
    %max3A_100 = arith.maximumf %max3A_99, %sqrt3A_97 : vector<1280x1xf32>
    %gt3A_101 = arith.constant 9.990000e-01 : f32
    %gt3A_102 = vector.broadcast %gt3A_101 : f32 to vector<1280x1xf32>
    %gt3A_103 = arith.cmpf ogt, %max3A_100, %gt3A_102 : vector<1280x1xf32>
    %div3A_104 = vector.broadcast %max3A_100 : vector<1280x1xf32> to vector<1280x128xf32>
    %div3A_105 = arith.divf %div3A_92, %div3A_104 : vector<1280x128xf32>
    %mul3A_106 = arith.constant 9.990000e-01 : f32
    %mul3A_107 = vector.broadcast %mul3A_106 : f32 to vector<1280x128xf32>
    %mul3A_108 = arith.mulf %div3A_105, %mul3A_107 : vector<1280x128xf32>
    %broadcast_in_dim3A_109 = vector.shape_cast %gt3A_103 : vector<1280x1xi1> to vector<1280x1xi1>
    %broadcast_in_dim3A_110 = vector.broadcast %broadcast_in_dim3A_109 : vector<1280x1xi1> to vector<1280x128xi1>
    %select_n3A_111 = arith.select %broadcast_in_dim3A_110, %mul3A_108, %div3A_92 : vector<1280x128xi1>, vector<1280x128xf32>
    %mul3A_112 = arith.mulf %select_n3A_111, %select_n3A_111 : vector<1280x128xf32>
    %reduce_sum3A_113 = arith.constant dense<0.000000e+00> : vector<1280xf32>
    %reduce_sum3A_114 = vector.multi_reduction <add>, %mul3A_112, %reduce_sum3A_113 [1] : vector<1280x128xf32> to vector<1280xf32>
    %broadcast_in_dim3A_115 = vector.shape_cast %reduce_sum3A_114 : vector<1280xf32> to vector<1280x1xf32>
    %sqrt3A_116 = math.sqrt %broadcast_in_dim3A_115 : vector<1280x1xf32>
    %jit3A_117 = arith.constant 1.000000e-07 : f32
    %max3A_118 = vector.broadcast %jit3A_117 : f32 to vector<1280x1xf32>
    %max3A_119 = arith.maximumf %max3A_118, %sqrt3A_116 : vector<1280x1xf32>
    %jit3A_120 = arith.constant -0.99999988 : f32
    %jit3A_121 = arith.constant 0.99999988 : f32
    %max3A_122 = vector.broadcast %jit3A_120 : f32 to vector<1280x1xf32>
    %max3A_123 = arith.maximumf %max3A_122, %max3A_119 : vector<1280x1xf32>
    %min3A_124 = vector.broadcast %jit3A_121 : f32 to vector<1280x1xf32>
    %min3A_125 = arith.minimumf %min3A_124, %max3A_123 : vector<1280x1xf32>
    %add3A_126 = arith.constant 1.000000e+00 : f32
    %add3A_127 = vector.broadcast %add3A_126 : f32 to vector<1280x1xf32>
    %add3A_128 = arith.addf %add3A_127, %min3A_125 : vector<1280x1xf32>
    %sub3A_129 = arith.constant 1.000000e+00 : f32
    %sub3A_130 = vector.broadcast %sub3A_129 : f32 to vector<1280x1xf32>
    %sub3A_131 = arith.subf %sub3A_130, %min3A_125 : vector<1280x1xf32>
    %div3A_132 = arith.divf %add3A_128, %sub3A_131 : vector<1280x1xf32>
    %log3A_133 = math.log %div3A_132 : vector<1280x1xf32>
    %mul3A_134 = arith.constant 5.000000e-01 : f32
    %mul3A_135 = vector.broadcast %mul3A_134 : f32 to vector<1280x1xf32>
    %mul3A_136 = arith.mulf %mul3A_135, %log3A_133 : vector<1280x1xf32>
    %mul3A_137 = vector.broadcast %mul3A_136 : vector<1280x1xf32> to vector<1280x128xf32>
    %mul3A_138 = arith.mulf %mul3A_137, %select_n3A_111 : vector<1280x128xf32>
    %div3A_139 = vector.broadcast %max3A_119 : vector<1280x1xf32> to vector<1280x128xf32>
    %div3A_140 = arith.divf %mul3A_138, %div3A_139 : vector<1280x128xf32>
    %get3A_141 = arith.constant 0 : index
    %get3A_142 = arith.constant 0 : index
    %get3A_143 = vector.load %arg3[%get3A_141, %get3A_142] : memref<16x128xf32, #tpu.memory_space<vmem>>, vector<16x128xf32>
    %dot_general3A = arith.constant dense<0.000000e+00> : vector<1280x16xf32>
    %dot_general3A_144 = tpu.matmul %div3A_140, %get3A_143, %dot_general3A {dimension_numbers = #tpu.dot_dimension_numbers<[1], [1], [0], [0], [0, 0, 1, 0], [], []>, transpose_lhs_hint = false} : vector<1280x128xf32>, vector<16x128xf32>, vector<1280x16xf32> -> vector<1280x16xf32>
    %get3A_145 = arith.constant 0 : index
    %get3A_146 = arith.constant 0 : index
    %get3A_147 = vector.load %arg4[%get3A_145, %get3A_146] : memref<1x16xf32, #tpu.memory_space<vmem>>, vector<1x16xf32>
    %add3A_148 = vector.broadcast %get3A_147 : vector<1x16xf32> to vector<1280x16xf32>
    %add3A_149 = arith.addf %dot_general3A_144, %add3A_148 : vector<1280x16xf32>
    %swap3A = arith.constant 0 : index
    %swap3A_150 = arith.constant 0 : index
    %swap3A_151 = vector.load %arg5[%swap3A, %swap3A_150] : memref<1280x16xf32, #tpu.memory_space<vmem>>, vector<1280x16xf32>
    tpu.vector_store %arg5[%swap3A, %swap3A_150], %add3A_149 {strides = array<i32>} : memref<1280x16xf32, #tpu.memory_space<vmem>>, vector<1280x16xf32>,
    return
  }
  func.func @transform_0(%arg0: i32) -> (i32, i32, i32) {
    %c0_i32 = arith.constant 0 : i32
    %c0_i32_0 = arith.constant 0 : i32
    %c0_i32_1 = arith.constant 0 : i32
    return %c0_i32, %arg0, %c0_i32_0 : i32, i32, i32
  }
  func.func @transform_1(%arg0: i32) -> (i32, i32, i32) {
    %c0_i32 = arith.constant 0 : i32
    %c0_i32_0 = arith.constant 0 : i32
    %c0_i32_1 = arith.constant 0 : i32
    return %c0_i32, %arg0, %c0_i32_0 : i32, i32, i32
  }
  func.func @transform_2(%arg0: i32) -> (i32, i32) {
    %c0_i32 = arith.constant 0 : i32
    %c0_i32_0 = arith.constant 0 : i32
    %c0_i32_1 = arith.constant 0 : i32
    return %c0_i32, %c0_i32_0 : i32, i32
  }
  func.func @transform_3(%arg0: i32) -> (i32, i32) {
    %c0_i32 = arith.constant 0 : i32
    %c0_i32_0 = arith.constant 0 : i32
    %c0_i32_1 = arith.constant 0 : i32
    return %c0_i32, %c0_i32_0 : i32, i32
  }
  func.func @transform_4(%arg0: i32) -> (i32, i32) {
    %c0_i32 = arith.constant 0 : i32
    %c0_i32_0 = arith.constant 0 : i32
    return %arg0, %c0_i32 : i32, i32
  }
}

</mosaic_0001>

<sc_bundles>
// kernel: kernel.10.cloned.1.call-start
scs
__scs_entry_jumppad:
0x0: {  	(pc) =	sbr.rel $0x88, $3  }
0x1: {  	(tag) =	ssettag $0x0;
	lr =	simm.s32 $0x1  }
0x2: {  	[smem:$0x3F97] =	sst lr;
	_ =	strace $0xD0000000  }
0x3: {  	_ = 	snop  }
0x4: {  	_ = 	snop  }
0x5: {  	_ = 	snop  }
0x6: {  	_ = 	snop  }
0x7: {  	_ = 	snop  }
__scs_overlays_trampoline_lowered:
0x8: {  	[smem:$0x3FA6] =	sst s0  }
0x9: {  	[smem:$0x3FA7] =	sst s1  }
0xa: {  	[smem:$0x3FA8] =	sst s2  }
0xb: {  	[smem:$0x3FA9] =	sst s3  }
0xc: {  	[smem:$0x3FAA] =	sst s4  }
0xd: {  	[smem:$0x3FAB] =	sst s5  }
0xe: {  	[smem:$0x3FAC] =	sst s6  }
0xf: {  	[smem:$0x3FAD] =	sst s7  }
0x10: {  	[smem:$0x3FAE] =	sst s8  }
0x11: {  	[smem:$0x3FAF] =	sst s9;
	s0 =	simm.s32 @!p0 $0x0  }
0x12: {  	s1 =	sld [smem:$0x3F95];
	s0 =	simm.s32 @p0 $0x1  }
0x13: {  	[smem:$0x3FB0] =	sst s0;
	s0 =	simm.s32 @!p1 $0x0  }
0x14: {  	s2 =	sld [smem:$0x3F94];
	s0 =	simm.s32 @p1 $0x1  }
0x15: {  	[smem:$0x3FB1] =	sst s0;
	s0 =	simm.s32 @!p2 $0x0  }
0x16: {  	s3 =	sld [smem:$0x3FDB];
	s0 =	simm.s32 @p2 $0x1  }
0x17: {  	s4 =	simm.s32 $0x1BF5;
	[smem:$0x3FB3] =	sst s0  }
0x18: {  	s0 =	sld [smem:$0x3F96];
	_ =	swait.ge [sflag:s4], $0x0  }
0x19: {  	s7 =	sld [smem:$0x3F97]  }
0x1a: {  	s8 =	sadd.s32 $0xFFFFE003, lr  }
0x1b: {  	s9 =	sadd.s32 $0xFFFFFEF7, lr;
	s5 =	simm.s32 $0xFFFFFFFF;
	p2 =	slt.u32 s8, $0xFFFFF086  }
0x1c: {  	p1 =	slt.u32 s9, $0xF7A;
	s5 =	simm.s32 @!p2 $0x0  }
0x1d: {  	s5 =	simm.s32 @p1 $0x1;
	p0 =	seq.s32 s7, s2  }
0x1e: {  	s7 =	smul.u32 @!p0 $0xF7A, s2;
	p2 =	seq.s32 @!p0 s5, $0x0  }
0x1f: {  	s9 =	smul.u32 $0xF7A, s1;
	s8 =	simm.s32 @!p0 $0x1BF5;
	p2 =	por !p2, p0  }
0x20: {  	[sflag:s8] =	ssyncset.s32 @!p0 $0xFFFFF086;
	s6 =	sadd.s32 @!p0 s3, s7;
	s7 =	simm.s32 @!p0 $0x108  }
0x21: {  	s3 =	sadd.s32 s3, s9;
	s6 =	sadd.s32 @!p0 $0x88, s6;
	s7 =	simm.s32 @p2 $0x1082  }
0x22: {  	[simem:s7], [sflag:s8] =	dma.local @!p0 [hbm:s6], $0xF7A  }
0x23: {  	s9 =	sor.u32 $0xD0000000, s2;
	s6 =	simm.s32 $0x108;
	_ =	swait.ge @!p0 [sflag:s8], $0x0  }
0x24: {  	s3 =	sadd.s32 $0x88, s3;
	s6 =	simm.s32 @!p1 $0x1082;
	[sflag:s4] =	ssyncset.s32 $0xFFFFF086  }
0x25: {  	[simem:s6], [sflag:s4] =	dma.local [hbm:s3], $0xF7A  }
0x26: {  	[smem:$0x3F97] =	sst s1;
	(tag) =	ssettag s2;
	_ =	strace s9  }
0x27: {  	s1 =	sld [smem:$0x3FA7]  }
0x28: {  	s2 =	sld [smem:$0x3FA8]  }
0x29: {  	s4 =	sld [smem:$0x3FAA]  }
0x2a: {  	p0 =	seq.s32 s5, $0x0;
	s5 =	sld [smem:$0x3FAB]  }
0x2b: {  	s6 =	sld [smem:$0x3FAC]  }
0x2c: {  	s7 =	sld [smem:$0x3FAD]  }
0x2d: {  	s3 =	simm.s32 $0x108;
	s8 =	sld [smem:$0x3FAE]  }
0x2e: {  	s3 =	simm.s32 @!p0 $0x1082;
	s9 =	sld [smem:$0x3FAF]  }
0x2f: {  	lr =	sadd.s32 s0, s3;
	s0 =	sld [smem:$0x3FA6]  }
0x30: {  	s3 =	sld [smem:$0x3FA9]  }
0x31: {  	[smem:$0x3FB2] =	sst s10  }
0x32: {  	s10 =	sld [smem:$0x3FB0];
	_ =	sdelay $0x3  }
0x33: {  	p0 =	seq.s32 s10, $0x1;
	s10 =	sld [smem:$0x3FB2];
	_ =	sdelay $0x3  }
0x34: {  	[smem:$0x3FB2] =	sst s10  }
0x35: {  	s10 =	sld [smem:$0x3FB1];
	_ =	sdelay $0x3  }
0x36: {  	p1 =	seq.s32 s10, $0x1;
	s10 =	sld [smem:$0x3FB2];
	_ =	sdelay $0x3  }
0x37: {  	[smem:$0x3FB2] =	sst s10  }
0x38: {  	s10 =	sld [smem:$0x3FB3]  }
0x39: {  	_ = 	snop;
	(pc) =	sbr.ind lr, $3  }
0x3a: {  	_ = 	snop  }
0x3b: {  	_ = 	snop  }
0x3c: {  	p2 =	seq.s32 s10, $0x1;
	s10 =	sld [smem:$0x3FB2]  }
0x3d: {  	_ =	shalt  }
0x3e: {  	_ =	shalt  }
0x3f: {  	_ =	shalt  }
0x40: {  	_ =	shalt  }
0x41: {  	_ =	shalt  }
0x42: {  	_ =	shalt  }
0x43: {  	_ =	shalt  }
0x44: {  	_ =	shalt  }
0x45: {  	_ =	shalt  }
0x46: {  	_ =	shalt  }
0x47: {  	_ =	shalt  }
0x48: {  	_ =	shalt  }
0x49: {  	_ =	shalt  }
0x4a: {  	_ =	shalt  }
0x4b: {  	_ =	shalt  }
0x4c: {  	_ =	shalt  }
0x4d: {  	_ =	shalt  }
0x4e: {  	_ =	shalt  }
0x4f: {  	_ =	shalt  }
0x50: {  	_ =	shalt  }
0x51: {  	_ =	shalt  }
0x52: {  	_ =	shalt  }
0x53: {  	_ =	shalt  }
0x54: {  	_ =	shalt  }
0x55: {  	_ =	shalt  }
0x56: {  	_ =	shalt  }
0x57: {  	_ =	shalt  }
0x58: {  	_ =	shalt  }
0x59: {  	_ =	shalt  }
0x5a: {  	_ =	shalt  }
0x5b: {  	_ =	shalt  }
0x5c: {  	_ =	shalt  }
0x5d: {  	_ =	shalt  }
0x5e: {  	_ =	shalt  }
0x5f: {  	_ =	shalt  }
0x60: {  	_ =	shalt  }
0x61: {  	_ =	shalt  }
0x62: {  	_ =	shalt  }
0x63: {  	_ =	shalt  }
0x64: {  	_ =	shalt  }
0x65: {  	_ =	shalt  }
0x66: {  	_ =	shalt  }
0x67: {  	_ =	shalt  }
0x68: {  	_ =	shalt  }
0x69: {  	_ =	shalt  }
0x6a: {  	_ =	shalt  }
0x6b: {  	_ =	shalt  }
0x6c: {  	_ =	shalt  }
0x6d: {  	_ =	shalt  }
0x6e: {  	_ =	shalt  }
0x6f: {  	_ =	shalt  }
0x70: {  	_ =	shalt  }
0x71: {  	_ =	shalt  }
0x72: {  	_ =	shalt  }
0x73: {  	_ =	shalt  }
0x74: {  	_ =	shalt  }
0x75: {  	_ =	shalt  }
0x76: {  	_ =	shalt  }
0x77: {  	_ =	shalt  }
0x78: {  	_ =	shalt  }
0x79: {  	_ =	shalt  }
0x7a: {  	_ =	shalt  }
0x7b: {  	_ =	shalt  }
0x7c: {  	_ =	shalt  }
0x7d: {  	_ =	shalt  }
0x7e: {  	_ =	shalt  }
0x7f: {  	_ =	shalt  }
0x80: {  	_ =	shalt  }
0x81: {  	_ =	shalt  }
0x82: {  	_ =	shalt  }
0x83: {  	_ =	shalt  }
0x84: {  	_ =	shalt  }
0x85: {  	_ =	shalt  }
0x86: {  	_ =	shalt  }
0x87: {  	_ =	shalt  }
.Lfunc_end0:
.L_simem_size_0:
called_computation_lowered:
.L_overlay_start_0:
0x88: {  	s2 =	sld [smem:$0x3FD9]  }
0x89: {  	s3 =	sld [smem:$0x3FFE];
	_ =	sdelay $0x1  }
0x8a: {  	s1 =	srdreg.scid  }
0x8b: {  	s0 =	sand.u32 $0x1, s1  }
0x8c: {  	s17 =	sshll.u32 s0, $0xA;
	s2 =	sadd.s32 s3, s2  }
0x8d: {  	s2 =	sadd.s32 s2, s17  }
0x8e: {  	[smem:$0x3FBE] =	sst s2  }
0x8f: {  	_ = 	snop  }
0x90: {  	s2 =	sld [smem:$0x3FD0];
	(tm) =	ssettm $0x1  }
0x91: {  	s18 =	sld [smem:$0x3FFB];
	_ =	sdelay $0x3  }
0x92: {  	_ =	strace s18  }
0x93: {  	s3 =	sld [smem:$0x3FFC];
	_ =	sdelay $0x3  }
0x94: {  	_ =	strace s3  }
0x95: {  	s3 =	sld [smem:$0x3FFD];
	_ =	sdelay $0x3  }
0x96: {  	_ =	strace s3  }
0x97: {  	_ =	strace $0x8FFFFFFF  }
0x98: {  	s19 =	sld [smem:$0x3FDB];
	_ =	sdelay $0x1  }
0x99: {  	s4 =	simm.s32 $_scs_section_size  }
0x9a: {  	s5 =	simm.s32 $_size__tile_overlayer_lowered;
	s6 =	simm.s32 $_tile_overlayer_lowered  }
0x9b: {  	s22 =	simm.s32 $0x1BFF;
	s21 =	sshll.u32 s6, $0x1;
	s3 =	sadd.s32 s4, s19  }
0x9c: {  	s7 =	simm.s32 $0x0;
	s20 =	sshll.u32 s5, $0x1;
	s5 =	sadd.s32 s21, s3  }
0x9d: {  	[timem:s7], [sflag:s22] =	dma.local [hbm:s5], s20  }
0x9e: {  	_ =	swait.ge [sflag:s22], s20  }
0x9f: {  	s4 =	ssub.s32 $0x0, s20;
	[sflag:s22] =	ssyncset.done $0x0  }
0xa0: {  	[sflag:s22] =	ssyncadd.s32 s4;
	_ =	sdelay $0x1  }
0xa1: {  	s23 =	simm.s32 $0x1B8B  }
0xa2: {  	_ =	swait.ge [sflag:s23], $0x1  }
0xa3: {  	[sflag:s23] =	ssyncset.done $0x0  }
0xa4: {  	s25 =	simm.s32 $0x1B8E;
	s24 =	sld [smem:$0x3FFE];
	[sflag:s23] =	ssyncadd.s32 $0xFFFFFFFF  }
0xa5: {  	s26 =	simm.s32 $execute0_lowered;
	[smem:$0x3FD2] =	sst s25  }
0xa6: {  	s5 =	sshll.u32 s26, $0x1;
	_ =	strace $0x80000046;
	[dreg:$0x1] =	wrdreg $0xFFFFFFFF  }
0xa7: {  	s28 =	simm.s32 $_size_execute0_lowered;
	s3 =	sadd.s32 s3, s5;
	[dreg:$0x0] =	wrdreg $0x0  }
0xa8: {  	s5 =	sshll.u32 s28, $0x1;
	[dreg:$0x2] =	wrdreg s3  }
0xa9: {  	[dreg:$0x3] =	wrdreg s5  }
0xaa: {  	[dreg:$0x4] =	wrdreg $0xC0  }
0xab: {  	_ =	task [dreg:s7], $0x5FFFF  }
0xac: {  	[dreg:$0x1] =	wrdreg $0xFFFFFFFF  }
0xad: {  	[dreg:$0x0] =	wrdreg $0x60  }
0xae: {  	[dreg:$0x2] =	wrdreg s24  }
0xaf: {  	[dreg:$0x3] =	wrdreg s2  }
0xb0: {  	[dreg:$0x4] =	wrdreg $0xA8000  }
0xb1: {  	[dreg:$0x5] =	wrdreg $0x9  }
0xb2: {  	_ =	task.clear_ibuf [dreg:s7], $0x6FFFF;
	_ =	strace $0x90000046  }
0xb3: {  	s29 =	simm.s32 $0x9;
	_ =	strace $0x80000048  }
0xb4: {  	_ =	swait.ge [sflag:s29], $0x1  }
0xb5: {  	[sflag:s29] =	ssyncadd.s32 $0xFFFFFFFF  }
0xb6: {  	_ =	strace $0x90000048  }
0xb7: {  	_ =	sfence  }
0xb8: {  	s30 =	sld [smem:$0x0];
	_ =	sdelay $0x2  }
0xb9: {  	s31 =	sshll.u32 s1, $0xD;
	s1 =	sshrl.u32 s1, $0x2  }
0xba: {  	s3 =	sand.u32 $0x4000, s31;
	s1 =	sadd.s32 s1, s30  }
0xbb: {  	s0 =	sor.u32 s3, s0;
	s1 =	sshll.u32 s1, $0x11  }
0xbc: {  	s0 =	sor.u32 s1, s0  }
0xbd: {  	s0 =	sadd.s32 $0x8F2B, s0  }
0xbe: {  	[sflag:s0] =	ssyncadd.remote.s32 $0x1  }
0xbf: {  	_ =	sfence.sel $0xFFFF  }
0xc0: {  	[dreg:$0x0] =	wrdreg $0xFFFFFFFF;
	(pc) =	sbr.abs _section_cstart, $3  }
0xc1: {  	[dreg:$0x1] =	wrdreg $0xFFFFFFFF  }
0xc2: {  	_ =	task.clear_ibuf [dreg:s7], $0x2FFFF;
	_ =	strace $0x9FFFFFFF  }
0xc3: {  	(tm) =	ssettm $0x7FFFFFFF  }
tec
execute0_lowered:
.L_overlay_start_1:
0x0: {  	(tag) =	ssettag $0x1  }
0x1: {  	s5 =	rddreg [dreg:$0x0]  }
0x2: {  	s2 =	rddreg [dreg:$0x1]  }
0x3: {  	s0 =	srdreg.scid;
	s3 =	rddreg [dreg:$0x2]  }
0x4: {  	s4 =	simm.s32 $0x0;
	s6 =	sand.u32 $0x1, s0;
	s0 =	stileid.u32  }
0x5: {  	[smem:$0x7FF] =	sst s4;
	s16 =	sadd.s32 $0xD000, s5;
	s15 =	smul.u32 $0x140000, s6  }
0x6: {  	s1 =	sshll.u32 s6, $0x4;
	s6 =	ssub.s32 $0x2, s6;
	s14 =	smul.u32 $0x14000, s0  }
0x7: {  	s9 =	smul.u32 $0x50000, s0;
	s7 =	sor.u32 s0, s1;
	s1 =	rddreg [dreg:$0x3]  }
0x8: {  	_ =	strace $0x80000047;
	s8 =	sshrl.u32 s6, $0x1;
	s7 =	smul.u32 $0x500, s7  }
0x9: {  	s8 =	ssub.s32 s6, s8;
	s24 =	sadd.s32 s15, s14;
	s25 =	sshrl.u32 s9, $0x2  }
0xa: {  	s17 =	sadd.s32 $0x4000, s14;
	s18 =	sadd.s32 $0x8000, s14;
	s19 =	sadd.s32 $0xC000, s14  }
0xb: {  	s22 =	sadd.s32 $0x10000, s14;
	s26 =	sshrl.u32 s24, $0x3;
	s6 =	sadd.s32 s25, s3  }
0xc: {  	s8 =	smax.u32 s8, $0x1;
	s12 =	sadd.s32 s15, s17;
	s21 =	sadd.s32 s17, s3  }
0xd: {  	s28 =	sadd.s32 s15, s18;
	s20 =	sadd.s32 s15, s19;
	s30 =	sadd.s32 s15, s22  }
0xe: {  	s23 =	sadd.s32 s18, s3;
	s24 =	sadd.s32 s19, s3;
	s25 =	sadd.s32 s22, s3  }
0xf: {  	s18 =	simm.s32 $0x2800;
	s19 =	simm.s32 $0x6800;
	s7 =	sadd.s32 s7, s5  }
0x10: {  	s9 =	sadd.s32 $0x4000, s6;
	s10 =	sadd.s32 $0x8000, s6;
	s11 =	sadd.s32 $0xC000, s6  }
0x11: {  	s13 =	sshrl.u32 s12, $0x3;
	s12 =	sadd.s32 $0x10000, s6;
	s17 =	sshrl.u32 s28, $0x3  }
0x12: {  	s29 =	sshrl.u32 s20, $0x3;
	s31 =	sshrl.u32 s30, $0x3;
	s20 =	simm.s32 $0x80  }
0x13: {  	s21 =	sshrl.u32 s21, $0x3;
	s22 =	sshrl.u32 s23, $0x3;
	s23 =	sshrl.u32 s24, $0x3  }
0x14: {  	s24 =	sshrl.u32 s25, $0x3;
	s25 =	simm.s32 $0x0;
	s5 =	sadd.s32 $0x3000, s7  }
0x15: {  	s7 =	sadd.s32 s16, s26;
	s13 =	sadd.s32 s16, s13;
	s14 =	sadd.s32 s16, s17  }
0x16: {  	v0 =	vimm.f32 $0.0e+00;
	s15 =	sadd.s32 s16, s29;
	s16 =	sadd.s32 s16, s31;
	s17 =	simm.s32 $0x1  }
.LBB2_1:
0x17: {  	[tilespmem:s4], [sflag:$0x1] =	stream.linear.gather [hbm4b:s5+s4], $0x2800, $0x38;
	[tilespmem:$0x1E800] =	vst v63  }
0x18: {  	_ =	swait.ge [sflag:s17], $0x2800  }
0x19: {  	[sflag:s17] =	ssyncset.done $0x0  }
0x1a: {  	[sflag:s17] =	ssyncadd.s32 $0xFFFFD800  }
0x1b: {  	[tilespmem:s18], [sflag:$0x1] =	stream.linear.gather [hbm4b:s2+s4], $0x4000, $0x38;
	[tilespmem:$0x1E800] =	vst v63  }
0x1c: {  	_ =	swait.ge [sflag:s17], $0x4000  }
0x1d: {  	[sflag:s17] =	ssyncset.done $0x0  }
0x1e: {  	s26 =	simm.s32 $0x0;
	s28 =	simm.s32 $0x200;
	[sflag:s17] =	ssyncadd.s32 $0xFFFFC000  }
.LBB2_2:
0x1f: {  	p0 =	sne.s32 s28, $0xFE00;
	[tilespmem:s26+$0x6870] =	vst v0  }
0x20: {  	[tilespmem:s26+$0x6800] =	vst v0  }
0x21: {  	[tilespmem:s26+$0x6810] =	vst v0  }
.Ltmp0:
0x22: {  	[tilespmem:s26+$0x6820] =	vst v0;
	(pc) =	sbr.rel @p0 .LBB2_2-.Ltmp0, $4  }
0x23: {  	[tilespmem:s26+$0x6830] =	vst v0  }
0x24: {  	[tilespmem:s26+$0x6840] =	vst v0  }
0x25: {  	[tilespmem:s26+$0x6850] =	vst v0  }
0x26: {  	[tilespmem:s26+$0x6860] =	vst v0;
	s26 =	sshra.s32 s28, $0x2;
	s28 =	sadd.s32 $0x200, s28  }
0x27: {  	[tilespmem:s26+$0x6870] =	vst v0  }
0x28: {  	[tilespmem:s26+$0x6800] =	vst v0  }
0x29: {  	[tilespmem:s26+$0x6810] =	vst v0  }
0x2a: {  	[tilespmem:s26+$0x6820] =	vst v0  }
0x2b: {  	[tilespmem:s26+$0x6830] =	vst v0  }
0x2c: {  	[tilespmem:s26+$0x6840] =	vst v0  }
0x2d: {  	[tilespmem:s26+$0x6850] =	vst v0  }
0x2e: {  	[tilespmem:s26+$0x6860] =	vst v0  }
0x2f: {  	[spmem:s6] =	stream.linear.scatter [tilespmem:s19], [sflag:$0x1], $0x4000, $0x38;
	[tilespmem:$0x1E800] =	vst v63  }
0x30: {  	_ =	swait.ge [sflag:s17], $0x4000  }
0x31: {  	[sflag:s17] =	ssyncset.done $0x0  }
0x32: {  	[sflag:s17] =	ssyncadd.s32 $0xFFFFC000  }
0x33: {  	[spmem:s9] =	stream.linear.scatter [tilespmem:s19], [sflag:$0x1], $0x4000, $0x38;
	[tilespmem:$0x1E800] =	vst v63  }
0x34: {  	_ =	swait.ge [sflag:s17], $0x4000  }
0x35: {  	[sflag:s17] =	ssyncset.done $0x0  }
0x36: {  	[sflag:s17] =	ssyncadd.s32 $0xFFFFC000  }
0x37: {  	[spmem:s10] =	stream.linear.scatter [tilespmem:s19], [sflag:$0x1], $0x4000, $0x38;
	[tilespmem:$0x1E800] =	vst v63  }
0x38: {  	_ =	swait.ge [sflag:s17], $0x4000  }
0x39: {  	[sflag:s17] =	ssyncset.done $0x0  }
0x3a: {  	[sflag:s17] =	ssyncadd.s32 $0xFFFFC000  }
0x3b: {  	[spmem:s11] =	stream.linear.scatter [tilespmem:s19], [sflag:$0x1], $0x4000, $0x38;
	[tilespmem:$0x1E800] =	vst v63  }
0x3c: {  	_ =	swait.ge [sflag:s17], $0x4000  }
0x3d: {  	[sflag:s17] =	ssyncset.done $0x0  }
0x3e: {  	[sflag:s17] =	ssyncadd.s32 $0xFFFFC000  }
0x3f: {  	[spmem:s12] =	stream.linear.scatter [tilespmem:s19], [sflag:$0x1], $0x4000, $0x38;
	[tilespmem:$0x1E800] =	vst v63  }
0x40: {  	_ =	swait.ge [sflag:s17], $0x4000  }
0x41: {  	[sflag:s17] =	ssyncset.done $0x0  }
0x42: {  	[sflag:s17] =	ssyncadd.s32 $0xFFFFC000  }
0x43: {  	s31 =	simm.s32 $0x0;
	[bflag:$0x0] =	sbarrier.arrive $0xFFFF  }
0x44: {  	[spmem:s3] =	stream.indirect.scatter.add.f32 [tilespmem:s18], [sflag:$0x1], $0x80, s31, s20, $0xb8;
	[tilespmem:$0x1E800] =	vst v63  }
0x45: {  	_ =	swait.ge [sflag:s17], $0x4000  }
0x46: {  	s26 =	simm.s32 $0x200;
	[sflag:s17] =	ssyncset.done $0x0  }
.LBB2_4:
0x47: {  	s28 =	sshra.s32 s26, $0x2;
	[sflag:s17] =	ssyncadd.s32 $0xFFFFC000;
	p0 =	sne.s32 s26, $0x9E00  }
0x48: {  	[spmem:s3] =	stream.indirect.scatter.add.f32 [tilespmem:s18], [sflag:$0x1], $0x80, s28, s20, $0xb8;
	[tilespmem:$0x1E800] =	vst v63  }
.Ltmp1:
0x49: {  	_ = 	snop;
	(pc) =	sbr.rel @p0 .LBB2_4-.Ltmp1, $4  }
0x4a: {  	_ = 	snop  }
0x4b: {  	s26 =	sadd.s32 $0x200, s26  }
0x4c: {  	_ =	swait.ge [sflag:s17], $0x4000  }
0x4d: {  	[sflag:s17] =	ssyncset.done $0x0  }
0x4e: {  	[sflag:s17] =	ssyncadd.s32 $0xFFFFC000;
	s26 =	sshll.u32 s0, $0x6  }
0x4f: {  	s28 =	sshrl.u32 s6, $0x3;
	[bflag:$0x0] =	sbarrier.arrive $0xFFFF;
	s26 =	sor.u32 $0x1C01, s26  }
0x50: {  	[hbm:s7], [sflag:s26] =	dma.local [spmem:s28], $0x800  }
0x51: {  	_ =	swait.ge [sflag:s17], $0x800  }
0x52: {  	[sflag:s17] =	ssyncset.done $0x0  }
0x53: {  	[sflag:s17] =	ssyncadd.s32 $0xFFFFF800  }
0x54: {  	[hbm:s13], [sflag:s26] =	dma.local [spmem:s21], $0x800  }
0x55: {  	_ =	swait.ge [sflag:s17], $0x800  }
0x56: {  	[sflag:s17] =	ssyncset.done $0x0  }
0x57: {  	[sflag:s17] =	ssyncadd.s32 $0xFFFFF800  }
0x58: {  	[hbm:s14], [sflag:s26] =	dma.local [spmem:s22], $0x800  }
0x59: {  	_ =	swait.ge [sflag:s17], $0x800  }
0x5a: {  	[sflag:s17] =	ssyncset.done $0x0  }
0x5b: {  	[sflag:s17] =	ssyncadd.s32 $0xFFFFF800  }
0x5c: {  	[hbm:s15], [sflag:s26] =	dma.local [spmem:s23], $0x800  }
0x5d: {  	s25 =	sadd.s32 $0x1, s25;
	_ =	swait.ge [sflag:s17], $0x800  }
0x5e: {  	p0 =	sne.s32 s25, s8;
	[sflag:s17] =	ssyncset.done $0x0  }
.Ltmp2:
0x5f: {  	[sflag:s17] =	ssyncadd.s32 $0xFFFFF800;
	(pc) =	sbr.rel @p0 .LBB2_1-.Ltmp2, $4  }
0x60: {  	[hbm:s16], [sflag:s26] =	dma.local [spmem:s24], $0x800  }
0x61: {  	_ =	swait.ge [sflag:s17], $0x800  }
0x62: {  	[sflag:s17] =	ssyncset.done $0x0  }
0x63: {  	[sflag:s17] =	ssyncadd.s32 $0xFFFFF800  }
0x64: {  	_ =	sfence.sel $0x180000  }
0x65: {  	[bflag:$0x0] =	sbarrier.arrive $0xFFFF  }
0x66: {  	p0 =	sne.s32 s0, $0x0;
	_ =	strace $0x90000047  }
0x67: {  	s0 =	sadd.s32 @!p0 $0x100000, s1;
	[bflag:$0x2] =	sbarrier.arrive $0xFFFF  }
0x68: {  	[sflag:s0] =	ssyncadd.tile.s32 @!p0 $0x1;
	_ =	shalt  }
.Lfunc_end2:
_tile_overlayer_lowered:
.L_overlay_start_2:
0x69: {  	(tag) =	ssettag $0x2  }
0x6a: {  	s0 =	rddreg [dreg:$0x0];
	s2 =	stileid.u32  }
0x6b: {  	s1 =	rddreg [dreg:$0x1];
	p0 =	sne.s32 s2, $0x0  }
0x6c: {  	s3 =	rddreg [dreg:$0x2];
	[bflag:$0x3] =	sbarrier.arrive $0xFFFF;
	s2 =	simm.s32 @!p0 $0x1C01  }
0x6d: {  	[timem:s3], [sflag:s2] =	dma.local @!p0 [hbm:s0], s1  }
0x6e: {  	s0 =	simm.s32 @!p0 $0x1  }
0x6f: {  	_ =	swait.ge @!p0 [sflag:s0], s1  }
0x70: {  	s1 =	ssub.s32 @!p0 $0x0, s1;
	[sflag:s0] =	ssyncset.done @!p0 $0x0  }
0x71: {  	[sflag:s0] =	ssyncadd.s32 @!p0 s1  }
0x72: {  	[bflag:$0x3] =	sbarrier.arrive $0xFFFF  }
0x73: {  	_ =	shalt  }

// kernel: kernel.13.cloned.1.call-start
scs
__scs_entry_jumppad:
0x0: {  	(pc) =	sbr.rel $0x88, $3  }
0x1: {  	(tag) =	ssettag $0x0;
	lr =	simm.s32 $0x1  }
0x2: {  	[smem:$0x3F97] =	sst lr;
	_ =	strace $0xD0000000  }
0x3: {  	_ = 	snop  }
0x4: {  	_ = 	snop  }
0x5: {  	_ = 	snop  }
0x6: {  	_ = 	snop  }
0x7: {  	_ = 	snop  }
__scs_overlays_trampoline_lowered:
0x8: {  	[smem:$0x3FA6] =	sst s0  }
0x9: {  	[smem:$0x3FA7] =	sst s1  }
0xa: {  	[smem:$0x3FA8] =	sst s2  }
0xb: {  	[smem:$0x3FA9] =	sst s3  }
0xc: {  	[smem:$0x3FAA] =	sst s4  }
0xd: {  	[smem:$0x3FAB] =	sst s5  }
0xe: {  	[smem:$0x3FAC] =	sst s6  }
0xf: {  	[smem:$0x3FAD] =	sst s7  }
0x10: {  	[smem:$0x3FAE] =	sst s8  }
0x11: {  	[smem:$0x3FAF] =	sst s9;
	s0 =	simm.s32 @!p0 $0x0  }
0x12: {  	s1 =	sld [smem:$0x3F95];
	s0 =	simm.s32 @p0 $0x1  }
0x13: {  	[smem:$0x3FB0] =	sst s0;
	s0 =	simm.s32 @!p1 $0x0  }
0x14: {  	s2 =	sld [smem:$0x3F94];
	s0 =	simm.s32 @p1 $0x1  }
0x15: {  	[smem:$0x3FB1] =	sst s0;
	s0 =	simm.s32 @!p2 $0x0  }
0x16: {  	s3 =	sld [smem:$0x3FDB];
	s0 =	simm.s32 @p2 $0x1  }
0x17: {  	s4 =	simm.s32 $0x1BF5;
	[smem:$0x3FB3] =	sst s0  }
0x18: {  	s0 =	sld [smem:$0x3F96];
	_ =	swait.ge [sflag:s4], $0x0  }
0x19: {  	s7 =	sld [smem:$0x3F97]  }
0x1a: {  	s8 =	sadd.s32 $0xFFFFE003, lr  }
0x1b: {  	s9 =	sadd.s32 $0xFFFFFEF7, lr;
	s5 =	simm.s32 $0xFFFFFFFF;
	p2 =	slt.u32 s8, $0xFFFFF086  }
0x1c: {  	p1 =	slt.u32 s9, $0xF7A;
	s5 =	simm.s32 @!p2 $0x0  }
0x1d: {  	s5 =	simm.s32 @p1 $0x1;
	p0 =	seq.s32 s7, s2  }
0x1e: {  	s7 =	smul.u32 @!p0 $0xF7A, s2;
	p2 =	seq.s32 @!p0 s5, $0x0  }
0x1f: {  	s9 =	smul.u32 $0xF7A, s1;
	s8 =	simm.s32 @!p0 $0x1BF5;
	p2 =	por !p2, p0  }
0x20: {  	[sflag:s8] =	ssyncset.s32 @!p0 $0xFFFFF086;
	s6 =	sadd.s32 @!p0 s3, s7;
	s7 =	simm.s32 @!p0 $0x108  }
0x21: {  	s3 =	sadd.s32 s3, s9;
	s6 =	sadd.s32 @!p0 $0x88, s6;
	s7 =	simm.s32 @p2 $0x1082  }
0x22: {  	[simem:s7], [sflag:s8] =	dma.local @!p0 [hbm:s6], $0xF7A  }
0x23: {  	s9 =	sor.u32 $0xD0000000, s2;
	s6 =	simm.s32 $0x108;
	_ =	swait.ge @!p0 [sflag:s8], $0x0  }
0x24: {  	s3 =	sadd.s32 $0x88, s3;
	s6 =	simm.s32 @!p1 $0x1082;
	[sflag:s4] =	ssyncset.s32 $0xFFFFF086  }
0x25: {  	[simem:s6], [sflag:s4] =	dma.local [hbm:s3], $0xF7A  }
0x26: {  	[smem:$0x3F97] =	sst s1;
	(tag) =	ssettag s2;
	_ =	strace s9  }
0x27: {  	s1 =	sld [smem:$0x3FA7]  }
0x28: {  	s2 =	sld [smem:$0x3FA8]  }
0x29: {  	s4 =	sld [smem:$0x3FAA]  }
0x2a: {  	p0 =	seq.s32 s5, $0x0;
	s5 =	sld [smem:$0x3FAB]  }
0x2b: {  	s6 =	sld [smem:$0x3FAC]  }
0x2c: {  	s7 =	sld [smem:$0x3FAD]  }
0x2d: {  	s3 =	simm.s32 $0x108;
	s8 =	sld [smem:$0x3FAE]  }
0x2e: {  	s3 =	simm.s32 @!p0 $0x1082;
	s9 =	sld [smem:$0x3FAF]  }
0x2f: {  	lr =	sadd.s32 s0, s3;
	s0 =	sld [smem:$0x3FA6]  }
0x30: {  	s3 =	sld [smem:$0x3FA9]  }
0x31: {  	[smem:$0x3FB2] =	sst s10  }
0x32: {  	s10 =	sld [smem:$0x3FB0];
	_ =	sdelay $0x3  }
0x33: {  	p0 =	seq.s32 s10, $0x1;
	s10 =	sld [smem:$0x3FB2];
	_ =	sdelay $0x3  }
0x34: {  	[smem:$0x3FB2] =	sst s10  }
0x35: {  	s10 =	sld [smem:$0x3FB1];
	_ =	sdelay $0x3  }
0x36: {  	p1 =	seq.s32 s10, $0x1;
	s10 =	sld [smem:$0x3FB2];
	_ =	sdelay $0x3  }
0x37: {  	[smem:$0x3FB2] =	sst s10  }
0x38: {  	s10 =	sld [smem:$0x3FB3]  }
0x39: {  	_ = 	snop;
	(pc) =	sbr.ind lr, $3  }
0x3a: {  	_ = 	snop  }
0x3b: {  	_ = 	snop  }
0x3c: {  	p2 =	seq.s32 s10, $0x1;
	s10 =	sld [smem:$0x3FB2]  }
0x3d: {  	_ =	shalt  }
0x3e: {  	_ =	shalt  }
0x3f: {  	_ =	shalt  }
0x40: {  	_ =	shalt  }
0x41: {  	_ =	shalt  }
0x42: {  	_ =	shalt  }
0x43: {  	_ =	shalt  }
0x44: {  	_ =	shalt  }
0x45: {  	_ =	shalt  }
0x46: {  	_ =	shalt  }
0x47: {  	_ =	shalt  }
0x48: {  	_ =	shalt  }
0x49: {  	_ =	shalt  }
0x4a: {  	_ =	shalt  }
0x4b: {  	_ =	shalt  }
0x4c: {  	_ =	shalt  }
0x4d: {  	_ =	shalt  }
0x4e: {  	_ =	shalt  }
0x4f: {  	_ =	shalt  }
0x50: {  	_ =	shalt  }
0x51: {  	_ =	shalt  }
0x52: {  	_ =	shalt  }
0x53: {  	_ =	shalt  }
0x54: {  	_ =	shalt  }
0x55: {  	_ =	shalt  }
0x56: {  	_ =	shalt  }
0x57: {  	_ =	shalt  }
0x58: {  	_ =	shalt  }
0x59: {  	_ =	shalt  }
0x5a: {  	_ =	shalt  }
0x5b: {  	_ =	shalt  }
0x5c: {  	_ =	shalt  }
0x5d: {  	_ =	shalt  }
0x5e: {  	_ =	shalt  }
0x5f: {  	_ =	shalt  }
0x60: {  	_ =	shalt  }
0x61: {  	_ =	shalt  }
0x62: {  	_ =	shalt  }
0x63: {  	_ =	shalt  }
0x64: {  	_ =	shalt  }
0x65: {  	_ =	shalt  }
0x66: {  	_ =	shalt  }
0x67: {  	_ =	shalt  }
0x68: {  	_ =	shalt  }
0x69: {  	_ =	shalt  }
0x6a: {  	_ =	shalt  }
0x6b: {  	_ =	shalt  }
0x6c: {  	_ =	shalt  }
0x6d: {  	_ =	shalt  }
0x6e: {  	_ =	shalt  }
0x6f: {  	_ =	shalt  }
0x70: {  	_ =	shalt  }
0x71: {  	_ =	shalt  }
0x72: {  	_ =	shalt  }
0x73: {  	_ =	shalt  }
0x74: {  	_ =	shalt  }
0x75: {  	_ =	shalt  }
0x76: {  	_ =	shalt  }
0x77: {  	_ =	shalt  }
0x78: {  	_ =	shalt  }
0x79: {  	_ =	shalt  }
0x7a: {  	_ =	shalt  }
0x7b: {  	_ =	shalt  }
0x7c: {  	_ =	shalt  }
0x7d: {  	_ =	shalt  }
0x7e: {  	_ =	shalt  }
0x7f: {  	_ =	shalt  }
0x80: {  	_ =	shalt  }
0x81: {  	_ =	shalt  }
0x82: {  	_ =	shalt  }
0x83: {  	_ =	shalt  }
0x84: {  	_ =	shalt  }
0x85: {  	_ =	shalt  }
0x86: {  	_ =	shalt  }
0x87: {  	_ =	shalt  }
.Lfunc_end0:
.L_simem_size_0:
called_computation.1_lowered:
.L_overlay_start_0:
0x88: {  	s2 =	sld [smem:$0x3FD9]  }
0x89: {  	s3 =	sld [smem:$0x3FFE];
	_ =	sdelay $0x1  }
0x8a: {  	s1 =	srdreg.scid  }
0x8b: {  	s0 =	sand.u32 $0x1, s1  }
0x8c: {  	s16 =	sshll.u32 s0, $0xA;
	s2 =	sadd.s32 s3, s2  }
0x8d: {  	s2 =	sadd.s32 s2, s16  }
0x8e: {  	[smem:$0x3FBE] =	sst s2  }
0x8f: {  	_ = 	snop  }
0x90: {  	(tm) =	ssettm $0x1  }
0x91: {  	s17 =	sld [smem:$0x3FFB];
	_ =	sdelay $0x3  }
0x92: {  	_ =	strace s17  }
0x93: {  	s2 =	sld [smem:$0x3FFC];
	_ =	sdelay $0x3  }
0x94: {  	_ =	strace s2  }
0x95: {  	s2 =	sld [smem:$0x3FFD];
	_ =	sdelay $0x3  }
0x96: {  	_ =	strace s2  }
0x97: {  	_ =	strace $0x8FFFFFFF  }
0x98: {  	s18 =	sld [smem:$0x3FDB];
	_ =	sdelay $0x1  }
0x99: {  	s19 =	simm.s32 $_scs_section_size  }
0x9a: {  	s4 =	simm.s32 $_size__tile_overlayer_lowered;
	s5 =	simm.s32 $_tile_overlayer_lowered  }
0x9b: {  	s22 =	simm.s32 $0x1BFF;
	s21 =	sshll.u32 s5, $0x1;
	s2 =	sadd.s32 s19, s18  }
0x9c: {  	s6 =	simm.s32 $0x0;
	s20 =	sshll.u32 s4, $0x1;
	s4 =	sadd.s32 s21, s2  }
0x9d: {  	[timem:s6], [sflag:s22] =	dma.local [hbm:s4], s20  }
0x9e: {  	_ =	swait.ge [sflag:s22], s20  }
0x9f: {  	s3 =	ssub.s32 $0x0, s20;
	[sflag:s22] =	ssyncset.done $0x0  }
0xa0: {  	[sflag:s22] =	ssyncadd.s32 s3;
	_ =	sdelay $0x1  }
0xa1: {  	s23 =	simm.s32 $0x1B8B  }
0xa2: {  	_ =	swait.ge [sflag:s23], $0x1  }
0xa3: {  	[sflag:s23] =	ssyncset.done $0x0  }
0xa4: {  	s25 =	simm.s32 $0x1B8E;
	s24 =	sld [smem:$0x3FFE];
	[sflag:s23] =	ssyncadd.s32 $0xFFFFFFFF  }
0xa5: {  	s26 =	simm.s32 $execute0_lowered;
	[smem:$0x3FD2] =	sst s25  }
0xa6: {  	s4 =	sshll.u32 s26, $0x1;
	_ =	strace $0x80000049;
	[dreg:$0x1] =	wrdreg $0xFFFFFFFF  }
0xa7: {  	s28 =	simm.s32 $_size_execute0_lowered;
	s2 =	sadd.s32 s2, s4;
	[dreg:$0x0] =	wrdreg $0x0  }
0xa8: {  	s4 =	sshll.u32 s28, $0x1;
	[dreg:$0x2] =	wrdreg s2  }
0xa9: {  	[dreg:$0x3] =	wrdreg s4  }
0xaa: {  	[dreg:$0x4] =	wrdreg $0xC0  }
0xab: {  	_ =	task [dreg:s6], $0x5FFFF  }
0xac: {  	[dreg:$0x1] =	wrdreg $0xFFFFFFFF  }
0xad: {  	[dreg:$0x0] =	wrdreg $0x60  }
0xae: {  	[dreg:$0x2] =	wrdreg s24  }
0xaf: {  	[dreg:$0x3] =	wrdreg $0xA8000  }
0xb0: {  	[dreg:$0x4] =	wrdreg $0x9  }
0xb1: {  	_ =	task.clear_ibuf [dreg:s6], $0x5FFFF;
	_ =	strace $0x90000049  }
0xb2: {  	s29 =	simm.s32 $0x9;
	_ =	strace $0x8000004B  }
0xb3: {  	_ =	swait.ge [sflag:s29], $0x1  }
0xb4: {  	[sflag:s29] =	ssyncadd.s32 $0xFFFFFFFF  }
0xb5: {  	_ =	strace $0x9000004B  }
0xb6: {  	_ =	sfence  }
0xb7: {  	s30 =	sld [smem:$0x0];
	_ =	sdelay $0x2  }
0xb8: {  	s31 =	sshll.u32 s1, $0xD;
	s1 =	sshrl.u32 s1, $0x2  }
0xb9: {  	s3 =	sand.u32 $0x4000, s31;
	s1 =	sadd.s32 s1, s30  }
0xba: {  	s0 =	sor.u32 s3, s0;
	s1 =	sshll.u32 s1, $0x11  }
0xbb: {  	s0 =	sor.u32 s1, s0  }
0xbc: {  	s0 =	sadd.s32 $0x8F2B, s0  }
0xbd: {  	[sflag:s0] =	ssyncadd.remote.s32 $0x1  }
0xbe: {  	_ =	sfence.sel $0xFFFF  }
0xbf: {  	[dreg:$0x0] =	wrdreg $0xFFFFFFFF;
	(pc) =	sbr.abs _section_cstart, $3  }
0xc0: {  	[dreg:$0x1] =	wrdreg $0xFFFFFFFF  }
0xc1: {  	_ =	task.clear_ibuf [dreg:s6], $0x2FFFF;
	_ =	strace $0x9FFFFFFF  }
0xc2: {  	(tm) =	ssettm $0x7FFFFFFF  }
0xc3: {  	_ =	shalt  }
tec
execute0_lowered:
.L_overlay_start_1:
0x0: {  	(tag) =	ssettag $0x1  }
0x1: {  	s0 =	srdreg.scid;
	s1 =	rddreg [dreg:$0x0]  }
0x2: {  	s12 =	stileid.u32;
	s2 =	rddreg [dreg:$0x1];
	s28 =	simm.s32 $0x400  }
0x3: {  	s29 =	simm.s32 $0x1400;
	s30 =	simm.s32 $0x6800;
	s31 =	simm.s32 $0x1  }
0x4: {  	s0 =	sand.u32 $0x1, s0;
	s4 =	sadd.s32 $0x67000, s1;
	s9 =	smul.u32 $0x50000, s12  }
0x5: {  	s7 =	sadd.s32 $0x5D000, s1;
	s11 =	sshll.u32 s12, $0x7;
	s17 =	smul.u32 $0x14000, s12  }
0x6: {  	s3 =	sshll.u32 s0, $0x4;
	s8 =	ssub.s32 $0x2, s0;
	s22 =	sand.u32 $0x380, s11  }
0x7: {  	s0 =	smul.u32 $0x140000, s0;
	s5 =	sor.u32 s12, s3;
	s3 =	simm.s32 $0x0  }
0x8: {  	s10 =	sshrl.u32 s8, $0x1;
	s9 =	sshrl.u32 s9, $0x2;
	s12 =	sadd.s32 $0x4000, s17  }
0x9: {  	s21 =	sadd.s32 $0x8000, s17;
	s6 =	smul.u32 $0x2800, s5;
	[smem:$0x7FF] =	sst s3  }
0xa: {  	s5 =	sshrl.u32 s5, $0x3;
	s8 =	ssub.s32 s8, s10;
	s25 =	sadd.s32 s0, s17  }
0xb: {  	s20 =	sadd.s32 s0, s12;
	s5 =	smul.u32 $0x14000, s5;
	s18 =	smax.u32 s8, $0x1  }
0xc: {  	_ =	strace $0x8000004A;
	s6 =	sshrl.u32 s6, $0x3;
	[dreg:$0x8] =	wrdreg s18  }
0xd: {  	s6 =	sadd.s32 s6, s1;
	s1 =	sadd.s32 $0x8F000, s1;
	s10 =	sor.u32 s22, s5  }
0xe: {  	s5 =	sadd.s32 s9, s2;
	s22 =	sadd.s32 s0, s21;
	s23 =	sshrl.u32 s10, $0x3  }
0xf: {  	s10 =	sadd.s32 $0xA000, s10;
	s26 =	sadd.s32 $0x3000, s6;
	s6 =	sadd.s32 $0x3280, s6  }
0x10: {  	s19 =	sadd.s32 $0x4000, s5;
	s13 =	sadd.s32 $0x8000, s5;
	s14 =	sadd.s32 $0xC000, s5  }
0x11: {  	s15 =	sadd.s32 $0x10000, s5;
	s8 =	sshrl.u32 s22, $0x3;
	[dreg:$0x4] =	wrdreg s26  }
0x12: {  	s9 =	sadd.s32 s7, s23;
	s24 =	sshrl.u32 s10, $0x3;
	[dreg:$0x6] =	wrdreg s6  }
0x13: {  	s10 =	sshrl.u32 s25, $0x3;
	[dreg:$0x9] =	wrdreg s19;
	s6 =	sadd.s32 s12, s2  }
0x14: {  	s23 =	sadd.s32 $0xC000, s17;
	[dreg:$0x3] =	wrdreg s9;
	s7 =	sadd.s32 s7, s24  }
0x15: {  	s11 =	sadd.s32 s1, s10;
	s18 =	sadd.s32 s0, s23;
	s25 =	sadd.s32 s23, s2  }
0x16: {  	s22 =	sshrl.u32 s6, $0x3;
	s6 =	simm.s32 $0x2700;
	[dreg:$0x5] =	wrdreg s7  }
0x17: {  	[dreg:$0x7] =	wrdreg s11;
	s7 =	sshrl.u32 s20, $0x3;
	s20 =	sadd.s32 $0x10000, s17  }
0x18: {  	s17 =	sadd.s32 s1, s8;
	s24 =	sshrl.u32 s18, $0x3;
	s16 =	sadd.s32 s1, s7  }
0x19: {  	s0 =	sadd.s32 s0, s20;
	s7 =	sadd.s32 s21, s2;
	s18 =	sadd.s32 s1, s24  }
0x1a: {  	s26 =	sadd.s32 s20, s2;
	s20 =	simm.s32 $0x2800;
	s21 =	simm.s32 $0x3  }
0x1b: {  	s24 =	sshrl.u32 s25, $0x3;
	s0 =	sshrl.u32 s0, $0x3;
	s23 =	sshrl.u32 s7, $0x3  }
0x1c: {  	s25 =	sshrl.u32 s26, $0x3;
	s26 =	simm.s32 $0x80;
	s7 =	simm.s32 $0x2780  }
0x1d: {  	v0 =	vimm.f32 $0.0e+00;
	s19 =	sadd.s32 s1, s0;
	s1 =	simm.s32 $0x2;
	s0 =	simm.s32 $0x1380  }
.LBB2_1:
0x1e: {  	s8 =	simm.s32 $0x0;
	s9 =	simm.s32 $0x200  }
.LBB2_2:
0x1f: {  	p0 =	sne.s32 s9, $0xFE00;
	[tilespmem:s8+$0x2870] =	vst v0  }
0x20: {  	[tilespmem:s8+$0x2800] =	vst v0  }
0x21: {  	[tilespmem:s8+$0x2810] =	vst v0  }
.Ltmp0:
0x22: {  	[tilespmem:s8+$0x2820] =	vst v0;
	(pc) =	sbr.rel @p0 .LBB2_2-.Ltmp0, $4  }
0x23: {  	[tilespmem:s8+$0x2830] =	vst v0  }
0x24: {  	[tilespmem:s8+$0x2840] =	vst v0  }
0x25: {  	[tilespmem:s8+$0x2850] =	vst v0  }
0x26: {  	[tilespmem:s8+$0x2860] =	vst v0;
	s8 =	sshra.s32 s9, $0x2;
	s9 =	sadd.s32 $0x200, s9  }
0x27: {  	[tilespmem:s8+$0x2870] =	vst v0  }
0x28: {  	[tilespmem:s8+$0x2800] =	vst v0  }
0x29: {  	[tilespmem:s8+$0x2810] =	vst v0  }
0x2a: {  	[tilespmem:s8+$0x2820] =	vst v0  }
0x2b: {  	[tilespmem:s8+$0x2830] =	vst v0  }
0x2c: {  	[tilespmem:s8+$0x2840] =	vst v0  }
0x2d: {  	[tilespmem:s8+$0x2850] =	vst v0  }
0x2e: {  	[tilespmem:s8+$0x2860] =	vst v0  }
0x2f: {  	[spmem:s5] =	stream.linear.scatter [tilespmem:s20], [sflag:$0x3], $0x4000, $0x38;
	[tilespmem:$0x1E800] =	vst v63  }
0x30: {  	_ =	swait.ge [sflag:s21], $0x4000  }
0x31: {  	[sflag:s21] =	ssyncset.done $0x0  }
0x32: {  	s10 =	rddreg [dreg:$0x9];
	[sflag:s21] =	ssyncadd.s32 $0xFFFFC000  }
0x33: {  	[spmem:s10] =	stream.linear.scatter [tilespmem:s20], [sflag:$0x3], $0x4000, $0x38;
	[tilespmem:$0x1E800] =	vst v63  }
0x34: {  	_ =	swait.ge [sflag:s21], $0x4000  }
0x35: {  	[sflag:s21] =	ssyncset.done $0x0  }
0x36: {  	[sflag:s21] =	ssyncadd.s32 $0xFFFFC000  }
0x37: {  	[spmem:s13] =	stream.linear.scatter [tilespmem:s20], [sflag:$0x3], $0x4000, $0x38;
	[tilespmem:$0x1E800] =	vst v63  }
0x38: {  	_ =	swait.ge [sflag:s21], $0x4000  }
0x39: {  	[sflag:s21] =	ssyncset.done $0x0  }
0x3a: {  	[sflag:s21] =	ssyncadd.s32 $0xFFFFC000  }
0x3b: {  	[spmem:s14] =	stream.linear.scatter [tilespmem:s20], [sflag:$0x3], $0x4000, $0x38;
	[tilespmem:$0x1E800] =	vst v63  }
0x3c: {  	_ =	swait.ge [sflag:s21], $0x4000  }
0x3d: {  	[sflag:s21] =	ssyncset.done $0x0  }
0x3e: {  	[sflag:s21] =	ssyncadd.s32 $0xFFFFC000  }
0x3f: {  	[spmem:s15] =	stream.linear.scatter [tilespmem:s20], [sflag:$0x3], $0x4000, $0x38;
	[tilespmem:$0x1E800] =	vst v63  }
0x40: {  	_ =	swait.ge [sflag:s21], $0x4000  }
0x41: {  	[sflag:s21] =	ssyncset.done $0x0  }
0x42: {  	[sflag:s21] =	ssyncadd.s32 $0xFFFFC000  }
0x43: {  	[bflag:$0x0] =	sbarrier.arrive $0xFFFF  }
0x44: {  	s11 =	simm.s32 $0x0;
	s9 =	rddreg [dreg:$0x3]  }
0x45: {  	[tilespmem:s11], [sflag:$0x3] =	stream.strided.gather [hbm4b:s9+s26], $0x1400, s28, s26, $0x38;
	[tilespmem:$0x1E800] =	vst v63  }
0x46: {  	_ =	swait.ge [sflag:s21], $0x1400  }
0x47: {  	[sflag:s21] =	ssyncset.done $0x0  }
0x48: {  	s12 =	rddreg [dreg:$0x4];
	[sflag:s21] =	ssyncadd.s32 $0xFFFFEC00  }
0x49: {  	[tilespmem:s29], [sflag:$0x3] =	stream.linear.gather [hbm4b:s12+s11], $0x1400, $0x38;
	[tilespmem:$0x1E800] =	vst v63  }
0x4a: {  	_ =	swait.ge [sflag:s21], $0x1400  }
0x4b: {  	[sflag:s21] =	ssyncset.done $0x0  }
0x4c: {  	[sflag:s21] =	ssyncadd.s32 $0xFFFFEC00  }
0x4d: {  	[tilespmem:s20], [sflag:$0x1] =	stream.indirect.gather [hbm4b:s4+s26], $0x80, s11, s26, $0xb8;
	[tilespmem:$0x1E800] =	vst v63  }
0x4e: {  	s9 =	simm.s32 $0x80  }
0x4f: {  	[tilespmem:s30], [sflag:$0x2] =	stream.indirect.gather [hbm4b:s4+s26], $0x80, s9, s26, $0xb8;
	[tilespmem:$0x1E800] =	vst v63  }
0x50: {  	_ =	swait.ge [sflag:s31], $0x4000  }
0x51: {  	[sflag:s31] =	ssyncset.done $0x0  }
0x52: {  	s10 =	simm.s32 $0x1400;
	[sflag:s31] =	ssyncadd.s32 $0xFFFFC000  }
0x53: {  	[spmem:s2] =	stream.indirect.scatter.add.f32 [tilespmem:s20], [sflag:$0x3], $0x80, s10, s26, $0xb8;
	[tilespmem:$0x1E800] =	vst v63  }
0x54: {  	_ =	swait.ge [sflag:s21], $0x4000  }
0x55: {  	[sflag:s21] =	ssyncset.done $0x0  }
0x56: {  	s11 =	simm.s32 $0x100;
	[sflag:s21] =	ssyncadd.s32 $0xFFFFC000  }
0x57: {  	[tilespmem:s20], [sflag:$0x1] =	stream.indirect.gather [hbm4b:s4+s26], $0x80, s11, s26, $0xb8;
	[tilespmem:$0x1E800] =	vst v63  }
0x58: {  	_ =	swait.ge [sflag:s1], $0x4000  }
0x59: {  	[sflag:s1] =	ssyncset.done $0x0  }
0x5a: {  	s12 =	simm.s32 $0x1480;
	[sflag:s1] =	ssyncadd.s32 $0xFFFFC000  }
0x5b: {  	[spmem:s2] =	stream.indirect.scatter.add.f32 [tilespmem:s30], [sflag:$0x3], $0x80, s12, s26, $0xb8;
	[tilespmem:$0x1E800] =	vst v63  }
0x5c: {  	_ =	swait.ge [sflag:s21], $0x4000  }
0x5d: {  	s8 =	simm.s32 $0x100;
	s9 =	simm.s32 $0x800;
	[sflag:s21] =	ssyncset.done $0x0  }
.LBB2_4:
0x5e: {  	s10 =	sadd.s32 $0x80, s8  }
0x5f: {  	[sflag:s21] =	ssyncadd.s32 $0xFFFFC000;
	s11 =	smov.u32 s9;
	s12 =	sadd.s32 $0x400, s9  }
0x60: {  	[tilespmem:s30], [sflag:$0x2] =	stream.indirect.gather [hbm4b:s4+s26], $0x80, s10, s26, $0xb8;
	[tilespmem:$0x1E800] =	vst v63  }
0x61: {  	p0 =	sne.s32 s9, $0x4800;
	_ =	swait.ge [sflag:s31], $0x4000  }
0x62: {  	[sflag:s31] =	ssyncset.done $0x0  }
0x63: {  	s9 =	sadd.s32 $0x1400, s8;
	[sflag:s31] =	ssyncadd.s32 $0xFFFFC000  }
0x64: {  	[spmem:s2] =	stream.indirect.scatter.add.f32 [tilespmem:s20], [sflag:$0x3], $0x80, s9, s26, $0xb8;
	[tilespmem:$0x1E800] =	vst v63  }
0x65: {  	_ =	swait.ge [sflag:s21], $0x4000  }
0x66: {  	[sflag:s21] =	ssyncset.done $0x0  }
0x67: {  	s9 =	sadd.s32 $0x100, s8;
	[sflag:s21] =	ssyncadd.s32 $0xFFFFC000  }
0x68: {  	[tilespmem:s20], [sflag:$0x1] =	stream.indirect.gather [hbm4b:s4+s26], $0x80, s9, s26, $0xb8;
	[tilespmem:$0x1E800] =	vst v63  }
0x69: {  	_ =	swait.ge [sflag:s1], $0x4000  }
.Ltmp1:
0x6a: {  	[sflag:s1] =	ssyncset.done $0x0;
	(pc) =	sbr.rel @p0 .LBB2_4-.Ltmp1, $4  }
0x6b: {  	s8 =	sadd.s32 $0x1480, s8;
	[sflag:s1] =	ssyncadd.s32 $0xFFFFC000  }
0x6c: {  	[spmem:s2] =	stream.indirect.scatter.add.f32 [tilespmem:s30], [sflag:$0x3], $0x80, s8, s26, $0xb8;
	[tilespmem:$0x1E800] =	vst v63  }
0x6d: {  	_ =	swait.ge [sflag:s21], $0x4000  }
0x6e: {  	s9 =	smov.u32 s12;
	s8 =	sshra.s32 s11, $0x2;
	[sflag:s21] =	ssyncset.done $0x0  }
0x6f: {  	s9 =	sadd.s32 $0x80, s8;
	[sflag:s21] =	ssyncadd.s32 $0xFFFFC000  }
0x70: {  	[tilespmem:s30], [sflag:$0x2] =	stream.indirect.gather [hbm4b:s4+s26], $0x80, s9, s26, $0xb8;
	[tilespmem:$0x1E800] =	vst v63  }
0x71: {  	_ =	swait.ge [sflag:s31], $0x4000  }
0x72: {  	[sflag:s31] =	ssyncset.done $0x0  }
0x73: {  	s11 =	sadd.s32 $0x1400, s8;
	[sflag:s31] =	ssyncadd.s32 $0xFFFFC000  }
0x74: {  	[spmem:s2] =	stream.indirect.scatter.add.f32 [tilespmem:s20], [sflag:$0x3], $0x80, s11, s26, $0xb8;
	[tilespmem:$0x1E800] =	vst v63  }
0x75: {  	_ =	swait.ge [sflag:s21], $0x4000  }
0x76: {  	[sflag:s21] =	ssyncset.done $0x0  }
0x77: {  	s12 =	sadd.s32 $0x100, s8;
	[sflag:s21] =	ssyncadd.s32 $0xFFFFC000  }
0x78: {  	[tilespmem:s20], [sflag:$0x1] =	stream.indirect.gather [hbm4b:s4+s26], $0x80, s12, s26, $0xb8;
	[tilespmem:$0x1E800] =	vst v63  }
0x79: {  	_ =	swait.ge [sflag:s1], $0x4000  }
0x7a: {  	[sflag:s1] =	ssyncset.done $0x0  }
0x7b: {  	s9 =	sadd.s32 $0x1480, s8;
	[sflag:s1] =	ssyncadd.s32 $0xFFFFC000  }
0x7c: {  	[spmem:s2] =	stream.indirect.scatter.add.f32 [tilespmem:s30], [sflag:$0x3], $0x80, s9, s26, $0xb8;
	[tilespmem:$0x1E800] =	vst v63  }
0x7d: {  	_ =	swait.ge [sflag:s21], $0x4000  }
0x7e: {  	[sflag:s21] =	ssyncset.done $0x0  }
0x7f: {  	[sflag:s21] =	ssyncadd.s32 $0xFFFFC000  }
0x80: {  	[tilespmem:s30], [sflag:$0x2] =	stream.indirect.gather [hbm4b:s4+s26], $0x80, s0, s26, $0xb8;
	[tilespmem:$0x1E800] =	vst v63  }
0x81: {  	_ =	swait.ge [sflag:s31], $0x4000  }
0x82: {  	[sflag:s31] =	ssyncset.done $0x0  }
0x83: {  	[sflag:s31] =	ssyncadd.s32 $0xFFFFC000  }
0x84: {  	[spmem:s2] =	stream.indirect.scatter.add.f32 [tilespmem:s20], [sflag:$0x3], $0x80, s6, s26, $0xb8;
	[tilespmem:$0x1E800] =	vst v63  }
0x85: {  	_ =	swait.ge [sflag:s21], $0x4000  }
0x86: {  	[sflag:s21] =	ssyncset.done $0x0  }
0x87: {  	[sflag:s21] =	ssyncadd.s32 $0xFFFFC000  }
0x88: {  	_ =	swait.ge [sflag:s1], $0x4000  }
0x89: {  	[sflag:s1] =	ssyncset.done $0x0  }
0x8a: {  	[sflag:s1] =	ssyncadd.s32 $0xFFFFC000  }
0x8b: {  	[spmem:s2] =	stream.indirect.scatter.add.f32 [tilespmem:s30], [sflag:$0x3], $0x80, s7, s26, $0xb8;
	[tilespmem:$0x1E800] =	vst v63  }
0x8c: {  	_ =	swait.ge [sflag:s21], $0x4000  }
0x8d: {  	[sflag:s21] =	ssyncset.done $0x0  }
0x8e: {  	s10 =	simm.s32 $0x0;
	s11 =	rddreg [dreg:$0x5];
	[sflag:s21] =	ssyncadd.s32 $0xFFFFC000  }
0x8f: {  	[tilespmem:s10], [sflag:$0x3] =	stream.strided.gather [hbm4b:s11+s26], $0x1400, s28, s26, $0x38;
	[tilespmem:$0x1E800] =	vst v63  }
0x90: {  	_ =	swait.ge [sflag:s21], $0x1400  }
0x91: {  	[sflag:s21] =	ssyncset.done $0x0  }
0x92: {  	s12 =	rddreg [dreg:$0x6];
	[sflag:s21] =	ssyncadd.s32 $0xFFFFEC00  }
0x93: {  	[tilespmem:s29], [sflag:$0x3] =	stream.linear.gather [hbm4b:s12+s10], $0x1400, $0x38;
	[tilespmem:$0x1E800] =	vst v63  }
0x94: {  	_ =	swait.ge [sflag:s21], $0x1400  }
0x95: {  	[sflag:s21] =	ssyncset.done $0x0  }
0x96: {  	[sflag:s21] =	ssyncadd.s32 $0xFFFFEC00  }
0x97: {  	[tilespmem:s20], [sflag:$0x1] =	stream.indirect.gather [hbm4b:s4+s26], $0x80, s10, s26, $0xb8;
	[tilespmem:$0x1E800] =	vst v63  }
0x98: {  	s9 =	simm.s32 $0x80  }
0x99: {  	[tilespmem:s30], [sflag:$0x2] =	stream.indirect.gather [hbm4b:s4+s26], $0x80, s9, s26, $0xb8;
	[tilespmem:$0x1E800] =	vst v63  }
0x9a: {  	_ =	swait.ge [sflag:s31], $0x4000  }
0x9b: {  	[sflag:s31] =	ssyncset.done $0x0  }
0x9c: {  	s10 =	simm.s32 $0x1400;
	[sflag:s31] =	ssyncadd.s32 $0xFFFFC000  }
0x9d: {  	[spmem:s2] =	stream.indirect.scatter.add.f32 [tilespmem:s20], [sflag:$0x3], $0x80, s10, s26, $0xb8;
	[tilespmem:$0x1E800] =	vst v63  }
0x9e: {  	_ =	swait.ge [sflag:s21], $0x4000  }
0x9f: {  	[sflag:s21] =	ssyncset.done $0x0  }
0xa0: {  	s11 =	simm.s32 $0x100;
	[sflag:s21] =	ssyncadd.s32 $0xFFFFC000  }
0xa1: {  	[tilespmem:s20], [sflag:$0x1] =	stream.indirect.gather [hbm4b:s4+s26], $0x80, s11, s26, $0xb8;
	[tilespmem:$0x1E800] =	vst v63  }
0xa2: {  	_ =	swait.ge [sflag:s1], $0x4000  }
0xa3: {  	[sflag:s1] =	ssyncset.done $0x0  }
0xa4: {  	s12 =	simm.s32 $0x1480;
	[sflag:s1] =	ssyncadd.s32 $0xFFFFC000  }
0xa5: {  	[spmem:s2] =	stream.indirect.scatter.add.f32 [tilespmem:s30], [sflag:$0x3], $0x80, s12, s26, $0xb8;
	[tilespmem:$0x1E800] =	vst v63  }
0xa6: {  	_ =	swait.ge [sflag:s21], $0x4000  }
0xa7: {  	s8 =	simm.s32 $0x100;
	s9 =	simm.s32 $0x800;
	[sflag:s21] =	ssyncset.done $0x0  }
.LBB2_6:
0xa8: {  	s10 =	sadd.s32 $0x80, s8  }
0xa9: {  	[sflag:s21] =	ssyncadd.s32 $0xFFFFC000;
	s11 =	smov.u32 s9;
	s12 =	sadd.s32 $0x400, s9  }
0xaa: {  	[tilespmem:s30], [sflag:$0x2] =	stream.indirect.gather [hbm4b:s4+s26], $0x80, s10, s26, $0xb8;
	[tilespmem:$0x1E800] =	vst v63  }
0xab: {  	p0 =	sne.s32 s9, $0x4800;
	_ =	swait.ge [sflag:s31], $0x4000  }
0xac: {  	[sflag:s31] =	ssyncset.done $0x0  }
0xad: {  	s9 =	sadd.s32 $0x1400, s8;
	[sflag:s31] =	ssyncadd.s32 $0xFFFFC000  }
0xae: {  	[spmem:s2] =	stream.indirect.scatter.add.f32 [tilespmem:s20], [sflag:$0x3], $0x80, s9, s26, $0xb8;
	[tilespmem:$0x1E800] =	vst v63  }
0xaf: {  	_ =	swait.ge [sflag:s21], $0x4000  }
0xb0: {  	[sflag:s21] =	ssyncset.done $0x0  }
0xb1: {  	s9 =	sadd.s32 $0x100, s8;
	[sflag:s21] =	ssyncadd.s32 $0xFFFFC000  }
0xb2: {  	[tilespmem:s20], [sflag:$0x1] =	stream.indirect.gather [hbm4b:s4+s26], $0x80, s9, s26, $0xb8;
	[tilespmem:$0x1E800] =	vst v63  }
0xb3: {  	_ =	swait.ge [sflag:s1], $0x4000  }
.Ltmp2:
0xb4: {  	[sflag:s1] =	ssyncset.done $0x0;
	(pc) =	sbr.rel @p0 .LBB2_6-.Ltmp2, $4  }
0xb5: {  	s8 =	sadd.s32 $0x1480, s8;
	[sflag:s1] =	ssyncadd.s32 $0xFFFFC000  }
0xb6: {  	[spmem:s2] =	stream.indirect.scatter.add.f32 [tilespmem:s30], [sflag:$0x3], $0x80, s8, s26, $0xb8;
	[tilespmem:$0x1E800] =	vst v63  }
0xb7: {  	_ =	swait.ge [sflag:s21], $0x4000  }
0xb8: {  	s9 =	smov.u32 s12;
	s8 =	sshra.s32 s11, $0x2;
	[sflag:s21] =	ssyncset.done $0x0  }
0xb9: {  	s9 =	sadd.s32 $0x80, s8;
	[sflag:s21] =	ssyncadd.s32 $0xFFFFC000  }
0xba: {  	[tilespmem:s30], [sflag:$0x2] =	stream.indirect.gather [hbm4b:s4+s26], $0x80, s9, s26, $0xb8;
	[tilespmem:$0x1E800] =	vst v63  }
0xbb: {  	_ =	swait.ge [sflag:s31], $0x4000  }
0xbc: {  	[sflag:s31] =	ssyncset.done $0x0  }
0xbd: {  	s11 =	sadd.s32 $0x1400, s8;
	[sflag:s31] =	ssyncadd.s32 $0xFFFFC000  }
0xbe: {  	[spmem:s2] =	stream.indirect.scatter.add.f32 [tilespmem:s20], [sflag:$0x3], $0x80, s11, s26, $0xb8;
	[tilespmem:$0x1E800] =	vst v63  }
0xbf: {  	_ =	swait.ge [sflag:s21], $0x4000  }
0xc0: {  	[sflag:s21] =	ssyncset.done $0x0  }
0xc1: {  	s12 =	sadd.s32 $0x100, s8;
	[sflag:s21] =	ssyncadd.s32 $0xFFFFC000  }
0xc2: {  	[tilespmem:s20], [sflag:$0x1] =	stream.indirect.gather [hbm4b:s4+s26], $0x80, s12, s26, $0xb8;
	[tilespmem:$0x1E800] =	vst v63  }
0xc3: {  	_ =	swait.ge [sflag:s1], $0x4000  }
0xc4: {  	[sflag:s1] =	ssyncset.done $0x0  }
0xc5: {  	s9 =	sadd.s32 $0x1480, s8;
	[sflag:s1] =	ssyncadd.s32 $0xFFFFC000  }
0xc6: {  	[spmem:s2] =	stream.indirect.scatter.add.f32 [tilespmem:s30], [sflag:$0x3], $0x80, s9, s26, $0xb8;
	[tilespmem:$0x1E800] =	vst v63  }
0xc7: {  	_ =	swait.ge [sflag:s21], $0x4000  }
0xc8: {  	[sflag:s21] =	ssyncset.done $0x0  }
0xc9: {  	[sflag:s21] =	ssyncadd.s32 $0xFFFFC000  }
0xca: {  	[tilespmem:s30], [sflag:$0x2] =	stream.indirect.gather [hbm4b:s4+s26], $0x80, s0, s26, $0xb8;
	[tilespmem:$0x1E800] =	vst v63  }
0xcb: {  	_ =	swait.ge [sflag:s31], $0x4000  }
0xcc: {  	[sflag:s31] =	ssyncset.done $0x0  }
0xcd: {  	[sflag:s31] =	ssyncadd.s32 $0xFFFFC000  }
0xce: {  	[spmem:s2] =	stream.indirect.scatter.add.f32 [tilespmem:s20], [sflag:$0x3], $0x80, s6, s26, $0xb8;
	[tilespmem:$0x1E800] =	vst v63  }
0xcf: {  	_ =	swait.ge [sflag:s21], $0x4000  }
0xd0: {  	[sflag:s21] =	ssyncset.done $0x0  }
0xd1: {  	[sflag:s21] =	ssyncadd.s32 $0xFFFFC000  }
0xd2: {  	_ =	swait.ge [sflag:s1], $0x4000  }
0xd3: {  	[sflag:s1] =	ssyncset.done $0x0  }
0xd4: {  	[sflag:s1] =	ssyncadd.s32 $0xFFFFC000  }
0xd5: {  	[spmem:s2] =	stream.indirect.scatter.add.f32 [tilespmem:s30], [sflag:$0x3], $0x80, s7, s26, $0xb8;
	[tilespmem:$0x1E800] =	vst v63  }
0xd6: {  	_ =	swait.ge [sflag:s21], $0x4000  }
0xd7: {  	[sflag:s21] =	ssyncset.done $0x0  }
0xd8: {  	s10 =	stileid.u32;
	[sflag:s21] =	ssyncadd.s32 $0xFFFFC000  }
0xd9: {  	s8 =	sshll.u32 s10, $0x6;
	[bflag:$0x0] =	sbarrier.arrive $0xFFFF  }
0xda: {  	s8 =	sor.u32 $0x1C03, s8;
	s11 =	sshrl.u32 s5, $0x3;
	s10 =	rddreg [dreg:$0x7]  }
0xdb: {  	[hbm:s10], [sflag:s8] =	dma.local [spmem:s11], $0x800  }
0xdc: {  	_ =	swait.ge [sflag:s21], $0x800  }
0xdd: {  	[sflag:s21] =	ssyncset.done $0x0  }
0xde: {  	[sflag:s21] =	ssyncadd.s32 $0xFFFFF800  }
0xdf: {  	[hbm:s16], [sflag:s8] =	dma.local [spmem:s22], $0x800  }
0xe0: {  	_ =	swait.ge [sflag:s21], $0x800  }
0xe1: {  	[sflag:s21] =	ssyncset.done $0x0  }
0xe2: {  	[sflag:s21] =	ssyncadd.s32 $0xFFFFF800  }
0xe3: {  	[hbm:s17], [sflag:s8] =	dma.local [spmem:s23], $0x800  }
0xe4: {  	_ =	swait.ge [sflag:s21], $0x800  }
0xe5: {  	[sflag:s21] =	ssyncset.done $0x0  }
0xe6: {  	[sflag:s21] =	ssyncadd.s32 $0xFFFFF800  }
0xe7: {  	[hbm:s18], [sflag:s8] =	dma.local [spmem:s24], $0x800  }
0xe8: {  	_ =	swait.ge [sflag:s21], $0x800  }
0xe9: {  	[sflag:s21] =	ssyncset.done $0x0  }
0xea: {  	[sflag:s21] =	ssyncadd.s32 $0xFFFFF800  }
0xeb: {  	[hbm:s19], [sflag:s8] =	dma.local [spmem:s25], $0x800  }
0xec: {  	_ =	swait.ge [sflag:s21], $0x800  }
0xed: {  	s3 =	sadd.s32 $0x1, s3;
	s12 =	rddreg [dreg:$0x8]  }
0xee: {  	p0 =	sne.s32 s3, s12  }
.Ltmp3:
0xef: {  	_ = 	snop;
	(pc) =	sbr.rel @p0 .LBB2_1-.Ltmp3, $3  }
0xf0: {  	_ =	sdelay $0x1  }
0xf1: {  	[sflag:s21] =	ssyncset.done $0x0  }
0xf2: {  	[sflag:s21] =	ssyncadd.s32 $0xFFFFF800  }
0xf3: {  	_ =	sfence.sel $0x180000  }
0xf4: {  	[bflag:$0x0] =	sbarrier.arrive $0xFFFF  }
0xf5: {  	_ =	strace $0x9000004A  }
0xf6: {  	s0 =	stileid.u32;
	[bflag:$0x2] =	sbarrier.arrive $0xFFFF  }
0xf7: {  	p0 =	sne.s32 s0, $0x0;
	s0 =	rddreg [dreg:$0x2]  }
0xf8: {  	s0 =	sadd.s32 @!p0 $0x100000, s0  }
0xf9: {  	[sflag:s0] =	ssyncadd.tile.s32 @!p0 $0x1;
	_ =	shalt  }
.Lfunc_end2:
_tile_overlayer_lowered:
.L_overlay_start_2:
0xfa: {  	(tag) =	ssettag $0x2  }
0xfb: {  	s0 =	rddreg [dreg:$0x0];
	s2 =	stileid.u32  }
0xfc: {  	s1 =	rddreg [dreg:$0x1];
	p0 =	sne.s32 s2, $0x0  }
0xfd: {  	s3 =	rddreg [dreg:$0x2];
	[bflag:$0x3] =	sbarrier.arrive $0xFFFF;
	s2 =	simm.s32 @!p0 $0x1C03  }
0xfe: {  	[timem:s3], [sflag:s2] =	dma.local @!p0 [hbm:s0], s1  }
0xff: {  	s0 =	simm.s32 @!p0 $0x3  }
0x100: {  	_ =	swait.ge @!p0 [sflag:s0], s1  }
0x101: {  	s1 =	ssub.s32 @!p0 $0x0, s1;
	[sflag:s0] =	ssyncset.done @!p0 $0x0  }
0x102: {  	[sflag:s0] =	ssyncadd.s32 @!p0 s1  }
0x103: {  	[bflag:$0x3] =	sbarrier.arrive $0xFFFF  }
0x104: {  	_ =	shalt  }

// kernel: kernel.16.cloned.1.call-start
scs
__scs_entry_jumppad:
0x0: {  	(pc) =	sbr.rel $0x88, $3  }
0x1: {  	(tag) =	ssettag $0x0;
	lr =	simm.s32 $0x1  }
0x2: {  	[smem:$0x3F97] =	sst lr;
	_ =	strace $0xD0000000  }
0x3: {  	_ = 	snop  }
0x4: {  	_ = 	snop  }
0x5: {  	_ = 	snop  }
0x6: {  	_ = 	snop  }
0x7: {  	_ = 	snop  }
__scs_overlays_trampoline_lowered:
0x8: {  	[smem:$0x3FA6] =	sst s0  }
0x9: {  	[smem:$0x3FA7] =	sst s1  }
0xa: {  	[smem:$0x3FA8] =	sst s2  }
0xb: {  	[smem:$0x3FA9] =	sst s3  }
0xc: {  	[smem:$0x3FAA] =	sst s4  }
0xd: {  	[smem:$0x3FAB] =	sst s5  }
0xe: {  	[smem:$0x3FAC] =	sst s6  }
0xf: {  	[smem:$0x3FAD] =	sst s7  }
0x10: {  	[smem:$0x3FAE] =	sst s8  }
0x11: {  	[smem:$0x3FAF] =	sst s9;
	s0 =	simm.s32 @!p0 $0x0  }
0x12: {  	s1 =	sld [smem:$0x3F95];
	s0 =	simm.s32 @p0 $0x1  }
0x13: {  	[smem:$0x3FB0] =	sst s0;
	s0 =	simm.s32 @!p1 $0x0  }
0x14: {  	s2 =	sld [smem:$0x3F94];
	s0 =	simm.s32 @p1 $0x1  }
0x15: {  	[smem:$0x3FB1] =	sst s0;
	s0 =	simm.s32 @!p2 $0x0  }
0x16: {  	s3 =	sld [smem:$0x3FDB];
	s0 =	simm.s32 @p2 $0x1  }
0x17: {  	s4 =	simm.s32 $0x1BF5;
	[smem:$0x3FB3] =	sst s0  }
0x18: {  	s0 =	sld [smem:$0x3F96];
	_ =	swait.ge [sflag:s4], $0x0  }
0x19: {  	s7 =	sld [smem:$0x3F97]  }
0x1a: {  	s8 =	sadd.s32 $0xFFFFE003, lr  }
0x1b: {  	s9 =	sadd.s32 $0xFFFFFEF7, lr;
	s5 =	simm.s32 $0xFFFFFFFF;
	p2 =	slt.u32 s8, $0xFFFFF086  }
0x1c: {  	p1 =	slt.u32 s9, $0xF7A;
	s5 =	simm.s32 @!p2 $0x0  }
0x1d: {  	s5 =	simm.s32 @p1 $0x1;
	p0 =	seq.s32 s7, s2  }
0x1e: {  	s7 =	smul.u32 @!p0 $0xF7A, s2;
	p2 =	seq.s32 @!p0 s5, $0x0  }
0x1f: {  	s9 =	smul.u32 $0xF7A, s1;
	s8 =	simm.s32 @!p0 $0x1BF5;
	p2 =	por !p2, p0  }
0x20: {  	[sflag:s8] =	ssyncset.s32 @!p0 $0xFFFFF086;
	s6 =	sadd.s32 @!p0 s3, s7;
	s7 =	simm.s32 @!p0 $0x108  }
0x21: {  	s3 =	sadd.s32 s3, s9;
	s6 =	sadd.s32 @!p0 $0x88, s6;
	s7 =	simm.s32 @p2 $0x1082  }
0x22: {  	[simem:s7], [sflag:s8] =	dma.local @!p0 [hbm:s6], $0xF7A  }
0x23: {  	s9 =	sor.u32 $0xD0000000, s2;
	s6 =	simm.s32 $0x108;
	_ =	swait.ge @!p0 [sflag:s8], $0x0  }
0x24: {  	s3 =	sadd.s32 $0x88, s3;
	s6 =	simm.s32 @!p1 $0x1082;
	[sflag:s4] =	ssyncset.s32 $0xFFFFF086  }
0x25: {  	[simem:s6], [sflag:s4] =	dma.local [hbm:s3], $0xF7A  }
0x26: {  	[smem:$0x3F97] =	sst s1;
	(tag) =	ssettag s2;
	_ =	strace s9  }
0x27: {  	s1 =	sld [smem:$0x3FA7]  }
0x28: {  	s2 =	sld [smem:$0x3FA8]  }
0x29: {  	s4 =	sld [smem:$0x3FAA]  }
0x2a: {  	p0 =	seq.s32 s5, $0x0;
	s5 =	sld [smem:$0x3FAB]  }
0x2b: {  	s6 =	sld [smem:$0x3FAC]  }
0x2c: {  	s7 =	sld [smem:$0x3FAD]  }
0x2d: {  	s3 =	simm.s32 $0x108;
	s8 =	sld [smem:$0x3FAE]  }
0x2e: {  	s3 =	simm.s32 @!p0 $0x1082;
	s9 =	sld [smem:$0x3FAF]  }
0x2f: {  	lr =	sadd.s32 s0, s3;
	s0 =	sld [smem:$0x3FA6]  }
0x30: {  	s3 =	sld [smem:$0x3FA9]  }
0x31: {  	[smem:$0x3FB2] =	sst s10  }
0x32: {  	s10 =	sld [smem:$0x3FB0];
	_ =	sdelay $0x3  }
0x33: {  	p0 =	seq.s32 s10, $0x1;
	s10 =	sld [smem:$0x3FB2];
	_ =	sdelay $0x3  }
0x34: {  	[smem:$0x3FB2] =	sst s10  }
0x35: {  	s10 =	sld [smem:$0x3FB1];
	_ =	sdelay $0x3  }
0x36: {  	p1 =	seq.s32 s10, $0x1;
	s10 =	sld [smem:$0x3FB2];
	_ =	sdelay $0x3  }
0x37: {  	[smem:$0x3FB2] =	sst s10  }
0x38: {  	s10 =	sld [smem:$0x3FB3]  }
0x39: {  	_ = 	snop;
	(pc) =	sbr.ind lr, $3  }
0x3a: {  	_ = 	snop  }
0x3b: {  	_ = 	snop  }
0x3c: {  	p2 =	seq.s32 s10, $0x1;
	s10 =	sld [smem:$0x3FB2]  }
0x3d: {  	_ =	shalt  }
0x3e: {  	_ =	shalt  }
0x3f: {  	_ =	shalt  }
0x40: {  	_ =	shalt  }
0x41: {  	_ =	shalt  }
0x42: {  	_ =	shalt  }
0x43: {  	_ =	shalt  }
0x44: {  	_ =	shalt  }
0x45: {  	_ =	shalt  }
0x46: {  	_ =	shalt  }
0x47: {  	_ =	shalt  }
0x48: {  	_ =	shalt  }
0x49: {  	_ =	shalt  }
0x4a: {  	_ =	shalt  }
0x4b: {  	_ =	shalt  }
0x4c: {  	_ =	shalt  }
0x4d: {  	_ =	shalt  }
0x4e: {  	_ =	shalt  }
0x4f: {  	_ =	shalt  }
0x50: {  	_ =	shalt  }
0x51: {  	_ =	shalt  }
0x52: {  	_ =	shalt  }
0x53: {  	_ =	shalt  }
0x54: {  	_ =	shalt  }
0x55: {  	_ =	shalt  }
0x56: {  	_ =	shalt  }
0x57: {  	_ =	shalt  }
0x58: {  	_ =	shalt  }
0x59: {  	_ =	shalt  }
0x5a: {  	_ =	shalt  }
0x5b: {  	_ =	shalt  }
0x5c: {  	_ =	shalt  }
0x5d: {  	_ =	shalt  }
0x5e: {  	_ =	shalt  }
0x5f: {  	_ =	shalt  }
0x60: {  	_ =	shalt  }
0x61: {  	_ =	shalt  }
0x62: {  	_ =	shalt  }
0x63: {  	_ =	shalt  }
0x64: {  	_ =	shalt  }
0x65: {  	_ =	shalt  }
0x66: {  	_ =	shalt  }
0x67: {  	_ =	shalt  }
0x68: {  	_ =	shalt  }
0x69: {  	_ =	shalt  }
0x6a: {  	_ =	shalt  }
0x6b: {  	_ =	shalt  }
0x6c: {  	_ =	shalt  }
0x6d: {  	_ =	shalt  }
0x6e: {  	_ =	shalt  }
0x6f: {  	_ =	shalt  }
0x70: {  	_ =	shalt  }
0x71: {  	_ =	shalt  }
0x72: {  	_ =	shalt  }
0x73: {  	_ =	shalt  }
0x74: {  	_ =	shalt  }
0x75: {  	_ =	shalt  }
0x76: {  	_ =	shalt  }
0x77: {  	_ =	shalt  }
0x78: {  	_ =	shalt  }
0x79: {  	_ =	shalt  }
0x7a: {  	_ =	shalt  }
0x7b: {  	_ =	shalt  }
0x7c: {  	_ =	shalt  }
0x7d: {  	_ =	shalt  }
0x7e: {  	_ =	shalt  }
0x7f: {  	_ =	shalt  }
0x80: {  	_ =	shalt  }
0x81: {  	_ =	shalt  }
0x82: {  	_ =	shalt  }
0x83: {  	_ =	shalt  }
0x84: {  	_ =	shalt  }
0x85: {  	_ =	shalt  }
0x86: {  	_ =	shalt  }
0x87: {  	_ =	shalt  }
.Lfunc_end0:
.L_simem_size_0:
called_computation.2_lowered:
.L_overlay_start_0:
0x88: {  	s2 =	sld [smem:$0x3FD9]  }
0x89: {  	s3 =	sld [smem:$0x3FFE];
	_ =	sdelay $0x1  }
0x8a: {  	s1 =	srdreg.scid  }
0x8b: {  	s0 =	sand.u32 $0x1, s1  }
0x8c: {  	s16 =	sshll.u32 s0, $0xA;
	s2 =	sadd.s32 s3, s2  }
0x8d: {  	s2 =	sadd.s32 s2, s16  }
0x8e: {  	[smem:$0x3FBE] =	sst s2  }
0x8f: {  	_ = 	snop  }
0x90: {  	(tm) =	ssettm $0x1  }
0x91: {  	s17 =	sld [smem:$0x3FFB];
	_ =	sdelay $0x3  }
0x92: {  	_ =	strace s17  }
0x93: {  	s2 =	sld [smem:$0x3FFC];
	_ =	sdelay $0x3  }
0x94: {  	_ =	strace s2  }
0x95: {  	s2 =	sld [smem:$0x3FFD];
	_ =	sdelay $0x3  }
0x96: {  	_ =	strace s2  }
0x97: {  	_ =	strace $0x8FFFFFFF  }
0x98: {  	s18 =	sld [smem:$0x3FDB];
	_ =	sdelay $0x1  }
0x99: {  	s19 =	simm.s32 $_scs_section_size  }
0x9a: {  	s4 =	simm.s32 $_size__tile_overlayer_lowered;
	s5 =	simm.s32 $_tile_overlayer_lowered  }
0x9b: {  	s22 =	simm.s32 $0x1BFF;
	s21 =	sshll.u32 s5, $0x1;
	s2 =	sadd.s32 s19, s18  }
0x9c: {  	s6 =	simm.s32 $0x0;
	s20 =	sshll.u32 s4, $0x1;
	s4 =	sadd.s32 s21, s2  }
0x9d: {  	[timem:s6], [sflag:s22] =	dma.local [hbm:s4], s20  }
0x9e: {  	_ =	swait.ge [sflag:s22], s20  }
0x9f: {  	s3 =	ssub.s32 $0x0, s20;
	[sflag:s22] =	ssyncset.done $0x0  }
0xa0: {  	[sflag:s22] =	ssyncadd.s32 s3;
	_ =	sdelay $0x1  }
0xa1: {  	s23 =	simm.s32 $0x1B8B  }
0xa2: {  	_ =	swait.ge [sflag:s23], $0x1  }
0xa3: {  	[sflag:s23] =	ssyncset.done $0x0  }
0xa4: {  	s25 =	simm.s32 $0x1B8E;
	s24 =	sld [smem:$0x3FFE];
	[sflag:s23] =	ssyncadd.s32 $0xFFFFFFFF  }
0xa5: {  	s26 =	simm.s32 $execute0_lowered;
	[smem:$0x3FD2] =	sst s25  }
0xa6: {  	s4 =	sshll.u32 s26, $0x1;
	_ =	strace $0x8000004C;
	[dreg:$0x1] =	wrdreg $0xFFFFFFFF  }
0xa7: {  	s28 =	simm.s32 $_size_execute0_lowered;
	s2 =	sadd.s32 s2, s4;
	[dreg:$0x0] =	wrdreg $0x0  }
0xa8: {  	s4 =	sshll.u32 s28, $0x1;
	[dreg:$0x2] =	wrdreg s2  }
0xa9: {  	[dreg:$0x3] =	wrdreg s4  }
0xaa: {  	[dreg:$0x4] =	wrdreg $0xC0  }
0xab: {  	_ =	task [dreg:s6], $0x5FFFF  }
0xac: {  	[dreg:$0x1] =	wrdreg $0xFFFFFFFF  }
0xad: {  	[dreg:$0x0] =	wrdreg $0x60  }
0xae: {  	[dreg:$0x2] =	wrdreg s24  }
0xaf: {  	[dreg:$0x3] =	wrdreg $0xA8000  }
0xb0: {  	[dreg:$0x4] =	wrdreg $0x9  }
0xb1: {  	_ =	task.clear_ibuf [dreg:s6], $0x5FFFF;
	_ =	strace $0x9000004C  }
0xb2: {  	s29 =	simm.s32 $0x9;
	_ =	strace $0x8000004E  }
0xb3: {  	_ =	swait.ge [sflag:s29], $0x1  }
0xb4: {  	[sflag:s29] =	ssyncadd.s32 $0xFFFFFFFF  }
0xb5: {  	_ =	strace $0x9000004E  }
0xb6: {  	_ =	sfence  }
0xb7: {  	s30 =	sld [smem:$0x0];
	_ =	sdelay $0x2  }
0xb8: {  	s31 =	sshll.u32 s1, $0xD;
	s1 =	sshrl.u32 s1, $0x2  }
0xb9: {  	s3 =	sand.u32 $0x4000, s31;
	s1 =	sadd.s32 s1, s30  }
0xba: {  	s0 =	sor.u32 s3, s0;
	s1 =	sshll.u32 s1, $0x11  }
0xbb: {  	s0 =	sor.u32 s1, s0  }
0xbc: {  	s0 =	sadd.s32 $0x8F2B, s0  }
0xbd: {  	[sflag:s0] =	ssyncadd.remote.s32 $0x1  }
0xbe: {  	_ =	sfence.sel $0xFFFF  }
0xbf: {  	[dreg:$0x0] =	wrdreg $0xFFFFFFFF;
	(pc) =	sbr.abs _section_cstart, $3  }
0xc0: {  	[dreg:$0x1] =	wrdreg $0xFFFFFFFF  }
0xc1: {  	_ =	task.clear_ibuf [dreg:s6], $0x2FFFF;
	_ =	strace $0x9FFFFFFF  }
0xc2: {  	(tm) =	ssettm $0x7FFFFFFF  }
0xc3: {  	_ =	shalt  }
tec
execute0_lowered:
.L_overlay_start_1:
0x0: {  	(tag) =	ssettag $0x1  }
0x1: {  	s0 =	srdreg.scid;
	s1 =	rddreg [dreg:$0x0]  }
0x2: {  	s12 =	stileid.u32;
	s2 =	rddreg [dreg:$0x1];
	s28 =	simm.s32 $0x400  }
0x3: {  	s29 =	simm.s32 $0x1400;
	s30 =	simm.s32 $0x6800;
	s31 =	simm.s32 $0x1  }
0x4: {  	s0 =	sand.u32 $0x1, s0;
	s4 =	sadd.s32 $0x67000, s1;
	s9 =	smul.u32 $0x50000, s12  }
0x5: {  	s7 =	sadd.s32 $0x5D000, s1;
	s11 =	sshll.u32 s12, $0x7;
	s17 =	smul.u32 $0x14000, s12  }
0x6: {  	s3 =	sshll.u32 s0, $0x4;
	s8 =	ssub.s32 $0x2, s0;
	s22 =	sand.u32 $0x380, s11  }
0x7: {  	s0 =	smul.u32 $0x140000, s0;
	s5 =	sor.u32 s12, s3;
	s3 =	simm.s32 $0x0  }
0x8: {  	s10 =	sshrl.u32 s8, $0x1;
	s9 =	sshrl.u32 s9, $0x2;
	s12 =	sadd.s32 $0x4000, s17  }
0x9: {  	s21 =	sadd.s32 $0x8000, s17;
	s6 =	smul.u32 $0x2800, s5;
	[smem:$0x7FF] =	sst s3  }
0xa: {  	s5 =	sshrl.u32 s5, $0x3;
	s8 =	ssub.s32 s8, s10;
	s25 =	sadd.s32 s0, s17  }
0xb: {  	s20 =	sadd.s32 s0, s12;
	s5 =	smul.u32 $0x14000, s5;
	s18 =	smax.u32 s8, $0x1  }
0xc: {  	_ =	strace $0x8000004D;
	s6 =	sshrl.u32 s6, $0x3;
	[dreg:$0x8] =	wrdreg s18  }
0xd: {  	s6 =	sadd.s32 s6, s1;
	s1 =	sadd.s32 $0x8F000, s1;
	s10 =	sor.u32 s22, s5  }
0xe: {  	s5 =	sadd.s32 s9, s2;
	s22 =	sadd.s32 s0, s21;
	s23 =	sshrl.u32 s10, $0x3  }
0xf: {  	s10 =	sadd.s32 $0xA000, s10;
	s26 =	sadd.s32 $0x3000, s6;
	s6 =	sadd.s32 $0x3280, s6  }
0x10: {  	s19 =	sadd.s32 $0x4000, s5;
	s13 =	sadd.s32 $0x8000, s5;
	s14 =	sadd.s32 $0xC000, s5  }
0x11: {  	s15 =	sadd.s32 $0x10000, s5;
	s8 =	sshrl.u32 s22, $0x3;
	[dreg:$0x4] =	wrdreg s26  }
0x12: {  	s9 =	sadd.s32 s7, s23;
	s24 =	sshrl.u32 s10, $0x3;
	[dreg:$0x6] =	wrdreg s6  }
0x13: {  	s10 =	sshrl.u32 s25, $0x3;
	[dreg:$0x9] =	wrdreg s19;
	s6 =	sadd.s32 s12, s2  }
0x14: {  	s23 =	sadd.s32 $0xC000, s17;
	[dreg:$0x3] =	wrdreg s9;
	s7 =	sadd.s32 s7, s24  }
0x15: {  	s11 =	sadd.s32 s1, s10;
	s18 =	sadd.s32 s0, s23;
	s25 =	sadd.s32 s23, s2  }
0x16: {  	s22 =	sshrl.u32 s6, $0x3;
	s6 =	simm.s32 $0x2700;
	[dreg:$0x5] =	wrdreg s7  }
0x17: {  	[dreg:$0x7] =	wrdreg s11;
	s7 =	sshrl.u32 s20, $0x3;
	s20 =	sadd.s32 $0x10000, s17  }
0x18: {  	s17 =	sadd.s32 s1, s8;
	s24 =	sshrl.u32 s18, $0x3;
	s16 =	sadd.s32 s1, s7  }
0x19: {  	s0 =	sadd.s32 s0, s20;
	s7 =	sadd.s32 s21, s2;
	s18 =	sadd.s32 s1, s24  }
0x1a: {  	s26 =	sadd.s32 s20, s2;
	s20 =	simm.s32 $0x2800;
	s21 =	simm.s32 $0x3  }
0x1b: {  	s24 =	sshrl.u32 s25, $0x3;
	s0 =	sshrl.u32 s0, $0x3;
	s23 =	sshrl.u32 s7, $0x3  }
0x1c: {  	s25 =	sshrl.u32 s26, $0x3;
	s26 =	simm.s32 $0x80;
	s7 =	simm.s32 $0x2780  }
0x1d: {  	v0 =	vimm.f32 $0.0e+00;
	s19 =	sadd.s32 s1, s0;
	s1 =	simm.s32 $0x2;
	s0 =	simm.s32 $0x1380  }
.LBB2_1:
0x1e: {  	s8 =	simm.s32 $0x0;
	s9 =	simm.s32 $0x200  }
.LBB2_2:
0x1f: {  	p0 =	sne.s32 s9, $0xFE00;
	[tilespmem:s8+$0x2870] =	vst v0  }
0x20: {  	[tilespmem:s8+$0x2800] =	vst v0  }
0x21: {  	[tilespmem:s8+$0x2810] =	vst v0  }
.Ltmp0:
0x22: {  	[tilespmem:s8+$0x2820] =	vst v0;
	(pc) =	sbr.rel @p0 .LBB2_2-.Ltmp0, $4  }
0x23: {  	[tilespmem:s8+$0x2830] =	vst v0  }
0x24: {  	[tilespmem:s8+$0x2840] =	vst v0  }
0x25: {  	[tilespmem:s8+$0x2850] =	vst v0  }
0x26: {  	[tilespmem:s8+$0x2860] =	vst v0;
	s8 =	sshra.s32 s9, $0x2;
	s9 =	sadd.s32 $0x200, s9  }
0x27: {  	[tilespmem:s8+$0x2870] =	vst v0  }
0x28: {  	[tilespmem:s8+$0x2800] =	vst v0  }
0x29: {  	[tilespmem:s8+$0x2810] =	vst v0  }
0x2a: {  	[tilespmem:s8+$0x2820] =	vst v0  }
0x2b: {  	[tilespmem:s8+$0x2830] =	vst v0  }
0x2c: {  	[tilespmem:s8+$0x2840] =	vst v0  }
0x2d: {  	[tilespmem:s8+$0x2850] =	vst v0  }
0x2e: {  	[tilespmem:s8+$0x2860] =	vst v0  }
0x2f: {  	[spmem:s5] =	stream.linear.scatter [tilespmem:s20], [sflag:$0x3], $0x4000, $0x38;
	[tilespmem:$0x1E800] =	vst v63  }
0x30: {  	_ =	swait.ge [sflag:s21], $0x4000  }
0x31: {  	[sflag:s21] =	ssyncset.done $0x0  }
0x32: {  	s10 =	rddreg [dreg:$0x9];
	[sflag:s21] =	ssyncadd.s32 $0xFFFFC000  }
0x33: {  	[spmem:s10] =	stream.linear.scatter [tilespmem:s20], [sflag:$0x3], $0x4000, $0x38;
	[tilespmem:$0x1E800] =	vst v63  }
0x34: {  	_ =	swait.ge [sflag:s21], $0x4000  }
0x35: {  	[sflag:s21] =	ssyncset.done $0x0  }
0x36: {  	[sflag:s21] =	ssyncadd.s32 $0xFFFFC000  }
0x37: {  	[spmem:s13] =	stream.linear.scatter [tilespmem:s20], [sflag:$0x3], $0x4000, $0x38;
	[tilespmem:$0x1E800] =	vst v63  }
0x38: {  	_ =	swait.ge [sflag:s21], $0x4000  }
0x39: {  	[sflag:s21] =	ssyncset.done $0x0  }
0x3a: {  	[sflag:s21] =	ssyncadd.s32 $0xFFFFC000  }
0x3b: {  	[spmem:s14] =	stream.linear.scatter [tilespmem:s20], [sflag:$0x3], $0x4000, $0x38;
	[tilespmem:$0x1E800] =	vst v63  }
0x3c: {  	_ =	swait.ge [sflag:s21], $0x4000  }
0x3d: {  	[sflag:s21] =	ssyncset.done $0x0  }
0x3e: {  	[sflag:s21] =	ssyncadd.s32 $0xFFFFC000  }
0x3f: {  	[spmem:s15] =	stream.linear.scatter [tilespmem:s20], [sflag:$0x3], $0x4000, $0x38;
	[tilespmem:$0x1E800] =	vst v63  }
0x40: {  	_ =	swait.ge [sflag:s21], $0x4000  }
0x41: {  	[sflag:s21] =	ssyncset.done $0x0  }
0x42: {  	[sflag:s21] =	ssyncadd.s32 $0xFFFFC000  }
0x43: {  	[bflag:$0x0] =	sbarrier.arrive $0xFFFF  }
0x44: {  	s11 =	simm.s32 $0x0;
	s9 =	rddreg [dreg:$0x3]  }
0x45: {  	[tilespmem:s11], [sflag:$0x3] =	stream.strided.gather [hbm4b:s9+s26], $0x1400, s28, s26, $0x38;
	[tilespmem:$0x1E800] =	vst v63  }
0x46: {  	_ =	swait.ge [sflag:s21], $0x1400  }
0x47: {  	[sflag:s21] =	ssyncset.done $0x0  }
0x48: {  	s12 =	rddreg [dreg:$0x4];
	[sflag:s21] =	ssyncadd.s32 $0xFFFFEC00  }
0x49: {  	[tilespmem:s29], [sflag:$0x3] =	stream.linear.gather [hbm4b:s12+s11], $0x1400, $0x38;
	[tilespmem:$0x1E800] =	vst v63  }
0x4a: {  	_ =	swait.ge [sflag:s21], $0x1400  }
0x4b: {  	[sflag:s21] =	ssyncset.done $0x0  }
0x4c: {  	[sflag:s21] =	ssyncadd.s32 $0xFFFFEC00  }
0x4d: {  	[tilespmem:s20], [sflag:$0x1] =	stream.indirect.gather [hbm4b:s4+s26], $0x80, s11, s26, $0xb8;
	[tilespmem:$0x1E800] =	vst v63  }
0x4e: {  	s9 =	simm.s32 $0x80  }
0x4f: {  	[tilespmem:s30], [sflag:$0x2] =	stream.indirect.gather [hbm4b:s4+s26], $0x80, s9, s26, $0xb8;
	[tilespmem:$0x1E800] =	vst v63  }
0x50: {  	_ =	swait.ge [sflag:s31], $0x4000  }
0x51: {  	[sflag:s31] =	ssyncset.done $0x0  }
0x52: {  	s10 =	simm.s32 $0x1400;
	[sflag:s31] =	ssyncadd.s32 $0xFFFFC000  }
0x53: {  	[spmem:s2] =	stream.indirect.scatter.add.f32 [tilespmem:s20], [sflag:$0x3], $0x80, s10, s26, $0xb8;
	[tilespmem:$0x1E800] =	vst v63  }
0x54: {  	_ =	swait.ge [sflag:s21], $0x4000  }
0x55: {  	[sflag:s21] =	ssyncset.done $0x0  }
0x56: {  	s11 =	simm.s32 $0x100;
	[sflag:s21] =	ssyncadd.s32 $0xFFFFC000  }
0x57: {  	[tilespmem:s20], [sflag:$0x1] =	stream.indirect.gather [hbm4b:s4+s26], $0x80, s11, s26, $0xb8;
	[tilespmem:$0x1E800] =	vst v63  }
0x58: {  	_ =	swait.ge [sflag:s1], $0x4000  }
0x59: {  	[sflag:s1] =	ssyncset.done $0x0  }
0x5a: {  	s12 =	simm.s32 $0x1480;
	[sflag:s1] =	ssyncadd.s32 $0xFFFFC000  }
0x5b: {  	[spmem:s2] =	stream.indirect.scatter.add.f32 [tilespmem:s30], [sflag:$0x3], $0x80, s12, s26, $0xb8;
	[tilespmem:$0x1E800] =	vst v63  }
0x5c: {  	_ =	swait.ge [sflag:s21], $0x4000  }
0x5d: {  	s8 =	simm.s32 $0x100;
	s9 =	simm.s32 $0x800;
	[sflag:s21] =	ssyncset.done $0x0  }
.LBB2_4:
0x5e: {  	s10 =	sadd.s32 $0x80, s8  }
0x5f: {  	[sflag:s21] =	ssyncadd.s32 $0xFFFFC000;
	s11 =	smov.u32 s9;
	s12 =	sadd.s32 $0x400, s9  }
0x60: {  	[tilespmem:s30], [sflag:$0x2] =	stream.indirect.gather [hbm4b:s4+s26], $0x80, s10, s26, $0xb8;
	[tilespmem:$0x1E800] =	vst v63  }
0x61: {  	p0 =	sne.s32 s9, $0x4800;
	_ =	swait.ge [sflag:s31], $0x4000  }
0x62: {  	[sflag:s31] =	ssyncset.done $0x0  }
0x63: {  	s9 =	sadd.s32 $0x1400, s8;
	[sflag:s31] =	ssyncadd.s32 $0xFFFFC000  }
0x64: {  	[spmem:s2] =	stream.indirect.scatter.add.f32 [tilespmem:s20], [sflag:$0x3], $0x80, s9, s26, $0xb8;
	[tilespmem:$0x1E800] =	vst v63  }
0x65: {  	_ =	swait.ge [sflag:s21], $0x4000  }
0x66: {  	[sflag:s21] =	ssyncset.done $0x0  }
0x67: {  	s9 =	sadd.s32 $0x100, s8;
	[sflag:s21] =	ssyncadd.s32 $0xFFFFC000  }
0x68: {  	[tilespmem:s20], [sflag:$0x1] =	stream.indirect.gather [hbm4b:s4+s26], $0x80, s9, s26, $0xb8;
	[tilespmem:$0x1E800] =	vst v63  }
0x69: {  	_ =	swait.ge [sflag:s1], $0x4000  }
.Ltmp1:
0x6a: {  	[sflag:s1] =	ssyncset.done $0x0;
	(pc) =	sbr.rel @p0 .LBB2_4-.Ltmp1, $4  }
0x6b: {  	s8 =	sadd.s32 $0x1480, s8;
	[sflag:s1] =	ssyncadd.s32 $0xFFFFC000  }
0x6c: {  	[spmem:s2] =	stream.indirect.scatter.add.f32 [tilespmem:s30], [sflag:$0x3], $0x80, s8, s26, $0xb8;
	[tilespmem:$0x1E800] =	vst v63  }
0x6d: {  	_ =	swait.ge [sflag:s21], $0x4000  }
0x6e: {  	s9 =	smov.u32 s12;
	s8 =	sshra.s32 s11, $0x2;
	[sflag:s21] =	ssyncset.done $0x0  }
0x6f: {  	s9 =	sadd.s32 $0x80, s8;
	[sflag:s21] =	ssyncadd.s32 $0xFFFFC000  }
0x70: {  	[tilespmem:s30], [sflag:$0x2] =	stream.indirect.gather [hbm4b:s4+s26], $0x80, s9, s26, $0xb8;
	[tilespmem:$0x1E800] =	vst v63  }
0x71: {  	_ =	swait.ge [sflag:s31], $0x4000  }
0x72: {  	[sflag:s31] =	ssyncset.done $0x0  }
0x73: {  	s11 =	sadd.s32 $0x1400, s8;
	[sflag:s31] =	ssyncadd.s32 $0xFFFFC000  }
0x74: {  	[spmem:s2] =	stream.indirect.scatter.add.f32 [tilespmem:s20], [sflag:$0x3], $0x80, s11, s26, $0xb8;
	[tilespmem:$0x1E800] =	vst v63  }
0x75: {  	_ =	swait.ge [sflag:s21], $0x4000  }
0x76: {  	[sflag:s21] =	ssyncset.done $0x0  }
0x77: {  	s12 =	sadd.s32 $0x100, s8;
	[sflag:s21] =	ssyncadd.s32 $0xFFFFC000  }
0x78: {  	[tilespmem:s20], [sflag:$0x1] =	stream.indirect.gather [hbm4b:s4+s26], $0x80, s12, s26, $0xb8;
	[tilespmem:$0x1E800] =	vst v63  }
0x79: {  	_ =	swait.ge [sflag:s1], $0x4000  }
0x7a: {  	[sflag:s1] =	ssyncset.done $0x0  }
0x7b: {  	s9 =	sadd.s32 $0x1480, s8;
	[sflag:s1] =	ssyncadd.s32 $0xFFFFC000  }
0x7c: {  	[spmem:s2] =	stream.indirect.scatter.add.f32 [tilespmem:s30], [sflag:$0x3], $0x80, s9, s26, $0xb8;
	[tilespmem:$0x1E800] =	vst v63  }
0x7d: {  	_ =	swait.ge [sflag:s21], $0x4000  }
0x7e: {  	[sflag:s21] =	ssyncset.done $0x0  }
0x7f: {  	[sflag:s21] =	ssyncadd.s32 $0xFFFFC000  }
0x80: {  	[tilespmem:s30], [sflag:$0x2] =	stream.indirect.gather [hbm4b:s4+s26], $0x80, s0, s26, $0xb8;
	[tilespmem:$0x1E800] =	vst v63  }
0x81: {  	_ =	swait.ge [sflag:s31], $0x4000  }
0x82: {  	[sflag:s31] =	ssyncset.done $0x0  }
0x83: {  	[sflag:s31] =	ssyncadd.s32 $0xFFFFC000  }
0x84: {  	[spmem:s2] =	stream.indirect.scatter.add.f32 [tilespmem:s20], [sflag:$0x3], $0x80, s6, s26, $0xb8;
	[tilespmem:$0x1E800] =	vst v63  }
0x85: {  	_ =	swait.ge [sflag:s21], $0x4000  }
0x86: {  	[sflag:s21] =	ssyncset.done $0x0  }
0x87: {  	[sflag:s21] =	ssyncadd.s32 $0xFFFFC000  }
0x88: {  	_ =	swait.ge [sflag:s1], $0x4000  }
0x89: {  	[sflag:s1] =	ssyncset.done $0x0  }
0x8a: {  	[sflag:s1] =	ssyncadd.s32 $0xFFFFC000  }
0x8b: {  	[spmem:s2] =	stream.indirect.scatter.add.f32 [tilespmem:s30], [sflag:$0x3], $0x80, s7, s26, $0xb8;
	[tilespmem:$0x1E800] =	vst v63  }
0x8c: {  	_ =	swait.ge [sflag:s21], $0x4000  }
0x8d: {  	[sflag:s21] =	ssyncset.done $0x0  }
0x8e: {  	s10 =	simm.s32 $0x0;
	s11 =	rddreg [dreg:$0x5];
	[sflag:s21] =	ssyncadd.s32 $0xFFFFC000  }
0x8f: {  	[tilespmem:s10], [sflag:$0x3] =	stream.strided.gather [hbm4b:s11+s26], $0x1400, s28, s26, $0x38;
	[tilespmem:$0x1E800] =	vst v63  }
0x90: {  	_ =	swait.ge [sflag:s21], $0x1400  }
0x91: {  	[sflag:s21] =	ssyncset.done $0x0  }
0x92: {  	s12 =	rddreg [dreg:$0x6];
	[sflag:s21] =	ssyncadd.s32 $0xFFFFEC00  }
0x93: {  	[tilespmem:s29], [sflag:$0x3] =	stream.linear.gather [hbm4b:s12+s10], $0x1400, $0x38;
	[tilespmem:$0x1E800] =	vst v63  }
0x94: {  	_ =	swait.ge [sflag:s21], $0x1400  }
0x95: {  	[sflag:s21] =	ssyncset.done $0x0  }
0x96: {  	[sflag:s21] =	ssyncadd.s32 $0xFFFFEC00  }
0x97: {  	[tilespmem:s20], [sflag:$0x1] =	stream.indirect.gather [hbm4b:s4+s26], $0x80, s10, s26, $0xb8;
	[tilespmem:$0x1E800] =	vst v63  }
0x98: {  	s9 =	simm.s32 $0x80  }
0x99: {  	[tilespmem:s30], [sflag:$0x2] =	stream.indirect.gather [hbm4b:s4+s26], $0x80, s9, s26, $0xb8;
	[tilespmem:$0x1E800] =	vst v63  }
0x9a: {  	_ =	swait.ge [sflag:s31], $0x4000  }
0x9b: {  	[sflag:s31] =	ssyncset.done $0x0  }
0x9c: {  	s10 =	simm.s32 $0x1400;
	[sflag:s31] =	ssyncadd.s32 $0xFFFFC000  }
0x9d: {  	[spmem:s2] =	stream.indirect.scatter.add.f32 [tilespmem:s20], [sflag:$0x3], $0x80, s10, s26, $0xb8;
	[tilespmem:$0x1E800] =	vst v63  }
0x9e: {  	_ =	swait.ge [sflag:s21], $0x4000  }
0x9f: {  	[sflag:s21] =	ssyncset.done $0x0  }
0xa0: {  	s11 =	simm.s32 $0x100;
	[sflag:s21] =	ssyncadd.s32 $0xFFFFC000  }
0xa1: {  	[tilespmem:s20], [sflag:$0x1] =	stream.indirect.gather [hbm4b:s4+s26], $0x80, s11, s26, $0xb8;
	[tilespmem:$0x1E800] =	vst v63  }
0xa2: {  	_ =	swait.ge [sflag:s1], $0x4000  }
0xa3: {  	[sflag:s1] =	ssyncset.done $0x0  }
0xa4: {  	s12 =	simm.s32 $0x1480;
	[sflag:s1] =	ssyncadd.s32 $0xFFFFC000  }
0xa5: {  	[spmem:s2] =	stream.indirect.scatter.add.f32 [tilespmem:s30], [sflag:$0x3], $0x80, s12, s26, $0xb8;
	[tilespmem:$0x1E800] =	vst v63  }
0xa6: {  	_ =	swait.ge [sflag:s21], $0x4000  }
0xa7: {  	s8 =	simm.s32 $0x100;
	s9 =	simm.s32 $0x800;
	[sflag:s21] =	ssyncset.done $0x0  }
.LBB2_6:
0xa8: {  	s10 =	sadd.s32 $0x80, s8  }
0xa9: {  	[sflag:s21] =	ssyncadd.s32 $0xFFFFC000;
	s11 =	smov.u32 s9;
	s12 =	sadd.s32 $0x400, s9  }
0xaa: {  	[tilespmem:s30], [sflag:$0x2] =	stream.indirect.gather [hbm4b:s4+s26], $0x80, s10, s26, $0xb8;
	[tilespmem:$0x1E800] =	vst v63  }
0xab: {  	p0 =	sne.s32 s9, $0x4800;
	_ =	swait.ge [sflag:s31], $0x4000  }
0xac: {  	[sflag:s31] =	ssyncset.done $0x0  }
0xad: {  	s9 =	sadd.s32 $0x1400, s8;
	[sflag:s31] =	ssyncadd.s32 $0xFFFFC000  }
0xae: {  	[spmem:s2] =	stream.indirect.scatter.add.f32 [tilespmem:s20], [sflag:$0x3], $0x80, s9, s26, $0xb8;
	[tilespmem:$0x1E800] =	vst v63  }
0xaf: {  	_ =	swait.ge [sflag:s21], $0x4000  }
0xb0: {  	[sflag:s21] =	ssyncset.done $0x0  }
0xb1: {  	s9 =	sadd.s32 $0x100, s8;
	[sflag:s21] =	ssyncadd.s32 $0xFFFFC000  }
0xb2: {  	[tilespmem:s20], [sflag:$0x1] =	stream.indirect.gather [hbm4b:s4+s26], $0x80, s9, s26, $0xb8;
	[tilespmem:$0x1E800] =	vst v63  }
0xb3: {  	_ =	swait.ge [sflag:s1], $0x4000  }
.Ltmp2:
0xb4: {  	[sflag:s1] =	ssyncset.done $0x0;
	(pc) =	sbr.rel @p0 .LBB2_6-.Ltmp2, $4  }
0xb5: {  	s8 =	sadd.s32 $0x1480, s8;
	[sflag:s1] =	ssyncadd.s32 $0xFFFFC000  }
0xb6: {  	[spmem:s2] =	stream.indirect.scatter.add.f32 [tilespmem:s30], [sflag:$0x3], $0x80, s8, s26, $0xb8;
	[tilespmem:$0x1E800] =	vst v63  }
0xb7: {  	_ =	swait.ge [sflag:s21], $0x4000  }
0xb8: {  	s9 =	smov.u32 s12;
	s8 =	sshra.s32 s11, $0x2;
	[sflag:s21] =	ssyncset.done $0x0  }
0xb9: {  	s9 =	sadd.s32 $0x80, s8;
	[sflag:s21] =	ssyncadd.s32 $0xFFFFC000  }
0xba: {  	[tilespmem:s30], [sflag:$0x2] =	stream.indirect.gather [hbm4b:s4+s26], $0x80, s9, s26, $0xb8;
	[tilespmem:$0x1E800] =	vst v63  }
0xbb: {  	_ =	swait.ge [sflag:s31], $0x4000  }
0xbc: {  	[sflag:s31] =	ssyncset.done $0x0  }
0xbd: {  	s11 =	sadd.s32 $0x1400, s8;
	[sflag:s31] =	ssyncadd.s32 $0xFFFFC000  }
0xbe: {  	[spmem:s2] =	stream.indirect.scatter.add.f32 [tilespmem:s20], [sflag:$0x3], $0x80, s11, s26, $0xb8;
	[tilespmem:$0x1E800] =	vst v63  }
0xbf: {  	_ =	swait.ge [sflag:s21], $0x4000  }
0xc0: {  	[sflag:s21] =	ssyncset.done $0x0  }
0xc1: {  	s12 =	sadd.s32 $0x100, s8;
	[sflag:s21] =	ssyncadd.s32 $0xFFFFC000  }
0xc2: {  	[tilespmem:s20], [sflag:$0x1] =	stream.indirect.gather [hbm4b:s4+s26], $0x80, s12, s26, $0xb8;
	[tilespmem:$0x1E800] =	vst v63  }
0xc3: {  	_ =	swait.ge [sflag:s1], $0x4000  }
0xc4: {  	[sflag:s1] =	ssyncset.done $0x0  }
0xc5: {  	s9 =	sadd.s32 $0x1480, s8;
	[sflag:s1] =	ssyncadd.s32 $0xFFFFC000  }
0xc6: {  	[spmem:s2] =	stream.indirect.scatter.add.f32 [tilespmem:s30], [sflag:$0x3], $0x80, s9, s26, $0xb8;
	[tilespmem:$0x1E800] =	vst v63  }
0xc7: {  	_ =	swait.ge [sflag:s21], $0x4000  }
0xc8: {  	[sflag:s21] =	ssyncset.done $0x0  }
0xc9: {  	[sflag:s21] =	ssyncadd.s32 $0xFFFFC000  }
0xca: {  	[tilespmem:s30], [sflag:$0x2] =	stream.indirect.gather [hbm4b:s4+s26], $0x80, s0, s26, $0xb8;
	[tilespmem:$0x1E800] =	vst v63  }
0xcb: {  	_ =	swait.ge [sflag:s31], $0x4000  }
0xcc: {  	[sflag:s31] =	ssyncset.done $0x0  }
0xcd: {  	[sflag:s31] =	ssyncadd.s32 $0xFFFFC000  }
0xce: {  	[spmem:s2] =	stream.indirect.scatter.add.f32 [tilespmem:s20], [sflag:$0x3], $0x80, s6, s26, $0xb8;
	[tilespmem:$0x1E800] =	vst v63  }
0xcf: {  	_ =	swait.ge [sflag:s21], $0x4000  }
0xd0: {  	[sflag:s21] =	ssyncset.done $0x0  }
0xd1: {  	[sflag:s21] =	ssyncadd.s32 $0xFFFFC000  }
0xd2: {  	_ =	swait.ge [sflag:s1], $0x4000  }
0xd3: {  	[sflag:s1] =	ssyncset.done $0x0  }
0xd4: {  	[sflag:s1] =	ssyncadd.s32 $0xFFFFC000  }
0xd5: {  	[spmem:s2] =	stream.indirect.scatter.add.f32 [tilespmem:s30], [sflag:$0x3], $0x80, s7, s26, $0xb8;
	[tilespmem:$0x1E800] =	vst v63  }
0xd6: {  	_ =	swait.ge [sflag:s21], $0x4000  }
0xd7: {  	[sflag:s21] =	ssyncset.done $0x0  }
0xd8: {  	s10 =	stileid.u32;
	[sflag:s21] =	ssyncadd.s32 $0xFFFFC000  }
0xd9: {  	s8 =	sshll.u32 s10, $0x6;
	[bflag:$0x0] =	sbarrier.arrive $0xFFFF  }
0xda: {  	s8 =	sor.u32 $0x1C03, s8;
	s11 =	sshrl.u32 s5, $0x3;
	s10 =	rddreg [dreg:$0x7]  }
0xdb: {  	[hbm:s10], [sflag:s8] =	dma.local [spmem:s11], $0x800  }
0xdc: {  	_ =	swait.ge [sflag:s21], $0x800  }
0xdd: {  	[sflag:s21] =	ssyncset.done $0x0  }
0xde: {  	[sflag:s21] =	ssyncadd.s32 $0xFFFFF800  }
0xdf: {  	[hbm:s16], [sflag:s8] =	dma.local [spmem:s22], $0x800  }
0xe0: {  	_ =	swait.ge [sflag:s21], $0x800  }
0xe1: {  	[sflag:s21] =	ssyncset.done $0x0  }
0xe2: {  	[sflag:s21] =	ssyncadd.s32 $0xFFFFF800  }
0xe3: {  	[hbm:s17], [sflag:s8] =	dma.local [spmem:s23], $0x800  }
0xe4: {  	_ =	swait.ge [sflag:s21], $0x800  }
0xe5: {  	[sflag:s21] =	ssyncset.done $0x0  }
0xe6: {  	[sflag:s21] =	ssyncadd.s32 $0xFFFFF800  }
0xe7: {  	[hbm:s18], [sflag:s8] =	dma.local [spmem:s24], $0x800  }
0xe8: {  	_ =	swait.ge [sflag:s21], $0x800  }
0xe9: {  	[sflag:s21] =	ssyncset.done $0x0  }
0xea: {  	[sflag:s21] =	ssyncadd.s32 $0xFFFFF800  }
0xeb: {  	[hbm:s19], [sflag:s8] =	dma.local [spmem:s25], $0x800  }
0xec: {  	_ =	swait.ge [sflag:s21], $0x800  }
0xed: {  	s3 =	sadd.s32 $0x1, s3;
	s12 =	rddreg [dreg:$0x8]  }
0xee: {  	p0 =	sne.s32 s3, s12  }
.Ltmp3:
0xef: {  	_ = 	snop;
	(pc) =	sbr.rel @p0 .LBB2_1-.Ltmp3, $3  }
0xf0: {  	_ =	sdelay $0x1  }
0xf1: {  	[sflag:s21] =	ssyncset.done $0x0  }
0xf2: {  	[sflag:s21] =	ssyncadd.s32 $0xFFFFF800  }
0xf3: {  	_ =	sfence.sel $0x180000  }
0xf4: {  	[bflag:$0x0] =	sbarrier.arrive $0xFFFF  }
0xf5: {  	_ =	strace $0x9000004D  }
0xf6: {  	s0 =	stileid.u32;
	[bflag:$0x2] =	sbarrier.arrive $0xFFFF  }
0xf7: {  	p0 =	sne.s32 s0, $0x0;
	s0 =	rddreg [dreg:$0x2]  }
0xf8: {  	s0 =	sadd.s32 @!p0 $0x100000, s0  }
0xf9: {  	[sflag:s0] =	ssyncadd.tile.s32 @!p0 $0x1;
	_ =	shalt  }
.Lfunc_end2:
_tile_overlayer_lowered:
.L_overlay_start_2:
0xfa: {  	(tag) =	ssettag $0x2  }
0xfb: {  	s0 =	rddreg [dreg:$0x0];
	s2 =	stileid.u32  }
0xfc: {  	s1 =	rddreg [dreg:$0x1];
	p0 =	sne.s32 s2, $0x0  }
0xfd: {  	s3 =	rddreg [dreg:$0x2];
	[bflag:$0x3] =	sbarrier.arrive $0xFFFF;
	s2 =	simm.s32 @!p0 $0x1C03  }
0xfe: {  	[timem:s3], [sflag:s2] =	dma.local @!p0 [hbm:s0], s1  }
0xff: {  	s0 =	simm.s32 @!p0 $0x3  }
0x100: {  	_ =	swait.ge @!p0 [sflag:s0], s1  }
0x101: {  	s1 =	ssub.s32 @!p0 $0x0, s1;
	[sflag:s0] =	ssyncset.done @!p0 $0x0  }
0x102: {  	[sflag:s0] =	ssyncadd.s32 @!p0 s1  }
0x103: {  	[bflag:$0x3] =	sbarrier.arrive $0xFFFF  }
0x104: {  	_ =	shalt  }

// kernel: kernel.19.cloned.1.call-start
scs
__scs_entry_jumppad:
0x0: {  	(pc) =	sbr.rel $0x88, $3  }
0x1: {  	(tag) =	ssettag $0x0;
	lr =	simm.s32 $0x1  }
0x2: {  	[smem:$0x3F97] =	sst lr;
	_ =	strace $0xD0000000  }
0x3: {  	_ = 	snop  }
0x4: {  	_ = 	snop  }
0x5: {  	_ = 	snop  }
0x6: {  	_ = 	snop  }
0x7: {  	_ = 	snop  }
__scs_overlays_trampoline_lowered:
0x8: {  	[smem:$0x3FA6] =	sst s0  }
0x9: {  	[smem:$0x3FA7] =	sst s1  }
0xa: {  	[smem:$0x3FA8] =	sst s2  }
0xb: {  	[smem:$0x3FA9] =	sst s3  }
0xc: {  	[smem:$0x3FAA] =	sst s4  }
0xd: {  	[smem:$0x3FAB] =	sst s5  }
0xe: {  	[smem:$0x3FAC] =	sst s6  }
0xf: {  	[smem:$0x3FAD] =	sst s7  }
0x10: {  	[smem:$0x3FAE] =	sst s8  }
0x11: {  	[smem:$0x3FAF] =	sst s9;
	s0 =	simm.s32 @!p0 $0x0  }
0x12: {  	s1 =	sld [smem:$0x3F95];
	s0 =	simm.s32 @p0 $0x1  }
0x13: {  	[smem:$0x3FB0] =	sst s0;
	s0 =	simm.s32 @!p1 $0x0  }
0x14: {  	s2 =	sld [smem:$0x3F94];
	s0 =	simm.s32 @p1 $0x1  }
0x15: {  	[smem:$0x3FB1] =	sst s0;
	s0 =	simm.s32 @!p2 $0x0  }
0x16: {  	s3 =	sld [smem:$0x3FDB];
	s0 =	simm.s32 @p2 $0x1  }
0x17: {  	s4 =	simm.s32 $0x1BF5;
	[smem:$0x3FB3] =	sst s0  }
0x18: {  	s0 =	sld [smem:$0x3F96];
	_ =	swait.ge [sflag:s4], $0x0  }
0x19: {  	s7 =	sld [smem:$0x3F97]  }
0x1a: {  	s8 =	sadd.s32 $0xFFFFE003, lr  }
0x1b: {  	s9 =	sadd.s32 $0xFFFFFEF7, lr;
	s5 =	simm.s32 $0xFFFFFFFF;
	p2 =	slt.u32 s8, $0xFFFFF086  }
0x1c: {  	p1 =	slt.u32 s9, $0xF7A;
	s5 =	simm.s32 @!p2 $0x0  }
0x1d: {  	s5 =	simm.s32 @p1 $0x1;
	p0 =	seq.s32 s7, s2  }
0x1e: {  	s7 =	smul.u32 @!p0 $0xF7A, s2;
	p2 =	seq.s32 @!p0 s5, $0x0  }
0x1f: {  	s9 =	smul.u32 $0xF7A, s1;
	s8 =	simm.s32 @!p0 $0x1BF5;
	p2 =	por !p2, p0  }
0x20: {  	[sflag:s8] =	ssyncset.s32 @!p0 $0xFFFFF086;
	s6 =	sadd.s32 @!p0 s3, s7;
	s7 =	simm.s32 @!p0 $0x108  }
0x21: {  	s3 =	sadd.s32 s3, s9;
	s6 =	sadd.s32 @!p0 $0x88, s6;
	s7 =	simm.s32 @p2 $0x1082  }
0x22: {  	[simem:s7], [sflag:s8] =	dma.local @!p0 [hbm:s6], $0xF7A  }
0x23: {  	s9 =	sor.u32 $0xD0000000, s2;
	s6 =	simm.s32 $0x108;
	_ =	swait.ge @!p0 [sflag:s8], $0x0  }
0x24: {  	s3 =	sadd.s32 $0x88, s3;
	s6 =	simm.s32 @!p1 $0x1082;
	[sflag:s4] =	ssyncset.s32 $0xFFFFF086  }
0x25: {  	[simem:s6], [sflag:s4] =	dma.local [hbm:s3], $0xF7A  }
0x26: {  	[smem:$0x3F97] =	sst s1;
	(tag) =	ssettag s2;
	_ =	strace s9  }
0x27: {  	s1 =	sld [smem:$0x3FA7]  }
0x28: {  	s2 =	sld [smem:$0x3FA8]  }
0x29: {  	s4 =	sld [smem:$0x3FAA]  }
0x2a: {  	p0 =	seq.s32 s5, $0x0;
	s5 =	sld [smem:$0x3FAB]  }
0x2b: {  	s6 =	sld [smem:$0x3FAC]  }
0x2c: {  	s7 =	sld [smem:$0x3FAD]  }
0x2d: {  	s3 =	simm.s32 $0x108;
	s8 =	sld [smem:$0x3FAE]  }
0x2e: {  	s3 =	simm.s32 @!p0 $0x1082;
	s9 =	sld [smem:$0x3FAF]  }
0x2f: {  	lr =	sadd.s32 s0, s3;
	s0 =	sld [smem:$0x3FA6]  }
0x30: {  	s3 =	sld [smem:$0x3FA9]  }
0x31: {  	[smem:$0x3FB2] =	sst s10  }
0x32: {  	s10 =	sld [smem:$0x3FB0];
	_ =	sdelay $0x3  }
0x33: {  	p0 =	seq.s32 s10, $0x1;
	s10 =	sld [smem:$0x3FB2];
	_ =	sdelay $0x3  }
0x34: {  	[smem:$0x3FB2] =	sst s10  }
0x35: {  	s10 =	sld [smem:$0x3FB1];
	_ =	sdelay $0x3  }
0x36: {  	p1 =	seq.s32 s10, $0x1;
	s10 =	sld [smem:$0x3FB2];
	_ =	sdelay $0x3  }
0x37: {  	[smem:$0x3FB2] =	sst s10  }
0x38: {  	s10 =	sld [smem:$0x3FB3]  }
0x39: {  	_ = 	snop;
	(pc) =	sbr.ind lr, $3  }
0x3a: {  	_ = 	snop  }
0x3b: {  	_ = 	snop  }
0x3c: {  	p2 =	seq.s32 s10, $0x1;
	s10 =	sld [smem:$0x3FB2]  }
0x3d: {  	_ =	shalt  }
0x3e: {  	_ =	shalt  }
0x3f: {  	_ =	shalt  }
0x40: {  	_ =	shalt  }
0x41: {  	_ =	shalt  }
0x42: {  	_ =	shalt  }
0x43: {  	_ =	shalt  }
0x44: {  	_ =	shalt  }
0x45: {  	_ =	shalt  }
0x46: {  	_ =	shalt  }
0x47: {  	_ =	shalt  }
0x48: {  	_ =	shalt  }
0x49: {  	_ =	shalt  }
0x4a: {  	_ =	shalt  }
0x4b: {  	_ =	shalt  }
0x4c: {  	_ =	shalt  }
0x4d: {  	_ =	shalt  }
0x4e: {  	_ =	shalt  }
0x4f: {  	_ =	shalt  }
0x50: {  	_ =	shalt  }
0x51: {  	_ =	shalt  }
0x52: {  	_ =	shalt  }
0x53: {  	_ =	shalt  }
0x54: {  	_ =	shalt  }
0x55: {  	_ =	shalt  }
0x56: {  	_ =	shalt  }
0x57: {  	_ =	shalt  }
0x58: {  	_ =	shalt  }
0x59: {  	_ =	shalt  }
0x5a: {  	_ =	shalt  }
0x5b: {  	_ =	shalt  }
0x5c: {  	_ =	shalt  }
0x5d: {  	_ =	shalt  }
0x5e: {  	_ =	shalt  }
0x5f: {  	_ =	shalt  }
0x60: {  	_ =	shalt  }
0x61: {  	_ =	shalt  }
0x62: {  	_ =	shalt  }
0x63: {  	_ =	shalt  }
0x64: {  	_ =	shalt  }
0x65: {  	_ =	shalt  }
0x66: {  	_ =	shalt  }
0x67: {  	_ =	shalt  }
0x68: {  	_ =	shalt  }
0x69: {  	_ =	shalt  }
0x6a: {  	_ =	shalt  }
0x6b: {  	_ =	shalt  }
0x6c: {  	_ =	shalt  }
0x6d: {  	_ =	shalt  }
0x6e: {  	_ =	shalt  }
0x6f: {  	_ =	shalt  }
0x70: {  	_ =	shalt  }
0x71: {  	_ =	shalt  }
0x72: {  	_ =	shalt  }
0x73: {  	_ =	shalt  }
0x74: {  	_ =	shalt  }
0x75: {  	_ =	shalt  }
0x76: {  	_ =	shalt  }
0x77: {  	_ =	shalt  }
0x78: {  	_ =	shalt  }
0x79: {  	_ =	shalt  }
0x7a: {  	_ =	shalt  }
0x7b: {  	_ =	shalt  }
0x7c: {  	_ =	shalt  }
0x7d: {  	_ =	shalt  }
0x7e: {  	_ =	shalt  }
0x7f: {  	_ =	shalt  }
0x80: {  	_ =	shalt  }
0x81: {  	_ =	shalt  }
0x82: {  	_ =	shalt  }
0x83: {  	_ =	shalt  }
0x84: {  	_ =	shalt  }
0x85: {  	_ =	shalt  }
0x86: {  	_ =	shalt  }
0x87: {  	_ =	shalt  }
.Lfunc_end0:
.L_simem_size_0:
called_computation.3_lowered:
.L_overlay_start_0:
0x88: {  	s2 =	sld [smem:$0x3FD9]  }
0x89: {  	s3 =	sld [smem:$0x3FFE];
	_ =	sdelay $0x1  }
0x8a: {  	s1 =	srdreg.scid  }
0x8b: {  	s0 =	sand.u32 $0x1, s1  }
0x8c: {  	s16 =	sshll.u32 s0, $0xA;
	s2 =	sadd.s32 s3, s2  }
0x8d: {  	s2 =	sadd.s32 s2, s16  }
0x8e: {  	[smem:$0x3FBE] =	sst s2  }
0x8f: {  	_ = 	snop  }
0x90: {  	(tm) =	ssettm $0x1  }
0x91: {  	s17 =	sld [smem:$0x3FFB];
	_ =	sdelay $0x3  }
0x92: {  	_ =	strace s17  }
0x93: {  	s2 =	sld [smem:$0x3FFC];
	_ =	sdelay $0x3  }
0x94: {  	_ =	strace s2  }
0x95: {  	s2 =	sld [smem:$0x3FFD];
	_ =	sdelay $0x3  }
0x96: {  	_ =	strace s2  }
0x97: {  	_ =	strace $0x8FFFFFFF  }
0x98: {  	s18 =	sld [smem:$0x3FDB];
	_ =	sdelay $0x1  }
0x99: {  	s19 =	simm.s32 $_scs_section_size  }
0x9a: {  	s4 =	simm.s32 $_size__tile_overlayer_lowered;
	s5 =	simm.s32 $_tile_overlayer_lowered  }
0x9b: {  	s22 =	simm.s32 $0x1BFF;
	s21 =	sshll.u32 s5, $0x1;
	s2 =	sadd.s32 s19, s18  }
0x9c: {  	s6 =	simm.s32 $0x0;
	s20 =	sshll.u32 s4, $0x1;
	s4 =	sadd.s32 s21, s2  }
0x9d: {  	[timem:s6], [sflag:s22] =	dma.local [hbm:s4], s20  }
0x9e: {  	_ =	swait.ge [sflag:s22], s20  }
0x9f: {  	s3 =	ssub.s32 $0x0, s20;
	[sflag:s22] =	ssyncset.done $0x0  }
0xa0: {  	[sflag:s22] =	ssyncadd.s32 s3;
	_ =	sdelay $0x1  }
0xa1: {  	s23 =	simm.s32 $0x1B8B  }
0xa2: {  	_ =	swait.ge [sflag:s23], $0x1  }
0xa3: {  	[sflag:s23] =	ssyncset.done $0x0  }
0xa4: {  	s25 =	simm.s32 $0x1B8E;
	s24 =	sld [smem:$0x3FFE];
	[sflag:s23] =	ssyncadd.s32 $0xFFFFFFFF  }
0xa5: {  	s26 =	simm.s32 $execute0_lowered;
	[smem:$0x3FD2] =	sst s25  }
0xa6: {  	s4 =	sshll.u32 s26, $0x1;
	_ =	strace $0x8000004F;
	[dreg:$0x1] =	wrdreg $0xFFFFFFFF  }
0xa7: {  	s28 =	simm.s32 $_size_execute0_lowered;
	s2 =	sadd.s32 s2, s4;
	[dreg:$0x0] =	wrdreg $0x0  }
0xa8: {  	s4 =	sshll.u32 s28, $0x1;
	[dreg:$0x2] =	wrdreg s2  }
0xa9: {  	[dreg:$0x3] =	wrdreg s4  }
0xaa: {  	[dreg:$0x4] =	wrdreg $0xC0  }
0xab: {  	_ =	task [dreg:s6], $0x5FFFF  }
0xac: {  	[dreg:$0x1] =	wrdreg $0xFFFFFFFF  }
0xad: {  	[dreg:$0x0] =	wrdreg $0x60  }
0xae: {  	[dreg:$0x2] =	wrdreg s24  }
0xaf: {  	[dreg:$0x3] =	wrdreg $0xA8000  }
0xb0: {  	[dreg:$0x4] =	wrdreg $0x9  }
0xb1: {  	_ =	task.clear_ibuf [dreg:s6], $0x5FFFF;
	_ =	strace $0x9000004F  }
0xb2: {  	s29 =	simm.s32 $0x9;
	_ =	strace $0x80000051  }
0xb3: {  	_ =	swait.ge [sflag:s29], $0x1  }
0xb4: {  	[sflag:s29] =	ssyncadd.s32 $0xFFFFFFFF  }
0xb5: {  	_ =	strace $0x90000051  }
0xb6: {  	_ =	sfence  }
0xb7: {  	s30 =	sld [smem:$0x0];
	_ =	sdelay $0x2  }
0xb8: {  	s31 =	sshll.u32 s1, $0xD;
	s1 =	sshrl.u32 s1, $0x2  }
0xb9: {  	s3 =	sand.u32 $0x4000, s31;
	s1 =	sadd.s32 s1, s30  }
0xba: {  	s0 =	sor.u32 s3, s0;
	s1 =	sshll.u32 s1, $0x11  }
0xbb: {  	s0 =	sor.u32 s1, s0  }
0xbc: {  	s0 =	sadd.s32 $0x8F2B, s0  }
0xbd: {  	[sflag:s0] =	ssyncadd.remote.s32 $0x1  }
0xbe: {  	_ =	sfence.sel $0xFFFF  }
0xbf: {  	[dreg:$0x0] =	wrdreg $0xFFFFFFFF;
	(pc) =	sbr.abs _section_cstart, $3  }
0xc0: {  	[dreg:$0x1] =	wrdreg $0xFFFFFFFF  }
0xc1: {  	_ =	task.clear_ibuf [dreg:s6], $0x2FFFF;
	_ =	strace $0x9FFFFFFF  }
0xc2: {  	(tm) =	ssettm $0x7FFFFFFF  }
0xc3: {  	_ =	shalt  }
tec
execute0_lowered:
.L_overlay_start_1:
0x0: {  	(tag) =	ssettag $0x1  }
0x1: {  	s0 =	srdreg.scid;
	s1 =	rddreg [dreg:$0x0]  }
0x2: {  	s12 =	stileid.u32;
	s2 =	rddreg [dreg:$0x1];
	s28 =	simm.s32 $0x400  }
0x3: {  	s29 =	simm.s32 $0x1400;
	s30 =	simm.s32 $0x6800;
	s31 =	simm.s32 $0x1  }
0x4: {  	s0 =	sand.u32 $0x1, s0;
	s4 =	sadd.s32 $0x67000, s1;
	s9 =	smul.u32 $0x50000, s12  }
0x5: {  	s7 =	sadd.s32 $0x5D000, s1;
	s11 =	sshll.u32 s12, $0x7;
	s17 =	smul.u32 $0x14000, s12  }
0x6: {  	s3 =	sshll.u32 s0, $0x4;
	s8 =	ssub.s32 $0x2, s0;
	s22 =	sand.u32 $0x380, s11  }
0x7: {  	s0 =	smul.u32 $0x140000, s0;
	s5 =	sor.u32 s12, s3;
	s3 =	simm.s32 $0x0  }
0x8: {  	s10 =	sshrl.u32 s8, $0x1;
	s9 =	sshrl.u32 s9, $0x2;
	s12 =	sadd.s32 $0x4000, s17  }
0x9: {  	s21 =	sadd.s32 $0x8000, s17;
	s6 =	smul.u32 $0x2800, s5;
	[smem:$0x7FF] =	sst s3  }
0xa: {  	s5 =	sshrl.u32 s5, $0x3;
	s8 =	ssub.s32 s8, s10;
	s25 =	sadd.s32 s0, s17  }
0xb: {  	s20 =	sadd.s32 s0, s12;
	s5 =	smul.u32 $0x14000, s5;
	s18 =	smax.u32 s8, $0x1  }
0xc: {  	_ =	strace $0x80000050;
	s6 =	sshrl.u32 s6, $0x3;
	[dreg:$0x8] =	wrdreg s18  }
0xd: {  	s6 =	sadd.s32 s6, s1;
	s1 =	sadd.s32 $0x8F000, s1;
	s10 =	sor.u32 s22, s5  }
0xe: {  	s5 =	sadd.s32 s9, s2;
	s22 =	sadd.s32 s0, s21;
	s23 =	sshrl.u32 s10, $0x3  }
0xf: {  	s10 =	sadd.s32 $0xA000, s10;
	s26 =	sadd.s32 $0x3000, s6;
	s6 =	sadd.s32 $0x3280, s6  }
0x10: {  	s19 =	sadd.s32 $0x4000, s5;
	s13 =	sadd.s32 $0x8000, s5;
	s14 =	sadd.s32 $0xC000, s5  }
0x11: {  	s15 =	sadd.s32 $0x10000, s5;
	s8 =	sshrl.u32 s22, $0x3;
	[dreg:$0x4] =	wrdreg s26  }
0x12: {  	s9 =	sadd.s32 s7, s23;
	s24 =	sshrl.u32 s10, $0x3;
	[dreg:$0x6] =	wrdreg s6  }
0x13: {  	s10 =	sshrl.u32 s25, $0x3;
	[dreg:$0x9] =	wrdreg s19;
	s6 =	sadd.s32 s12, s2  }
0x14: {  	s23 =	sadd.s32 $0xC000, s17;
	[dreg:$0x3] =	wrdreg s9;
	s7 =	sadd.s32 s7, s24  }
0x15: {  	s11 =	sadd.s32 s1, s10;
	s18 =	sadd.s32 s0, s23;
	s25 =	sadd.s32 s23, s2  }
0x16: {  	s22 =	sshrl.u32 s6, $0x3;
	s6 =	simm.s32 $0x2700;
	[dreg:$0x5] =	wrdreg s7  }
0x17: {  	[dreg:$0x7] =	wrdreg s11;
	s7 =	sshrl.u32 s20, $0x3;
	s20 =	sadd.s32 $0x10000, s17  }
0x18: {  	s17 =	sadd.s32 s1, s8;
	s24 =	sshrl.u32 s18, $0x3;
	s16 =	sadd.s32 s1, s7  }
0x19: {  	s0 =	sadd.s32 s0, s20;
	s7 =	sadd.s32 s21, s2;
	s18 =	sadd.s32 s1, s24  }
0x1a: {  	s26 =	sadd.s32 s20, s2;
	s20 =	simm.s32 $0x2800;
	s21 =	simm.s32 $0x3  }
0x1b: {  	s24 =	sshrl.u32 s25, $0x3;
	s0 =	sshrl.u32 s0, $0x3;
	s23 =	sshrl.u32 s7, $0x3  }
0x1c: {  	s25 =	sshrl.u32 s26, $0x3;
	s26 =	simm.s32 $0x80;
	s7 =	simm.s32 $0x2780  }
0x1d: {  	v0 =	vimm.f32 $0.0e+00;
	s19 =	sadd.s32 s1, s0;
	s1 =	simm.s32 $0x2;
	s0 =	simm.s32 $0x1380  }
.LBB2_1:
0x1e: {  	s8 =	simm.s32 $0x0;
	s9 =	simm.s32 $0x200  }
.LBB2_2:
0x1f: {  	p0 =	sne.s32 s9, $0xFE00;
	[tilespmem:s8+$0x2870] =	vst v0  }
0x20: {  	[tilespmem:s8+$0x2800] =	vst v0  }
0x21: {  	[tilespmem:s8+$0x2810] =	vst v0  }
.Ltmp0:
0x22: {  	[tilespmem:s8+$0x2820] =	vst v0;
	(pc) =	sbr.rel @p0 .LBB2_2-.Ltmp0, $4  }
0x23: {  	[tilespmem:s8+$0x2830] =	vst v0  }
0x24: {  	[tilespmem:s8+$0x2840] =	vst v0  }
0x25: {  	[tilespmem:s8+$0x2850] =	vst v0  }
0x26: {  	[tilespmem:s8+$0x2860] =	vst v0;
	s8 =	sshra.s32 s9, $0x2;
	s9 =	sadd.s32 $0x200, s9  }
0x27: {  	[tilespmem:s8+$0x2870] =	vst v0  }
0x28: {  	[tilespmem:s8+$0x2800] =	vst v0  }
0x29: {  	[tilespmem:s8+$0x2810] =	vst v0  }
0x2a: {  	[tilespmem:s8+$0x2820] =	vst v0  }
0x2b: {  	[tilespmem:s8+$0x2830] =	vst v0  }
0x2c: {  	[tilespmem:s8+$0x2840] =	vst v0  }
0x2d: {  	[tilespmem:s8+$0x2850] =	vst v0  }
0x2e: {  	[tilespmem:s8+$0x2860] =	vst v0  }
0x2f: {  	[spmem:s5] =	stream.linear.scatter [tilespmem:s20], [sflag:$0x3], $0x4000, $0x38;
	[tilespmem:$0x1E800] =	vst v63  }
0x30: {  	_ =	swait.ge [sflag:s21], $0x4000  }
0x31: {  	[sflag:s21] =	ssyncset.done $0x0  }
0x32: {  	s10 =	rddreg [dreg:$0x9];
	[sflag:s21] =	ssyncadd.s32 $0xFFFFC000  }
0x33: {  	[spmem:s10] =	stream.linear.scatter [tilespmem:s20], [sflag:$0x3], $0x4000, $0x38;
	[tilespmem:$0x1E800] =	vst v63  }
0x34: {  	_ =	swait.ge [sflag:s21], $0x4000  }
0x35: {  	[sflag:s21] =	ssyncset.done $0x0  }
0x36: {  	[sflag:s21] =	ssyncadd.s32 $0xFFFFC000  }
0x37: {  	[spmem:s13] =	stream.linear.scatter [tilespmem:s20], [sflag:$0x3], $0x4000, $0x38;
	[tilespmem:$0x1E800] =	vst v63  }
0x38: {  	_ =	swait.ge [sflag:s21], $0x4000  }
0x39: {  	[sflag:s21] =	ssyncset.done $0x0  }
0x3a: {  	[sflag:s21] =	ssyncadd.s32 $0xFFFFC000  }
0x3b: {  	[spmem:s14] =	stream.linear.scatter [tilespmem:s20], [sflag:$0x3], $0x4000, $0x38;
	[tilespmem:$0x1E800] =	vst v63  }
0x3c: {  	_ =	swait.ge [sflag:s21], $0x4000  }
0x3d: {  	[sflag:s21] =	ssyncset.done $0x0  }
0x3e: {  	[sflag:s21] =	ssyncadd.s32 $0xFFFFC000  }
0x3f: {  	[spmem:s15] =	stream.linear.scatter [tilespmem:s20], [sflag:$0x3], $0x4000, $0x38;
	[tilespmem:$0x1E800] =	vst v63  }
0x40: {  	_ =	swait.ge [sflag:s21], $0x4000  }
0x41: {  	[sflag:s21] =	ssyncset.done $0x0  }
0x42: {  	[sflag:s21] =	ssyncadd.s32 $0xFFFFC000  }
0x43: {  	[bflag:$0x0] =	sbarrier.arrive $0xFFFF  }
0x44: {  	s11 =	simm.s32 $0x0;
	s9 =	rddreg [dreg:$0x3]  }
0x45: {  	[tilespmem:s11], [sflag:$0x3] =	stream.strided.gather [hbm4b:s9+s26], $0x1400, s28, s26, $0x38;
	[tilespmem:$0x1E800] =	vst v63  }
0x46: {  	_ =	swait.ge [sflag:s21], $0x1400  }
0x47: {  	[sflag:s21] =	ssyncset.done $0x0  }
0x48: {  	s12 =	rddreg [dreg:$0x4];
	[sflag:s21] =	ssyncadd.s32 $0xFFFFEC00  }
0x49: {  	[tilespmem:s29], [sflag:$0x3] =	stream.linear.gather [hbm4b:s12+s11], $0x1400, $0x38;
	[tilespmem:$0x1E800] =	vst v63  }
0x4a: {  	_ =	swait.ge [sflag:s21], $0x1400  }
0x4b: {  	[sflag:s21] =	ssyncset.done $0x0  }
0x4c: {  	[sflag:s21] =	ssyncadd.s32 $0xFFFFEC00  }
0x4d: {  	[tilespmem:s20], [sflag:$0x1] =	stream.indirect.gather [hbm4b:s4+s26], $0x80, s11, s26, $0xb8;
	[tilespmem:$0x1E800] =	vst v63  }
0x4e: {  	s9 =	simm.s32 $0x80  }
0x4f: {  	[tilespmem:s30], [sflag:$0x2] =	stream.indirect.gather [hbm4b:s4+s26], $0x80, s9, s26, $0xb8;
	[tilespmem:$0x1E800] =	vst v63  }
0x50: {  	_ =	swait.ge [sflag:s31], $0x4000  }
0x51: {  	[sflag:s31] =	ssyncset.done $0x0  }
0x52: {  	s10 =	simm.s32 $0x1400;
	[sflag:s31] =	ssyncadd.s32 $0xFFFFC000  }
0x53: {  	[spmem:s2] =	stream.indirect.scatter.add.f32 [tilespmem:s20], [sflag:$0x3], $0x80, s10, s26, $0xb8;
	[tilespmem:$0x1E800] =	vst v63  }
0x54: {  	_ =	swait.ge [sflag:s21], $0x4000  }
0x55: {  	[sflag:s21] =	ssyncset.done $0x0  }
0x56: {  	s11 =	simm.s32 $0x100;
	[sflag:s21] =	ssyncadd.s32 $0xFFFFC000  }
0x57: {  	[tilespmem:s20], [sflag:$0x1] =	stream.indirect.gather [hbm4b:s4+s26], $0x80, s11, s26, $0xb8;
	[tilespmem:$0x1E800] =	vst v63  }
0x58: {  	_ =	swait.ge [sflag:s1], $0x4000  }
0x59: {  	[sflag:s1] =	ssyncset.done $0x0  }
0x5a: {  	s12 =	simm.s32 $0x1480;
	[sflag:s1] =	ssyncadd.s32 $0xFFFFC000  }
0x5b: {  	[spmem:s2] =	stream.indirect.scatter.add.f32 [tilespmem:s30], [sflag:$0x3], $0x80, s12, s26, $0xb8;
	[tilespmem:$0x1E800] =	vst v63  }
0x5c: {  	_ =	swait.ge [sflag:s21], $0x4000  }
0x5d: {  	s8 =	simm.s32 $0x100;
	s9 =	simm.s32 $0x800;
	[sflag:s21] =	ssyncset.done $0x0  }
.LBB2_4:
0x5e: {  	s10 =	sadd.s32 $0x80, s8  }
0x5f: {  	[sflag:s21] =	ssyncadd.s32 $0xFFFFC000;
	s11 =	smov.u32 s9;
	s12 =	sadd.s32 $0x400, s9  }
0x60: {  	[tilespmem:s30], [sflag:$0x2] =	stream.indirect.gather [hbm4b:s4+s26], $0x80, s10, s26, $0xb8;
	[tilespmem:$0x1E800] =	vst v63  }
0x61: {  	p0 =	sne.s32 s9, $0x4800;
	_ =	swait.ge [sflag:s31], $0x4000  }
0x62: {  	[sflag:s31] =	ssyncset.done $0x0  }
0x63: {  	s9 =	sadd.s32 $0x1400, s8;
	[sflag:s31] =	ssyncadd.s32 $0xFFFFC000  }
0x64: {  	[spmem:s2] =	stream.indirect.scatter.add.f32 [tilespmem:s20], [sflag:$0x3], $0x80, s9, s26, $0xb8;
	[tilespmem:$0x1E800] =	vst v63  }
0x65: {  	_ =	swait.ge [sflag:s21], $0x4000  }
0x66: {  	[sflag:s21] =	ssyncset.done $0x0  }
0x67: {  	s9 =	sadd.s32 $0x100, s8;
	[sflag:s21] =	ssyncadd.s32 $0xFFFFC000  }
0x68: {  	[tilespmem:s20], [sflag:$0x1] =	stream.indirect.gather [hbm4b:s4+s26], $0x80, s9, s26, $0xb8;
	[tilespmem:$0x1E800] =	vst v63  }
0x69: {  	_ =	swait.ge [sflag:s1], $0x4000  }
.Ltmp1:
0x6a: {  	[sflag:s1] =	ssyncset.done $0x0;
	(pc) =	sbr.rel @p0 .LBB2_4-.Ltmp1, $4  }
0x6b: {  	s8 =	sadd.s32 $0x1480, s8;
	[sflag:s1] =	ssyncadd.s32 $0xFFFFC000  }
0x6c: {  	[spmem:s2] =	stream.indirect.scatter.add.f32 [tilespmem:s30], [sflag:$0x3], $0x80, s8, s26, $0xb8;
	[tilespmem:$0x1E800] =	vst v63  }
0x6d: {  	_ =	swait.ge [sflag:s21], $0x4000  }
0x6e: {  	s9 =	smov.u32 s12;
	s8 =	sshra.s32 s11, $0x2;
	[sflag:s21] =	ssyncset.done $0x0  }
0x6f: {  	s9 =	sadd.s32 $0x80, s8;
	[sflag:s21] =	ssyncadd.s32 $0xFFFFC000  }
0x70: {  	[tilespmem:s30], [sflag:$0x2] =	stream.indirect.gather [hbm4b:s4+s26], $0x80, s9, s26, $0xb8;
	[tilespmem:$0x1E800] =	vst v63  }
0x71: {  	_ =	swait.ge [sflag:s31], $0x4000  }
0x72: {  	[sflag:s31] =	ssyncset.done $0x0  }
0x73: {  	s11 =	sadd.s32 $0x1400, s8;
	[sflag:s31] =	ssyncadd.s32 $0xFFFFC000  }
0x74: {  	[spmem:s2] =	stream.indirect.scatter.add.f32 [tilespmem:s20], [sflag:$0x3], $0x80, s11, s26, $0xb8;
	[tilespmem:$0x1E800] =	vst v63  }
0x75: {  	_ =	swait.ge [sflag:s21], $0x4000  }
0x76: {  	[sflag:s21] =	ssyncset.done $0x0  }
0x77: {  	s12 =	sadd.s32 $0x100, s8;
	[sflag:s21] =	ssyncadd.s32 $0xFFFFC000  }
0x78: {  	[tilespmem:s20], [sflag:$0x1] =	stream.indirect.gather [hbm4b:s4+s26], $0x80, s12, s26, $0xb8;
	[tilespmem:$0x1E800] =	vst v63  }
0x79: {  	_ =	swait.ge [sflag:s1], $0x4000  }
0x7a: {  	[sflag:s1] =	ssyncset.done $0x0  }
0x7b: {  	s9 =	sadd.s32 $0x1480, s8;
	[sflag:s1] =	ssyncadd.s32 $0xFFFFC000  }
0x7c: {  	[spmem:s2] =	stream.indirect.scatter.add.f32 [tilespmem:s30], [sflag:$0x3], $0x80, s9, s26, $0xb8;
	[tilespmem:$0x1E800] =	vst v63  }
0x7d: {  	_ =	swait.ge [sflag:s21], $0x4000  }
0x7e: {  	[sflag:s21] =	ssyncset.done $0x0  }
0x7f: {  	[sflag:s21] =	ssyncadd.s32 $0xFFFFC000  }
0x80: {  	[tilespmem:s30], [sflag:$0x2] =	stream.indirect.gather [hbm4b:s4+s26], $0x80, s0, s26, $0xb8;
	[tilespmem:$0x1E800] =	vst v63  }
0x81: {  	_ =	swait.ge [sflag:s31], $0x4000  }
0x82: {  	[sflag:s31] =	ssyncset.done $0x0  }
0x83: {  	[sflag:s31] =	ssyncadd.s32 $0xFFFFC000  }
0x84: {  	[spmem:s2] =	stream.indirect.scatter.add.f32 [tilespmem:s20], [sflag:$0x3], $0x80, s6, s26, $0xb8;
	[tilespmem:$0x1E800] =	vst v63  }
0x85: {  	_ =	swait.ge [sflag:s21], $0x4000  }
0x86: {  	[sflag:s21] =	ssyncset.done $0x0  }
0x87: {  	[sflag:s21] =	ssyncadd.s32 $0xFFFFC000  }
0x88: {  	_ =	swait.ge [sflag:s1], $0x4000  }
0x89: {  	[sflag:s1] =	ssyncset.done $0x0  }
0x8a: {  	[sflag:s1] =	ssyncadd.s32 $0xFFFFC000  }
0x8b: {  	[spmem:s2] =	stream.indirect.scatter.add.f32 [tilespmem:s30], [sflag:$0x3], $0x80, s7, s26, $0xb8;
	[tilespmem:$0x1E800] =	vst v63  }
0x8c: {  	_ =	swait.ge [sflag:s21], $0x4000  }
0x8d: {  	[sflag:s21] =	ssyncset.done $0x0  }
0x8e: {  	s10 =	simm.s32 $0x0;
	s11 =	rddreg [dreg:$0x5];
	[sflag:s21] =	ssyncadd.s32 $0xFFFFC000  }
0x8f: {  	[tilespmem:s10], [sflag:$0x3] =	stream.strided.gather [hbm4b:s11+s26], $0x1400, s28, s26, $0x38;
	[tilespmem:$0x1E800] =	vst v63  }
0x90: {  	_ =	swait.ge [sflag:s21], $0x1400  }
0x91: {  	[sflag:s21] =	ssyncset.done $0x0  }
0x92: {  	s12 =	rddreg [dreg:$0x6];
	[sflag:s21] =	ssyncadd.s32 $0xFFFFEC00  }
0x93: {  	[tilespmem:s29], [sflag:$0x3] =	stream.linear.gather [hbm4b:s12+s10], $0x1400, $0x38;
	[tilespmem:$0x1E800] =	vst v63  }
0x94: {  	_ =	swait.ge [sflag:s21], $0x1400  }
0x95: {  	[sflag:s21] =	ssyncset.done $0x0  }
0x96: {  	[sflag:s21] =	ssyncadd.s32 $0xFFFFEC00  }
0x97: {  	[tilespmem:s20], [sflag:$0x1] =	stream.indirect.gather [hbm4b:s4+s26], $0x80, s10, s26, $0xb8;
	[tilespmem:$0x1E800] =	vst v63  }
0x98: {  	s9 =	simm.s32 $0x80  }
0x99: {  	[tilespmem:s30], [sflag:$0x2] =	stream.indirect.gather [hbm4b:s4+s26], $0x80, s9, s26, $0xb8;
	[tilespmem:$0x1E800] =	vst v63  }
0x9a: {  	_ =	swait.ge [sflag:s31], $0x4000  }
0x9b: {  	[sflag:s31] =	ssyncset.done $0x0  }
0x9c: {  	s10 =	simm.s32 $0x1400;
	[sflag:s31] =	ssyncadd.s32 $0xFFFFC000  }
0x9d: {  	[spmem:s2] =	stream.indirect.scatter.add.f32 [tilespmem:s20], [sflag:$0x3], $0x80, s10, s26, $0xb8;
	[tilespmem:$0x1E800] =	vst v63  }
0x9e: {  	_ =	swait.ge [sflag:s21], $0x4000  }
0x9f: {  	[sflag:s21] =	ssyncset.done $0x0  }
0xa0: {  	s11 =	simm.s32 $0x100;
	[sflag:s21] =	ssyncadd.s32 $0xFFFFC000  }
0xa1: {  	[tilespmem:s20], [sflag:$0x1] =	stream.indirect.gather [hbm4b:s4+s26], $0x80, s11, s26, $0xb8;
	[tilespmem:$0x1E800] =	vst v63  }
0xa2: {  	_ =	swait.ge [sflag:s1], $0x4000  }
0xa3: {  	[sflag:s1] =	ssyncset.done $0x0  }
0xa4: {  	s12 =	simm.s32 $0x1480;
	[sflag:s1] =	ssyncadd.s32 $0xFFFFC000  }
0xa5: {  	[spmem:s2] =	stream.indirect.scatter.add.f32 [tilespmem:s30], [sflag:$0x3], $0x80, s12, s26, $0xb8;
	[tilespmem:$0x1E800] =	vst v63  }
0xa6: {  	_ =	swait.ge [sflag:s21], $0x4000  }
0xa7: {  	s8 =	simm.s32 $0x100;
	s9 =	simm.s32 $0x800;
	[sflag:s21] =	ssyncset.done $0x0  }
.LBB2_6:
0xa8: {  	s10 =	sadd.s32 $0x80, s8  }
0xa9: {  	[sflag:s21] =	ssyncadd.s32 $0xFFFFC000;
	s11 =	smov.u32 s9;
	s12 =	sadd.s32 $0x400, s9  }
0xaa: {  	[tilespmem:s30], [sflag:$0x2] =	stream.indirect.gather [hbm4b:s4+s26], $0x80, s10, s26, $0xb8;
	[tilespmem:$0x1E800] =	vst v63  }
0xab: {  	p0 =	sne.s32 s9, $0x4800;
	_ =	swait.ge [sflag:s31], $0x4000  }
0xac: {  	[sflag:s31] =	ssyncset.done $0x0  }
0xad: {  	s9 =	sadd.s32 $0x1400, s8;
	[sflag:s31] =	ssyncadd.s32 $0xFFFFC000  }
0xae: {  	[spmem:s2] =	stream.indirect.scatter.add.f32 [tilespmem:s20], [sflag:$0x3], $0x80, s9, s26, $0xb8;
	[tilespmem:$0x1E800] =	vst v63  }
0xaf: {  	_ =	swait.ge [sflag:s21], $0x4000  }
0xb0: {  	[sflag:s21] =	ssyncset.done $0x0  }
0xb1: {  	s9 =	sadd.s32 $0x100, s8;
	[sflag:s21] =	ssyncadd.s32 $0xFFFFC000  }
0xb2: {  	[tilespmem:s20], [sflag:$0x1] =	stream.indirect.gather [hbm4b:s4+s26], $0x80, s9, s26, $0xb8;
	[tilespmem:$0x1E800] =	vst v63  }
0xb3: {  	_ =	swait.ge [sflag:s1], $0x4000  }
.Ltmp2:
0xb4: {  	[sflag:s1] =	ssyncset.done $0x0;
	(pc) =	sbr.rel @p0 .LBB2_6-.Ltmp2, $4  }
0xb5: {  	s8 =	sadd.s32 $0x1480, s8;
	[sflag:s1] =	ssyncadd.s32 $0xFFFFC000  }
0xb6: {  	[spmem:s2] =	stream.indirect.scatter.add.f32 [tilespmem:s30], [sflag:$0x3], $0x80, s8, s26, $0xb8;
	[tilespmem:$0x1E800] =	vst v63  }
0xb7: {  	_ =	swait.ge [sflag:s21], $0x4000  }
0xb8: {  	s9 =	smov.u32 s12;
	s8 =	sshra.s32 s11, $0x2;
	[sflag:s21] =	ssyncset.done $0x0  }
0xb9: {  	s9 =	sadd.s32 $0x80, s8;
	[sflag:s21] =	ssyncadd.s32 $0xFFFFC000  }
0xba: {  	[tilespmem:s30], [sflag:$0x2] =	stream.indirect.gather [hbm4b:s4+s26], $0x80, s9, s26, $0xb8;
	[tilespmem:$0x1E800] =	vst v63  }
0xbb: {  	_ =	swait.ge [sflag:s31], $0x4000  }
0xbc: {  	[sflag:s31] =	ssyncset.done $0x0  }
0xbd: {  	s11 =	sadd.s32 $0x1400, s8;
	[sflag:s31] =	ssyncadd.s32 $0xFFFFC000  }
0xbe: {  	[spmem:s2] =	stream.indirect.scatter.add.f32 [tilespmem:s20], [sflag:$0x3], $0x80, s11, s26, $0xb8;
	[tilespmem:$0x1E800] =	vst v63  }
0xbf: {  	_ =	swait.ge [sflag:s21], $0x4000  }
0xc0: {  	[sflag:s21] =	ssyncset.done $0x0  }
0xc1: {  	s12 =	sadd.s32 $0x100, s8;
	[sflag:s21] =	ssyncadd.s32 $0xFFFFC000  }
0xc2: {  	[tilespmem:s20], [sflag:$0x1] =	stream.indirect.gather [hbm4b:s4+s26], $0x80, s12, s26, $0xb8;
	[tilespmem:$0x1E800] =	vst v63  }
0xc3: {  	_ =	swait.ge [sflag:s1], $0x4000  }
0xc4: {  	[sflag:s1] =	ssyncset.done $0x0  }
0xc5: {  	s9 =	sadd.s32 $0x1480, s8;
	[sflag:s1] =	ssyncadd.s32 $0xFFFFC000  }
0xc6: {  	[spmem:s2] =	stream.indirect.scatter.add.f32 [tilespmem:s30], [sflag:$0x3], $0x80, s9, s26, $0xb8;
	[tilespmem:$0x1E800] =	vst v63  }
0xc7: {  	_ =	swait.ge [sflag:s21], $0x4000  }
0xc8: {  	[sflag:s21] =	ssyncset.done $0x0  }
0xc9: {  	[sflag:s21] =	ssyncadd.s32 $0xFFFFC000  }
0xca: {  	[tilespmem:s30], [sflag:$0x2] =	stream.indirect.gather [hbm4b:s4+s26], $0x80, s0, s26, $0xb8;
	[tilespmem:$0x1E800] =	vst v63  }
0xcb: {  	_ =	swait.ge [sflag:s31], $0x4000  }
0xcc: {  	[sflag:s31] =	ssyncset.done $0x0  }
0xcd: {  	[sflag:s31] =	ssyncadd.s32 $0xFFFFC000  }
0xce: {  	[spmem:s2] =	stream.indirect.scatter.add.f32 [tilespmem:s20], [sflag:$0x3], $0x80, s6, s26, $0xb8;
	[tilespmem:$0x1E800] =	vst v63  }
0xcf: {  	_ =	swait.ge [sflag:s21], $0x4000  }
0xd0: {  	[sflag:s21] =	ssyncset.done $0x0  }
0xd1: {  	[sflag:s21] =	ssyncadd.s32 $0xFFFFC000  }
0xd2: {  	_ =	swait.ge [sflag:s1], $0x4000  }
0xd3: {  	[sflag:s1] =	ssyncset.done $0x0  }
0xd4: {  	[sflag:s1] =	ssyncadd.s32 $0xFFFFC000  }
0xd5: {  	[spmem:s2] =	stream.indirect.scatter.add.f32 [tilespmem:s30], [sflag:$0x3], $0x80, s7, s26, $0xb8;
	[tilespmem:$0x1E800] =	vst v63  }
0xd6: {  	_ =	swait.ge [sflag:s21], $0x4000  }
0xd7: {  	[sflag:s21] =	ssyncset.done $0x0  }
0xd8: {  	s10 =	stileid.u32;
	[sflag:s21] =	ssyncadd.s32 $0xFFFFC000  }
0xd9: {  	s8 =	sshll.u32 s10, $0x6;
	[bflag:$0x0] =	sbarrier.arrive $0xFFFF  }
0xda: {  	s8 =	sor.u32 $0x1C03, s8;
	s11 =	sshrl.u32 s5, $0x3;
	s10 =	rddreg [dreg:$0x7]  }
0xdb: {  	[hbm:s10], [sflag:s8] =	dma.local [spmem:s11], $0x800  }
0xdc: {  	_ =	swait.ge [sflag:s21], $0x800  }
0xdd: {  	[sflag:s21] =	ssyncset.done $0x0  }
0xde: {  	[sflag:s21] =	ssyncadd.s32 $0xFFFFF800  }
0xdf: {  	[hbm:s16], [sflag:s8] =	dma.local [spmem:s22], $0x800  }
0xe0: {  	_ =	swait.ge [sflag:s21], $0x800  }
0xe1: {  	[sflag:s21] =	ssyncset.done $0x0  }
0xe2: {  	[sflag:s21] =	ssyncadd.s32 $0xFFFFF800  }
0xe3: {  	[hbm:s17], [sflag:s8] =	dma.local [spmem:s23], $0x800  }
0xe4: {  	_ =	swait.ge [sflag:s21], $0x800  }
0xe5: {  	[sflag:s21] =	ssyncset.done $0x0  }
0xe6: {  	[sflag:s21] =	ssyncadd.s32 $0xFFFFF800  }
0xe7: {  	[hbm:s18], [sflag:s8] =	dma.local [spmem:s24], $0x800  }
0xe8: {  	_ =	swait.ge [sflag:s21], $0x800  }
0xe9: {  	[sflag:s21] =	ssyncset.done $0x0  }
0xea: {  	[sflag:s21] =	ssyncadd.s32 $0xFFFFF800  }
0xeb: {  	[hbm:s19], [sflag:s8] =	dma.local [spmem:s25], $0x800  }
0xec: {  	_ =	swait.ge [sflag:s21], $0x800  }
0xed: {  	s3 =	sadd.s32 $0x1, s3;
	s12 =	rddreg [dreg:$0x8]  }
0xee: {  	p0 =	sne.s32 s3, s12  }
.Ltmp3:
0xef: {  	_ = 	snop;
	(pc) =	sbr.rel @p0 .LBB2_1-.Ltmp3, $3  }
0xf0: {  	_ =	sdelay $0x1  }
0xf1: {  	[sflag:s21] =	ssyncset.done $0x0  }
0xf2: {  	[sflag:s21] =	ssyncadd.s32 $0xFFFFF800  }
0xf3: {  	_ =	sfence.sel $0x180000  }
0xf4: {  	[bflag:$0x0] =	sbarrier.arrive $0xFFFF  }
0xf5: {  	_ =	strace $0x90000050  }
0xf6: {  	s0 =	stileid.u32;
	[bflag:$0x2] =	sbarrier.arrive $0xFFFF  }
0xf7: {  	p0 =	sne.s32 s0, $0x0;
	s0 =	rddreg [dreg:$0x2]  }
0xf8: {  	s0 =	sadd.s32 @!p0 $0x100000, s0  }
0xf9: {  	[sflag:s0] =	ssyncadd.tile.s32 @!p0 $0x1;
	_ =	shalt  }
.Lfunc_end2:
_tile_overlayer_lowered:
.L_overlay_start_2:
0xfa: {  	(tag) =	ssettag $0x2  }
0xfb: {  	s0 =	rddreg [dreg:$0x0];
	s2 =	stileid.u32  }
0xfc: {  	s1 =	rddreg [dreg:$0x1];
	p0 =	sne.s32 s2, $0x0  }
0xfd: {  	s3 =	rddreg [dreg:$0x2];
	[bflag:$0x3] =	sbarrier.arrive $0xFFFF;
	s2 =	simm.s32 @!p0 $0x1C03  }
0xfe: {  	[timem:s3], [sflag:s2] =	dma.local @!p0 [hbm:s0], s1  }
0xff: {  	s0 =	simm.s32 @!p0 $0x3  }
0x100: {  	_ =	swait.ge @!p0 [sflag:s0], s1  }
0x101: {  	s1 =	ssub.s32 @!p0 $0x0, s1;
	[sflag:s0] =	ssyncset.done @!p0 $0x0  }
0x102: {  	[sflag:s0] =	ssyncadd.s32 @!p0 s1  }
0x103: {  	[bflag:$0x3] =	sbarrier.arrive $0xFFFF  }
0x104: {  	_ =	shalt  }

</sc_bundles>
